<compile_context>
chip_gen: v7x
topology: tpu7x:2x2x1
jax: 0.10.2.dev20260603
libtpu: 0.0.44.dev20260713+nightly
codegen_flags: <defaults>
</compile_context>

<pallas_src>
import functools

import jax
import jax.numpy as jnp
from jax import lax
from jax.experimental import pallas as pl
from jax.experimental.pallas import tpu as pltpu
from jax.experimental.pallas import tpu_sc as plsc

BATCH = 4096
SEQ_LEN = 200
VOCAB = 6
DIM = 64
TOTAL = BATCH * SEQ_LEN

_info = plsc.get_sparse_core_info()
_NC, _NS = _info.num_cores, _info.num_subcores
_NW = _NC * _NS
_PER_W = TOTAL // _NW
_CH = 512
_NCH = _PER_W // _CH
_NCH2 = _NCH // 2

_DNUMS = lax.GatherDimensionNumbers(
    offset_dims=(), collapsed_slice_dims=(0,), start_index_map=(0,))


def _dgather(src, idx):
    return lax.gather(src, idx[:, None], _DNUMS, slice_sizes=(1,),
                      mode=lax.GatherScatterMode.PROMISE_IN_BOUNDS)


def _make_sc_gather():
    mesh = plsc.VectorSubcoreMesh(core_axis_name="c", subcore_axis_name="s")

    @functools.partial(
        pl.kernel,
        mesh=mesh,
        compiler_params=pltpu.CompilerParams(needs_layout_passes=False),
        out_type=jax.ShapeDtypeStruct((DIM, TOTAL), jnp.float32),
        scratch_types=[
            pltpu.VMEM((VOCAB, DIM), jnp.float32),
            pltpu.VMEM((DIM, 16), jnp.float32),
            pltpu.VMEM((_CH,), jnp.int32),
            pltpu.VMEM((_CH,), jnp.int32),
            pltpu.VMEM((DIM, _CH), jnp.float32),
            pltpu.VMEM((DIM, _CH), jnp.float32),
        ] + [pltpu.SemaphoreType.DMA] * 4,
    )
    def gather_kernel(table_hbm, idx_hbm, out_hbm,
                      tab_v, ttab_v, idx0_v, idx1_v, b0_v, b1_v, *sems):
        isems = sems[0:2]
        ssems = sems[2:4]
        wid = lax.axis_index("s") * _NC + lax.axis_index("c")
        wbase = wid * _PER_W

        pltpu.sync_copy(table_hbm, tab_v)

        rows = jnp.minimum(lax.iota(jnp.int32, 16), VOCAB - 1)
        for d in range(DIM):
            cols = jnp.full((16,), d, jnp.int32)
            ttab_v[d, :] = plsc.load_gather(tab_v, [rows, cols])

        idxbufs = [idx0_v, idx1_v]
        blocks = [b0_v, b1_v]

        def idx_src(c):
            return idx_hbm.at[pl.ds(wbase + c * _CH, _CH)]

        def out_dst(c):
            return out_hbm.at[:, pl.ds(wbase + c * _CH, _CH)]

        def compute(b):
            ib = idxbufs[b]
            ob = blocks[b]

            @plsc.parallel_loop(0, _CH // 16, unroll=2)
            def _(j):
                idxv = ib[pl.ds(j * 16, 16)]
                vals = [_dgather(ttab_v[d, :], idxv) for d in range(DIM)]
                for d in range(DIM):
                    ob[d, pl.ds(j * 16, 16)] = vals[d]

        pltpu.async_copy(idx_src(0), idx0_v, isems[0])
        pltpu.async_copy(idx_src(1), idx1_v, isems[1])

        def step(c2, _):
            for b in range(2):
                c = 2 * c2 + b
                pltpu.make_async_copy(idx_src(c), idxbufs[b], isems[b]).wait()

                @pl.when(c2 >= 1)
                def _():
                    pltpu.make_async_copy(blocks[b], out_dst(c),
                                          ssems[b]).wait()

                compute(b)
                pltpu.async_copy(blocks[b], out_dst(c), ssems[b])

                @pl.when(c2 < _NCH2 - 1)
                def _():
                    pltpu.async_copy(idx_src(c + 2), idxbufs[b], isems[b])
            return 0

        lax.fori_loop(0, _NCH2, step, 0)
        pltpu.make_async_copy(blocks[0], out_dst(0), ssems[0]).wait()
        pltpu.make_async_copy(blocks[1], out_dst(1), ssems[1]).wait()

    return gather_kernel


_sc_gather = _make_sc_gather()


def kernel(indices, table):
    flat_idx = indices.reshape(-1).astype(jnp.int32)
    out_t = _sc_gather(table, flat_idx)
    return out_t.T

# --- scband reference (transcript-rebuilt; emitter-appended) ---
"""Pipeline reference for scband-fingerprint-25486335934774 (READ-ONLY COPY).

The authoritative reference and input builder live on the scoring server;
editing this copy changes nothing except your own understanding.
"""

import jax, jax.numpy as jnp
import numpy as np

BATCH = 4096
SEQ_LEN = 200
VOCAB = 6
DIM = 64

def setup_inputs(seed: int = 0) -> dict:
    key = jax.random.key(seed)
    k1, k2 = jax.random.split(key)
    # token indices: 0 = pad ('0'), 1..5 = a/c/g/t-u/other per the ecpf defaultdict
    indices = jax.random.randint(k1, (BATCH, SEQ_LEN), 0, VOCAB, dtype=jnp.int64)
    # fingerprint / embedding table (nn.Embedding(6, dim, padding_idx=0))
    table = jax.random.normal(k2, (VOCAB, DIM), dtype=jnp.float32)
    table = table.at[0].set(0.0)  # padding_idx=0 row zeroed
    return {"indices": indices, "table": table}

def reference(indices, table):
    # Fingerprint.encode: per-character dict lookup of fingerprint vectors, then np.vstack
    # across all sequences -> a flat [total_chars, dim] matrix. This is exactly a row-gather
    # from the fingerprint/embedding table.
    flat_idx = indices.reshape(-1)
    seq3 = jnp.take(table, flat_idx, axis=0)  # [BATCH*SEQ_LEN, DIM], faithful to vstack output
    return seq3

if __name__ == "__main__":
    import jax
    _d = setup_inputs()
    print(jax.jit(kernel)(*tuple(_d.values())))

</pallas_src>

<mosaic_0001>
#map = affine_map<(d0, d1) -> (0, 0)>
#map1 = affine_map<(d0, d1) -> (0)>
module attributes {stable_mosaic.version = 14 : i64} {
  func.func @gather_kernel(%arg0: i32, %arg1: i32, %arg2: memref<6x64xf32, #tpu.memory_space<hbm>>, %arg3: memref<819200xi32, #tpu.memory_space<hbm>>, %arg4: memref<64x819200xf32, #tpu.memory_space<hbm>>, %arg5: memref<6x64xf32, #tpu.memory_space<vmem>>, %arg6: memref<64x16xf32, #tpu.memory_space<vmem>>, %arg7: memref<512xi32, #tpu.memory_space<vmem>>, %arg8: memref<512xi32, #tpu.memory_space<vmem>>, %arg9: memref<64x512xf32, #tpu.memory_space<vmem>>, %arg10: memref<64x512xf32, #tpu.memory_space<vmem>>, %arg11: memref<!tpu.dma_semaphore, #tpu.memory_space<semaphore_mem>>, %arg12: memref<!tpu.dma_semaphore, #tpu.memory_space<semaphore_mem>>, %arg13: memref<!tpu.dma_semaphore, #tpu.memory_space<semaphore_mem>>, %arg14: memref<!tpu.dma_semaphore, #tpu.memory_space<semaphore_mem>>) attributes {dimension_semantics = [#tpu.dimension_semantics<core_parallel>, #tpu.dimension_semantics<subcore_parallel>], iteration_bounds = array<i64: 2, 16>, scalar_prefetch = 0 : i64, scratch_operands = 10 : i64, tpu.core_type = #tpu.core_type<sc_vector_subcore>, window_params = [{transform_indices = #map}, {transform_indices = #map1}, {transform_indices = #map}]} {
    %mul3A = arith.constant 2 : i32
    %mul3A_0 = arith.muli %arg1, %mul3A : i32
    %add3A = arith.addi %mul3A_0, %arg0 : i32
    %mul3A_1 = arith.constant 25600 : i32
    %mul3A_2 = arith.muli %add3A, %mul3A_1 : i32
    "tpu.region"() ({
      %run_scoped3A = tpu.sem_alloc : memref<!tpu.dma_semaphore, #tpu.memory_space<semaphore_mem>>
      tpu.enqueue_dma source(%arg2 : memref<6x64xf32, #tpu.memory_space<hbm>>) target(%arg5 : memref<6x64xf32, #tpu.memory_space<vmem>>) target_semaphore(%run_scoped3A : memref<!tpu.dma_semaphore, #tpu.memory_space<semaphore_mem>>)
      tpu.wait_dma2 semaphore(%run_scoped3A : memref<!tpu.dma_semaphore, #tpu.memory_space<semaphore_mem>>) src(%arg2 : memref<6x64xf32, #tpu.memory_space<hbm>>) dst(%arg5 : memref<6x64xf32, #tpu.memory_space<vmem>>)
      tpu.yield
    }) : () -> ()
    %iota3A = tpu.iota {dimensions = array<i32: 0>} : vector<16xi32>
    %min3A = arith.constant 5 : i32
    %min3A_3 = vector.broadcast %min3A : i32 to vector<16xi32>
    %min3A_4 = arith.minsi %iota3A, %min3A_3 : vector<16xi32>
    %broadcast_in_dim3A = arith.constant 0 : i32
    %broadcast_in_dim3A_5 = vector.broadcast %broadcast_in_dim3A : i32 to vector<16xi32>
    %gather3A = tpu.vector_load_idx %arg5[%min3A_4, %broadcast_in_dim3A_5] : memref<6x64xf32, #tpu.memory_space<vmem>>[vector<16xi32>, vector<16xi32>], vector<16xf32>,
    %swap3A = arith.constant 0 : i32
    %swap3A_6 = arith.index_cast %swap3A : i32 to index
    %swap3A_7 = arith.constant 0 : index
    %swap3A_8 = tpu.vector_load %arg6[%swap3A_6, %swap3A_7] {strides = array<i32>} : memref<64x16xf32, #tpu.memory_space<vmem>>, vector<16xf32>,
    tpu.vector_store %arg6[%swap3A_6, %swap3A_7], %gather3A {strides = array<i32>} : memref<64x16xf32, #tpu.memory_space<vmem>>, vector<16xf32>,
    %broadcast_in_dim3A_9 = arith.constant 1 : i32
    %broadcast_in_dim3A_10 = vector.broadcast %broadcast_in_dim3A_9 : i32 to vector<16xi32>
    %gather3A_11 = tpu.vector_load_idx %arg5[%min3A_4, %broadcast_in_dim3A_10] : memref<6x64xf32, #tpu.memory_space<vmem>>[vector<16xi32>, vector<16xi32>], vector<16xf32>,
    %swap3A_12 = arith.constant 1 : i32
    %swap3A_13 = arith.index_cast %swap3A_12 : i32 to index
    %swap3A_14 = arith.constant 0 : index
    %swap3A_15 = tpu.vector_load %arg6[%swap3A_13, %swap3A_14] {strides = array<i32>} : memref<64x16xf32, #tpu.memory_space<vmem>>, vector<16xf32>,
    tpu.vector_store %arg6[%swap3A_13, %swap3A_14], %gather3A_11 {strides = array<i32>} : memref<64x16xf32, #tpu.memory_space<vmem>>, vector<16xf32>,
    %broadcast_in_dim3A_16 = arith.constant 2 : i32
    %broadcast_in_dim3A_17 = vector.broadcast %broadcast_in_dim3A_16 : i32 to vector<16xi32>
    %gather3A_18 = tpu.vector_load_idx %arg5[%min3A_4, %broadcast_in_dim3A_17] : memref<6x64xf32, #tpu.memory_space<vmem>>[vector<16xi32>, vector<16xi32>], vector<16xf32>,
    %swap3A_19 = arith.constant 2 : i32
    %swap3A_20 = arith.index_cast %swap3A_19 : i32 to index
    %swap3A_21 = arith.constant 0 : index
    %swap3A_22 = tpu.vector_load %arg6[%swap3A_20, %swap3A_21] {strides = array<i32>} : memref<64x16xf32, #tpu.memory_space<vmem>>, vector<16xf32>,
    tpu.vector_store %arg6[%swap3A_20, %swap3A_21], %gather3A_18 {strides = array<i32>} : memref<64x16xf32, #tpu.memory_space<vmem>>, vector<16xf32>,
    %broadcast_in_dim3A_23 = arith.constant 3 : i32
    %broadcast_in_dim3A_24 = vector.broadcast %broadcast_in_dim3A_23 : i32 to vector<16xi32>
    %gather3A_25 = tpu.vector_load_idx %arg5[%min3A_4, %broadcast_in_dim3A_24] : memref<6x64xf32, #tpu.memory_space<vmem>>[vector<16xi32>, vector<16xi32>], vector<16xf32>,
    %swap3A_26 = arith.constant 3 : i32
    %swap3A_27 = arith.index_cast %swap3A_26 : i32 to index
    %swap3A_28 = arith.constant 0 : index
    %swap3A_29 = tpu.vector_load %arg6[%swap3A_27, %swap3A_28] {strides = array<i32>} : memref<64x16xf32, #tpu.memory_space<vmem>>, vector<16xf32>,
    tpu.vector_store %arg6[%swap3A_27, %swap3A_28], %gather3A_25 {strides = array<i32>} : memref<64x16xf32, #tpu.memory_space<vmem>>, vector<16xf32>,
    %broadcast_in_dim3A_30 = arith.constant 4 : i32
    %broadcast_in_dim3A_31 = vector.broadcast %broadcast_in_dim3A_30 : i32 to vector<16xi32>
    %gather3A_32 = tpu.vector_load_idx %arg5[%min3A_4, %broadcast_in_dim3A_31] : memref<6x64xf32, #tpu.memory_space<vmem>>[vector<16xi32>, vector<16xi32>], vector<16xf32>,
    %swap3A_33 = arith.constant 4 : i32
    %swap3A_34 = arith.index_cast %swap3A_33 : i32 to index
    %swap3A_35 = arith.constant 0 : index
    %swap3A_36 = tpu.vector_load %arg6[%swap3A_34, %swap3A_35] {strides = array<i32>} : memref<64x16xf32, #tpu.memory_space<vmem>>, vector<16xf32>,
    tpu.vector_store %arg6[%swap3A_34, %swap3A_35], %gather3A_32 {strides = array<i32>} : memref<64x16xf32, #tpu.memory_space<vmem>>, vector<16xf32>,
    %broadcast_in_dim3A_37 = arith.constant 5 : i32
    %broadcast_in_dim3A_38 = vector.broadcast %broadcast_in_dim3A_37 : i32 to vector<16xi32>
    %gather3A_39 = tpu.vector_load_idx %arg5[%min3A_4, %broadcast_in_dim3A_38] : memref<6x64xf32, #tpu.memory_space<vmem>>[vector<16xi32>, vector<16xi32>], vector<16xf32>,
    %swap3A_40 = arith.constant 5 : i32
    %swap3A_41 = arith.index_cast %swap3A_40 : i32 to index
    %swap3A_42 = arith.constant 0 : index
    %swap3A_43 = tpu.vector_load %arg6[%swap3A_41, %swap3A_42] {strides = array<i32>} : memref<64x16xf32, #tpu.memory_space<vmem>>, vector<16xf32>,
    tpu.vector_store %arg6[%swap3A_41, %swap3A_42], %gather3A_39 {strides = array<i32>} : memref<64x16xf32, #tpu.memory_space<vmem>>, vector<16xf32>,
    %broadcast_in_dim3A_44 = arith.constant 6 : i32
    %broadcast_in_dim3A_45 = vector.broadcast %broadcast_in_dim3A_44 : i32 to vector<16xi32>
    %gather3A_46 = tpu.vector_load_idx %arg5[%min3A_4, %broadcast_in_dim3A_45] : memref<6x64xf32, #tpu.memory_space<vmem>>[vector<16xi32>, vector<16xi32>], vector<16xf32>,
    %swap3A_47 = arith.constant 6 : i32
    %swap3A_48 = arith.index_cast %swap3A_47 : i32 to index
    %swap3A_49 = arith.constant 0 : index
    %swap3A_50 = tpu.vector_load %arg6[%swap3A_48, %swap3A_49] {strides = array<i32>} : memref<64x16xf32, #tpu.memory_space<vmem>>, vector<16xf32>,
    tpu.vector_store %arg6[%swap3A_48, %swap3A_49], %gather3A_46 {strides = array<i32>} : memref<64x16xf32, #tpu.memory_space<vmem>>, vector<16xf32>,
    %broadcast_in_dim3A_51 = arith.constant 7 : i32
    %broadcast_in_dim3A_52 = vector.broadcast %broadcast_in_dim3A_51 : i32 to vector<16xi32>
    %gather3A_53 = tpu.vector_load_idx %arg5[%min3A_4, %broadcast_in_dim3A_52] : memref<6x64xf32, #tpu.memory_space<vmem>>[vector<16xi32>, vector<16xi32>], vector<16xf32>,
    %swap3A_54 = arith.constant 7 : i32
    %swap3A_55 = arith.index_cast %swap3A_54 : i32 to index
    %swap3A_56 = arith.constant 0 : index
    %swap3A_57 = tpu.vector_load %arg6[%swap3A_55, %swap3A_56] {strides = array<i32>} : memref<64x16xf32, #tpu.memory_space<vmem>>, vector<16xf32>,
    tpu.vector_store %arg6[%swap3A_55, %swap3A_56], %gather3A_53 {strides = array<i32>} : memref<64x16xf32, #tpu.memory_space<vmem>>, vector<16xf32>,
    %broadcast_in_dim3A_58 = arith.constant 8 : i32
    %broadcast_in_dim3A_59 = vector.broadcast %broadcast_in_dim3A_58 : i32 to vector<16xi32>
    %gather3A_60 = tpu.vector_load_idx %arg5[%min3A_4, %broadcast_in_dim3A_59] : memref<6x64xf32, #tpu.memory_space<vmem>>[vector<16xi32>, vector<16xi32>], vector<16xf32>,
    %swap3A_61 = arith.constant 8 : i32
    %swap3A_62 = arith.index_cast %swap3A_61 : i32 to index
    %swap3A_63 = arith.constant 0 : index
    %swap3A_64 = tpu.vector_load %arg6[%swap3A_62, %swap3A_63] {strides = array<i32>} : memref<64x16xf32, #tpu.memory_space<vmem>>, vector<16xf32>,
    tpu.vector_store %arg6[%swap3A_62, %swap3A_63], %gather3A_60 {strides = array<i32>} : memref<64x16xf32, #tpu.memory_space<vmem>>, vector<16xf32>,
    %broadcast_in_dim3A_65 = arith.constant 9 : i32
    %broadcast_in_dim3A_66 = vector.broadcast %broadcast_in_dim3A_65 : i32 to vector<16xi32>
    %gather3A_67 = tpu.vector_load_idx %arg5[%min3A_4, %broadcast_in_dim3A_66] : memref<6x64xf32, #tpu.memory_space<vmem>>[vector<16xi32>, vector<16xi32>], vector<16xf32>,
    %swap3A_68 = arith.constant 9 : i32
    %swap3A_69 = arith.index_cast %swap3A_68 : i32 to index
    %swap3A_70 = arith.constant 0 : index
    %swap3A_71 = tpu.vector_load %arg6[%swap3A_69, %swap3A_70] {strides = array<i32>} : memref<64x16xf32, #tpu.memory_space<vmem>>, vector<16xf32>,
    tpu.vector_store %arg6[%swap3A_69, %swap3A_70], %gather3A_67 {strides = array<i32>} : memref<64x16xf32, #tpu.memory_space<vmem>>, vector<16xf32>,
    %broadcast_in_dim3A_72 = arith.constant 10 : i32
    %broadcast_in_dim3A_73 = vector.broadcast %broadcast_in_dim3A_72 : i32 to vector<16xi32>
    %gather3A_74 = tpu.vector_load_idx %arg5[%min3A_4, %broadcast_in_dim3A_73] : memref<6x64xf32, #tpu.memory_space<vmem>>[vector<16xi32>, vector<16xi32>], vector<16xf32>,
    %swap3A_75 = arith.constant 10 : i32
    %swap3A_76 = arith.index_cast %swap3A_75 : i32 to index
    %swap3A_77 = arith.constant 0 : index
    %swap3A_78 = tpu.vector_load %arg6[%swap3A_76, %swap3A_77] {strides = array<i32>} : memref<64x16xf32, #tpu.memory_space<vmem>>, vector<16xf32>,
    tpu.vector_store %arg6[%swap3A_76, %swap3A_77], %gather3A_74 {strides = array<i32>} : memref<64x16xf32, #tpu.memory_space<vmem>>, vector<16xf32>,
    %broadcast_in_dim3A_79 = arith.constant 11 : i32
    %broadcast_in_dim3A_80 = vector.broadcast %broadcast_in_dim3A_79 : i32 to vector<16xi32>
    %gather3A_81 = tpu.vector_load_idx %arg5[%min3A_4, %broadcast_in_dim3A_80] : memref<6x64xf32, #tpu.memory_space<vmem>>[vector<16xi32>, vector<16xi32>], vector<16xf32>,
    %swap3A_82 = arith.constant 11 : i32
    %swap3A_83 = arith.index_cast %swap3A_82 : i32 to index
    %swap3A_84 = arith.constant 0 : index
    %swap3A_85 = tpu.vector_load %arg6[%swap3A_83, %swap3A_84] {strides = array<i32>} : memref<64x16xf32, #tpu.memory_space<vmem>>, vector<16xf32>,
    tpu.vector_store %arg6[%swap3A_83, %swap3A_84], %gather3A_81 {strides = array<i32>} : memref<64x16xf32, #tpu.memory_space<vmem>>, vector<16xf32>,
    %broadcast_in_dim3A_86 = arith.constant 12 : i32
    %broadcast_in_dim3A_87 = vector.broadcast %broadcast_in_dim3A_86 : i32 to vector<16xi32>
    %gather3A_88 = tpu.vector_load_idx %arg5[%min3A_4, %broadcast_in_dim3A_87] : memref<6x64xf32, #tpu.memory_space<vmem>>[vector<16xi32>, vector<16xi32>], vector<16xf32>,
    %swap3A_89 = arith.constant 12 : i32
    %swap3A_90 = arith.index_cast %swap3A_89 : i32 to index
    %swap3A_91 = arith.constant 0 : index
    %swap3A_92 = tpu.vector_load %arg6[%swap3A_90, %swap3A_91] {strides = array<i32>} : memref<64x16xf32, #tpu.memory_space<vmem>>, vector<16xf32>,
    tpu.vector_store %arg6[%swap3A_90, %swap3A_91], %gather3A_88 {strides = array<i32>} : memref<64x16xf32, #tpu.memory_space<vmem>>, vector<16xf32>,
    %broadcast_in_dim3A_93 = arith.constant 13 : i32
    %broadcast_in_dim3A_94 = vector.broadcast %broadcast_in_dim3A_93 : i32 to vector<16xi32>
    %gather3A_95 = tpu.vector_load_idx %arg5[%min3A_4, %broadcast_in_dim3A_94] : memref<6x64xf32, #tpu.memory_space<vmem>>[vector<16xi32>, vector<16xi32>], vector<16xf32>,
    %swap3A_96 = arith.constant 13 : i32
    %swap3A_97 = arith.index_cast %swap3A_96 : i32 to index
    %swap3A_98 = arith.constant 0 : index
    %swap3A_99 = tpu.vector_load %arg6[%swap3A_97, %swap3A_98] {strides = array<i32>} : memref<64x16xf32, #tpu.memory_space<vmem>>, vector<16xf32>,
    tpu.vector_store %arg6[%swap3A_97, %swap3A_98], %gather3A_95 {strides = array<i32>} : memref<64x16xf32, #tpu.memory_space<vmem>>, vector<16xf32>,
    %broadcast_in_dim3A_100 = arith.constant 14 : i32
    %broadcast_in_dim3A_101 = vector.broadcast %broadcast_in_dim3A_100 : i32 to vector<16xi32>
    %gather3A_102 = tpu.vector_load_idx %arg5[%min3A_4, %broadcast_in_dim3A_101] : memref<6x64xf32, #tpu.memory_space<vmem>>[vector<16xi32>, vector<16xi32>], vector<16xf32>,
    %swap3A_103 = arith.constant 14 : i32
    %swap3A_104 = arith.index_cast %swap3A_103 : i32 to index
    %swap3A_105 = arith.constant 0 : index
    %swap3A_106 = tpu.vector_load %arg6[%swap3A_104, %swap3A_105] {strides = array<i32>} : memref<64x16xf32, #tpu.memory_space<vmem>>, vector<16xf32>,
    tpu.vector_store %arg6[%swap3A_104, %swap3A_105], %gather3A_102 {strides = array<i32>} : memref<64x16xf32, #tpu.memory_space<vmem>>, vector<16xf32>,
    %broadcast_in_dim3A_107 = arith.constant 15 : i32
    %broadcast_in_dim3A_108 = vector.broadcast %broadcast_in_dim3A_107 : i32 to vector<16xi32>
    %gather3A_109 = tpu.vector_load_idx %arg5[%min3A_4, %broadcast_in_dim3A_108] : memref<6x64xf32, #tpu.memory_space<vmem>>[vector<16xi32>, vector<16xi32>], vector<16xf32>,
    %swap3A_110 = arith.constant 15 : i32
    %swap3A_111 = arith.index_cast %swap3A_110 : i32 to index
    %swap3A_112 = arith.constant 0 : index
    %swap3A_113 = tpu.vector_load %arg6[%swap3A_111, %swap3A_112] {strides = array<i32>} : memref<64x16xf32, #tpu.memory_space<vmem>>, vector<16xf32>,
    tpu.vector_store %arg6[%swap3A_111, %swap3A_112], %gather3A_109 {strides = array<i32>} : memref<64x16xf32, #tpu.memory_space<vmem>>, vector<16xf32>,
    %broadcast_in_dim3A_114 = arith.constant 16 : i32
    %broadcast_in_dim3A_115 = vector.broadcast %broadcast_in_dim3A_114 : i32 to vector<16xi32>
    %gather3A_116 = tpu.vector_load_idx %arg5[%min3A_4, %broadcast_in_dim3A_115] : memref<6x64xf32, #tpu.memory_space<vmem>>[vector<16xi32>, vector<16xi32>], vector<16xf32>,
    %swap3A_117 = arith.constant 16 : i32
    %swap3A_118 = arith.index_cast %swap3A_117 : i32 to index
    %swap3A_119 = arith.constant 0 : index
    %swap3A_120 = tpu.vector_load %arg6[%swap3A_118, %swap3A_119] {strides = array<i32>} : memref<64x16xf32, #tpu.memory_space<vmem>>, vector<16xf32>,
    tpu.vector_store %arg6[%swap3A_118, %swap3A_119], %gather3A_116 {strides = array<i32>} : memref<64x16xf32, #tpu.memory_space<vmem>>, vector<16xf32>,
    %broadcast_in_dim3A_121 = arith.constant 17 : i32
    %broadcast_in_dim3A_122 = vector.broadcast %broadcast_in_dim3A_121 : i32 to vector<16xi32>
    %gather3A_123 = tpu.vector_load_idx %arg5[%min3A_4, %broadcast_in_dim3A_122] : memref<6x64xf32, #tpu.memory_space<vmem>>[vector<16xi32>, vector<16xi32>], vector<16xf32>,
    %swap3A_124 = arith.constant 17 : i32
    %swap3A_125 = arith.index_cast %swap3A_124 : i32 to index
    %swap3A_126 = arith.constant 0 : index
    %swap3A_127 = tpu.vector_load %arg6[%swap3A_125, %swap3A_126] {strides = array<i32>} : memref<64x16xf32, #tpu.memory_space<vmem>>, vector<16xf32>,
    tpu.vector_store %arg6[%swap3A_125, %swap3A_126], %gather3A_123 {strides = array<i32>} : memref<64x16xf32, #tpu.memory_space<vmem>>, vector<16xf32>,
    %broadcast_in_dim3A_128 = arith.constant 18 : i32
    %broadcast_in_dim3A_129 = vector.broadcast %broadcast_in_dim3A_128 : i32 to vector<16xi32>
    %gather3A_130 = tpu.vector_load_idx %arg5[%min3A_4, %broadcast_in_dim3A_129] : memref<6x64xf32, #tpu.memory_space<vmem>>[vector<16xi32>, vector<16xi32>], vector<16xf32>,
    %swap3A_131 = arith.constant 18 : i32
    %swap3A_132 = arith.index_cast %swap3A_131 : i32 to index
    %swap3A_133 = arith.constant 0 : index
    %swap3A_134 = tpu.vector_load %arg6[%swap3A_132, %swap3A_133] {strides = array<i32>} : memref<64x16xf32, #tpu.memory_space<vmem>>, vector<16xf32>,
    tpu.vector_store %arg6[%swap3A_132, %swap3A_133], %gather3A_130 {strides = array<i32>} : memref<64x16xf32, #tpu.memory_space<vmem>>, vector<16xf32>,
    %broadcast_in_dim3A_135 = arith.constant 19 : i32
    %broadcast_in_dim3A_136 = vector.broadcast %broadcast_in_dim3A_135 : i32 to vector<16xi32>
    %gather3A_137 = tpu.vector_load_idx %arg5[%min3A_4, %broadcast_in_dim3A_136] : memref<6x64xf32, #tpu.memory_space<vmem>>[vector<16xi32>, vector<16xi32>], vector<16xf32>,
    %swap3A_138 = arith.constant 19 : i32
    %swap3A_139 = arith.index_cast %swap3A_138 : i32 to index
    %swap3A_140 = arith.constant 0 : index
    %swap3A_141 = tpu.vector_load %arg6[%swap3A_139, %swap3A_140] {strides = array<i32>} : memref<64x16xf32, #tpu.memory_space<vmem>>, vector<16xf32>,
    tpu.vector_store %arg6[%swap3A_139, %swap3A_140], %gather3A_137 {strides = array<i32>} : memref<64x16xf32, #tpu.memory_space<vmem>>, vector<16xf32>,
    %broadcast_in_dim3A_142 = arith.constant 20 : i32
    %broadcast_in_dim3A_143 = vector.broadcast %broadcast_in_dim3A_142 : i32 to vector<16xi32>
    %gather3A_144 = tpu.vector_load_idx %arg5[%min3A_4, %broadcast_in_dim3A_143] : memref<6x64xf32, #tpu.memory_space<vmem>>[vector<16xi32>, vector<16xi32>], vector<16xf32>,
    %swap3A_145 = arith.constant 20 : i32
    %swap3A_146 = arith.index_cast %swap3A_145 : i32 to index
    %swap3A_147 = arith.constant 0 : index
    %swap3A_148 = tpu.vector_load %arg6[%swap3A_146, %swap3A_147] {strides = array<i32>} : memref<64x16xf32, #tpu.memory_space<vmem>>, vector<16xf32>,
    tpu.vector_store %arg6[%swap3A_146, %swap3A_147], %gather3A_144 {strides = array<i32>} : memref<64x16xf32, #tpu.memory_space<vmem>>, vector<16xf32>,
    %broadcast_in_dim3A_149 = arith.constant 21 : i32
    %broadcast_in_dim3A_150 = vector.broadcast %broadcast_in_dim3A_149 : i32 to vector<16xi32>
    %gather3A_151 = tpu.vector_load_idx %arg5[%min3A_4, %broadcast_in_dim3A_150] : memref<6x64xf32, #tpu.memory_space<vmem>>[vector<16xi32>, vector<16xi32>], vector<16xf32>,
    %swap3A_152 = arith.constant 21 : i32
    %swap3A_153 = arith.index_cast %swap3A_152 : i32 to index
    %swap3A_154 = arith.constant 0 : index
    %swap3A_155 = tpu.vector_load %arg6[%swap3A_153, %swap3A_154] {strides = array<i32>} : memref<64x16xf32, #tpu.memory_space<vmem>>, vector<16xf32>,
    tpu.vector_store %arg6[%swap3A_153, %swap3A_154], %gather3A_151 {strides = array<i32>} : memref<64x16xf32, #tpu.memory_space<vmem>>, vector<16xf32>,
    %broadcast_in_dim3A_156 = arith.constant 22 : i32
    %broadcast_in_dim3A_157 = vector.broadcast %broadcast_in_dim3A_156 : i32 to vector<16xi32>
    %gather3A_158 = tpu.vector_load_idx %arg5[%min3A_4, %broadcast_in_dim3A_157] : memref<6x64xf32, #tpu.memory_space<vmem>>[vector<16xi32>, vector<16xi32>], vector<16xf32>,
    %swap3A_159 = arith.constant 22 : i32
    %swap3A_160 = arith.index_cast %swap3A_159 : i32 to index
    %swap3A_161 = arith.constant 0 : index
    %swap3A_162 = tpu.vector_load %arg6[%swap3A_160, %swap3A_161] {strides = array<i32>} : memref<64x16xf32, #tpu.memory_space<vmem>>, vector<16xf32>,
    tpu.vector_store %arg6[%swap3A_160, %swap3A_161], %gather3A_158 {strides = array<i32>} : memref<64x16xf32, #tpu.memory_space<vmem>>, vector<16xf32>,
    %broadcast_in_dim3A_163 = arith.constant 23 : i32
    %broadcast_in_dim3A_164 = vector.broadcast %broadcast_in_dim3A_163 : i32 to vector<16xi32>
    %gather3A_165 = tpu.vector_load_idx %arg5[%min3A_4, %broadcast_in_dim3A_164] : memref<6x64xf32, #tpu.memory_space<vmem>>[vector<16xi32>, vector<16xi32>], vector<16xf32>,
    %swap3A_166 = arith.constant 23 : i32
    %swap3A_167 = arith.index_cast %swap3A_166 : i32 to index
    %swap3A_168 = arith.constant 0 : index
    %swap3A_169 = tpu.vector_load %arg6[%swap3A_167, %swap3A_168] {strides = array<i32>} : memref<64x16xf32, #tpu.memory_space<vmem>>, vector<16xf32>,
    tpu.vector_store %arg6[%swap3A_167, %swap3A_168], %gather3A_165 {strides = array<i32>} : memref<64x16xf32, #tpu.memory_space<vmem>>, vector<16xf32>,
    %broadcast_in_dim3A_170 = arith.constant 24 : i32
    %broadcast_in_dim3A_171 = vector.broadcast %broadcast_in_dim3A_170 : i32 to vector<16xi32>
    %gather3A_172 = tpu.vector_load_idx %arg5[%min3A_4, %broadcast_in_dim3A_171] : memref<6x64xf32, #tpu.memory_space<vmem>>[vector<16xi32>, vector<16xi32>], vector<16xf32>,
    %swap3A_173 = arith.constant 24 : i32
    %swap3A_174 = arith.index_cast %swap3A_173 : i32 to index
    %swap3A_175 = arith.constant 0 : index
    %swap3A_176 = tpu.vector_load %arg6[%swap3A_174, %swap3A_175] {strides = array<i32>} : memref<64x16xf32, #tpu.memory_space<vmem>>, vector<16xf32>,
    tpu.vector_store %arg6[%swap3A_174, %swap3A_175], %gather3A_172 {strides = array<i32>} : memref<64x16xf32, #tpu.memory_space<vmem>>, vector<16xf32>,
    %broadcast_in_dim3A_177 = arith.constant 25 : i32
    %broadcast_in_dim3A_178 = vector.broadcast %broadcast_in_dim3A_177 : i32 to vector<16xi32>
    %gather3A_179 = tpu.vector_load_idx %arg5[%min3A_4, %broadcast_in_dim3A_178] : memref<6x64xf32, #tpu.memory_space<vmem>>[vector<16xi32>, vector<16xi32>], vector<16xf32>,
    %swap3A_180 = arith.constant 25 : i32
    %swap3A_181 = arith.index_cast %swap3A_180 : i32 to index
    %swap3A_182 = arith.constant 0 : index
    %swap3A_183 = tpu.vector_load %arg6[%swap3A_181, %swap3A_182] {strides = array<i32>} : memref<64x16xf32, #tpu.memory_space<vmem>>, vector<16xf32>,
    tpu.vector_store %arg6[%swap3A_181, %swap3A_182], %gather3A_179 {strides = array<i32>} : memref<64x16xf32, #tpu.memory_space<vmem>>, vector<16xf32>,
    %broadcast_in_dim3A_184 = arith.constant 26 : i32
    %broadcast_in_dim3A_185 = vector.broadcast %broadcast_in_dim3A_184 : i32 to vector<16xi32>
    %gather3A_186 = tpu.vector_load_idx %arg5[%min3A_4, %broadcast_in_dim3A_185] : memref<6x64xf32, #tpu.memory_space<vmem>>[vector<16xi32>, vector<16xi32>], vector<16xf32>,
    %swap3A_187 = arith.constant 26 : i32
    %swap3A_188 = arith.index_cast %swap3A_187 : i32 to index
    %swap3A_189 = arith.constant 0 : index
    %swap3A_190 = tpu.vector_load %arg6[%swap3A_188, %swap3A_189] {strides = array<i32>} : memref<64x16xf32, #tpu.memory_space<vmem>>, vector<16xf32>,
    tpu.vector_store %arg6[%swap3A_188, %swap3A_189], %gather3A_186 {strides = array<i32>} : memref<64x16xf32, #tpu.memory_space<vmem>>, vector<16xf32>,
    %broadcast_in_dim3A_191 = arith.constant 27 : i32
    %broadcast_in_dim3A_192 = vector.broadcast %broadcast_in_dim3A_191 : i32 to vector<16xi32>
    %gather3A_193 = tpu.vector_load_idx %arg5[%min3A_4, %broadcast_in_dim3A_192] : memref<6x64xf32, #tpu.memory_space<vmem>>[vector<16xi32>, vector<16xi32>], vector<16xf32>,
    %swap3A_194 = arith.constant 27 : i32
    %swap3A_195 = arith.index_cast %swap3A_194 : i32 to index
    %swap3A_196 = arith.constant 0 : index
    %swap3A_197 = tpu.vector_load %arg6[%swap3A_195, %swap3A_196] {strides = array<i32>} : memref<64x16xf32, #tpu.memory_space<vmem>>, vector<16xf32>,
    tpu.vector_store %arg6[%swap3A_195, %swap3A_196], %gather3A_193 {strides = array<i32>} : memref<64x16xf32, #tpu.memory_space<vmem>>, vector<16xf32>,
    %broadcast_in_dim3A_198 = arith.constant 28 : i32
    %broadcast_in_dim3A_199 = vector.broadcast %broadcast_in_dim3A_198 : i32 to vector<16xi32>
    %gather3A_200 = tpu.vector_load_idx %arg5[%min3A_4, %broadcast_in_dim3A_199] : memref<6x64xf32, #tpu.memory_space<vmem>>[vector<16xi32>, vector<16xi32>], vector<16xf32>,
    %swap3A_201 = arith.constant 28 : i32
    %swap3A_202 = arith.index_cast %swap3A_201 : i32 to index
    %swap3A_203 = arith.constant 0 : index
    %swap3A_204 = tpu.vector_load %arg6[%swap3A_202, %swap3A_203] {strides = array<i32>} : memref<64x16xf32, #tpu.memory_space<vmem>>, vector<16xf32>,
    tpu.vector_store %arg6[%swap3A_202, %swap3A_203], %gather3A_200 {strides = array<i32>} : memref<64x16xf32, #tpu.memory_space<vmem>>, vector<16xf32>,
    %broadcast_in_dim3A_205 = arith.constant 29 : i32
    %broadcast_in_dim3A_206 = vector.broadcast %broadcast_in_dim3A_205 : i32 to vector<16xi32>
    %gather3A_207 = tpu.vector_load_idx %arg5[%min3A_4, %broadcast_in_dim3A_206] : memref<6x64xf32, #tpu.memory_space<vmem>>[vector<16xi32>, vector<16xi32>], vector<16xf32>,
    %swap3A_208 = arith.constant 29 : i32
    %swap3A_209 = arith.index_cast %swap3A_208 : i32 to index
    %swap3A_210 = arith.constant 0 : index
    %swap3A_211 = tpu.vector_load %arg6[%swap3A_209, %swap3A_210] {strides = array<i32>} : memref<64x16xf32, #tpu.memory_space<vmem>>, vector<16xf32>,
    tpu.vector_store %arg6[%swap3A_209, %swap3A_210], %gather3A_207 {strides = array<i32>} : memref<64x16xf32, #tpu.memory_space<vmem>>, vector<16xf32>,
    %broadcast_in_dim3A_212 = arith.constant 30 : i32
    %broadcast_in_dim3A_213 = vector.broadcast %broadcast_in_dim3A_212 : i32 to vector<16xi32>
    %gather3A_214 = tpu.vector_load_idx %arg5[%min3A_4, %broadcast_in_dim3A_213] : memref<6x64xf32, #tpu.memory_space<vmem>>[vector<16xi32>, vector<16xi32>], vector<16xf32>,
    %swap3A_215 = arith.constant 30 : i32
    %swap3A_216 = arith.index_cast %swap3A_215 : i32 to index
    %swap3A_217 = arith.constant 0 : index
    %swap3A_218 = tpu.vector_load %arg6[%swap3A_216, %swap3A_217] {strides = array<i32>} : memref<64x16xf32, #tpu.memory_space<vmem>>, vector<16xf32>,
    tpu.vector_store %arg6[%swap3A_216, %swap3A_217], %gather3A_214 {strides = array<i32>} : memref<64x16xf32, #tpu.memory_space<vmem>>, vector<16xf32>,
    %broadcast_in_dim3A_219 = arith.constant 31 : i32
    %broadcast_in_dim3A_220 = vector.broadcast %broadcast_in_dim3A_219 : i32 to vector<16xi32>
    %gather3A_221 = tpu.vector_load_idx %arg5[%min3A_4, %broadcast_in_dim3A_220] : memref<6x64xf32, #tpu.memory_space<vmem>>[vector<16xi32>, vector<16xi32>], vector<16xf32>,
    %swap3A_222 = arith.constant 31 : i32
    %swap3A_223 = arith.index_cast %swap3A_222 : i32 to index
    %swap3A_224 = arith.constant 0 : index
    %swap3A_225 = tpu.vector_load %arg6[%swap3A_223, %swap3A_224] {strides = array<i32>} : memref<64x16xf32, #tpu.memory_space<vmem>>, vector<16xf32>,
    tpu.vector_store %arg6[%swap3A_223, %swap3A_224], %gather3A_221 {strides = array<i32>} : memref<64x16xf32, #tpu.memory_space<vmem>>, vector<16xf32>,
    %broadcast_in_dim3A_226 = arith.constant 32 : i32
    %broadcast_in_dim3A_227 = vector.broadcast %broadcast_in_dim3A_226 : i32 to vector<16xi32>
    %gather3A_228 = tpu.vector_load_idx %arg5[%min3A_4, %broadcast_in_dim3A_227] : memref<6x64xf32, #tpu.memory_space<vmem>>[vector<16xi32>, vector<16xi32>], vector<16xf32>,
    %swap3A_229 = arith.constant 32 : i32
    %swap3A_230 = arith.index_cast %swap3A_229 : i32 to index
    %swap3A_231 = arith.constant 0 : index
    %swap3A_232 = tpu.vector_load %arg6[%swap3A_230, %swap3A_231] {strides = array<i32>} : memref<64x16xf32, #tpu.memory_space<vmem>>, vector<16xf32>,
    tpu.vector_store %arg6[%swap3A_230, %swap3A_231], %gather3A_228 {strides = array<i32>} : memref<64x16xf32, #tpu.memory_space<vmem>>, vector<16xf32>,
    %broadcast_in_dim3A_233 = arith.constant 33 : i32
    %broadcast_in_dim3A_234 = vector.broadcast %broadcast_in_dim3A_233 : i32 to vector<16xi32>
    %gather3A_235 = tpu.vector_load_idx %arg5[%min3A_4, %broadcast_in_dim3A_234] : memref<6x64xf32, #tpu.memory_space<vmem>>[vector<16xi32>, vector<16xi32>], vector<16xf32>,
    %swap3A_236 = arith.constant 33 : i32
    %swap3A_237 = arith.index_cast %swap3A_236 : i32 to index
    %swap3A_238 = arith.constant 0 : index
    %swap3A_239 = tpu.vector_load %arg6[%swap3A_237, %swap3A_238] {strides = array<i32>} : memref<64x16xf32, #tpu.memory_space<vmem>>, vector<16xf32>,
    tpu.vector_store %arg6[%swap3A_237, %swap3A_238], %gather3A_235 {strides = array<i32>} : memref<64x16xf32, #tpu.memory_space<vmem>>, vector<16xf32>,
    %broadcast_in_dim3A_240 = arith.constant 34 : i32
    %broadcast_in_dim3A_241 = vector.broadcast %broadcast_in_dim3A_240 : i32 to vector<16xi32>
    %gather3A_242 = tpu.vector_load_idx %arg5[%min3A_4, %broadcast_in_dim3A_241] : memref<6x64xf32, #tpu.memory_space<vmem>>[vector<16xi32>, vector<16xi32>], vector<16xf32>,
    %swap3A_243 = arith.constant 34 : i32
    %swap3A_244 = arith.index_cast %swap3A_243 : i32 to index
    %swap3A_245 = arith.constant 0 : index
    %swap3A_246 = tpu.vector_load %arg6[%swap3A_244, %swap3A_245] {strides = array<i32>} : memref<64x16xf32, #tpu.memory_space<vmem>>, vector<16xf32>,
    tpu.vector_store %arg6[%swap3A_244, %swap3A_245], %gather3A_242 {strides = array<i32>} : memref<64x16xf32, #tpu.memory_space<vmem>>, vector<16xf32>,
    %broadcast_in_dim3A_247 = arith.constant 35 : i32
    %broadcast_in_dim3A_248 = vector.broadcast %broadcast_in_dim3A_247 : i32 to vector<16xi32>
    %gather3A_249 = tpu.vector_load_idx %arg5[%min3A_4, %broadcast_in_dim3A_248] : memref<6x64xf32, #tpu.memory_space<vmem>>[vector<16xi32>, vector<16xi32>], vector<16xf32>,
    %swap3A_250 = arith.constant 35 : i32
    %swap3A_251 = arith.index_cast %swap3A_250 : i32 to index
    %swap3A_252 = arith.constant 0 : index
    %swap3A_253 = tpu.vector_load %arg6[%swap3A_251, %swap3A_252] {strides = array<i32>} : memref<64x16xf32, #tpu.memory_space<vmem>>, vector<16xf32>,
    tpu.vector_store %arg6[%swap3A_251, %swap3A_252], %gather3A_249 {strides = array<i32>} : memref<64x16xf32, #tpu.memory_space<vmem>>, vector<16xf32>,
    %broadcast_in_dim3A_254 = arith.constant 36 : i32
    %broadcast_in_dim3A_255 = vector.broadcast %broadcast_in_dim3A_254 : i32 to vector<16xi32>
    %gather3A_256 = tpu.vector_load_idx %arg5[%min3A_4, %broadcast_in_dim3A_255] : memref<6x64xf32, #tpu.memory_space<vmem>>[vector<16xi32>, vector<16xi32>], vector<16xf32>,
    %swap3A_257 = arith.constant 36 : i32
    %swap3A_258 = arith.index_cast %swap3A_257 : i32 to index
    %swap3A_259 = arith.constant 0 : index
    %swap3A_260 = tpu.vector_load %arg6[%swap3A_258, %swap3A_259] {strides = array<i32>} : memref<64x16xf32, #tpu.memory_space<vmem>>, vector<16xf32>,
    tpu.vector_store %arg6[%swap3A_258, %swap3A_259], %gather3A_256 {strides = array<i32>} : memref<64x16xf32, #tpu.memory_space<vmem>>, vector<16xf32>,
    %broadcast_in_dim3A_261 = arith.constant 37 : i32
    %broadcast_in_dim3A_262 = vector.broadcast %broadcast_in_dim3A_261 : i32 to vector<16xi32>
    %gather3A_263 = tpu.vector_load_idx %arg5[%min3A_4, %broadcast_in_dim3A_262] : memref<6x64xf32, #tpu.memory_space<vmem>>[vector<16xi32>, vector<16xi32>], vector<16xf32>,
    %swap3A_264 = arith.constant 37 : i32
    %swap3A_265 = arith.index_cast %swap3A_264 : i32 to index
    %swap3A_266 = arith.constant 0 : index
    %swap3A_267 = tpu.vector_load %arg6[%swap3A_265, %swap3A_266] {strides = array<i32>} : memref<64x16xf32, #tpu.memory_space<vmem>>, vector<16xf32>,
    tpu.vector_store %arg6[%swap3A_265, %swap3A_266], %gather3A_263 {strides = array<i32>} : memref<64x16xf32, #tpu.memory_space<vmem>>, vector<16xf32>,
    %broadcast_in_dim3A_268 = arith.constant 38 : i32
    %broadcast_in_dim3A_269 = vector.broadcast %broadcast_in_dim3A_268 : i32 to vector<16xi32>
    %gather3A_270 = tpu.vector_load_idx %arg5[%min3A_4, %broadcast_in_dim3A_269] : memref<6x64xf32, #tpu.memory_space<vmem>>[vector<16xi32>, vector<16xi32>], vector<16xf32>,
    %swap3A_271 = arith.constant 38 : i32
    %swap3A_272 = arith.index_cast %swap3A_271 : i32 to index
    %swap3A_273 = arith.constant 0 : index
    %swap3A_274 = tpu.vector_load %arg6[%swap3A_272, %swap3A_273] {strides = array<i32>} : memref<64x16xf32, #tpu.memory_space<vmem>>, vector<16xf32>,
    tpu.vector_store %arg6[%swap3A_272, %swap3A_273], %gather3A_270 {strides = array<i32>} : memref<64x16xf32, #tpu.memory_space<vmem>>, vector<16xf32>,
    %broadcast_in_dim3A_275 = arith.constant 39 : i32
    %broadcast_in_dim3A_276 = vector.broadcast %broadcast_in_dim3A_275 : i32 to vector<16xi32>
    %gather3A_277 = tpu.vector_load_idx %arg5[%min3A_4, %broadcast_in_dim3A_276] : memref<6x64xf32, #tpu.memory_space<vmem>>[vector<16xi32>, vector<16xi32>], vector<16xf32>,
    %swap3A_278 = arith.constant 39 : i32
    %swap3A_279 = arith.index_cast %swap3A_278 : i32 to index
    %swap3A_280 = arith.constant 0 : index
    %swap3A_281 = tpu.vector_load %arg6[%swap3A_279, %swap3A_280] {strides = array<i32>} : memref<64x16xf32, #tpu.memory_space<vmem>>, vector<16xf32>,
    tpu.vector_store %arg6[%swap3A_279, %swap3A_280], %gather3A_277 {strides = array<i32>} : memref<64x16xf32, #tpu.memory_space<vmem>>, vector<16xf32>,
    %broadcast_in_dim3A_282 = arith.constant 40 : i32
    %broadcast_in_dim3A_283 = vector.broadcast %broadcast_in_dim3A_282 : i32 to vector<16xi32>
    %gather3A_284 = tpu.vector_load_idx %arg5[%min3A_4, %broadcast_in_dim3A_283] : memref<6x64xf32, #tpu.memory_space<vmem>>[vector<16xi32>, vector<16xi32>], vector<16xf32>,
    %swap3A_285 = arith.constant 40 : i32
    %swap3A_286 = arith.index_cast %swap3A_285 : i32 to index
    %swap3A_287 = arith.constant 0 : index
    %swap3A_288 = tpu.vector_load %arg6[%swap3A_286, %swap3A_287] {strides = array<i32>} : memref<64x16xf32, #tpu.memory_space<vmem>>, vector<16xf32>,
    tpu.vector_store %arg6[%swap3A_286, %swap3A_287], %gather3A_284 {strides = array<i32>} : memref<64x16xf32, #tpu.memory_space<vmem>>, vector<16xf32>,
    %broadcast_in_dim3A_289 = arith.constant 41 : i32
    %broadcast_in_dim3A_290 = vector.broadcast %broadcast_in_dim3A_289 : i32 to vector<16xi32>
    %gather3A_291 = tpu.vector_load_idx %arg5[%min3A_4, %broadcast_in_dim3A_290] : memref<6x64xf32, #tpu.memory_space<vmem>>[vector<16xi32>, vector<16xi32>], vector<16xf32>,
    %swap3A_292 = arith.constant 41 : i32
    %swap3A_293 = arith.index_cast %swap3A_292 : i32 to index
    %swap3A_294 = arith.constant 0 : index
    %swap3A_295 = tpu.vector_load %arg6[%swap3A_293, %swap3A_294] {strides = array<i32>} : memref<64x16xf32, #tpu.memory_space<vmem>>, vector<16xf32>,
    tpu.vector_store %arg6[%swap3A_293, %swap3A_294], %gather3A_291 {strides = array<i32>} : memref<64x16xf32, #tpu.memory_space<vmem>>, vector<16xf32>,
    %broadcast_in_dim3A_296 = arith.constant 42 : i32
    %broadcast_in_dim3A_297 = vector.broadcast %broadcast_in_dim3A_296 : i32 to vector<16xi32>
    %gather3A_298 = tpu.vector_load_idx %arg5[%min3A_4, %broadcast_in_dim3A_297] : memref<6x64xf32, #tpu.memory_space<vmem>>[vector<16xi32>, vector<16xi32>], vector<16xf32>,
    %swap3A_299 = arith.constant 42 : i32
    %swap3A_300 = arith.index_cast %swap3A_299 : i32 to index
    %swap3A_301 = arith.constant 0 : index
    %swap3A_302 = tpu.vector_load %arg6[%swap3A_300, %swap3A_301] {strides = array<i32>} : memref<64x16xf32, #tpu.memory_space<vmem>>, vector<16xf32>,
    tpu.vector_store %arg6[%swap3A_300, %swap3A_301], %gather3A_298 {strides = array<i32>} : memref<64x16xf32, #tpu.memory_space<vmem>>, vector<16xf32>,
    %broadcast_in_dim3A_303 = arith.constant 43 : i32
    %broadcast_in_dim3A_304 = vector.broadcast %broadcast_in_dim3A_303 : i32 to vector<16xi32>
    %gather3A_305 = tpu.vector_load_idx %arg5[%min3A_4, %broadcast_in_dim3A_304] : memref<6x64xf32, #tpu.memory_space<vmem>>[vector<16xi32>, vector<16xi32>], vector<16xf32>,
    %swap3A_306 = arith.constant 43 : i32
    %swap3A_307 = arith.index_cast %swap3A_306 : i32 to index
    %swap3A_308 = arith.constant 0 : index
    %swap3A_309 = tpu.vector_load %arg6[%swap3A_307, %swap3A_308] {strides = array<i32>} : memref<64x16xf32, #tpu.memory_space<vmem>>, vector<16xf32>,
    tpu.vector_store %arg6[%swap3A_307, %swap3A_308], %gather3A_305 {strides = array<i32>} : memref<64x16xf32, #tpu.memory_space<vmem>>, vector<16xf32>,
    %broadcast_in_dim3A_310 = arith.constant 44 : i32
    %broadcast_in_dim3A_311 = vector.broadcast %broadcast_in_dim3A_310 : i32 to vector<16xi32>
    %gather3A_312 = tpu.vector_load_idx %arg5[%min3A_4, %broadcast_in_dim3A_311] : memref<6x64xf32, #tpu.memory_space<vmem>>[vector<16xi32>, vector<16xi32>], vector<16xf32>,
    %swap3A_313 = arith.constant 44 : i32
    %swap3A_314 = arith.index_cast %swap3A_313 : i32 to index
    %swap3A_315 = arith.constant 0 : index
    %swap3A_316 = tpu.vector_load %arg6[%swap3A_314, %swap3A_315] {strides = array<i32>} : memref<64x16xf32, #tpu.memory_space<vmem>>, vector<16xf32>,
    tpu.vector_store %arg6[%swap3A_314, %swap3A_315], %gather3A_312 {strides = array<i32>} : memref<64x16xf32, #tpu.memory_space<vmem>>, vector<16xf32>,
    %broadcast_in_dim3A_317 = arith.constant 45 : i32
    %broadcast_in_dim3A_318 = vector.broadcast %broadcast_in_dim3A_317 : i32 to vector<16xi32>
    %gather3A_319 = tpu.vector_load_idx %arg5[%min3A_4, %broadcast_in_dim3A_318] : memref<6x64xf32, #tpu.memory_space<vmem>>[vector<16xi32>, vector<16xi32>], vector<16xf32>,
    %swap3A_320 = arith.constant 45 : i32
    %swap3A_321 = arith.index_cast %swap3A_320 : i32 to index
    %swap3A_322 = arith.constant 0 : index
    %swap3A_323 = tpu.vector_load %arg6[%swap3A_321, %swap3A_322] {strides = array<i32>} : memref<64x16xf32, #tpu.memory_space<vmem>>, vector<16xf32>,
    tpu.vector_store %arg6[%swap3A_321, %swap3A_322], %gather3A_319 {strides = array<i32>} : memref<64x16xf32, #tpu.memory_space<vmem>>, vector<16xf32>,
    %broadcast_in_dim3A_324 = arith.constant 46 : i32
    %broadcast_in_dim3A_325 = vector.broadcast %broadcast_in_dim3A_324 : i32 to vector<16xi32>
    %gather3A_326 = tpu.vector_load_idx %arg5[%min3A_4, %broadcast_in_dim3A_325] : memref<6x64xf32, #tpu.memory_space<vmem>>[vector<16xi32>, vector<16xi32>], vector<16xf32>,
    %swap3A_327 = arith.constant 46 : i32
    %swap3A_328 = arith.index_cast %swap3A_327 : i32 to index
    %swap3A_329 = arith.constant 0 : index
    %swap3A_330 = tpu.vector_load %arg6[%swap3A_328, %swap3A_329] {strides = array<i32>} : memref<64x16xf32, #tpu.memory_space<vmem>>, vector<16xf32>,
    tpu.vector_store %arg6[%swap3A_328, %swap3A_329], %gather3A_326 {strides = array<i32>} : memref<64x16xf32, #tpu.memory_space<vmem>>, vector<16xf32>,
    %broadcast_in_dim3A_331 = arith.constant 47 : i32
    %broadcast_in_dim3A_332 = vector.broadcast %broadcast_in_dim3A_331 : i32 to vector<16xi32>
    %gather3A_333 = tpu.vector_load_idx %arg5[%min3A_4, %broadcast_in_dim3A_332] : memref<6x64xf32, #tpu.memory_space<vmem>>[vector<16xi32>, vector<16xi32>], vector<16xf32>,
    %swap3A_334 = arith.constant 47 : i32
    %swap3A_335 = arith.index_cast %swap3A_334 : i32 to index
    %swap3A_336 = arith.constant 0 : index
    %swap3A_337 = tpu.vector_load %arg6[%swap3A_335, %swap3A_336] {strides = array<i32>} : memref<64x16xf32, #tpu.memory_space<vmem>>, vector<16xf32>,
    tpu.vector_store %arg6[%swap3A_335, %swap3A_336], %gather3A_333 {strides = array<i32>} : memref<64x16xf32, #tpu.memory_space<vmem>>, vector<16xf32>,
    %broadcast_in_dim3A_338 = arith.constant 48 : i32
    %broadcast_in_dim3A_339 = vector.broadcast %broadcast_in_dim3A_338 : i32 to vector<16xi32>
    %gather3A_340 = tpu.vector_load_idx %arg5[%min3A_4, %broadcast_in_dim3A_339] : memref<6x64xf32, #tpu.memory_space<vmem>>[vector<16xi32>, vector<16xi32>], vector<16xf32>,
    %swap3A_341 = arith.constant 48 : i32
    %swap3A_342 = arith.index_cast %swap3A_341 : i32 to index
    %swap3A_343 = arith.constant 0 : index
    %swap3A_344 = tpu.vector_load %arg6[%swap3A_342, %swap3A_343] {strides = array<i32>} : memref<64x16xf32, #tpu.memory_space<vmem>>, vector<16xf32>,
    tpu.vector_store %arg6[%swap3A_342, %swap3A_343], %gather3A_340 {strides = array<i32>} : memref<64x16xf32, #tpu.memory_space<vmem>>, vector<16xf32>,
    %broadcast_in_dim3A_345 = arith.constant 49 : i32
    %broadcast_in_dim3A_346 = vector.broadcast %broadcast_in_dim3A_345 : i32 to vector<16xi32>
    %gather3A_347 = tpu.vector_load_idx %arg5[%min3A_4, %broadcast_in_dim3A_346] : memref<6x64xf32, #tpu.memory_space<vmem>>[vector<16xi32>, vector<16xi32>], vector<16xf32>,
    %swap3A_348 = arith.constant 49 : i32
    %swap3A_349 = arith.index_cast %swap3A_348 : i32 to index
    %swap3A_350 = arith.constant 0 : index
    %swap3A_351 = tpu.vector_load %arg6[%swap3A_349, %swap3A_350] {strides = array<i32>} : memref<64x16xf32, #tpu.memory_space<vmem>>, vector<16xf32>,
    tpu.vector_store %arg6[%swap3A_349, %swap3A_350], %gather3A_347 {strides = array<i32>} : memref<64x16xf32, #tpu.memory_space<vmem>>, vector<16xf32>,
    %broadcast_in_dim3A_352 = arith.constant 50 : i32
    %broadcast_in_dim3A_353 = vector.broadcast %broadcast_in_dim3A_352 : i32 to vector<16xi32>
    %gather3A_354 = tpu.vector_load_idx %arg5[%min3A_4, %broadcast_in_dim3A_353] : memref<6x64xf32, #tpu.memory_space<vmem>>[vector<16xi32>, vector<16xi32>], vector<16xf32>,
    %swap3A_355 = arith.constant 50 : i32
    %swap3A_356 = arith.index_cast %swap3A_355 : i32 to index
    %swap3A_357 = arith.constant 0 : index
    %swap3A_358 = tpu.vector_load %arg6[%swap3A_356, %swap3A_357] {strides = array<i32>} : memref<64x16xf32, #tpu.memory_space<vmem>>, vector<16xf32>,
    tpu.vector_store %arg6[%swap3A_356, %swap3A_357], %gather3A_354 {strides = array<i32>} : memref<64x16xf32, #tpu.memory_space<vmem>>, vector<16xf32>,
    %broadcast_in_dim3A_359 = arith.constant 51 : i32
    %broadcast_in_dim3A_360 = vector.broadcast %broadcast_in_dim3A_359 : i32 to vector<16xi32>
    %gather3A_361 = tpu.vector_load_idx %arg5[%min3A_4, %broadcast_in_dim3A_360] : memref<6x64xf32, #tpu.memory_space<vmem>>[vector<16xi32>, vector<16xi32>], vector<16xf32>,
    %swap3A_362 = arith.constant 51 : i32
    %swap3A_363 = arith.index_cast %swap3A_362 : i32 to index
    %swap3A_364 = arith.constant 0 : index
    %swap3A_365 = tpu.vector_load %arg6[%swap3A_363, %swap3A_364] {strides = array<i32>} : memref<64x16xf32, #tpu.memory_space<vmem>>, vector<16xf32>,
    tpu.vector_store %arg6[%swap3A_363, %swap3A_364], %gather3A_361 {strides = array<i32>} : memref<64x16xf32, #tpu.memory_space<vmem>>, vector<16xf32>,
    %broadcast_in_dim3A_366 = arith.constant 52 : i32
    %broadcast_in_dim3A_367 = vector.broadcast %broadcast_in_dim3A_366 : i32 to vector<16xi32>
    %gather3A_368 = tpu.vector_load_idx %arg5[%min3A_4, %broadcast_in_dim3A_367] : memref<6x64xf32, #tpu.memory_space<vmem>>[vector<16xi32>, vector<16xi32>], vector<16xf32>,
    %swap3A_369 = arith.constant 52 : i32
    %swap3A_370 = arith.index_cast %swap3A_369 : i32 to index
    %swap3A_371 = arith.constant 0 : index
    %swap3A_372 = tpu.vector_load %arg6[%swap3A_370, %swap3A_371] {strides = array<i32>} : memref<64x16xf32, #tpu.memory_space<vmem>>, vector<16xf32>,
    tpu.vector_store %arg6[%swap3A_370, %swap3A_371], %gather3A_368 {strides = array<i32>} : memref<64x16xf32, #tpu.memory_space<vmem>>, vector<16xf32>,
    %broadcast_in_dim3A_373 = arith.constant 53 : i32
    %broadcast_in_dim3A_374 = vector.broadcast %broadcast_in_dim3A_373 : i32 to vector<16xi32>
    %gather3A_375 = tpu.vector_load_idx %arg5[%min3A_4, %broadcast_in_dim3A_374] : memref<6x64xf32, #tpu.memory_space<vmem>>[vector<16xi32>, vector<16xi32>], vector<16xf32>,
    %swap3A_376 = arith.constant 53 : i32
    %swap3A_377 = arith.index_cast %swap3A_376 : i32 to index
    %swap3A_378 = arith.constant 0 : index
    %swap3A_379 = tpu.vector_load %arg6[%swap3A_377, %swap3A_378] {strides = array<i32>} : memref<64x16xf32, #tpu.memory_space<vmem>>, vector<16xf32>,
    tpu.vector_store %arg6[%swap3A_377, %swap3A_378], %gather3A_375 {strides = array<i32>} : memref<64x16xf32, #tpu.memory_space<vmem>>, vector<16xf32>,
    %broadcast_in_dim3A_380 = arith.constant 54 : i32
    %broadcast_in_dim3A_381 = vector.broadcast %broadcast_in_dim3A_380 : i32 to vector<16xi32>
    %gather3A_382 = tpu.vector_load_idx %arg5[%min3A_4, %broadcast_in_dim3A_381] : memref<6x64xf32, #tpu.memory_space<vmem>>[vector<16xi32>, vector<16xi32>], vector<16xf32>,
    %swap3A_383 = arith.constant 54 : i32
    %swap3A_384 = arith.index_cast %swap3A_383 : i32 to index
    %swap3A_385 = arith.constant 0 : index
    %swap3A_386 = tpu.vector_load %arg6[%swap3A_384, %swap3A_385] {strides = array<i32>} : memref<64x16xf32, #tpu.memory_space<vmem>>, vector<16xf32>,
    tpu.vector_store %arg6[%swap3A_384, %swap3A_385], %gather3A_382 {strides = array<i32>} : memref<64x16xf32, #tpu.memory_space<vmem>>, vector<16xf32>,
    %broadcast_in_dim3A_387 = arith.constant 55 : i32
    %broadcast_in_dim3A_388 = vector.broadcast %broadcast_in_dim3A_387 : i32 to vector<16xi32>
    %gather3A_389 = tpu.vector_load_idx %arg5[%min3A_4, %broadcast_in_dim3A_388] : memref<6x64xf32, #tpu.memory_space<vmem>>[vector<16xi32>, vector<16xi32>], vector<16xf32>,
    %swap3A_390 = arith.constant 55 : i32
    %swap3A_391 = arith.index_cast %swap3A_390 : i32 to index
    %swap3A_392 = arith.constant 0 : index
    %swap3A_393 = tpu.vector_load %arg6[%swap3A_391, %swap3A_392] {strides = array<i32>} : memref<64x16xf32, #tpu.memory_space<vmem>>, vector<16xf32>,
    tpu.vector_store %arg6[%swap3A_391, %swap3A_392], %gather3A_389 {strides = array<i32>} : memref<64x16xf32, #tpu.memory_space<vmem>>, vector<16xf32>,
    %broadcast_in_dim3A_394 = arith.constant 56 : i32
    %broadcast_in_dim3A_395 = vector.broadcast %broadcast_in_dim3A_394 : i32 to vector<16xi32>
    %gather3A_396 = tpu.vector_load_idx %arg5[%min3A_4, %broadcast_in_dim3A_395] : memref<6x64xf32, #tpu.memory_space<vmem>>[vector<16xi32>, vector<16xi32>], vector<16xf32>,
    %swap3A_397 = arith.constant 56 : i32
    %swap3A_398 = arith.index_cast %swap3A_397 : i32 to index
    %swap3A_399 = arith.constant 0 : index
    %swap3A_400 = tpu.vector_load %arg6[%swap3A_398, %swap3A_399] {strides = array<i32>} : memref<64x16xf32, #tpu.memory_space<vmem>>, vector<16xf32>,
    tpu.vector_store %arg6[%swap3A_398, %swap3A_399], %gather3A_396 {strides = array<i32>} : memref<64x16xf32, #tpu.memory_space<vmem>>, vector<16xf32>,
    %broadcast_in_dim3A_401 = arith.constant 57 : i32
    %broadcast_in_dim3A_402 = vector.broadcast %broadcast_in_dim3A_401 : i32 to vector<16xi32>
    %gather3A_403 = tpu.vector_load_idx %arg5[%min3A_4, %broadcast_in_dim3A_402] : memref<6x64xf32, #tpu.memory_space<vmem>>[vector<16xi32>, vector<16xi32>], vector<16xf32>,
    %swap3A_404 = arith.constant 57 : i32
    %swap3A_405 = arith.index_cast %swap3A_404 : i32 to index
    %swap3A_406 = arith.constant 0 : index
    %swap3A_407 = tpu.vector_load %arg6[%swap3A_405, %swap3A_406] {strides = array<i32>} : memref<64x16xf32, #tpu.memory_space<vmem>>, vector<16xf32>,
    tpu.vector_store %arg6[%swap3A_405, %swap3A_406], %gather3A_403 {strides = array<i32>} : memref<64x16xf32, #tpu.memory_space<vmem>>, vector<16xf32>,
    %broadcast_in_dim3A_408 = arith.constant 58 : i32
    %broadcast_in_dim3A_409 = vector.broadcast %broadcast_in_dim3A_408 : i32 to vector<16xi32>
    %gather3A_410 = tpu.vector_load_idx %arg5[%min3A_4, %broadcast_in_dim3A_409] : memref<6x64xf32, #tpu.memory_space<vmem>>[vector<16xi32>, vector<16xi32>], vector<16xf32>,
    %swap3A_411 = arith.constant 58 : i32
    %swap3A_412 = arith.index_cast %swap3A_411 : i32 to index
    %swap3A_413 = arith.constant 0 : index
    %swap3A_414 = tpu.vector_load %arg6[%swap3A_412, %swap3A_413] {strides = array<i32>} : memref<64x16xf32, #tpu.memory_space<vmem>>, vector<16xf32>,
    tpu.vector_store %arg6[%swap3A_412, %swap3A_413], %gather3A_410 {strides = array<i32>} : memref<64x16xf32, #tpu.memory_space<vmem>>, vector<16xf32>,
    %broadcast_in_dim3A_415 = arith.constant 59 : i32
    %broadcast_in_dim3A_416 = vector.broadcast %broadcast_in_dim3A_415 : i32 to vector<16xi32>
    %gather3A_417 = tpu.vector_load_idx %arg5[%min3A_4, %broadcast_in_dim3A_416] : memref<6x64xf32, #tpu.memory_space<vmem>>[vector<16xi32>, vector<16xi32>], vector<16xf32>,
    %swap3A_418 = arith.constant 59 : i32
    %swap3A_419 = arith.index_cast %swap3A_418 : i32 to index
    %swap3A_420 = arith.constant 0 : index
    %swap3A_421 = tpu.vector_load %arg6[%swap3A_419, %swap3A_420] {strides = array<i32>} : memref<64x16xf32, #tpu.memory_space<vmem>>, vector<16xf32>,
    tpu.vector_store %arg6[%swap3A_419, %swap3A_420], %gather3A_417 {strides = array<i32>} : memref<64x16xf32, #tpu.memory_space<vmem>>, vector<16xf32>,
    %broadcast_in_dim3A_422 = arith.constant 60 : i32
    %broadcast_in_dim3A_423 = vector.broadcast %broadcast_in_dim3A_422 : i32 to vector<16xi32>
    %gather3A_424 = tpu.vector_load_idx %arg5[%min3A_4, %broadcast_in_dim3A_423] : memref<6x64xf32, #tpu.memory_space<vmem>>[vector<16xi32>, vector<16xi32>], vector<16xf32>,
    %swap3A_425 = arith.constant 60 : i32
    %swap3A_426 = arith.index_cast %swap3A_425 : i32 to index
    %swap3A_427 = arith.constant 0 : index
    %swap3A_428 = tpu.vector_load %arg6[%swap3A_426, %swap3A_427] {strides = array<i32>} : memref<64x16xf32, #tpu.memory_space<vmem>>, vector<16xf32>,
    tpu.vector_store %arg6[%swap3A_426, %swap3A_427], %gather3A_424 {strides = array<i32>} : memref<64x16xf32, #tpu.memory_space<vmem>>, vector<16xf32>,
    %broadcast_in_dim3A_429 = arith.constant 61 : i32
    %broadcast_in_dim3A_430 = vector.broadcast %broadcast_in_dim3A_429 : i32 to vector<16xi32>
    %gather3A_431 = tpu.vector_load_idx %arg5[%min3A_4, %broadcast_in_dim3A_430] : memref<6x64xf32, #tpu.memory_space<vmem>>[vector<16xi32>, vector<16xi32>], vector<16xf32>,
    %swap3A_432 = arith.constant 61 : i32
    %swap3A_433 = arith.index_cast %swap3A_432 : i32 to index
    %swap3A_434 = arith.constant 0 : index
    %swap3A_435 = tpu.vector_load %arg6[%swap3A_433, %swap3A_434] {strides = array<i32>} : memref<64x16xf32, #tpu.memory_space<vmem>>, vector<16xf32>,
    tpu.vector_store %arg6[%swap3A_433, %swap3A_434], %gather3A_431 {strides = array<i32>} : memref<64x16xf32, #tpu.memory_space<vmem>>, vector<16xf32>,
    %broadcast_in_dim3A_436 = arith.constant 62 : i32
    %broadcast_in_dim3A_437 = vector.broadcast %broadcast_in_dim3A_436 : i32 to vector<16xi32>
    %gather3A_438 = tpu.vector_load_idx %arg5[%min3A_4, %broadcast_in_dim3A_437] : memref<6x64xf32, #tpu.memory_space<vmem>>[vector<16xi32>, vector<16xi32>], vector<16xf32>,
    %swap3A_439 = arith.constant 62 : i32
    %swap3A_440 = arith.index_cast %swap3A_439 : i32 to index
    %swap3A_441 = arith.constant 0 : index
    %swap3A_442 = tpu.vector_load %arg6[%swap3A_440, %swap3A_441] {strides = array<i32>} : memref<64x16xf32, #tpu.memory_space<vmem>>, vector<16xf32>,
    tpu.vector_store %arg6[%swap3A_440, %swap3A_441], %gather3A_438 {strides = array<i32>} : memref<64x16xf32, #tpu.memory_space<vmem>>, vector<16xf32>,
    %broadcast_in_dim3A_443 = arith.constant 63 : i32
    %broadcast_in_dim3A_444 = vector.broadcast %broadcast_in_dim3A_443 : i32 to vector<16xi32>
    %gather3A_445 = tpu.vector_load_idx %arg5[%min3A_4, %broadcast_in_dim3A_444] : memref<6x64xf32, #tpu.memory_space<vmem>>[vector<16xi32>, vector<16xi32>], vector<16xf32>,
    %swap3A_446 = arith.constant 63 : i32
    %swap3A_447 = arith.index_cast %swap3A_446 : i32 to index
    %swap3A_448 = arith.constant 0 : index
    %swap3A_449 = tpu.vector_load %arg6[%swap3A_447, %swap3A_448] {strides = array<i32>} : memref<64x16xf32, #tpu.memory_space<vmem>>, vector<16xf32>,
    tpu.vector_store %arg6[%swap3A_447, %swap3A_448], %gather3A_445 {strides = array<i32>} : memref<64x16xf32, #tpu.memory_space<vmem>>, vector<16xf32>,
    %add3A_450 = arith.constant 0 : i32
    %add3A_451 = arith.addi %mul3A_2, %add3A_450 : i32
    %dma_start3A = tpu.memref_slice %arg3[%add3A_451] : memref<819200xi32, #tpu.memory_space<hbm>> -> memref<512xi32, #tpu.memory_space<hbm>>
    %dma_start3A_452 = tpu.memref_slice %arg3[%add3A_451] : memref<819200xi32, #tpu.memory_space<hbm>> -> memref<512xi32, #tpu.memory_space<hbm>>
    tpu.enqueue_dma source(%dma_start3A_452 : memref<512xi32, #tpu.memory_space<hbm>>) target(%arg7 : memref<512xi32, #tpu.memory_space<vmem>>) target_semaphore(%arg11 : memref<!tpu.dma_semaphore, #tpu.memory_space<semaphore_mem>>)
    %add3A_453 = arith.constant 512 : i32
    %add3A_454 = arith.addi %mul3A_2, %add3A_453 : i32
    %dma_start3A_455 = tpu.memref_slice %arg3[%add3A_454] : memref<819200xi32, #tpu.memory_space<hbm>> -> memref<512xi32, #tpu.memory_space<hbm>>
    %dma_start3A_456 = tpu.memref_slice %arg3[%add3A_454] : memref<819200xi32, #tpu.memory_space<hbm>> -> memref<512xi32, #tpu.memory_space<hbm>>
    tpu.enqueue_dma source(%dma_start3A_456 : memref<512xi32, #tpu.memory_space<hbm>>) target(%arg8 : memref<512xi32, #tpu.memory_space<vmem>>) target_semaphore(%arg12 : memref<!tpu.dma_semaphore, #tpu.memory_space<semaphore_mem>>)
    %scan3A = arith.constant 0 : i32
    %scan3A_457 = arith.constant 0 : i32
    %scan3A_458 = arith.constant 25 : i32
    %scan3A_459 = arith.addi %scan3A_457, %scan3A_458 : i32
    %scan3A_460 = arith.constant 1 : i32
    %scan3A_461 = scf.for %scan3A_474 = %scan3A_457 to %scan3A_459 step %scan3A_460 iter_args(%scan3A_475 = %scan3A) -> (i32)  : i32 {
      %mul3A_476 = arith.constant 2 : i32
      %mul3A_477 = arith.muli %mul3A_476, %scan3A_474 : i32
      %add3A_478 = arith.constant 0 : i32
      %add3A_479 = arith.addi %mul3A_477, %add3A_478 : i32
      %mul3A_480 = arith.constant 512 : i32
      %mul3A_481 = arith.muli %add3A_479, %mul3A_480 : i32
      %add3A_482 = arith.addi %mul3A_2, %mul3A_481 : i32
      %dma_wait3A_483 = tpu.memref_slice %arg3[%add3A_482] : memref<819200xi32, #tpu.memory_space<hbm>> -> memref<512xi32, #tpu.memory_space<hbm>>
      %dma_wait3A_484 = tpu.memref_slice %arg3[%add3A_482] : memref<819200xi32, #tpu.memory_space<hbm>> -> memref<512xi32, #tpu.memory_space<hbm>>
      tpu.wait_dma2 semaphore(%arg11 : memref<!tpu.dma_semaphore, #tpu.memory_space<semaphore_mem>>) src(%dma_wait3A_484 : memref<512xi32, #tpu.memory_space<hbm>>) dst(%arg7 : memref<512xi32, #tpu.memory_space<vmem>>)
      %ge3A = arith.constant 1 : i32
      %ge3A_485 = arith.cmpi sge, %scan3A_474, %ge3A : i32
      %convert_element_type3A = arith.extui %ge3A_485 : i1 to i32
      %cond3A = arith.constant 0 : i32
      %cond3A_486 = arith.cmpi ne, %convert_element_type3A, %cond3A : i32
      scf.if %cond3A_486 {
        %mul3A_530 = arith.constant 512 : i32
        %mul3A_531 = arith.muli %add3A_479, %mul3A_530 : i32
        %add3A_532 = arith.addi %mul3A_2, %mul3A_531 : i32
        %dma_wait3A_533 = arith.constant 0 : i32
        %dma_wait3A_534 = tpu.memref_slice %arg4[%dma_wait3A_533, %add3A_532] : memref<64x819200xf32, #tpu.memory_space<hbm>> -> memref<64x512xf32, #tpu.memory_space<hbm>>
        %dma_wait3A_535 = arith.constant 0 : i32
        %dma_wait3A_536 = tpu.memref_slice %arg4[%dma_wait3A_535, %add3A_532] : memref<64x819200xf32, #tpu.memory_space<hbm>> -> memref<64x512xf32, #tpu.memory_space<hbm>>
        tpu.wait_dma2 semaphore(%arg13 : memref<!tpu.dma_semaphore, #tpu.memory_space<semaphore_mem>>) src(%arg9 : memref<64x512xf32, #tpu.memory_space<vmem>>) dst(%dma_wait3A_536 : memref<64x512xf32, #tpu.memory_space<hbm>>)
      } else {
      }
      %parallel_loop3A = arith.constant 0 : i32
      %parallel_loop3A_487 = arith.constant 32 : i32
      %parallel_loop3A_488 = arith.constant 1 : i32
      scf.for %parallel_loop3A_530 = %parallel_loop3A to %parallel_loop3A_487 step %parallel_loop3A_488  : i32 {
        %parallel_loop3A_531 = arith.constant 16 : i32
        %parallel_loop3A_532 = arith.muli %parallel_loop3A_530, %parallel_loop3A_531 : i32
        %parallel_loop3A_533 = arith.index_cast %parallel_loop3A_532 : i32 to index
        %parallel_loop3A_534 = tpu.vector_load %arg7[%parallel_loop3A_533] {strides = array<i32>} : memref<512xi32, #tpu.memory_space<vmem>>, vector<16xi32>,
        %parallel_loop3A_535 = arith.constant 0 : i32
        %parallel_loop3A_536 = arith.index_cast %parallel_loop3A_535 : i32 to index
        %parallel_loop3A_537 = arith.constant 0 : index
        %parallel_loop3A_538 = tpu.vector_load %arg6[%parallel_loop3A_536, %parallel_loop3A_537] {strides = array<i32>} : memref<64x16xf32, #tpu.memory_space<vmem>>, vector<16xf32>,
        %parallel_loop3A_539 = vector.shape_cast %parallel_loop3A_534 : vector<16xi32> to vector<16x1xi32>
        %parallel_loop3A_540 = vector.shape_cast %parallel_loop3A_539 : vector<16x1xi32> to vector<16xi32>
        %parallel_loop3A_541 = tpu.dynamic_gather %parallel_loop3A_538[%parallel_loop3A_540] in [0] : vector<16xf32>, vector<16xi32> -> vector<16xf32>
        %parallel_loop3A_542 = arith.constant 1 : i32
        %parallel_loop3A_543 = arith.index_cast %parallel_loop3A_542 : i32 to index
        %parallel_loop3A_544 = arith.constant 0 : index
        %parallel_loop3A_545 = tpu.vector_load %arg6[%parallel_loop3A_543, %parallel_loop3A_544] {strides = array<i32>} : memref<64x16xf32, #tpu.memory_space<vmem>>, vector<16xf32>,
        %parallel_loop3A_546 = vector.shape_cast %parallel_loop3A_534 : vector<16xi32> to vector<16x1xi32>
        %parallel_loop3A_547 = vector.shape_cast %parallel_loop3A_546 : vector<16x1xi32> to vector<16xi32>
        %parallel_loop3A_548 = tpu.dynamic_gather %parallel_loop3A_545[%parallel_loop3A_547] in [0] : vector<16xf32>, vector<16xi32> -> vector<16xf32>
        %parallel_loop3A_549 = arith.constant 2 : i32
        %parallel_loop3A_550 = arith.index_cast %parallel_loop3A_549 : i32 to index
        %parallel_loop3A_551 = arith.constant 0 : index
        %parallel_loop3A_552 = tpu.vector_load %arg6[%parallel_loop3A_550, %parallel_loop3A_551] {strides = array<i32>} : memref<64x16xf32, #tpu.memory_space<vmem>>, vector<16xf32>,
        %parallel_loop3A_553 = vector.shape_cast %parallel_loop3A_534 : vector<16xi32> to vector<16x1xi32>
        %parallel_loop3A_554 = vector.shape_cast %parallel_loop3A_553 : vector<16x1xi32> to vector<16xi32>
        %parallel_loop3A_555 = tpu.dynamic_gather %parallel_loop3A_552[%parallel_loop3A_554] in [0] : vector<16xf32>, vector<16xi32> -> vector<16xf32>
        %parallel_loop3A_556 = arith.constant 3 : i32
        %parallel_loop3A_557 = arith.index_cast %parallel_loop3A_556 : i32 to index
        %parallel_loop3A_558 = arith.constant 0 : index
        %parallel_loop3A_559 = tpu.vector_load %arg6[%parallel_loop3A_557, %parallel_loop3A_558] {strides = array<i32>} : memref<64x16xf32, #tpu.memory_space<vmem>>, vector<16xf32>,
        %parallel_loop3A_560 = vector.shape_cast %parallel_loop3A_534 : vector<16xi32> to vector<16x1xi32>
        %parallel_loop3A_561 = vector.shape_cast %parallel_loop3A_560 : vector<16x1xi32> to vector<16xi32>
        %parallel_loop3A_562 = tpu.dynamic_gather %parallel_loop3A_559[%parallel_loop3A_561] in [0] : vector<16xf32>, vector<16xi32> -> vector<16xf32>
        %parallel_loop3A_563 = arith.constant 4 : i32
        %parallel_loop3A_564 = arith.index_cast %parallel_loop3A_563 : i32 to index
        %parallel_loop3A_565 = arith.constant 0 : index
        %parallel_loop3A_566 = tpu.vector_load %arg6[%parallel_loop3A_564, %parallel_loop3A_565] {strides = array<i32>} : memref<64x16xf32, #tpu.memory_space<vmem>>, vector<16xf32>,
        %parallel_loop3A_567 = vector.shape_cast %parallel_loop3A_534 : vector<16xi32> to vector<16x1xi32>
        %parallel_loop3A_568 = vector.shape_cast %parallel_loop3A_567 : vector<16x1xi32> to vector<16xi32>
        %parallel_loop3A_569 = tpu.dynamic_gather %parallel_loop3A_566[%parallel_loop3A_568] in [0] : vector<16xf32>, vector<16xi32> -> vector<16xf32>
        %parallel_loop3A_570 = arith.constant 5 : i32
        %parallel_loop3A_571 = arith.index_cast %parallel_loop3A_570 : i32 to index
        %parallel_loop3A_572 = arith.constant 0 : index
        %parallel_loop3A_573 = tpu.vector_load %arg6[%parallel_loop3A_571, %parallel_loop3A_572] {strides = array<i32>} : memref<64x16xf32, #tpu.memory_space<vmem>>, vector<16xf32>,
        %parallel_loop3A_574 = vector.shape_cast %parallel_loop3A_534 : vector<16xi32> to vector<16x1xi32>
        %parallel_loop3A_575 = vector.shape_cast %parallel_loop3A_574 : vector<16x1xi32> to vector<16xi32>
        %parallel_loop3A_576 = tpu.dynamic_gather %parallel_loop3A_573[%parallel_loop3A_575] in [0] : vector<16xf32>, vector<16xi32> -> vector<16xf32>
        %parallel_loop3A_577 = arith.constant 6 : i32
        %parallel_loop3A_578 = arith.index_cast %parallel_loop3A_577 : i32 to index
        %parallel_loop3A_579 = arith.constant 0 : index
        %parallel_loop3A_580 = tpu.vector_load %arg6[%parallel_loop3A_578, %parallel_loop3A_579] {strides = array<i32>} : memref<64x16xf32, #tpu.memory_space<vmem>>, vector<16xf32>,
        %parallel_loop3A_581 = vector.shape_cast %parallel_loop3A_534 : vector<16xi32> to vector<16x1xi32>
        %parallel_loop3A_582 = vector.shape_cast %parallel_loop3A_581 : vector<16x1xi32> to vector<16xi32>
        %parallel_loop3A_583 = tpu.dynamic_gather %parallel_loop3A_580[%parallel_loop3A_582] in [0] : vector<16xf32>, vector<16xi32> -> vector<16xf32>
        %parallel_loop3A_584 = arith.constant 7 : i32
        %parallel_loop3A_585 = arith.index_cast %parallel_loop3A_584 : i32 to index
        %parallel_loop3A_586 = arith.constant 0 : index
        %parallel_loop3A_587 = tpu.vector_load %arg6[%parallel_loop3A_585, %parallel_loop3A_586] {strides = array<i32>} : memref<64x16xf32, #tpu.memory_space<vmem>>, vector<16xf32>,
        %parallel_loop3A_588 = vector.shape_cast %parallel_loop3A_534 : vector<16xi32> to vector<16x1xi32>
        %parallel_loop3A_589 = vector.shape_cast %parallel_loop3A_588 : vector<16x1xi32> to vector<16xi32>
        %parallel_loop3A_590 = tpu.dynamic_gather %parallel_loop3A_587[%parallel_loop3A_589] in [0] : vector<16xf32>, vector<16xi32> -> vector<16xf32>
        %parallel_loop3A_591 = arith.constant 8 : i32
        %parallel_loop3A_592 = arith.index_cast %parallel_loop3A_591 : i32 to index
        %parallel_loop3A_593 = arith.constant 0 : index
        %parallel_loop3A_594 = tpu.vector_load %arg6[%parallel_loop3A_592, %parallel_loop3A_593] {strides = array<i32>} : memref<64x16xf32, #tpu.memory_space<vmem>>, vector<16xf32>,
        %parallel_loop3A_595 = vector.shape_cast %parallel_loop3A_534 : vector<16xi32> to vector<16x1xi32>
        %parallel_loop3A_596 = vector.shape_cast %parallel_loop3A_595 : vector<16x1xi32> to vector<16xi32>
        %parallel_loop3A_597 = tpu.dynamic_gather %parallel_loop3A_594[%parallel_loop3A_596] in [0] : vector<16xf32>, vector<16xi32> -> vector<16xf32>
        %parallel_loop3A_598 = arith.constant 9 : i32
        %parallel_loop3A_599 = arith.index_cast %parallel_loop3A_598 : i32 to index
        %parallel_loop3A_600 = arith.constant 0 : index
        %parallel_loop3A_601 = tpu.vector_load %arg6[%parallel_loop3A_599, %parallel_loop3A_600] {strides = array<i32>} : memref<64x16xf32, #tpu.memory_space<vmem>>, vector<16xf32>,
        %parallel_loop3A_602 = vector.shape_cast %parallel_loop3A_534 : vector<16xi32> to vector<16x1xi32>
        %parallel_loop3A_603 = vector.shape_cast %parallel_loop3A_602 : vector<16x1xi32> to vector<16xi32>
        %parallel_loop3A_604 = tpu.dynamic_gather %parallel_loop3A_601[%parallel_loop3A_603] in [0] : vector<16xf32>, vector<16xi32> -> vector<16xf32>
        %parallel_loop3A_605 = arith.constant 10 : i32
        %parallel_loop3A_606 = arith.index_cast %parallel_loop3A_605 : i32 to index
        %parallel_loop3A_607 = arith.constant 0 : index
        %parallel_loop3A_608 = tpu.vector_load %arg6[%parallel_loop3A_606, %parallel_loop3A_607] {strides = array<i32>} : memref<64x16xf32, #tpu.memory_space<vmem>>, vector<16xf32>,
        %parallel_loop3A_609 = vector.shape_cast %parallel_loop3A_534 : vector<16xi32> to vector<16x1xi32>
        %parallel_loop3A_610 = vector.shape_cast %parallel_loop3A_609 : vector<16x1xi32> to vector<16xi32>
        %parallel_loop3A_611 = tpu.dynamic_gather %parallel_loop3A_608[%parallel_loop3A_610] in [0] : vector<16xf32>, vector<16xi32> -> vector<16xf32>
        %parallel_loop3A_612 = arith.constant 11 : i32
        %parallel_loop3A_613 = arith.index_cast %parallel_loop3A_612 : i32 to index
        %parallel_loop3A_614 = arith.constant 0 : index
        %parallel_loop3A_615 = tpu.vector_load %arg6[%parallel_loop3A_613, %parallel_loop3A_614] {strides = array<i32>} : memref<64x16xf32, #tpu.memory_space<vmem>>, vector<16xf32>,
        %parallel_loop3A_616 = vector.shape_cast %parallel_loop3A_534 : vector<16xi32> to vector<16x1xi32>
        %parallel_loop3A_617 = vector.shape_cast %parallel_loop3A_616 : vector<16x1xi32> to vector<16xi32>
        %parallel_loop3A_618 = tpu.dynamic_gather %parallel_loop3A_615[%parallel_loop3A_617] in [0] : vector<16xf32>, vector<16xi32> -> vector<16xf32>
        %parallel_loop3A_619 = arith.constant 12 : i32
        %parallel_loop3A_620 = arith.index_cast %parallel_loop3A_619 : i32 to index
        %parallel_loop3A_621 = arith.constant 0 : index
        %parallel_loop3A_622 = tpu.vector_load %arg6[%parallel_loop3A_620, %parallel_loop3A_621] {strides = array<i32>} : memref<64x16xf32, #tpu.memory_space<vmem>>, vector<16xf32>,
        %parallel_loop3A_623 = vector.shape_cast %parallel_loop3A_534 : vector<16xi32> to vector<16x1xi32>
        %parallel_loop3A_624 = vector.shape_cast %parallel_loop3A_623 : vector<16x1xi32> to vector<16xi32>
        %parallel_loop3A_625 = tpu.dynamic_gather %parallel_loop3A_622[%parallel_loop3A_624] in [0] : vector<16xf32>, vector<16xi32> -> vector<16xf32>
        %parallel_loop3A_626 = arith.constant 13 : i32
        %parallel_loop3A_627 = arith.index_cast %parallel_loop3A_626 : i32 to index
        %parallel_loop3A_628 = arith.constant 0 : index
        %parallel_loop3A_629 = tpu.vector_load %arg6[%parallel_loop3A_627, %parallel_loop3A_628] {strides = array<i32>} : memref<64x16xf32, #tpu.memory_space<vmem>>, vector<16xf32>,
        %parallel_loop3A_630 = vector.shape_cast %parallel_loop3A_534 : vector<16xi32> to vector<16x1xi32>
        %parallel_loop3A_631 = vector.shape_cast %parallel_loop3A_630 : vector<16x1xi32> to vector<16xi32>
        %parallel_loop3A_632 = tpu.dynamic_gather %parallel_loop3A_629[%parallel_loop3A_631] in [0] : vector<16xf32>, vector<16xi32> -> vector<16xf32>
        %parallel_loop3A_633 = arith.constant 14 : i32
        %parallel_loop3A_634 = arith.index_cast %parallel_loop3A_633 : i32 to index
        %parallel_loop3A_635 = arith.constant 0 : index
        %parallel_loop3A_636 = tpu.vector_load %arg6[%parallel_loop3A_634, %parallel_loop3A_635] {strides = array<i32>} : memref<64x16xf32, #tpu.memory_space<vmem>>, vector<16xf32>,
        %parallel_loop3A_637 = vector.shape_cast %parallel_loop3A_534 : vector<16xi32> to vector<16x1xi32>
        %parallel_loop3A_638 = vector.shape_cast %parallel_loop3A_637 : vector<16x1xi32> to vector<16xi32>
        %parallel_loop3A_639 = tpu.dynamic_gather %parallel_loop3A_636[%parallel_loop3A_638] in [0] : vector<16xf32>, vector<16xi32> -> vector<16xf32>
        %parallel_loop3A_640 = arith.constant 15 : i32
        %parallel_loop3A_641 = arith.index_cast %parallel_loop3A_640 : i32 to index
        %parallel_loop3A_642 = arith.constant 0 : index
        %parallel_loop3A_643 = tpu.vector_load %arg6[%parallel_loop3A_641, %parallel_loop3A_642] {strides = array<i32>} : memref<64x16xf32, #tpu.memory_space<vmem>>, vector<16xf32>,
        %parallel_loop3A_644 = vector.shape_cast %parallel_loop3A_534 : vector<16xi32> to vector<16x1xi32>
        %parallel_loop3A_645 = vector.shape_cast %parallel_loop3A_644 : vector<16x1xi32> to vector<16xi32>
        %parallel_loop3A_646 = tpu.dynamic_gather %parallel_loop3A_643[%parallel_loop3A_645] in [0] : vector<16xf32>, vector<16xi32> -> vector<16xf32>
        %parallel_loop3A_647 = arith.constant 16 : i32
        %parallel_loop3A_648 = arith.index_cast %parallel_loop3A_647 : i32 to index
        %parallel_loop3A_649 = arith.constant 0 : index
        %parallel_loop3A_650 = tpu.vector_load %arg6[%parallel_loop3A_648, %parallel_loop3A_649] {strides = array<i32>} : memref<64x16xf32, #tpu.memory_space<vmem>>, vector<16xf32>,
        %parallel_loop3A_651 = vector.shape_cast %parallel_loop3A_534 : vector<16xi32> to vector<16x1xi32>
        %parallel_loop3A_652 = vector.shape_cast %parallel_loop3A_651 : vector<16x1xi32> to vector<16xi32>
        %parallel_loop3A_653 = tpu.dynamic_gather %parallel_loop3A_650[%parallel_loop3A_652] in [0] : vector<16xf32>, vector<16xi32> -> vector<16xf32>
        %parallel_loop3A_654 = arith.constant 17 : i32
        %parallel_loop3A_655 = arith.index_cast %parallel_loop3A_654 : i32 to index
        %parallel_loop3A_656 = arith.constant 0 : index
        %parallel_loop3A_657 = tpu.vector_load %arg6[%parallel_loop3A_655, %parallel_loop3A_656] {strides = array<i32>} : memref<64x16xf32, #tpu.memory_space<vmem>>, vector<16xf32>,
        %parallel_loop3A_658 = vector.shape_cast %parallel_loop3A_534 : vector<16xi32> to vector<16x1xi32>
        %parallel_loop3A_659 = vector.shape_cast %parallel_loop3A_658 : vector<16x1xi32> to vector<16xi32>
        %parallel_loop3A_660 = tpu.dynamic_gather %parallel_loop3A_657[%parallel_loop3A_659] in [0] : vector<16xf32>, vector<16xi32> -> vector<16xf32>
        %parallel_loop3A_661 = arith.constant 18 : i32
        %parallel_loop3A_662 = arith.index_cast %parallel_loop3A_661 : i32 to index
        %parallel_loop3A_663 = arith.constant 0 : index
        %parallel_loop3A_664 = tpu.vector_load %arg6[%parallel_loop3A_662, %parallel_loop3A_663] {strides = array<i32>} : memref<64x16xf32, #tpu.memory_space<vmem>>, vector<16xf32>,
        %parallel_loop3A_665 = vector.shape_cast %parallel_loop3A_534 : vector<16xi32> to vector<16x1xi32>
        %parallel_loop3A_666 = vector.shape_cast %parallel_loop3A_665 : vector<16x1xi32> to vector<16xi32>
        %parallel_loop3A_667 = tpu.dynamic_gather %parallel_loop3A_664[%parallel_loop3A_666] in [0] : vector<16xf32>, vector<16xi32> -> vector<16xf32>
        %parallel_loop3A_668 = arith.constant 19 : i32
        %parallel_loop3A_669 = arith.index_cast %parallel_loop3A_668 : i32 to index
        %parallel_loop3A_670 = arith.constant 0 : index
        %parallel_loop3A_671 = tpu.vector_load %arg6[%parallel_loop3A_669, %parallel_loop3A_670] {strides = array<i32>} : memref<64x16xf32, #tpu.memory_space<vmem>>, vector<16xf32>,
        %parallel_loop3A_672 = vector.shape_cast %parallel_loop3A_534 : vector<16xi32> to vector<16x1xi32>
        %parallel_loop3A_673 = vector.shape_cast %parallel_loop3A_672 : vector<16x1xi32> to vector<16xi32>
        %parallel_loop3A_674 = tpu.dynamic_gather %parallel_loop3A_671[%parallel_loop3A_673] in [0] : vector<16xf32>, vector<16xi32> -> vector<16xf32>
        %parallel_loop3A_675 = arith.constant 20 : i32
        %parallel_loop3A_676 = arith.index_cast %parallel_loop3A_675 : i32 to index
        %parallel_loop3A_677 = arith.constant 0 : index
        %parallel_loop3A_678 = tpu.vector_load %arg6[%parallel_loop3A_676, %parallel_loop3A_677] {strides = array<i32>} : memref<64x16xf32, #tpu.memory_space<vmem>>, vector<16xf32>,
        %parallel_loop3A_679 = vector.shape_cast %parallel_loop3A_534 : vector<16xi32> to vector<16x1xi32>
        %parallel_loop3A_680 = vector.shape_cast %parallel_loop3A_679 : vector<16x1xi32> to vector<16xi32>
        %parallel_loop3A_681 = tpu.dynamic_gather %parallel_loop3A_678[%parallel_loop3A_680] in [0] : vector<16xf32>, vector<16xi32> -> vector<16xf32>
        %parallel_loop3A_682 = arith.constant 21 : i32
        %parallel_loop3A_683 = arith.index_cast %parallel_loop3A_682 : i32 to index
        %parallel_loop3A_684 = arith.constant 0 : index
        %parallel_loop3A_685 = tpu.vector_load %arg6[%parallel_loop3A_683, %parallel_loop3A_684] {strides = array<i32>} : memref<64x16xf32, #tpu.memory_space<vmem>>, vector<16xf32>,
        %parallel_loop3A_686 = vector.shape_cast %parallel_loop3A_534 : vector<16xi32> to vector<16x1xi32>
        %parallel_loop3A_687 = vector.shape_cast %parallel_loop3A_686 : vector<16x1xi32> to vector<16xi32>
        %parallel_loop3A_688 = tpu.dynamic_gather %parallel_loop3A_685[%parallel_loop3A_687] in [0] : vector<16xf32>, vector<16xi32> -> vector<16xf32>
        %parallel_loop3A_689 = arith.constant 22 : i32
        %parallel_loop3A_690 = arith.index_cast %parallel_loop3A_689 : i32 to index
        %parallel_loop3A_691 = arith.constant 0 : index
        %parallel_loop3A_692 = tpu.vector_load %arg6[%parallel_loop3A_690, %parallel_loop3A_691] {strides = array<i32>} : memref<64x16xf32, #tpu.memory_space<vmem>>, vector<16xf32>,
        %parallel_loop3A_693 = vector.shape_cast %parallel_loop3A_534 : vector<16xi32> to vector<16x1xi32>
        %parallel_loop3A_694 = vector.shape_cast %parallel_loop3A_693 : vector<16x1xi32> to vector<16xi32>
        %parallel_loop3A_695 = tpu.dynamic_gather %parallel_loop3A_692[%parallel_loop3A_694] in [0] : vector<16xf32>, vector<16xi32> -> vector<16xf32>
        %parallel_loop3A_696 = arith.constant 23 : i32
        %parallel_loop3A_697 = arith.index_cast %parallel_loop3A_696 : i32 to index
        %parallel_loop3A_698 = arith.constant 0 : index
        %parallel_loop3A_699 = tpu.vector_load %arg6[%parallel_loop3A_697, %parallel_loop3A_698] {strides = array<i32>} : memref<64x16xf32, #tpu.memory_space<vmem>>, vector<16xf32>,
        %parallel_loop3A_700 = vector.shape_cast %parallel_loop3A_534 : vector<16xi32> to vector<16x1xi32>
        %parallel_loop3A_701 = vector.shape_cast %parallel_loop3A_700 : vector<16x1xi32> to vector<16xi32>
        %parallel_loop3A_702 = tpu.dynamic_gather %parallel_loop3A_699[%parallel_loop3A_701] in [0] : vector<16xf32>, vector<16xi32> -> vector<16xf32>
        %parallel_loop3A_703 = arith.constant 24 : i32
        %parallel_loop3A_704 = arith.index_cast %parallel_loop3A_703 : i32 to index
        %parallel_loop3A_705 = arith.constant 0 : index
        %parallel_loop3A_706 = tpu.vector_load %arg6[%parallel_loop3A_704, %parallel_loop3A_705] {strides = array<i32>} : memref<64x16xf32, #tpu.memory_space<vmem>>, vector<16xf32>,
        %parallel_loop3A_707 = vector.shape_cast %parallel_loop3A_534 : vector<16xi32> to vector<16x1xi32>
        %parallel_loop3A_708 = vector.shape_cast %parallel_loop3A_707 : vector<16x1xi32> to vector<16xi32>
        %parallel_loop3A_709 = tpu.dynamic_gather %parallel_loop3A_706[%parallel_loop3A_708] in [0] : vector<16xf32>, vector<16xi32> -> vector<16xf32>
        %parallel_loop3A_710 = arith.constant 25 : i32
        %parallel_loop3A_711 = arith.index_cast %parallel_loop3A_710 : i32 to index
        %parallel_loop3A_712 = arith.constant 0 : index
        %parallel_loop3A_713 = tpu.vector_load %arg6[%parallel_loop3A_711, %parallel_loop3A_712] {strides = array<i32>} : memref<64x16xf32, #tpu.memory_space<vmem>>, vector<16xf32>,
        %parallel_loop3A_714 = vector.shape_cast %parallel_loop3A_534 : vector<16xi32> to vector<16x1xi32>
        %parallel_loop3A_715 = vector.shape_cast %parallel_loop3A_714 : vector<16x1xi32> to vector<16xi32>
        %parallel_loop3A_716 = tpu.dynamic_gather %parallel_loop3A_713[%parallel_loop3A_715] in [0] : vector<16xf32>, vector<16xi32> -> vector<16xf32>
        %parallel_loop3A_717 = arith.constant 26 : i32
        %parallel_loop3A_718 = arith.index_cast %parallel_loop3A_717 : i32 to index
        %parallel_loop3A_719 = arith.constant 0 : index
        %parallel_loop3A_720 = tpu.vector_load %arg6[%parallel_loop3A_718, %parallel_loop3A_719] {strides = array<i32>} : memref<64x16xf32, #tpu.memory_space<vmem>>, vector<16xf32>,
        %parallel_loop3A_721 = vector.shape_cast %parallel_loop3A_534 : vector<16xi32> to vector<16x1xi32>
        %parallel_loop3A_722 = vector.shape_cast %parallel_loop3A_721 : vector<16x1xi32> to vector<16xi32>
        %parallel_loop3A_723 = tpu.dynamic_gather %parallel_loop3A_720[%parallel_loop3A_722] in [0] : vector<16xf32>, vector<16xi32> -> vector<16xf32>
        %parallel_loop3A_724 = arith.constant 27 : i32
        %parallel_loop3A_725 = arith.index_cast %parallel_loop3A_724 : i32 to index
        %parallel_loop3A_726 = arith.constant 0 : index
        %parallel_loop3A_727 = tpu.vector_load %arg6[%parallel_loop3A_725, %parallel_loop3A_726] {strides = array<i32>} : memref<64x16xf32, #tpu.memory_space<vmem>>, vector<16xf32>,
        %parallel_loop3A_728 = vector.shape_cast %parallel_loop3A_534 : vector<16xi32> to vector<16x1xi32>
        %parallel_loop3A_729 = vector.shape_cast %parallel_loop3A_728 : vector<16x1xi32> to vector<16xi32>
        %parallel_loop3A_730 = tpu.dynamic_gather %parallel_loop3A_727[%parallel_loop3A_729] in [0] : vector<16xf32>, vector<16xi32> -> vector<16xf32>
        %parallel_loop3A_731 = arith.constant 28 : i32
        %parallel_loop3A_732 = arith.index_cast %parallel_loop3A_731 : i32 to index
        %parallel_loop3A_733 = arith.constant 0 : index
        %parallel_loop3A_734 = tpu.vector_load %arg6[%parallel_loop3A_732, %parallel_loop3A_733] {strides = array<i32>} : memref<64x16xf32, #tpu.memory_space<vmem>>, vector<16xf32>,
        %parallel_loop3A_735 = vector.shape_cast %parallel_loop3A_534 : vector<16xi32> to vector<16x1xi32>
        %parallel_loop3A_736 = vector.shape_cast %parallel_loop3A_735 : vector<16x1xi32> to vector<16xi32>
        %parallel_loop3A_737 = tpu.dynamic_gather %parallel_loop3A_734[%parallel_loop3A_736] in [0] : vector<16xf32>, vector<16xi32> -> vector<16xf32>
        %parallel_loop3A_738 = arith.constant 29 : i32
        %parallel_loop3A_739 = arith.index_cast %parallel_loop3A_738 : i32 to index
        %parallel_loop3A_740 = arith.constant 0 : index
        %parallel_loop3A_741 = tpu.vector_load %arg6[%parallel_loop3A_739, %parallel_loop3A_740] {strides = array<i32>} : memref<64x16xf32, #tpu.memory_space<vmem>>, vector<16xf32>,
        %parallel_loop3A_742 = vector.shape_cast %parallel_loop3A_534 : vector<16xi32> to vector<16x1xi32>
        %parallel_loop3A_743 = vector.shape_cast %parallel_loop3A_742 : vector<16x1xi32> to vector<16xi32>
        %parallel_loop3A_744 = tpu.dynamic_gather %parallel_loop3A_741[%parallel_loop3A_743] in [0] : vector<16xf32>, vector<16xi32> -> vector<16xf32>
        %parallel_loop3A_745 = arith.constant 30 : i32
        %parallel_loop3A_746 = arith.index_cast %parallel_loop3A_745 : i32 to index
        %parallel_loop3A_747 = arith.constant 0 : index
        %parallel_loop3A_748 = tpu.vector_load %arg6[%parallel_loop3A_746, %parallel_loop3A_747] {strides = array<i32>} : memref<64x16xf32, #tpu.memory_space<vmem>>, vector<16xf32>,
        %parallel_loop3A_749 = vector.shape_cast %parallel_loop3A_534 : vector<16xi32> to vector<16x1xi32>
        %parallel_loop3A_750 = vector.shape_cast %parallel_loop3A_749 : vector<16x1xi32> to vector<16xi32>
        %parallel_loop3A_751 = tpu.dynamic_gather %parallel_loop3A_748[%parallel_loop3A_750] in [0] : vector<16xf32>, vector<16xi32> -> vector<16xf32>
        %parallel_loop3A_752 = arith.constant 31 : i32
        %parallel_loop3A_753 = arith.index_cast %parallel_loop3A_752 : i32 to index
        %parallel_loop3A_754 = arith.constant 0 : index
        %parallel_loop3A_755 = tpu.vector_load %arg6[%parallel_loop3A_753, %parallel_loop3A_754] {strides = array<i32>} : memref<64x16xf32, #tpu.memory_space<vmem>>, vector<16xf32>,
        %parallel_loop3A_756 = vector.shape_cast %parallel_loop3A_534 : vector<16xi32> to vector<16x1xi32>
        %parallel_loop3A_757 = vector.shape_cast %parallel_loop3A_756 : vector<16x1xi32> to vector<16xi32>
        %parallel_loop3A_758 = tpu.dynamic_gather %parallel_loop3A_755[%parallel_loop3A_757] in [0] : vector<16xf32>, vector<16xi32> -> vector<16xf32>
        %parallel_loop3A_759 = arith.constant 32 : i32
        %parallel_loop3A_760 = arith.index_cast %parallel_loop3A_759 : i32 to index
        %parallel_loop3A_761 = arith.constant 0 : index
        %parallel_loop3A_762 = tpu.vector_load %arg6[%parallel_loop3A_760, %parallel_loop3A_761] {strides = array<i32>} : memref<64x16xf32, #tpu.memory_space<vmem>>, vector<16xf32>,
        %parallel_loop3A_763 = vector.shape_cast %parallel_loop3A_534 : vector<16xi32> to vector<16x1xi32>
        %parallel_loop3A_764 = vector.shape_cast %parallel_loop3A_763 : vector<16x1xi32> to vector<16xi32>
        %parallel_loop3A_765 = tpu.dynamic_gather %parallel_loop3A_762[%parallel_loop3A_764] in [0] : vector<16xf32>, vector<16xi32> -> vector<16xf32>
        %parallel_loop3A_766 = arith.constant 33 : i32
        %parallel_loop3A_767 = arith.index_cast %parallel_loop3A_766 : i32 to index
        %parallel_loop3A_768 = arith.constant 0 : index
        %parallel_loop3A_769 = tpu.vector_load %arg6[%parallel_loop3A_767, %parallel_loop3A_768] {strides = array<i32>} : memref<64x16xf32, #tpu.memory_space<vmem>>, vector<16xf32>,
        %parallel_loop3A_770 = vector.shape_cast %parallel_loop3A_534 : vector<16xi32> to vector<16x1xi32>
        %parallel_loop3A_771 = vector.shape_cast %parallel_loop3A_770 : vector<16x1xi32> to vector<16xi32>
        %parallel_loop3A_772 = tpu.dynamic_gather %parallel_loop3A_769[%parallel_loop3A_771] in [0] : vector<16xf32>, vector<16xi32> -> vector<16xf32>
        %parallel_loop3A_773 = arith.constant 34 : i32
        %parallel_loop3A_774 = arith.index_cast %parallel_loop3A_773 : i32 to index
        %parallel_loop3A_775 = arith.constant 0 : index
        %parallel_loop3A_776 = tpu.vector_load %arg6[%parallel_loop3A_774, %parallel_loop3A_775] {strides = array<i32>} : memref<64x16xf32, #tpu.memory_space<vmem>>, vector<16xf32>,
        %parallel_loop3A_777 = vector.shape_cast %parallel_loop3A_534 : vector<16xi32> to vector<16x1xi32>
        %parallel_loop3A_778 = vector.shape_cast %parallel_loop3A_777 : vector<16x1xi32> to vector<16xi32>
        %parallel_loop3A_779 = tpu.dynamic_gather %parallel_loop3A_776[%parallel_loop3A_778] in [0] : vector<16xf32>, vector<16xi32> -> vector<16xf32>
        %parallel_loop3A_780 = arith.constant 35 : i32
        %parallel_loop3A_781 = arith.index_cast %parallel_loop3A_780 : i32 to index
        %parallel_loop3A_782 = arith.constant 0 : index
        %parallel_loop3A_783 = tpu.vector_load %arg6[%parallel_loop3A_781, %parallel_loop3A_782] {strides = array<i32>} : memref<64x16xf32, #tpu.memory_space<vmem>>, vector<16xf32>,
        %parallel_loop3A_784 = vector.shape_cast %parallel_loop3A_534 : vector<16xi32> to vector<16x1xi32>
        %parallel_loop3A_785 = vector.shape_cast %parallel_loop3A_784 : vector<16x1xi32> to vector<16xi32>
        %parallel_loop3A_786 = tpu.dynamic_gather %parallel_loop3A_783[%parallel_loop3A_785] in [0] : vector<16xf32>, vector<16xi32> -> vector<16xf32>
        %parallel_loop3A_787 = arith.constant 36 : i32
        %parallel_loop3A_788 = arith.index_cast %parallel_loop3A_787 : i32 to index
        %parallel_loop3A_789 = arith.constant 0 : index
        %parallel_loop3A_790 = tpu.vector_load %arg6[%parallel_loop3A_788, %parallel_loop3A_789] {strides = array<i32>} : memref<64x16xf32, #tpu.memory_space<vmem>>, vector<16xf32>,
        %parallel_loop3A_791 = vector.shape_cast %parallel_loop3A_534 : vector<16xi32> to vector<16x1xi32>
        %parallel_loop3A_792 = vector.shape_cast %parallel_loop3A_791 : vector<16x1xi32> to vector<16xi32>
        %parallel_loop3A_793 = tpu.dynamic_gather %parallel_loop3A_790[%parallel_loop3A_792] in [0] : vector<16xf32>, vector<16xi32> -> vector<16xf32>
        %parallel_loop3A_794 = arith.constant 37 : i32
        %parallel_loop3A_795 = arith.index_cast %parallel_loop3A_794 : i32 to index
        %parallel_loop3A_796 = arith.constant 0 : index
        %parallel_loop3A_797 = tpu.vector_load %arg6[%parallel_loop3A_795, %parallel_loop3A_796] {strides = array<i32>} : memref<64x16xf32, #tpu.memory_space<vmem>>, vector<16xf32>,
        %parallel_loop3A_798 = vector.shape_cast %parallel_loop3A_534 : vector<16xi32> to vector<16x1xi32>
        %parallel_loop3A_799 = vector.shape_cast %parallel_loop3A_798 : vector<16x1xi32> to vector<16xi32>
        %parallel_loop3A_800 = tpu.dynamic_gather %parallel_loop3A_797[%parallel_loop3A_799] in [0] : vector<16xf32>, vector<16xi32> -> vector<16xf32>
        %parallel_loop3A_801 = arith.constant 38 : i32
        %parallel_loop3A_802 = arith.index_cast %parallel_loop3A_801 : i32 to index
        %parallel_loop3A_803 = arith.constant 0 : index
        %parallel_loop3A_804 = tpu.vector_load %arg6[%parallel_loop3A_802, %parallel_loop3A_803] {strides = array<i32>} : memref<64x16xf32, #tpu.memory_space<vmem>>, vector<16xf32>,
        %parallel_loop3A_805 = vector.shape_cast %parallel_loop3A_534 : vector<16xi32> to vector<16x1xi32>
        %parallel_loop3A_806 = vector.shape_cast %parallel_loop3A_805 : vector<16x1xi32> to vector<16xi32>
        %parallel_loop3A_807 = tpu.dynamic_gather %parallel_loop3A_804[%parallel_loop3A_806] in [0] : vector<16xf32>, vector<16xi32> -> vector<16xf32>
        %parallel_loop3A_808 = arith.constant 39 : i32
        %parallel_loop3A_809 = arith.index_cast %parallel_loop3A_808 : i32 to index
        %parallel_loop3A_810 = arith.constant 0 : index
        %parallel_loop3A_811 = tpu.vector_load %arg6[%parallel_loop3A_809, %parallel_loop3A_810] {strides = array<i32>} : memref<64x16xf32, #tpu.memory_space<vmem>>, vector<16xf32>,
        %parallel_loop3A_812 = vector.shape_cast %parallel_loop3A_534 : vector<16xi32> to vector<16x1xi32>
        %parallel_loop3A_813 = vector.shape_cast %parallel_loop3A_812 : vector<16x1xi32> to vector<16xi32>
        %parallel_loop3A_814 = tpu.dynamic_gather %parallel_loop3A_811[%parallel_loop3A_813] in [0] : vector<16xf32>, vector<16xi32> -> vector<16xf32>
        %parallel_loop3A_815 = arith.constant 40 : i32
        %parallel_loop3A_816 = arith.index_cast %parallel_loop3A_815 : i32 to index
        %parallel_loop3A_817 = arith.constant 0 : index
        %parallel_loop3A_818 = tpu.vector_load %arg6[%parallel_loop3A_816, %parallel_loop3A_817] {strides = array<i32>} : memref<64x16xf32, #tpu.memory_space<vmem>>, vector<16xf32>,
        %parallel_loop3A_819 = vector.shape_cast %parallel_loop3A_534 : vector<16xi32> to vector<16x1xi32>
        %parallel_loop3A_820 = vector.shape_cast %parallel_loop3A_819 : vector<16x1xi32> to vector<16xi32>
        %parallel_loop3A_821 = tpu.dynamic_gather %parallel_loop3A_818[%parallel_loop3A_820] in [0] : vector<16xf32>, vector<16xi32> -> vector<16xf32>
        %parallel_loop3A_822 = arith.constant 41 : i32
        %parallel_loop3A_823 = arith.index_cast %parallel_loop3A_822 : i32 to index
        %parallel_loop3A_824 = arith.constant 0 : index
        %parallel_loop3A_825 = tpu.vector_load %arg6[%parallel_loop3A_823, %parallel_loop3A_824] {strides = array<i32>} : memref<64x16xf32, #tpu.memory_space<vmem>>, vector<16xf32>,
        %parallel_loop3A_826 = vector.shape_cast %parallel_loop3A_534 : vector<16xi32> to vector<16x1xi32>
        %parallel_loop3A_827 = vector.shape_cast %parallel_loop3A_826 : vector<16x1xi32> to vector<16xi32>
        %parallel_loop3A_828 = tpu.dynamic_gather %parallel_loop3A_825[%parallel_loop3A_827] in [0] : vector<16xf32>, vector<16xi32> -> vector<16xf32>
        %parallel_loop3A_829 = arith.constant 42 : i32
        %parallel_loop3A_830 = arith.index_cast %parallel_loop3A_829 : i32 to index
        %parallel_loop3A_831 = arith.constant 0 : index
        %parallel_loop3A_832 = tpu.vector_load %arg6[%parallel_loop3A_830, %parallel_loop3A_831] {strides = array<i32>} : memref<64x16xf32, #tpu.memory_space<vmem>>, vector<16xf32>,
        %parallel_loop3A_833 = vector.shape_cast %parallel_loop3A_534 : vector<16xi32> to vector<16x1xi32>
        %parallel_loop3A_834 = vector.shape_cast %parallel_loop3A_833 : vector<16x1xi32> to vector<16xi32>
        %parallel_loop3A_835 = tpu.dynamic_gather %parallel_loop3A_832[%parallel_loop3A_834] in [0] : vector<16xf32>, vector<16xi32> -> vector<16xf32>
        %parallel_loop3A_836 = arith.constant 43 : i32
        %parallel_loop3A_837 = arith.index_cast %parallel_loop3A_836 : i32 to index
        %parallel_loop3A_838 = arith.constant 0 : index
        %parallel_loop3A_839 = tpu.vector_load %arg6[%parallel_loop3A_837, %parallel_loop3A_838] {strides = array<i32>} : memref<64x16xf32, #tpu.memory_space<vmem>>, vector<16xf32>,
        %parallel_loop3A_840 = vector.shape_cast %parallel_loop3A_534 : vector<16xi32> to vector<16x1xi32>
        %parallel_loop3A_841 = vector.shape_cast %parallel_loop3A_840 : vector<16x1xi32> to vector<16xi32>
        %parallel_loop3A_842 = tpu.dynamic_gather %parallel_loop3A_839[%parallel_loop3A_841] in [0] : vector<16xf32>, vector<16xi32> -> vector<16xf32>
        %parallel_loop3A_843 = arith.constant 44 : i32
        %parallel_loop3A_844 = arith.index_cast %parallel_loop3A_843 : i32 to index
        %parallel_loop3A_845 = arith.constant 0 : index
        %parallel_loop3A_846 = tpu.vector_load %arg6[%parallel_loop3A_844, %parallel_loop3A_845] {strides = array<i32>} : memref<64x16xf32, #tpu.memory_space<vmem>>, vector<16xf32>,
        %parallel_loop3A_847 = vector.shape_cast %parallel_loop3A_534 : vector<16xi32> to vector<16x1xi32>
        %parallel_loop3A_848 = vector.shape_cast %parallel_loop3A_847 : vector<16x1xi32> to vector<16xi32>
        %parallel_loop3A_849 = tpu.dynamic_gather %parallel_loop3A_846[%parallel_loop3A_848] in [0] : vector<16xf32>, vector<16xi32> -> vector<16xf32>
        %parallel_loop3A_850 = arith.constant 45 : i32
        %parallel_loop3A_851 = arith.index_cast %parallel_loop3A_850 : i32 to index
        %parallel_loop3A_852 = arith.constant 0 : index
        %parallel_loop3A_853 = tpu.vector_load %arg6[%parallel_loop3A_851, %parallel_loop3A_852] {strides = array<i32>} : memref<64x16xf32, #tpu.memory_space<vmem>>, vector<16xf32>,
        %parallel_loop3A_854 = vector.shape_cast %parallel_loop3A_534 : vector<16xi32> to vector<16x1xi32>
        %parallel_loop3A_855 = vector.shape_cast %parallel_loop3A_854 : vector<16x1xi32> to vector<16xi32>
        %parallel_loop3A_856 = tpu.dynamic_gather %parallel_loop3A_853[%parallel_loop3A_855] in [0] : vector<16xf32>, vector<16xi32> -> vector<16xf32>
        %parallel_loop3A_857 = arith.constant 46 : i32
        %parallel_loop3A_858 = arith.index_cast %parallel_loop3A_857 : i32 to index
        %parallel_loop3A_859 = arith.constant 0 : index
        %parallel_loop3A_860 = tpu.vector_load %arg6[%parallel_loop3A_858, %parallel_loop3A_859] {strides = array<i32>} : memref<64x16xf32, #tpu.memory_space<vmem>>, vector<16xf32>,
        %parallel_loop3A_861 = vector.shape_cast %parallel_loop3A_534 : vector<16xi32> to vector<16x1xi32>
        %parallel_loop3A_862 = vector.shape_cast %parallel_loop3A_861 : vector<16x1xi32> to vector<16xi32>
        %parallel_loop3A_863 = tpu.dynamic_gather %parallel_loop3A_860[%parallel_loop3A_862] in [0] : vector<16xf32>, vector<16xi32> -> vector<16xf32>
        %parallel_loop3A_864 = arith.constant 47 : i32
        %parallel_loop3A_865 = arith.index_cast %parallel_loop3A_864 : i32 to index
        %parallel_loop3A_866 = arith.constant 0 : index
        %parallel_loop3A_867 = tpu.vector_load %arg6[%parallel_loop3A_865, %parallel_loop3A_866] {strides = array<i32>} : memref<64x16xf32, #tpu.memory_space<vmem>>, vector<16xf32>,
        %parallel_loop3A_868 = vector.shape_cast %parallel_loop3A_534 : vector<16xi32> to vector<16x1xi32>
        %parallel_loop3A_869 = vector.shape_cast %parallel_loop3A_868 : vector<16x1xi32> to vector<16xi32>
        %parallel_loop3A_870 = tpu.dynamic_gather %parallel_loop3A_867[%parallel_loop3A_869] in [0] : vector<16xf32>, vector<16xi32> -> vector<16xf32>
        %parallel_loop3A_871 = arith.constant 48 : i32
        %parallel_loop3A_872 = arith.index_cast %parallel_loop3A_871 : i32 to index
        %parallel_loop3A_873 = arith.constant 0 : index
        %parallel_loop3A_874 = tpu.vector_load %arg6[%parallel_loop3A_872, %parallel_loop3A_873] {strides = array<i32>} : memref<64x16xf32, #tpu.memory_space<vmem>>, vector<16xf32>,
        %parallel_loop3A_875 = vector.shape_cast %parallel_loop3A_534 : vector<16xi32> to vector<16x1xi32>
        %parallel_loop3A_876 = vector.shape_cast %parallel_loop3A_875 : vector<16x1xi32> to vector<16xi32>
        %parallel_loop3A_877 = tpu.dynamic_gather %parallel_loop3A_874[%parallel_loop3A_876] in [0] : vector<16xf32>, vector<16xi32> -> vector<16xf32>
        %parallel_loop3A_878 = arith.constant 49 : i32
        %parallel_loop3A_879 = arith.index_cast %parallel_loop3A_878 : i32 to index
        %parallel_loop3A_880 = arith.constant 0 : index
        %parallel_loop3A_881 = tpu.vector_load %arg6[%parallel_loop3A_879, %parallel_loop3A_880] {strides = array<i32>} : memref<64x16xf32, #tpu.memory_space<vmem>>, vector<16xf32>,
        %parallel_loop3A_882 = vector.shape_cast %parallel_loop3A_534 : vector<16xi32> to vector<16x1xi32>
        %parallel_loop3A_883 = vector.shape_cast %parallel_loop3A_882 : vector<16x1xi32> to vector<16xi32>
        %parallel_loop3A_884 = tpu.dynamic_gather %parallel_loop3A_881[%parallel_loop3A_883] in [0] : vector<16xf32>, vector<16xi32> -> vector<16xf32>
        %parallel_loop3A_885 = arith.constant 50 : i32
        %parallel_loop3A_886 = arith.index_cast %parallel_loop3A_885 : i32 to index
        %parallel_loop3A_887 = arith.constant 0 : index
        %parallel_loop3A_888 = tpu.vector_load %arg6[%parallel_loop3A_886, %parallel_loop3A_887] {strides = array<i32>} : memref<64x16xf32, #tpu.memory_space<vmem>>, vector<16xf32>,
        %parallel_loop3A_889 = vector.shape_cast %parallel_loop3A_534 : vector<16xi32> to vector<16x1xi32>
        %parallel_loop3A_890 = vector.shape_cast %parallel_loop3A_889 : vector<16x1xi32> to vector<16xi32>
        %parallel_loop3A_891 = tpu.dynamic_gather %parallel_loop3A_888[%parallel_loop3A_890] in [0] : vector<16xf32>, vector<16xi32> -> vector<16xf32>
        %parallel_loop3A_892 = arith.constant 51 : i32
        %parallel_loop3A_893 = arith.index_cast %parallel_loop3A_892 : i32 to index
        %parallel_loop3A_894 = arith.constant 0 : index
        %parallel_loop3A_895 = tpu.vector_load %arg6[%parallel_loop3A_893, %parallel_loop3A_894] {strides = array<i32>} : memref<64x16xf32, #tpu.memory_space<vmem>>, vector<16xf32>,
        %parallel_loop3A_896 = vector.shape_cast %parallel_loop3A_534 : vector<16xi32> to vector<16x1xi32>
        %parallel_loop3A_897 = vector.shape_cast %parallel_loop3A_896 : vector<16x1xi32> to vector<16xi32>
        %parallel_loop3A_898 = tpu.dynamic_gather %parallel_loop3A_895[%parallel_loop3A_897] in [0] : vector<16xf32>, vector<16xi32> -> vector<16xf32>
        %parallel_loop3A_899 = arith.constant 52 : i32
        %parallel_loop3A_900 = arith.index_cast %parallel_loop3A_899 : i32 to index
        %parallel_loop3A_901 = arith.constant 0 : index
        %parallel_loop3A_902 = tpu.vector_load %arg6[%parallel_loop3A_900, %parallel_loop3A_901] {strides = array<i32>} : memref<64x16xf32, #tpu.memory_space<vmem>>, vector<16xf32>,
        %parallel_loop3A_903 = vector.shape_cast %parallel_loop3A_534 : vector<16xi32> to vector<16x1xi32>
        %parallel_loop3A_904 = vector.shape_cast %parallel_loop3A_903 : vector<16x1xi32> to vector<16xi32>
        %parallel_loop3A_905 = tpu.dynamic_gather %parallel_loop3A_902[%parallel_loop3A_904] in [0] : vector<16xf32>, vector<16xi32> -> vector<16xf32>
        %parallel_loop3A_906 = arith.constant 53 : i32
        %parallel_loop3A_907 = arith.index_cast %parallel_loop3A_906 : i32 to index
        %parallel_loop3A_908 = arith.constant 0 : index
        %parallel_loop3A_909 = tpu.vector_load %arg6[%parallel_loop3A_907, %parallel_loop3A_908] {strides = array<i32>} : memref<64x16xf32, #tpu.memory_space<vmem>>, vector<16xf32>,
        %parallel_loop3A_910 = vector.shape_cast %parallel_loop3A_534 : vector<16xi32> to vector<16x1xi32>
        %parallel_loop3A_911 = vector.shape_cast %parallel_loop3A_910 : vector<16x1xi32> to vector<16xi32>
        %parallel_loop3A_912 = tpu.dynamic_gather %parallel_loop3A_909[%parallel_loop3A_911] in [0] : vector<16xf32>, vector<16xi32> -> vector<16xf32>
        %parallel_loop3A_913 = arith.constant 54 : i32
        %parallel_loop3A_914 = arith.index_cast %parallel_loop3A_913 : i32 to index
        %parallel_loop3A_915 = arith.constant 0 : index
        %parallel_loop3A_916 = tpu.vector_load %arg6[%parallel_loop3A_914, %parallel_loop3A_915] {strides = array<i32>} : memref<64x16xf32, #tpu.memory_space<vmem>>, vector<16xf32>,
        %parallel_loop3A_917 = vector.shape_cast %parallel_loop3A_534 : vector<16xi32> to vector<16x1xi32>
        %parallel_loop3A_918 = vector.shape_cast %parallel_loop3A_917 : vector<16x1xi32> to vector<16xi32>
        %parallel_loop3A_919 = tpu.dynamic_gather %parallel_loop3A_916[%parallel_loop3A_918] in [0] : vector<16xf32>, vector<16xi32> -> vector<16xf32>
        %parallel_loop3A_920 = arith.constant 55 : i32
        %parallel_loop3A_921 = arith.index_cast %parallel_loop3A_920 : i32 to index
        %parallel_loop3A_922 = arith.constant 0 : index
        %parallel_loop3A_923 = tpu.vector_load %arg6[%parallel_loop3A_921, %parallel_loop3A_922] {strides = array<i32>} : memref<64x16xf32, #tpu.memory_space<vmem>>, vector<16xf32>,
        %parallel_loop3A_924 = vector.shape_cast %parallel_loop3A_534 : vector<16xi32> to vector<16x1xi32>
        %parallel_loop3A_925 = vector.shape_cast %parallel_loop3A_924 : vector<16x1xi32> to vector<16xi32>
        %parallel_loop3A_926 = tpu.dynamic_gather %parallel_loop3A_923[%parallel_loop3A_925] in [0] : vector<16xf32>, vector<16xi32> -> vector<16xf32>
        %parallel_loop3A_927 = arith.constant 56 : i32
        %parallel_loop3A_928 = arith.index_cast %parallel_loop3A_927 : i32 to index
        %parallel_loop3A_929 = arith.constant 0 : index
        %parallel_loop3A_930 = tpu.vector_load %arg6[%parallel_loop3A_928, %parallel_loop3A_929] {strides = array<i32>} : memref<64x16xf32, #tpu.memory_space<vmem>>, vector<16xf32>,
        %parallel_loop3A_931 = vector.shape_cast %parallel_loop3A_534 : vector<16xi32> to vector<16x1xi32>
        %parallel_loop3A_932 = vector.shape_cast %parallel_loop3A_931 : vector<16x1xi32> to vector<16xi32>
        %parallel_loop3A_933 = tpu.dynamic_gather %parallel_loop3A_930[%parallel_loop3A_932] in [0] : vector<16xf32>, vector<16xi32> -> vector<16xf32>
        %parallel_loop3A_934 = arith.constant 57 : i32
        %parallel_loop3A_935 = arith.index_cast %parallel_loop3A_934 : i32 to index
        %parallel_loop3A_936 = arith.constant 0 : index
        %parallel_loop3A_937 = tpu.vector_load %arg6[%parallel_loop3A_935, %parallel_loop3A_936] {strides = array<i32>} : memref<64x16xf32, #tpu.memory_space<vmem>>, vector<16xf32>,
        %parallel_loop3A_938 = vector.shape_cast %parallel_loop3A_534 : vector<16xi32> to vector<16x1xi32>
        %parallel_loop3A_939 = vector.shape_cast %parallel_loop3A_938 : vector<16x1xi32> to vector<16xi32>
        %parallel_loop3A_940 = tpu.dynamic_gather %parallel_loop3A_937[%parallel_loop3A_939] in [0] : vector<16xf32>, vector<16xi32> -> vector<16xf32>
        %parallel_loop3A_941 = arith.constant 58 : i32
        %parallel_loop3A_942 = arith.index_cast %parallel_loop3A_941 : i32 to index
        %parallel_loop3A_943 = arith.constant 0 : index
        %parallel_loop3A_944 = tpu.vector_load %arg6[%parallel_loop3A_942, %parallel_loop3A_943] {strides = array<i32>} : memref<64x16xf32, #tpu.memory_space<vmem>>, vector<16xf32>,
        %parallel_loop3A_945 = vector.shape_cast %parallel_loop3A_534 : vector<16xi32> to vector<16x1xi32>
        %parallel_loop3A_946 = vector.shape_cast %parallel_loop3A_945 : vector<16x1xi32> to vector<16xi32>
        %parallel_loop3A_947 = tpu.dynamic_gather %parallel_loop3A_944[%parallel_loop3A_946] in [0] : vector<16xf32>, vector<16xi32> -> vector<16xf32>
        %parallel_loop3A_948 = arith.constant 59 : i32
        %parallel_loop3A_949 = arith.index_cast %parallel_loop3A_948 : i32 to index
        %parallel_loop3A_950 = arith.constant 0 : index
        %parallel_loop3A_951 = tpu.vector_load %arg6[%parallel_loop3A_949, %parallel_loop3A_950] {strides = array<i32>} : memref<64x16xf32, #tpu.memory_space<vmem>>, vector<16xf32>,
        %parallel_loop3A_952 = vector.shape_cast %parallel_loop3A_534 : vector<16xi32> to vector<16x1xi32>
        %parallel_loop3A_953 = vector.shape_cast %parallel_loop3A_952 : vector<16x1xi32> to vector<16xi32>
        %parallel_loop3A_954 = tpu.dynamic_gather %parallel_loop3A_951[%parallel_loop3A_953] in [0] : vector<16xf32>, vector<16xi32> -> vector<16xf32>
        %parallel_loop3A_955 = arith.constant 60 : i32
        %parallel_loop3A_956 = arith.index_cast %parallel_loop3A_955 : i32 to index
        %parallel_loop3A_957 = arith.constant 0 : index
        %parallel_loop3A_958 = tpu.vector_load %arg6[%parallel_loop3A_956, %parallel_loop3A_957] {strides = array<i32>} : memref<64x16xf32, #tpu.memory_space<vmem>>, vector<16xf32>,
        %parallel_loop3A_959 = vector.shape_cast %parallel_loop3A_534 : vector<16xi32> to vector<16x1xi32>
        %parallel_loop3A_960 = vector.shape_cast %parallel_loop3A_959 : vector<16x1xi32> to vector<16xi32>
        %parallel_loop3A_961 = tpu.dynamic_gather %parallel_loop3A_958[%parallel_loop3A_960] in [0] : vector<16xf32>, vector<16xi32> -> vector<16xf32>
        %parallel_loop3A_962 = arith.constant 61 : i32
        %parallel_loop3A_963 = arith.index_cast %parallel_loop3A_962 : i32 to index
        %parallel_loop3A_964 = arith.constant 0 : index
        %parallel_loop3A_965 = tpu.vector_load %arg6[%parallel_loop3A_963, %parallel_loop3A_964] {strides = array<i32>} : memref<64x16xf32, #tpu.memory_space<vmem>>, vector<16xf32>,
        %parallel_loop3A_966 = vector.shape_cast %parallel_loop3A_534 : vector<16xi32> to vector<16x1xi32>
        %parallel_loop3A_967 = vector.shape_cast %parallel_loop3A_966 : vector<16x1xi32> to vector<16xi32>
        %parallel_loop3A_968 = tpu.dynamic_gather %parallel_loop3A_965[%parallel_loop3A_967] in [0] : vector<16xf32>, vector<16xi32> -> vector<16xf32>
        %parallel_loop3A_969 = arith.constant 62 : i32
        %parallel_loop3A_970 = arith.index_cast %parallel_loop3A_969 : i32 to index
        %parallel_loop3A_971 = arith.constant 0 : index
        %parallel_loop3A_972 = tpu.vector_load %arg6[%parallel_loop3A_970, %parallel_loop3A_971] {strides = array<i32>} : memref<64x16xf32, #tpu.memory_space<vmem>>, vector<16xf32>,
        %parallel_loop3A_973 = vector.shape_cast %parallel_loop3A_534 : vector<16xi32> to vector<16x1xi32>
        %parallel_loop3A_974 = vector.shape_cast %parallel_loop3A_973 : vector<16x1xi32> to vector<16xi32>
        %parallel_loop3A_975 = tpu.dynamic_gather %parallel_loop3A_972[%parallel_loop3A_974] in [0] : vector<16xf32>, vector<16xi32> -> vector<16xf32>
        %parallel_loop3A_976 = arith.constant 63 : i32
        %parallel_loop3A_977 = arith.index_cast %parallel_loop3A_976 : i32 to index
        %parallel_loop3A_978 = arith.constant 0 : index
        %parallel_loop3A_979 = tpu.vector_load %arg6[%parallel_loop3A_977, %parallel_loop3A_978] {strides = array<i32>} : memref<64x16xf32, #tpu.memory_space<vmem>>, vector<16xf32>,
        %parallel_loop3A_980 = vector.shape_cast %parallel_loop3A_534 : vector<16xi32> to vector<16x1xi32>
        %parallel_loop3A_981 = vector.shape_cast %parallel_loop3A_980 : vector<16x1xi32> to vector<16xi32>
        %parallel_loop3A_982 = tpu.dynamic_gather %parallel_loop3A_979[%parallel_loop3A_981] in [0] : vector<16xf32>, vector<16xi32> -> vector<16xf32>
        %parallel_loop3A_983 = arith.constant 16 : i32
        %parallel_loop3A_984 = arith.muli %parallel_loop3A_530, %parallel_loop3A_983 : i32
        %parallel_loop3A_985 = arith.constant 0 : i32
        %parallel_loop3A_986 = arith.index_cast %parallel_loop3A_985 : i32 to index
        %parallel_loop3A_987 = arith.index_cast %parallel_loop3A_984 : i32 to index
        %parallel_loop3A_988 = tpu.vector_load %arg9[%parallel_loop3A_986, %parallel_loop3A_987] {strides = array<i32>} : memref<64x512xf32, #tpu.memory_space<vmem>>, vector<16xf32>,
        tpu.vector_store %arg9[%parallel_loop3A_986, %parallel_loop3A_987], %parallel_loop3A_541 {strides = array<i32>} : memref<64x512xf32, #tpu.memory_space<vmem>>, vector<16xf32>,
        %parallel_loop3A_989 = arith.constant 16 : i32
        %parallel_loop3A_990 = arith.muli %parallel_loop3A_530, %parallel_loop3A_989 : i32
        %parallel_loop3A_991 = arith.constant 1 : i32
        %parallel_loop3A_992 = arith.index_cast %parallel_loop3A_991 : i32 to index
        %parallel_loop3A_993 = arith.index_cast %parallel_loop3A_990 : i32 to index
        %parallel_loop3A_994 = tpu.vector_load %arg9[%parallel_loop3A_992, %parallel_loop3A_993] {strides = array<i32>} : memref<64x512xf32, #tpu.memory_space<vmem>>, vector<16xf32>,
        tpu.vector_store %arg9[%parallel_loop3A_992, %parallel_loop3A_993], %parallel_loop3A_548 {strides = array<i32>} : memref<64x512xf32, #tpu.memory_space<vmem>>, vector<16xf32>,
        %parallel_loop3A_995 = arith.constant 16 : i32
        %parallel_loop3A_996 = arith.muli %parallel_loop3A_530, %parallel_loop3A_995 : i32
        %parallel_loop3A_997 = arith.constant 2 : i32
        %parallel_loop3A_998 = arith.index_cast %parallel_loop3A_997 : i32 to index
        %parallel_loop3A_999 = arith.index_cast %parallel_loop3A_996 : i32 to index
        %parallel_loop3A_1000 = tpu.vector_load %arg9[%parallel_loop3A_998, %parallel_loop3A_999] {strides = array<i32>} : memref<64x512xf32, #tpu.memory_space<vmem>>, vector<16xf32>,
        tpu.vector_store %arg9[%parallel_loop3A_998, %parallel_loop3A_999], %parallel_loop3A_555 {strides = array<i32>} : memref<64x512xf32, #tpu.memory_space<vmem>>, vector<16xf32>,
        %parallel_loop3A_1001 = arith.constant 16 : i32
        %parallel_loop3A_1002 = arith.muli %parallel_loop3A_530, %parallel_loop3A_1001 : i32
        %parallel_loop3A_1003 = arith.constant 3 : i32
        %parallel_loop3A_1004 = arith.index_cast %parallel_loop3A_1003 : i32 to index
        %parallel_loop3A_1005 = arith.index_cast %parallel_loop3A_1002 : i32 to index
        %parallel_loop3A_1006 = tpu.vector_load %arg9[%parallel_loop3A_1004, %parallel_loop3A_1005] {strides = array<i32>} : memref<64x512xf32, #tpu.memory_space<vmem>>, vector<16xf32>,
        tpu.vector_store %arg9[%parallel_loop3A_1004, %parallel_loop3A_1005], %parallel_loop3A_562 {strides = array<i32>} : memref<64x512xf32, #tpu.memory_space<vmem>>, vector<16xf32>,
        %parallel_loop3A_1007 = arith.constant 16 : i32
        %parallel_loop3A_1008 = arith.muli %parallel_loop3A_530, %parallel_loop3A_1007 : i32
        %parallel_loop3A_1009 = arith.constant 4 : i32
        %parallel_loop3A_1010 = arith.index_cast %parallel_loop3A_1009 : i32 to index
        %parallel_loop3A_1011 = arith.index_cast %parallel_loop3A_1008 : i32 to index
        %parallel_loop3A_1012 = tpu.vector_load %arg9[%parallel_loop3A_1010, %parallel_loop3A_1011] {strides = array<i32>} : memref<64x512xf32, #tpu.memory_space<vmem>>, vector<16xf32>,
        tpu.vector_store %arg9[%parallel_loop3A_1010, %parallel_loop3A_1011], %parallel_loop3A_569 {strides = array<i32>} : memref<64x512xf32, #tpu.memory_space<vmem>>, vector<16xf32>,
        %parallel_loop3A_1013 = arith.constant 16 : i32
        %parallel_loop3A_1014 = arith.muli %parallel_loop3A_530, %parallel_loop3A_1013 : i32
        %parallel_loop3A_1015 = arith.constant 5 : i32
        %parallel_loop3A_1016 = arith.index_cast %parallel_loop3A_1015 : i32 to index
        %parallel_loop3A_1017 = arith.index_cast %parallel_loop3A_1014 : i32 to index
        %parallel_loop3A_1018 = tpu.vector_load %arg9[%parallel_loop3A_1016, %parallel_loop3A_1017] {strides = array<i32>} : memref<64x512xf32, #tpu.memory_space<vmem>>, vector<16xf32>,
        tpu.vector_store %arg9[%parallel_loop3A_1016, %parallel_loop3A_1017], %parallel_loop3A_576 {strides = array<i32>} : memref<64x512xf32, #tpu.memory_space<vmem>>, vector<16xf32>,
        %parallel_loop3A_1019 = arith.constant 16 : i32
        %parallel_loop3A_1020 = arith.muli %parallel_loop3A_530, %parallel_loop3A_1019 : i32
        %parallel_loop3A_1021 = arith.constant 6 : i32
        %parallel_loop3A_1022 = arith.index_cast %parallel_loop3A_1021 : i32 to index
        %parallel_loop3A_1023 = arith.index_cast %parallel_loop3A_1020 : i32 to index
        %parallel_loop3A_1024 = tpu.vector_load %arg9[%parallel_loop3A_1022, %parallel_loop3A_1023] {strides = array<i32>} : memref<64x512xf32, #tpu.memory_space<vmem>>, vector<16xf32>,
        tpu.vector_store %arg9[%parallel_loop3A_1022, %parallel_loop3A_1023], %parallel_loop3A_583 {strides = array<i32>} : memref<64x512xf32, #tpu.memory_space<vmem>>, vector<16xf32>,
        %parallel_loop3A_1025 = arith.constant 16 : i32
        %parallel_loop3A_1026 = arith.muli %parallel_loop3A_530, %parallel_loop3A_1025 : i32
        %parallel_loop3A_1027 = arith.constant 7 : i32
        %parallel_loop3A_1028 = arith.index_cast %parallel_loop3A_1027 : i32 to index
        %parallel_loop3A_1029 = arith.index_cast %parallel_loop3A_1026 : i32 to index
        %parallel_loop3A_1030 = tpu.vector_load %arg9[%parallel_loop3A_1028, %parallel_loop3A_1029] {strides = array<i32>} : memref<64x512xf32, #tpu.memory_space<vmem>>, vector<16xf32>,
        tpu.vector_store %arg9[%parallel_loop3A_1028, %parallel_loop3A_1029], %parallel_loop3A_590 {strides = array<i32>} : memref<64x512xf32, #tpu.memory_space<vmem>>, vector<16xf32>,
        %parallel_loop3A_1031 = arith.constant 16 : i32
        %parallel_loop3A_1032 = arith.muli %parallel_loop3A_530, %parallel_loop3A_1031 : i32
        %parallel_loop3A_1033 = arith.constant 8 : i32
        %parallel_loop3A_1034 = arith.index_cast %parallel_loop3A_1033 : i32 to index
        %parallel_loop3A_1035 = arith.index_cast %parallel_loop3A_1032 : i32 to index
        %parallel_loop3A_1036 = tpu.vector_load %arg9[%parallel_loop3A_1034, %parallel_loop3A_1035] {strides = array<i32>} : memref<64x512xf32, #tpu.memory_space<vmem>>, vector<16xf32>,
        tpu.vector_store %arg9[%parallel_loop3A_1034, %parallel_loop3A_1035], %parallel_loop3A_597 {strides = array<i32>} : memref<64x512xf32, #tpu.memory_space<vmem>>, vector<16xf32>,
        %parallel_loop3A_1037 = arith.constant 16 : i32
        %parallel_loop3A_1038 = arith.muli %parallel_loop3A_530, %parallel_loop3A_1037 : i32
        %parallel_loop3A_1039 = arith.constant 9 : i32
        %parallel_loop3A_1040 = arith.index_cast %parallel_loop3A_1039 : i32 to index
        %parallel_loop3A_1041 = arith.index_cast %parallel_loop3A_1038 : i32 to index
        %parallel_loop3A_1042 = tpu.vector_load %arg9[%parallel_loop3A_1040, %parallel_loop3A_1041] {strides = array<i32>} : memref<64x512xf32, #tpu.memory_space<vmem>>, vector<16xf32>,
        tpu.vector_store %arg9[%parallel_loop3A_1040, %parallel_loop3A_1041], %parallel_loop3A_604 {strides = array<i32>} : memref<64x512xf32, #tpu.memory_space<vmem>>, vector<16xf32>,
        %parallel_loop3A_1043 = arith.constant 16 : i32
        %parallel_loop3A_1044 = arith.muli %parallel_loop3A_530, %parallel_loop3A_1043 : i32
        %parallel_loop3A_1045 = arith.constant 10 : i32
        %parallel_loop3A_1046 = arith.index_cast %parallel_loop3A_1045 : i32 to index
        %parallel_loop3A_1047 = arith.index_cast %parallel_loop3A_1044 : i32 to index
        %parallel_loop3A_1048 = tpu.vector_load %arg9[%parallel_loop3A_1046, %parallel_loop3A_1047] {strides = array<i32>} : memref<64x512xf32, #tpu.memory_space<vmem>>, vector<16xf32>,
        tpu.vector_store %arg9[%parallel_loop3A_1046, %parallel_loop3A_1047], %parallel_loop3A_611 {strides = array<i32>} : memref<64x512xf32, #tpu.memory_space<vmem>>, vector<16xf32>,
        %parallel_loop3A_1049 = arith.constant 16 : i32
        %parallel_loop3A_1050 = arith.muli %parallel_loop3A_530, %parallel_loop3A_1049 : i32
        %parallel_loop3A_1051 = arith.constant 11 : i32
        %parallel_loop3A_1052 = arith.index_cast %parallel_loop3A_1051 : i32 to index
        %parallel_loop3A_1053 = arith.index_cast %parallel_loop3A_1050 : i32 to index
        %parallel_loop3A_1054 = tpu.vector_load %arg9[%parallel_loop3A_1052, %parallel_loop3A_1053] {strides = array<i32>} : memref<64x512xf32, #tpu.memory_space<vmem>>, vector<16xf32>,
        tpu.vector_store %arg9[%parallel_loop3A_1052, %parallel_loop3A_1053], %parallel_loop3A_618 {strides = array<i32>} : memref<64x512xf32, #tpu.memory_space<vmem>>, vector<16xf32>,
        %parallel_loop3A_1055 = arith.constant 16 : i32
        %parallel_loop3A_1056 = arith.muli %parallel_loop3A_530, %parallel_loop3A_1055 : i32
        %parallel_loop3A_1057 = arith.constant 12 : i32
        %parallel_loop3A_1058 = arith.index_cast %parallel_loop3A_1057 : i32 to index
        %parallel_loop3A_1059 = arith.index_cast %parallel_loop3A_1056 : i32 to index
        %parallel_loop3A_1060 = tpu.vector_load %arg9[%parallel_loop3A_1058, %parallel_loop3A_1059] {strides = array<i32>} : memref<64x512xf32, #tpu.memory_space<vmem>>, vector<16xf32>,
        tpu.vector_store %arg9[%parallel_loop3A_1058, %parallel_loop3A_1059], %parallel_loop3A_625 {strides = array<i32>} : memref<64x512xf32, #tpu.memory_space<vmem>>, vector<16xf32>,
        %parallel_loop3A_1061 = arith.constant 16 : i32
        %parallel_loop3A_1062 = arith.muli %parallel_loop3A_530, %parallel_loop3A_1061 : i32
        %parallel_loop3A_1063 = arith.constant 13 : i32
        %parallel_loop3A_1064 = arith.index_cast %parallel_loop3A_1063 : i32 to index
        %parallel_loop3A_1065 = arith.index_cast %parallel_loop3A_1062 : i32 to index
        %parallel_loop3A_1066 = tpu.vector_load %arg9[%parallel_loop3A_1064, %parallel_loop3A_1065] {strides = array<i32>} : memref<64x512xf32, #tpu.memory_space<vmem>>, vector<16xf32>,
        tpu.vector_store %arg9[%parallel_loop3A_1064, %parallel_loop3A_1065], %parallel_loop3A_632 {strides = array<i32>} : memref<64x512xf32, #tpu.memory_space<vmem>>, vector<16xf32>,
        %parallel_loop3A_1067 = arith.constant 16 : i32
        %parallel_loop3A_1068 = arith.muli %parallel_loop3A_530, %parallel_loop3A_1067 : i32
        %parallel_loop3A_1069 = arith.constant 14 : i32
        %parallel_loop3A_1070 = arith.index_cast %parallel_loop3A_1069 : i32 to index
        %parallel_loop3A_1071 = arith.index_cast %parallel_loop3A_1068 : i32 to index
        %parallel_loop3A_1072 = tpu.vector_load %arg9[%parallel_loop3A_1070, %parallel_loop3A_1071] {strides = array<i32>} : memref<64x512xf32, #tpu.memory_space<vmem>>, vector<16xf32>,
        tpu.vector_store %arg9[%parallel_loop3A_1070, %parallel_loop3A_1071], %parallel_loop3A_639 {strides = array<i32>} : memref<64x512xf32, #tpu.memory_space<vmem>>, vector<16xf32>,
        %parallel_loop3A_1073 = arith.constant 16 : i32
        %parallel_loop3A_1074 = arith.muli %parallel_loop3A_530, %parallel_loop3A_1073 : i32
        %parallel_loop3A_1075 = arith.constant 15 : i32
        %parallel_loop3A_1076 = arith.index_cast %parallel_loop3A_1075 : i32 to index
        %parallel_loop3A_1077 = arith.index_cast %parallel_loop3A_1074 : i32 to index
        %parallel_loop3A_1078 = tpu.vector_load %arg9[%parallel_loop3A_1076, %parallel_loop3A_1077] {strides = array<i32>} : memref<64x512xf32, #tpu.memory_space<vmem>>, vector<16xf32>,
        tpu.vector_store %arg9[%parallel_loop3A_1076, %parallel_loop3A_1077], %parallel_loop3A_646 {strides = array<i32>} : memref<64x512xf32, #tpu.memory_space<vmem>>, vector<16xf32>,
        %parallel_loop3A_1079 = arith.constant 16 : i32
        %parallel_loop3A_1080 = arith.muli %parallel_loop3A_530, %parallel_loop3A_1079 : i32
        %parallel_loop3A_1081 = arith.constant 16 : i32
        %parallel_loop3A_1082 = arith.index_cast %parallel_loop3A_1081 : i32 to index
        %parallel_loop3A_1083 = arith.index_cast %parallel_loop3A_1080 : i32 to index
        %parallel_loop3A_1084 = tpu.vector_load %arg9[%parallel_loop3A_1082, %parallel_loop3A_1083] {strides = array<i32>} : memref<64x512xf32, #tpu.memory_space<vmem>>, vector<16xf32>,
        tpu.vector_store %arg9[%parallel_loop3A_1082, %parallel_loop3A_1083], %parallel_loop3A_653 {strides = array<i32>} : memref<64x512xf32, #tpu.memory_space<vmem>>, vector<16xf32>,
        %parallel_loop3A_1085 = arith.constant 16 : i32
        %parallel_loop3A_1086 = arith.muli %parallel_loop3A_530, %parallel_loop3A_1085 : i32
        %parallel_loop3A_1087 = arith.constant 17 : i32
        %parallel_loop3A_1088 = arith.index_cast %parallel_loop3A_1087 : i32 to index
        %parallel_loop3A_1089 = arith.index_cast %parallel_loop3A_1086 : i32 to index
        %parallel_loop3A_1090 = tpu.vector_load %arg9[%parallel_loop3A_1088, %parallel_loop3A_1089] {strides = array<i32>} : memref<64x512xf32, #tpu.memory_space<vmem>>, vector<16xf32>,
        tpu.vector_store %arg9[%parallel_loop3A_1088, %parallel_loop3A_1089], %parallel_loop3A_660 {strides = array<i32>} : memref<64x512xf32, #tpu.memory_space<vmem>>, vector<16xf32>,
        %parallel_loop3A_1091 = arith.constant 16 : i32
        %parallel_loop3A_1092 = arith.muli %parallel_loop3A_530, %parallel_loop3A_1091 : i32
        %parallel_loop3A_1093 = arith.constant 18 : i32
        %parallel_loop3A_1094 = arith.index_cast %parallel_loop3A_1093 : i32 to index
        %parallel_loop3A_1095 = arith.index_cast %parallel_loop3A_1092 : i32 to index
        %parallel_loop3A_1096 = tpu.vector_load %arg9[%parallel_loop3A_1094, %parallel_loop3A_1095] {strides = array<i32>} : memref<64x512xf32, #tpu.memory_space<vmem>>, vector<16xf32>,
        tpu.vector_store %arg9[%parallel_loop3A_1094, %parallel_loop3A_1095], %parallel_loop3A_667 {strides = array<i32>} : memref<64x512xf32, #tpu.memory_space<vmem>>, vector<16xf32>,
        %parallel_loop3A_1097 = arith.constant 16 : i32
        %parallel_loop3A_1098 = arith.muli %parallel_loop3A_530, %parallel_loop3A_1097 : i32
        %parallel_loop3A_1099 = arith.constant 19 : i32
        %parallel_loop3A_1100 = arith.index_cast %parallel_loop3A_1099 : i32 to index
        %parallel_loop3A_1101 = arith.index_cast %parallel_loop3A_1098 : i32 to index
        %parallel_loop3A_1102 = tpu.vector_load %arg9[%parallel_loop3A_1100, %parallel_loop3A_1101] {strides = array<i32>} : memref<64x512xf32, #tpu.memory_space<vmem>>, vector<16xf32>,
        tpu.vector_store %arg9[%parallel_loop3A_1100, %parallel_loop3A_1101], %parallel_loop3A_674 {strides = array<i32>} : memref<64x512xf32, #tpu.memory_space<vmem>>, vector<16xf32>,
        %parallel_loop3A_1103 = arith.constant 16 : i32
        %parallel_loop3A_1104 = arith.muli %parallel_loop3A_530, %parallel_loop3A_1103 : i32
        %parallel_loop3A_1105 = arith.constant 20 : i32
        %parallel_loop3A_1106 = arith.index_cast %parallel_loop3A_1105 : i32 to index
        %parallel_loop3A_1107 = arith.index_cast %parallel_loop3A_1104 : i32 to index
        %parallel_loop3A_1108 = tpu.vector_load %arg9[%parallel_loop3A_1106, %parallel_loop3A_1107] {strides = array<i32>} : memref<64x512xf32, #tpu.memory_space<vmem>>, vector<16xf32>,
        tpu.vector_store %arg9[%parallel_loop3A_1106, %parallel_loop3A_1107], %parallel_loop3A_681 {strides = array<i32>} : memref<64x512xf32, #tpu.memory_space<vmem>>, vector<16xf32>,
        %parallel_loop3A_1109 = arith.constant 16 : i32
        %parallel_loop3A_1110 = arith.muli %parallel_loop3A_530, %parallel_loop3A_1109 : i32
        %parallel_loop3A_1111 = arith.constant 21 : i32
        %parallel_loop3A_1112 = arith.index_cast %parallel_loop3A_1111 : i32 to index
        %parallel_loop3A_1113 = arith.index_cast %parallel_loop3A_1110 : i32 to index
        %parallel_loop3A_1114 = tpu.vector_load %arg9[%parallel_loop3A_1112, %parallel_loop3A_1113] {strides = array<i32>} : memref<64x512xf32, #tpu.memory_space<vmem>>, vector<16xf32>,
        tpu.vector_store %arg9[%parallel_loop3A_1112, %parallel_loop3A_1113], %parallel_loop3A_688 {strides = array<i32>} : memref<64x512xf32, #tpu.memory_space<vmem>>, vector<16xf32>,
        %parallel_loop3A_1115 = arith.constant 16 : i32
        %parallel_loop3A_1116 = arith.muli %parallel_loop3A_530, %parallel_loop3A_1115 : i32
        %parallel_loop3A_1117 = arith.constant 22 : i32
        %parallel_loop3A_1118 = arith.index_cast %parallel_loop3A_1117 : i32 to index
        %parallel_loop3A_1119 = arith.index_cast %parallel_loop3A_1116 : i32 to index
        %parallel_loop3A_1120 = tpu.vector_load %arg9[%parallel_loop3A_1118, %parallel_loop3A_1119] {strides = array<i32>} : memref<64x512xf32, #tpu.memory_space<vmem>>, vector<16xf32>,
        tpu.vector_store %arg9[%parallel_loop3A_1118, %parallel_loop3A_1119], %parallel_loop3A_695 {strides = array<i32>} : memref<64x512xf32, #tpu.memory_space<vmem>>, vector<16xf32>,
        %parallel_loop3A_1121 = arith.constant 16 : i32
        %parallel_loop3A_1122 = arith.muli %parallel_loop3A_530, %parallel_loop3A_1121 : i32
        %parallel_loop3A_1123 = arith.constant 23 : i32
        %parallel_loop3A_1124 = arith.index_cast %parallel_loop3A_1123 : i32 to index
        %parallel_loop3A_1125 = arith.index_cast %parallel_loop3A_1122 : i32 to index
        %parallel_loop3A_1126 = tpu.vector_load %arg9[%parallel_loop3A_1124, %parallel_loop3A_1125] {strides = array<i32>} : memref<64x512xf32, #tpu.memory_space<vmem>>, vector<16xf32>,
        tpu.vector_store %arg9[%parallel_loop3A_1124, %parallel_loop3A_1125], %parallel_loop3A_702 {strides = array<i32>} : memref<64x512xf32, #tpu.memory_space<vmem>>, vector<16xf32>,
        %parallel_loop3A_1127 = arith.constant 16 : i32
        %parallel_loop3A_1128 = arith.muli %parallel_loop3A_530, %parallel_loop3A_1127 : i32
        %parallel_loop3A_1129 = arith.constant 24 : i32
        %parallel_loop3A_1130 = arith.index_cast %parallel_loop3A_1129 : i32 to index
        %parallel_loop3A_1131 = arith.index_cast %parallel_loop3A_1128 : i32 to index
        %parallel_loop3A_1132 = tpu.vector_load %arg9[%parallel_loop3A_1130, %parallel_loop3A_1131] {strides = array<i32>} : memref<64x512xf32, #tpu.memory_space<vmem>>, vector<16xf32>,
        tpu.vector_store %arg9[%parallel_loop3A_1130, %parallel_loop3A_1131], %parallel_loop3A_709 {strides = array<i32>} : memref<64x512xf32, #tpu.memory_space<vmem>>, vector<16xf32>,
        %parallel_loop3A_1133 = arith.constant 16 : i32
        %parallel_loop3A_1134 = arith.muli %parallel_loop3A_530, %parallel_loop3A_1133 : i32
        %parallel_loop3A_1135 = arith.constant 25 : i32
        %parallel_loop3A_1136 = arith.index_cast %parallel_loop3A_1135 : i32 to index
        %parallel_loop3A_1137 = arith.index_cast %parallel_loop3A_1134 : i32 to index
        %parallel_loop3A_1138 = tpu.vector_load %arg9[%parallel_loop3A_1136, %parallel_loop3A_1137] {strides = array<i32>} : memref<64x512xf32, #tpu.memory_space<vmem>>, vector<16xf32>,
        tpu.vector_store %arg9[%parallel_loop3A_1136, %parallel_loop3A_1137], %parallel_loop3A_716 {strides = array<i32>} : memref<64x512xf32, #tpu.memory_space<vmem>>, vector<16xf32>,
        %parallel_loop3A_1139 = arith.constant 16 : i32
        %parallel_loop3A_1140 = arith.muli %parallel_loop3A_530, %parallel_loop3A_1139 : i32
        %parallel_loop3A_1141 = arith.constant 26 : i32
        %parallel_loop3A_1142 = arith.index_cast %parallel_loop3A_1141 : i32 to index
        %parallel_loop3A_1143 = arith.index_cast %parallel_loop3A_1140 : i32 to index
        %parallel_loop3A_1144 = tpu.vector_load %arg9[%parallel_loop3A_1142, %parallel_loop3A_1143] {strides = array<i32>} : memref<64x512xf32, #tpu.memory_space<vmem>>, vector<16xf32>,
        tpu.vector_store %arg9[%parallel_loop3A_1142, %parallel_loop3A_1143], %parallel_loop3A_723 {strides = array<i32>} : memref<64x512xf32, #tpu.memory_space<vmem>>, vector<16xf32>,
        %parallel_loop3A_1145 = arith.constant 16 : i32
        %parallel_loop3A_1146 = arith.muli %parallel_loop3A_530, %parallel_loop3A_1145 : i32
        %parallel_loop3A_1147 = arith.constant 27 : i32
        %parallel_loop3A_1148 = arith.index_cast %parallel_loop3A_1147 : i32 to index
        %parallel_loop3A_1149 = arith.index_cast %parallel_loop3A_1146 : i32 to index
        %parallel_loop3A_1150 = tpu.vector_load %arg9[%parallel_loop3A_1148, %parallel_loop3A_1149] {strides = array<i32>} : memref<64x512xf32, #tpu.memory_space<vmem>>, vector<16xf32>,
        tpu.vector_store %arg9[%parallel_loop3A_1148, %parallel_loop3A_1149], %parallel_loop3A_730 {strides = array<i32>} : memref<64x512xf32, #tpu.memory_space<vmem>>, vector<16xf32>,
        %parallel_loop3A_1151 = arith.constant 16 : i32
        %parallel_loop3A_1152 = arith.muli %parallel_loop3A_530, %parallel_loop3A_1151 : i32
        %parallel_loop3A_1153 = arith.constant 28 : i32
        %parallel_loop3A_1154 = arith.index_cast %parallel_loop3A_1153 : i32 to index
        %parallel_loop3A_1155 = arith.index_cast %parallel_loop3A_1152 : i32 to index
        %parallel_loop3A_1156 = tpu.vector_load %arg9[%parallel_loop3A_1154, %parallel_loop3A_1155] {strides = array<i32>} : memref<64x512xf32, #tpu.memory_space<vmem>>, vector<16xf32>,
        tpu.vector_store %arg9[%parallel_loop3A_1154, %parallel_loop3A_1155], %parallel_loop3A_737 {strides = array<i32>} : memref<64x512xf32, #tpu.memory_space<vmem>>, vector<16xf32>,
        %parallel_loop3A_1157 = arith.constant 16 : i32
        %parallel_loop3A_1158 = arith.muli %parallel_loop3A_530, %parallel_loop3A_1157 : i32
        %parallel_loop3A_1159 = arith.constant 29 : i32
        %parallel_loop3A_1160 = arith.index_cast %parallel_loop3A_1159 : i32 to index
        %parallel_loop3A_1161 = arith.index_cast %parallel_loop3A_1158 : i32 to index
        %parallel_loop3A_1162 = tpu.vector_load %arg9[%parallel_loop3A_1160, %parallel_loop3A_1161] {strides = array<i32>} : memref<64x512xf32, #tpu.memory_space<vmem>>, vector<16xf32>,
        tpu.vector_store %arg9[%parallel_loop3A_1160, %parallel_loop3A_1161], %parallel_loop3A_744 {strides = array<i32>} : memref<64x512xf32, #tpu.memory_space<vmem>>, vector<16xf32>,
        %parallel_loop3A_1163 = arith.constant 16 : i32
        %parallel_loop3A_1164 = arith.muli %parallel_loop3A_530, %parallel_loop3A_1163 : i32
        %parallel_loop3A_1165 = arith.constant 30 : i32
        %parallel_loop3A_1166 = arith.index_cast %parallel_loop3A_1165 : i32 to index
        %parallel_loop3A_1167 = arith.index_cast %parallel_loop3A_1164 : i32 to index
        %parallel_loop3A_1168 = tpu.vector_load %arg9[%parallel_loop3A_1166, %parallel_loop3A_1167] {strides = array<i32>} : memref<64x512xf32, #tpu.memory_space<vmem>>, vector<16xf32>,
        tpu.vector_store %arg9[%parallel_loop3A_1166, %parallel_loop3A_1167], %parallel_loop3A_751 {strides = array<i32>} : memref<64x512xf32, #tpu.memory_space<vmem>>, vector<16xf32>,
        %parallel_loop3A_1169 = arith.constant 16 : i32
        %parallel_loop3A_1170 = arith.muli %parallel_loop3A_530, %parallel_loop3A_1169 : i32
        %parallel_loop3A_1171 = arith.constant 31 : i32
        %parallel_loop3A_1172 = arith.index_cast %parallel_loop3A_1171 : i32 to index
        %parallel_loop3A_1173 = arith.index_cast %parallel_loop3A_1170 : i32 to index
        %parallel_loop3A_1174 = tpu.vector_load %arg9[%parallel_loop3A_1172, %parallel_loop3A_1173] {strides = array<i32>} : memref<64x512xf32, #tpu.memory_space<vmem>>, vector<16xf32>,
        tpu.vector_store %arg9[%parallel_loop3A_1172, %parallel_loop3A_1173], %parallel_loop3A_758 {strides = array<i32>} : memref<64x512xf32, #tpu.memory_space<vmem>>, vector<16xf32>,
        %parallel_loop3A_1175 = arith.constant 16 : i32
        %parallel_loop3A_1176 = arith.muli %parallel_loop3A_530, %parallel_loop3A_1175 : i32
        %parallel_loop3A_1177 = arith.constant 32 : i32
        %parallel_loop3A_1178 = arith.index_cast %parallel_loop3A_1177 : i32 to index
        %parallel_loop3A_1179 = arith.index_cast %parallel_loop3A_1176 : i32 to index
        %parallel_loop3A_1180 = tpu.vector_load %arg9[%parallel_loop3A_1178, %parallel_loop3A_1179] {strides = array<i32>} : memref<64x512xf32, #tpu.memory_space<vmem>>, vector<16xf32>,
        tpu.vector_store %arg9[%parallel_loop3A_1178, %parallel_loop3A_1179], %parallel_loop3A_765 {strides = array<i32>} : memref<64x512xf32, #tpu.memory_space<vmem>>, vector<16xf32>,
        %parallel_loop3A_1181 = arith.constant 16 : i32
        %parallel_loop3A_1182 = arith.muli %parallel_loop3A_530, %parallel_loop3A_1181 : i32
        %parallel_loop3A_1183 = arith.constant 33 : i32
        %parallel_loop3A_1184 = arith.index_cast %parallel_loop3A_1183 : i32 to index
        %parallel_loop3A_1185 = arith.index_cast %parallel_loop3A_1182 : i32 to index
        %parallel_loop3A_1186 = tpu.vector_load %arg9[%parallel_loop3A_1184, %parallel_loop3A_1185] {strides = array<i32>} : memref<64x512xf32, #tpu.memory_space<vmem>>, vector<16xf32>,
        tpu.vector_store %arg9[%parallel_loop3A_1184, %parallel_loop3A_1185], %parallel_loop3A_772 {strides = array<i32>} : memref<64x512xf32, #tpu.memory_space<vmem>>, vector<16xf32>,
        %parallel_loop3A_1187 = arith.constant 16 : i32
        %parallel_loop3A_1188 = arith.muli %parallel_loop3A_530, %parallel_loop3A_1187 : i32
        %parallel_loop3A_1189 = arith.constant 34 : i32
        %parallel_loop3A_1190 = arith.index_cast %parallel_loop3A_1189 : i32 to index
        %parallel_loop3A_1191 = arith.index_cast %parallel_loop3A_1188 : i32 to index
        %parallel_loop3A_1192 = tpu.vector_load %arg9[%parallel_loop3A_1190, %parallel_loop3A_1191] {strides = array<i32>} : memref<64x512xf32, #tpu.memory_space<vmem>>, vector<16xf32>,
        tpu.vector_store %arg9[%parallel_loop3A_1190, %parallel_loop3A_1191], %parallel_loop3A_779 {strides = array<i32>} : memref<64x512xf32, #tpu.memory_space<vmem>>, vector<16xf32>,
        %parallel_loop3A_1193 = arith.constant 16 : i32
        %parallel_loop3A_1194 = arith.muli %parallel_loop3A_530, %parallel_loop3A_1193 : i32
        %parallel_loop3A_1195 = arith.constant 35 : i32
        %parallel_loop3A_1196 = arith.index_cast %parallel_loop3A_1195 : i32 to index
        %parallel_loop3A_1197 = arith.index_cast %parallel_loop3A_1194 : i32 to index
        %parallel_loop3A_1198 = tpu.vector_load %arg9[%parallel_loop3A_1196, %parallel_loop3A_1197] {strides = array<i32>} : memref<64x512xf32, #tpu.memory_space<vmem>>, vector<16xf32>,
        tpu.vector_store %arg9[%parallel_loop3A_1196, %parallel_loop3A_1197], %parallel_loop3A_786 {strides = array<i32>} : memref<64x512xf32, #tpu.memory_space<vmem>>, vector<16xf32>,
        %parallel_loop3A_1199 = arith.constant 16 : i32
        %parallel_loop3A_1200 = arith.muli %parallel_loop3A_530, %parallel_loop3A_1199 : i32
        %parallel_loop3A_1201 = arith.constant 36 : i32
        %parallel_loop3A_1202 = arith.index_cast %parallel_loop3A_1201 : i32 to index
        %parallel_loop3A_1203 = arith.index_cast %parallel_loop3A_1200 : i32 to index
        %parallel_loop3A_1204 = tpu.vector_load %arg9[%parallel_loop3A_1202, %parallel_loop3A_1203] {strides = array<i32>} : memref<64x512xf32, #tpu.memory_space<vmem>>, vector<16xf32>,
        tpu.vector_store %arg9[%parallel_loop3A_1202, %parallel_loop3A_1203], %parallel_loop3A_793 {strides = array<i32>} : memref<64x512xf32, #tpu.memory_space<vmem>>, vector<16xf32>,
        %parallel_loop3A_1205 = arith.constant 16 : i32
        %parallel_loop3A_1206 = arith.muli %parallel_loop3A_530, %parallel_loop3A_1205 : i32
        %parallel_loop3A_1207 = arith.constant 37 : i32
        %parallel_loop3A_1208 = arith.index_cast %parallel_loop3A_1207 : i32 to index
        %parallel_loop3A_1209 = arith.index_cast %parallel_loop3A_1206 : i32 to index
        %parallel_loop3A_1210 = tpu.vector_load %arg9[%parallel_loop3A_1208, %parallel_loop3A_1209] {strides = array<i32>} : memref<64x512xf32, #tpu.memory_space<vmem>>, vector<16xf32>,
        tpu.vector_store %arg9[%parallel_loop3A_1208, %parallel_loop3A_1209], %parallel_loop3A_800 {strides = array<i32>} : memref<64x512xf32, #tpu.memory_space<vmem>>, vector<16xf32>,
        %parallel_loop3A_1211 = arith.constant 16 : i32
        %parallel_loop3A_1212 = arith.muli %parallel_loop3A_530, %parallel_loop3A_1211 : i32
        %parallel_loop3A_1213 = arith.constant 38 : i32
        %parallel_loop3A_1214 = arith.index_cast %parallel_loop3A_1213 : i32 to index
        %parallel_loop3A_1215 = arith.index_cast %parallel_loop3A_1212 : i32 to index
        %parallel_loop3A_1216 = tpu.vector_load %arg9[%parallel_loop3A_1214, %parallel_loop3A_1215] {strides = array<i32>} : memref<64x512xf32, #tpu.memory_space<vmem>>, vector<16xf32>,
        tpu.vector_store %arg9[%parallel_loop3A_1214, %parallel_loop3A_1215], %parallel_loop3A_807 {strides = array<i32>} : memref<64x512xf32, #tpu.memory_space<vmem>>, vector<16xf32>,
        %parallel_loop3A_1217 = arith.constant 16 : i32
        %parallel_loop3A_1218 = arith.muli %parallel_loop3A_530, %parallel_loop3A_1217 : i32
        %parallel_loop3A_1219 = arith.constant 39 : i32
        %parallel_loop3A_1220 = arith.index_cast %parallel_loop3A_1219 : i32 to index
        %parallel_loop3A_1221 = arith.index_cast %parallel_loop3A_1218 : i32 to index
        %parallel_loop3A_1222 = tpu.vector_load %arg9[%parallel_loop3A_1220, %parallel_loop3A_1221] {strides = array<i32>} : memref<64x512xf32, #tpu.memory_space<vmem>>, vector<16xf32>,
        tpu.vector_store %arg9[%parallel_loop3A_1220, %parallel_loop3A_1221], %parallel_loop3A_814 {strides = array<i32>} : memref<64x512xf32, #tpu.memory_space<vmem>>, vector<16xf32>,
        %parallel_loop3A_1223 = arith.constant 16 : i32
        %parallel_loop3A_1224 = arith.muli %parallel_loop3A_530, %parallel_loop3A_1223 : i32
        %parallel_loop3A_1225 = arith.constant 40 : i32
        %parallel_loop3A_1226 = arith.index_cast %parallel_loop3A_1225 : i32 to index
        %parallel_loop3A_1227 = arith.index_cast %parallel_loop3A_1224 : i32 to index
        %parallel_loop3A_1228 = tpu.vector_load %arg9[%parallel_loop3A_1226, %parallel_loop3A_1227] {strides = array<i32>} : memref<64x512xf32, #tpu.memory_space<vmem>>, vector<16xf32>,
        tpu.vector_store %arg9[%parallel_loop3A_1226, %parallel_loop3A_1227], %parallel_loop3A_821 {strides = array<i32>} : memref<64x512xf32, #tpu.memory_space<vmem>>, vector<16xf32>,
        %parallel_loop3A_1229 = arith.constant 16 : i32
        %parallel_loop3A_1230 = arith.muli %parallel_loop3A_530, %parallel_loop3A_1229 : i32
        %parallel_loop3A_1231 = arith.constant 41 : i32
        %parallel_loop3A_1232 = arith.index_cast %parallel_loop3A_1231 : i32 to index
        %parallel_loop3A_1233 = arith.index_cast %parallel_loop3A_1230 : i32 to index
        %parallel_loop3A_1234 = tpu.vector_load %arg9[%parallel_loop3A_1232, %parallel_loop3A_1233] {strides = array<i32>} : memref<64x512xf32, #tpu.memory_space<vmem>>, vector<16xf32>,
        tpu.vector_store %arg9[%parallel_loop3A_1232, %parallel_loop3A_1233], %parallel_loop3A_828 {strides = array<i32>} : memref<64x512xf32, #tpu.memory_space<vmem>>, vector<16xf32>,
        %parallel_loop3A_1235 = arith.constant 16 : i32
        %parallel_loop3A_1236 = arith.muli %parallel_loop3A_530, %parallel_loop3A_1235 : i32
        %parallel_loop3A_1237 = arith.constant 42 : i32
        %parallel_loop3A_1238 = arith.index_cast %parallel_loop3A_1237 : i32 to index
        %parallel_loop3A_1239 = arith.index_cast %parallel_loop3A_1236 : i32 to index
        %parallel_loop3A_1240 = tpu.vector_load %arg9[%parallel_loop3A_1238, %parallel_loop3A_1239] {strides = array<i32>} : memref<64x512xf32, #tpu.memory_space<vmem>>, vector<16xf32>,
        tpu.vector_store %arg9[%parallel_loop3A_1238, %parallel_loop3A_1239], %parallel_loop3A_835 {strides = array<i32>} : memref<64x512xf32, #tpu.memory_space<vmem>>, vector<16xf32>,
        %parallel_loop3A_1241 = arith.constant 16 : i32
        %parallel_loop3A_1242 = arith.muli %parallel_loop3A_530, %parallel_loop3A_1241 : i32
        %parallel_loop3A_1243 = arith.constant 43 : i32
        %parallel_loop3A_1244 = arith.index_cast %parallel_loop3A_1243 : i32 to index
        %parallel_loop3A_1245 = arith.index_cast %parallel_loop3A_1242 : i32 to index
        %parallel_loop3A_1246 = tpu.vector_load %arg9[%parallel_loop3A_1244, %parallel_loop3A_1245] {strides = array<i32>} : memref<64x512xf32, #tpu.memory_space<vmem>>, vector<16xf32>,
        tpu.vector_store %arg9[%parallel_loop3A_1244, %parallel_loop3A_1245], %parallel_loop3A_842 {strides = array<i32>} : memref<64x512xf32, #tpu.memory_space<vmem>>, vector<16xf32>,
        %parallel_loop3A_1247 = arith.constant 16 : i32
        %parallel_loop3A_1248 = arith.muli %parallel_loop3A_530, %parallel_loop3A_1247 : i32
        %parallel_loop3A_1249 = arith.constant 44 : i32
        %parallel_loop3A_1250 = arith.index_cast %parallel_loop3A_1249 : i32 to index
        %parallel_loop3A_1251 = arith.index_cast %parallel_loop3A_1248 : i32 to index
        %parallel_loop3A_1252 = tpu.vector_load %arg9[%parallel_loop3A_1250, %parallel_loop3A_1251] {strides = array<i32>} : memref<64x512xf32, #tpu.memory_space<vmem>>, vector<16xf32>,
        tpu.vector_store %arg9[%parallel_loop3A_1250, %parallel_loop3A_1251], %parallel_loop3A_849 {strides = array<i32>} : memref<64x512xf32, #tpu.memory_space<vmem>>, vector<16xf32>,
        %parallel_loop3A_1253 = arith.constant 16 : i32
        %parallel_loop3A_1254 = arith.muli %parallel_loop3A_530, %parallel_loop3A_1253 : i32
        %parallel_loop3A_1255 = arith.constant 45 : i32
        %parallel_loop3A_1256 = arith.index_cast %parallel_loop3A_1255 : i32 to index
        %parallel_loop3A_1257 = arith.index_cast %parallel_loop3A_1254 : i32 to index
        %parallel_loop3A_1258 = tpu.vector_load %arg9[%parallel_loop3A_1256, %parallel_loop3A_1257] {strides = array<i32>} : memref<64x512xf32, #tpu.memory_space<vmem>>, vector<16xf32>,
        tpu.vector_store %arg9[%parallel_loop3A_1256, %parallel_loop3A_1257], %parallel_loop3A_856 {strides = array<i32>} : memref<64x512xf32, #tpu.memory_space<vmem>>, vector<16xf32>,
        %parallel_loop3A_1259 = arith.constant 16 : i32
        %parallel_loop3A_1260 = arith.muli %parallel_loop3A_530, %parallel_loop3A_1259 : i32
        %parallel_loop3A_1261 = arith.constant 46 : i32
        %parallel_loop3A_1262 = arith.index_cast %parallel_loop3A_1261 : i32 to index
        %parallel_loop3A_1263 = arith.index_cast %parallel_loop3A_1260 : i32 to index
        %parallel_loop3A_1264 = tpu.vector_load %arg9[%parallel_loop3A_1262, %parallel_loop3A_1263] {strides = array<i32>} : memref<64x512xf32, #tpu.memory_space<vmem>>, vector<16xf32>,
        tpu.vector_store %arg9[%parallel_loop3A_1262, %parallel_loop3A_1263], %parallel_loop3A_863 {strides = array<i32>} : memref<64x512xf32, #tpu.memory_space<vmem>>, vector<16xf32>,
        %parallel_loop3A_1265 = arith.constant 16 : i32
        %parallel_loop3A_1266 = arith.muli %parallel_loop3A_530, %parallel_loop3A_1265 : i32
        %parallel_loop3A_1267 = arith.constant 47 : i32
        %parallel_loop3A_1268 = arith.index_cast %parallel_loop3A_1267 : i32 to index
        %parallel_loop3A_1269 = arith.index_cast %parallel_loop3A_1266 : i32 to index
        %parallel_loop3A_1270 = tpu.vector_load %arg9[%parallel_loop3A_1268, %parallel_loop3A_1269] {strides = array<i32>} : memref<64x512xf32, #tpu.memory_space<vmem>>, vector<16xf32>,
        tpu.vector_store %arg9[%parallel_loop3A_1268, %parallel_loop3A_1269], %parallel_loop3A_870 {strides = array<i32>} : memref<64x512xf32, #tpu.memory_space<vmem>>, vector<16xf32>,
        %parallel_loop3A_1271 = arith.constant 16 : i32
        %parallel_loop3A_1272 = arith.muli %parallel_loop3A_530, %parallel_loop3A_1271 : i32
        %parallel_loop3A_1273 = arith.constant 48 : i32
        %parallel_loop3A_1274 = arith.index_cast %parallel_loop3A_1273 : i32 to index
        %parallel_loop3A_1275 = arith.index_cast %parallel_loop3A_1272 : i32 to index
        %parallel_loop3A_1276 = tpu.vector_load %arg9[%parallel_loop3A_1274, %parallel_loop3A_1275] {strides = array<i32>} : memref<64x512xf32, #tpu.memory_space<vmem>>, vector<16xf32>,
        tpu.vector_store %arg9[%parallel_loop3A_1274, %parallel_loop3A_1275], %parallel_loop3A_877 {strides = array<i32>} : memref<64x512xf32, #tpu.memory_space<vmem>>, vector<16xf32>,
        %parallel_loop3A_1277 = arith.constant 16 : i32
        %parallel_loop3A_1278 = arith.muli %parallel_loop3A_530, %parallel_loop3A_1277 : i32
        %parallel_loop3A_1279 = arith.constant 49 : i32
        %parallel_loop3A_1280 = arith.index_cast %parallel_loop3A_1279 : i32 to index
        %parallel_loop3A_1281 = arith.index_cast %parallel_loop3A_1278 : i32 to index
        %parallel_loop3A_1282 = tpu.vector_load %arg9[%parallel_loop3A_1280, %parallel_loop3A_1281] {strides = array<i32>} : memref<64x512xf32, #tpu.memory_space<vmem>>, vector<16xf32>,
        tpu.vector_store %arg9[%parallel_loop3A_1280, %parallel_loop3A_1281], %parallel_loop3A_884 {strides = array<i32>} : memref<64x512xf32, #tpu.memory_space<vmem>>, vector<16xf32>,
        %parallel_loop3A_1283 = arith.constant 16 : i32
        %parallel_loop3A_1284 = arith.muli %parallel_loop3A_530, %parallel_loop3A_1283 : i32
        %parallel_loop3A_1285 = arith.constant 50 : i32
        %parallel_loop3A_1286 = arith.index_cast %parallel_loop3A_1285 : i32 to index
        %parallel_loop3A_1287 = arith.index_cast %parallel_loop3A_1284 : i32 to index
        %parallel_loop3A_1288 = tpu.vector_load %arg9[%parallel_loop3A_1286, %parallel_loop3A_1287] {strides = array<i32>} : memref<64x512xf32, #tpu.memory_space<vmem>>, vector<16xf32>,
        tpu.vector_store %arg9[%parallel_loop3A_1286, %parallel_loop3A_1287], %parallel_loop3A_891 {strides = array<i32>} : memref<64x512xf32, #tpu.memory_space<vmem>>, vector<16xf32>,
        %parallel_loop3A_1289 = arith.constant 16 : i32
        %parallel_loop3A_1290 = arith.muli %parallel_loop3A_530, %parallel_loop3A_1289 : i32
        %parallel_loop3A_1291 = arith.constant 51 : i32
        %parallel_loop3A_1292 = arith.index_cast %parallel_loop3A_1291 : i32 to index
        %parallel_loop3A_1293 = arith.index_cast %parallel_loop3A_1290 : i32 to index
        %parallel_loop3A_1294 = tpu.vector_load %arg9[%parallel_loop3A_1292, %parallel_loop3A_1293] {strides = array<i32>} : memref<64x512xf32, #tpu.memory_space<vmem>>, vector<16xf32>,
        tpu.vector_store %arg9[%parallel_loop3A_1292, %parallel_loop3A_1293], %parallel_loop3A_898 {strides = array<i32>} : memref<64x512xf32, #tpu.memory_space<vmem>>, vector<16xf32>,
        %parallel_loop3A_1295 = arith.constant 16 : i32
        %parallel_loop3A_1296 = arith.muli %parallel_loop3A_530, %parallel_loop3A_1295 : i32
        %parallel_loop3A_1297 = arith.constant 52 : i32
        %parallel_loop3A_1298 = arith.index_cast %parallel_loop3A_1297 : i32 to index
        %parallel_loop3A_1299 = arith.index_cast %parallel_loop3A_1296 : i32 to index
        %parallel_loop3A_1300 = tpu.vector_load %arg9[%parallel_loop3A_1298, %parallel_loop3A_1299] {strides = array<i32>} : memref<64x512xf32, #tpu.memory_space<vmem>>, vector<16xf32>,
        tpu.vector_store %arg9[%parallel_loop3A_1298, %parallel_loop3A_1299], %parallel_loop3A_905 {strides = array<i32>} : memref<64x512xf32, #tpu.memory_space<vmem>>, vector<16xf32>,
        %parallel_loop3A_1301 = arith.constant 16 : i32
        %parallel_loop3A_1302 = arith.muli %parallel_loop3A_530, %parallel_loop3A_1301 : i32
        %parallel_loop3A_1303 = arith.constant 53 : i32
        %parallel_loop3A_1304 = arith.index_cast %parallel_loop3A_1303 : i32 to index
        %parallel_loop3A_1305 = arith.index_cast %parallel_loop3A_1302 : i32 to index
        %parallel_loop3A_1306 = tpu.vector_load %arg9[%parallel_loop3A_1304, %parallel_loop3A_1305] {strides = array<i32>} : memref<64x512xf32, #tpu.memory_space<vmem>>, vector<16xf32>,
        tpu.vector_store %arg9[%parallel_loop3A_1304, %parallel_loop3A_1305], %parallel_loop3A_912 {strides = array<i32>} : memref<64x512xf32, #tpu.memory_space<vmem>>, vector<16xf32>,
        %parallel_loop3A_1307 = arith.constant 16 : i32
        %parallel_loop3A_1308 = arith.muli %parallel_loop3A_530, %parallel_loop3A_1307 : i32
        %parallel_loop3A_1309 = arith.constant 54 : i32
        %parallel_loop3A_1310 = arith.index_cast %parallel_loop3A_1309 : i32 to index
        %parallel_loop3A_1311 = arith.index_cast %parallel_loop3A_1308 : i32 to index
        %parallel_loop3A_1312 = tpu.vector_load %arg9[%parallel_loop3A_1310, %parallel_loop3A_1311] {strides = array<i32>} : memref<64x512xf32, #tpu.memory_space<vmem>>, vector<16xf32>,
        tpu.vector_store %arg9[%parallel_loop3A_1310, %parallel_loop3A_1311], %parallel_loop3A_919 {strides = array<i32>} : memref<64x512xf32, #tpu.memory_space<vmem>>, vector<16xf32>,
        %parallel_loop3A_1313 = arith.constant 16 : i32
        %parallel_loop3A_1314 = arith.muli %parallel_loop3A_530, %parallel_loop3A_1313 : i32
        %parallel_loop3A_1315 = arith.constant 55 : i32
        %parallel_loop3A_1316 = arith.index_cast %parallel_loop3A_1315 : i32 to index
        %parallel_loop3A_1317 = arith.index_cast %parallel_loop3A_1314 : i32 to index
        %parallel_loop3A_1318 = tpu.vector_load %arg9[%parallel_loop3A_1316, %parallel_loop3A_1317] {strides = array<i32>} : memref<64x512xf32, #tpu.memory_space<vmem>>, vector<16xf32>,
        tpu.vector_store %arg9[%parallel_loop3A_1316, %parallel_loop3A_1317], %parallel_loop3A_926 {strides = array<i32>} : memref<64x512xf32, #tpu.memory_space<vmem>>, vector<16xf32>,
        %parallel_loop3A_1319 = arith.constant 16 : i32
        %parallel_loop3A_1320 = arith.muli %parallel_loop3A_530, %parallel_loop3A_1319 : i32
        %parallel_loop3A_1321 = arith.constant 56 : i32
        %parallel_loop3A_1322 = arith.index_cast %parallel_loop3A_1321 : i32 to index
        %parallel_loop3A_1323 = arith.index_cast %parallel_loop3A_1320 : i32 to index
        %parallel_loop3A_1324 = tpu.vector_load %arg9[%parallel_loop3A_1322, %parallel_loop3A_1323] {strides = array<i32>} : memref<64x512xf32, #tpu.memory_space<vmem>>, vector<16xf32>,
        tpu.vector_store %arg9[%parallel_loop3A_1322, %parallel_loop3A_1323], %parallel_loop3A_933 {strides = array<i32>} : memref<64x512xf32, #tpu.memory_space<vmem>>, vector<16xf32>,
        %parallel_loop3A_1325 = arith.constant 16 : i32
        %parallel_loop3A_1326 = arith.muli %parallel_loop3A_530, %parallel_loop3A_1325 : i32
        %parallel_loop3A_1327 = arith.constant 57 : i32
        %parallel_loop3A_1328 = arith.index_cast %parallel_loop3A_1327 : i32 to index
        %parallel_loop3A_1329 = arith.index_cast %parallel_loop3A_1326 : i32 to index
        %parallel_loop3A_1330 = tpu.vector_load %arg9[%parallel_loop3A_1328, %parallel_loop3A_1329] {strides = array<i32>} : memref<64x512xf32, #tpu.memory_space<vmem>>, vector<16xf32>,
        tpu.vector_store %arg9[%parallel_loop3A_1328, %parallel_loop3A_1329], %parallel_loop3A_940 {strides = array<i32>} : memref<64x512xf32, #tpu.memory_space<vmem>>, vector<16xf32>,
        %parallel_loop3A_1331 = arith.constant 16 : i32
        %parallel_loop3A_1332 = arith.muli %parallel_loop3A_530, %parallel_loop3A_1331 : i32
        %parallel_loop3A_1333 = arith.constant 58 : i32
        %parallel_loop3A_1334 = arith.index_cast %parallel_loop3A_1333 : i32 to index
        %parallel_loop3A_1335 = arith.index_cast %parallel_loop3A_1332 : i32 to index
        %parallel_loop3A_1336 = tpu.vector_load %arg9[%parallel_loop3A_1334, %parallel_loop3A_1335] {strides = array<i32>} : memref<64x512xf32, #tpu.memory_space<vmem>>, vector<16xf32>,
        tpu.vector_store %arg9[%parallel_loop3A_1334, %parallel_loop3A_1335], %parallel_loop3A_947 {strides = array<i32>} : memref<64x512xf32, #tpu.memory_space<vmem>>, vector<16xf32>,
        %parallel_loop3A_1337 = arith.constant 16 : i32
        %parallel_loop3A_1338 = arith.muli %parallel_loop3A_530, %parallel_loop3A_1337 : i32
        %parallel_loop3A_1339 = arith.constant 59 : i32
        %parallel_loop3A_1340 = arith.index_cast %parallel_loop3A_1339 : i32 to index
        %parallel_loop3A_1341 = arith.index_cast %parallel_loop3A_1338 : i32 to index
        %parallel_loop3A_1342 = tpu.vector_load %arg9[%parallel_loop3A_1340, %parallel_loop3A_1341] {strides = array<i32>} : memref<64x512xf32, #tpu.memory_space<vmem>>, vector<16xf32>,
        tpu.vector_store %arg9[%parallel_loop3A_1340, %parallel_loop3A_1341], %parallel_loop3A_954 {strides = array<i32>} : memref<64x512xf32, #tpu.memory_space<vmem>>, vector<16xf32>,
        %parallel_loop3A_1343 = arith.constant 16 : i32
        %parallel_loop3A_1344 = arith.muli %parallel_loop3A_530, %parallel_loop3A_1343 : i32
        %parallel_loop3A_1345 = arith.constant 60 : i32
        %parallel_loop3A_1346 = arith.index_cast %parallel_loop3A_1345 : i32 to index
        %parallel_loop3A_1347 = arith.index_cast %parallel_loop3A_1344 : i32 to index
        %parallel_loop3A_1348 = tpu.vector_load %arg9[%parallel_loop3A_1346, %parallel_loop3A_1347] {strides = array<i32>} : memref<64x512xf32, #tpu.memory_space<vmem>>, vector<16xf32>,
        tpu.vector_store %arg9[%parallel_loop3A_1346, %parallel_loop3A_1347], %parallel_loop3A_961 {strides = array<i32>} : memref<64x512xf32, #tpu.memory_space<vmem>>, vector<16xf32>,
        %parallel_loop3A_1349 = arith.constant 16 : i32
        %parallel_loop3A_1350 = arith.muli %parallel_loop3A_530, %parallel_loop3A_1349 : i32
        %parallel_loop3A_1351 = arith.constant 61 : i32
        %parallel_loop3A_1352 = arith.index_cast %parallel_loop3A_1351 : i32 to index
        %parallel_loop3A_1353 = arith.index_cast %parallel_loop3A_1350 : i32 to index
        %parallel_loop3A_1354 = tpu.vector_load %arg9[%parallel_loop3A_1352, %parallel_loop3A_1353] {strides = array<i32>} : memref<64x512xf32, #tpu.memory_space<vmem>>, vector<16xf32>,
        tpu.vector_store %arg9[%parallel_loop3A_1352, %parallel_loop3A_1353], %parallel_loop3A_968 {strides = array<i32>} : memref<64x512xf32, #tpu.memory_space<vmem>>, vector<16xf32>,
        %parallel_loop3A_1355 = arith.constant 16 : i32
        %parallel_loop3A_1356 = arith.muli %parallel_loop3A_530, %parallel_loop3A_1355 : i32
        %parallel_loop3A_1357 = arith.constant 62 : i32
        %parallel_loop3A_1358 = arith.index_cast %parallel_loop3A_1357 : i32 to index
        %parallel_loop3A_1359 = arith.index_cast %parallel_loop3A_1356 : i32 to index
        %parallel_loop3A_1360 = tpu.vector_load %arg9[%parallel_loop3A_1358, %parallel_loop3A_1359] {strides = array<i32>} : memref<64x512xf32, #tpu.memory_space<vmem>>, vector<16xf32>,
        tpu.vector_store %arg9[%parallel_loop3A_1358, %parallel_loop3A_1359], %parallel_loop3A_975 {strides = array<i32>} : memref<64x512xf32, #tpu.memory_space<vmem>>, vector<16xf32>,
        %parallel_loop3A_1361 = arith.constant 16 : i32
        %parallel_loop3A_1362 = arith.muli %parallel_loop3A_530, %parallel_loop3A_1361 : i32
        %parallel_loop3A_1363 = arith.constant 63 : i32
        %parallel_loop3A_1364 = arith.index_cast %parallel_loop3A_1363 : i32 to index
        %parallel_loop3A_1365 = arith.index_cast %parallel_loop3A_1362 : i32 to index
        %parallel_loop3A_1366 = tpu.vector_load %arg9[%parallel_loop3A_1364, %parallel_loop3A_1365] {strides = array<i32>} : memref<64x512xf32, #tpu.memory_space<vmem>>, vector<16xf32>,
        tpu.vector_store %arg9[%parallel_loop3A_1364, %parallel_loop3A_1365], %parallel_loop3A_982 {strides = array<i32>} : memref<64x512xf32, #tpu.memory_space<vmem>>, vector<16xf32>,
      } {sc.loop_unroll_factor = 2 : i64, sc.parallel_access}
      %mul3A_489 = arith.constant 512 : i32
      %mul3A_490 = arith.muli %add3A_479, %mul3A_489 : i32
      %add3A_491 = arith.addi %mul3A_2, %mul3A_490 : i32
      %dma_start3A_492 = arith.constant 0 : i32
      %dma_start3A_493 = tpu.memref_slice %arg4[%dma_start3A_492, %add3A_491] : memref<64x819200xf32, #tpu.memory_space<hbm>> -> memref<64x512xf32, #tpu.memory_space<hbm>>
      %dma_start3A_494 = arith.constant 0 : i32
      %dma_start3A_495 = tpu.memref_slice %arg4[%dma_start3A_494, %add3A_491] : memref<64x819200xf32, #tpu.memory_space<hbm>> -> memref<64x512xf32, #tpu.memory_space<hbm>>
      tpu.enqueue_dma source(%arg9 : memref<64x512xf32, #tpu.memory_space<vmem>>) target(%dma_start3A_495 : memref<64x512xf32, #tpu.memory_space<hbm>>) target_semaphore(%arg13 : memref<!tpu.dma_semaphore, #tpu.memory_space<semaphore_mem>>)
      %lt3A = arith.constant 24 : i32
      %lt3A_496 = arith.cmpi slt, %scan3A_474, %lt3A : i32
      %convert_element_type3A_497 = arith.extui %lt3A_496 : i1 to i32
      %cond3A_498 = arith.constant 0 : i32
      %cond3A_499 = arith.cmpi ne, %convert_element_type3A_497, %cond3A_498 : i32
      scf.if %cond3A_499 {
        %add3A_530 = arith.constant 2 : i32
        %add3A_531 = arith.addi %add3A_479, %add3A_530 : i32
        %mul3A_532 = arith.constant 512 : i32
        %mul3A_533 = arith.muli %add3A_531, %mul3A_532 : i32
        %add3A_534 = arith.addi %mul3A_2, %mul3A_533 : i32
        %dma_start3A_535 = tpu.memref_slice %arg3[%add3A_534] : memref<819200xi32, #tpu.memory_space<hbm>> -> memref<512xi32, #tpu.memory_space<hbm>>
        %dma_start3A_536 = tpu.memref_slice %arg3[%add3A_534] : memref<819200xi32, #tpu.memory_space<hbm>> -> memref<512xi32, #tpu.memory_space<hbm>>
        tpu.enqueue_dma source(%dma_start3A_536 : memref<512xi32, #tpu.memory_space<hbm>>) target(%arg7 : memref<512xi32, #tpu.memory_space<vmem>>) target_semaphore(%arg11 : memref<!tpu.dma_semaphore, #tpu.memory_space<semaphore_mem>>)
      } else {
      }
      %mul3A_500 = arith.constant 2 : i32
      %mul3A_501 = arith.muli %mul3A_500, %scan3A_474 : i32
      %add3A_502 = arith.constant 1 : i32
      %add3A_503 = arith.addi %mul3A_501, %add3A_502 : i32
      %mul3A_504 = arith.constant 512 : i32
      %mul3A_505 = arith.muli %add3A_503, %mul3A_504 : i32
      %add3A_506 = arith.addi %mul3A_2, %mul3A_505 : i32
      %dma_wait3A_507 = tpu.memref_slice %arg3[%add3A_506] : memref<819200xi32, #tpu.memory_space<hbm>> -> memref<512xi32, #tpu.memory_space<hbm>>
      %dma_wait3A_508 = tpu.memref_slice %arg3[%add3A_506] : memref<819200xi32, #tpu.memory_space<hbm>> -> memref<512xi32, #tpu.memory_space<hbm>>
      tpu.wait_dma2 semaphore(%arg12 : memref<!tpu.dma_semaphore, #tpu.memory_space<semaphore_mem>>) src(%dma_wait3A_508 : memref<512xi32, #tpu.memory_space<hbm>>) dst(%arg8 : memref<512xi32, #tpu.memory_space<vmem>>)
      %ge3A_509 = arith.constant 1 : i32
      %ge3A_510 = arith.cmpi sge, %scan3A_474, %ge3A_509 : i32
      %convert_element_type3A_511 = arith.extui %ge3A_510 : i1 to i32
      %cond3A_512 = arith.constant 0 : i32
      %cond3A_513 = arith.cmpi ne, %convert_element_type3A_511, %cond3A_512 : i32
      scf.if %cond3A_513 {
        %mul3A_530 = arith.constant 512 : i32
        %mul3A_531 = arith.muli %add3A_503, %mul3A_530 : i32
        %add3A_532 = arith.addi %mul3A_2, %mul3A_531 : i32
        %dma_wait3A_533 = arith.constant 0 : i32
        %dma_wait3A_534 = tpu.memref_slice %arg4[%dma_wait3A_533, %add3A_532] : memref<64x819200xf32, #tpu.memory_space<hbm>> -> memref<64x512xf32, #tpu.memory_space<hbm>>
        %dma_wait3A_535 = arith.constant 0 : i32
        %dma_wait3A_536 = tpu.memref_slice %arg4[%dma_wait3A_535, %add3A_532] : memref<64x819200xf32, #tpu.memory_space<hbm>> -> memref<64x512xf32, #tpu.memory_space<hbm>>
        tpu.wait_dma2 semaphore(%arg14 : memref<!tpu.dma_semaphore, #tpu.memory_space<semaphore_mem>>) src(%arg10 : memref<64x512xf32, #tpu.memory_space<vmem>>) dst(%dma_wait3A_536 : memref<64x512xf32, #tpu.memory_space<hbm>>)
      } else {
      }
      %parallel_loop3A_514 = arith.constant 0 : i32
      %parallel_loop3A_515 = arith.constant 32 : i32
      %parallel_loop3A_516 = arith.constant 1 : i32
      scf.for %parallel_loop3A_530 = %parallel_loop3A_514 to %parallel_loop3A_515 step %parallel_loop3A_516  : i32 {
        %parallel_loop3A_531 = arith.constant 16 : i32
        %parallel_loop3A_532 = arith.muli %parallel_loop3A_530, %parallel_loop3A_531 : i32
        %parallel_loop3A_533 = arith.index_cast %parallel_loop3A_532 : i32 to index
        %parallel_loop3A_534 = tpu.vector_load %arg8[%parallel_loop3A_533] {strides = array<i32>} : memref<512xi32, #tpu.memory_space<vmem>>, vector<16xi32>,
        %parallel_loop3A_535 = arith.constant 0 : i32
        %parallel_loop3A_536 = arith.index_cast %parallel_loop3A_535 : i32 to index
        %parallel_loop3A_537 = arith.constant 0 : index
        %parallel_loop3A_538 = tpu.vector_load %arg6[%parallel_loop3A_536, %parallel_loop3A_537] {strides = array<i32>} : memref<64x16xf32, #tpu.memory_space<vmem>>, vector<16xf32>,
        %parallel_loop3A_539 = vector.shape_cast %parallel_loop3A_534 : vector<16xi32> to vector<16x1xi32>
        %parallel_loop3A_540 = vector.shape_cast %parallel_loop3A_539 : vector<16x1xi32> to vector<16xi32>
        %parallel_loop3A_541 = tpu.dynamic_gather %parallel_loop3A_538[%parallel_loop3A_540] in [0] : vector<16xf32>, vector<16xi32> -> vector<16xf32>
        %parallel_loop3A_542 = arith.constant 1 : i32
        %parallel_loop3A_543 = arith.index_cast %parallel_loop3A_542 : i32 to index
        %parallel_loop3A_544 = arith.constant 0 : index
        %parallel_loop3A_545 = tpu.vector_load %arg6[%parallel_loop3A_543, %parallel_loop3A_544] {strides = array<i32>} : memref<64x16xf32, #tpu.memory_space<vmem>>, vector<16xf32>,
        %parallel_loop3A_546 = vector.shape_cast %parallel_loop3A_534 : vector<16xi32> to vector<16x1xi32>
        %parallel_loop3A_547 = vector.shape_cast %parallel_loop3A_546 : vector<16x1xi32> to vector<16xi32>
        %parallel_loop3A_548 = tpu.dynamic_gather %parallel_loop3A_545[%parallel_loop3A_547] in [0] : vector<16xf32>, vector<16xi32> -> vector<16xf32>
        %parallel_loop3A_549 = arith.constant 2 : i32
        %parallel_loop3A_550 = arith.index_cast %parallel_loop3A_549 : i32 to index
        %parallel_loop3A_551 = arith.constant 0 : index
        %parallel_loop3A_552 = tpu.vector_load %arg6[%parallel_loop3A_550, %parallel_loop3A_551] {strides = array<i32>} : memref<64x16xf32, #tpu.memory_space<vmem>>, vector<16xf32>,
        %parallel_loop3A_553 = vector.shape_cast %parallel_loop3A_534 : vector<16xi32> to vector<16x1xi32>
        %parallel_loop3A_554 = vector.shape_cast %parallel_loop3A_553 : vector<16x1xi32> to vector<16xi32>
        %parallel_loop3A_555 = tpu.dynamic_gather %parallel_loop3A_552[%parallel_loop3A_554] in [0] : vector<16xf32>, vector<16xi32> -> vector<16xf32>
        %parallel_loop3A_556 = arith.constant 3 : i32
        %parallel_loop3A_557 = arith.index_cast %parallel_loop3A_556 : i32 to index
        %parallel_loop3A_558 = arith.constant 0 : index
        %parallel_loop3A_559 = tpu.vector_load %arg6[%parallel_loop3A_557, %parallel_loop3A_558] {strides = array<i32>} : memref<64x16xf32, #tpu.memory_space<vmem>>, vector<16xf32>,
        %parallel_loop3A_560 = vector.shape_cast %parallel_loop3A_534 : vector<16xi32> to vector<16x1xi32>
        %parallel_loop3A_561 = vector.shape_cast %parallel_loop3A_560 : vector<16x1xi32> to vector<16xi32>
        %parallel_loop3A_562 = tpu.dynamic_gather %parallel_loop3A_559[%parallel_loop3A_561] in [0] : vector<16xf32>, vector<16xi32> -> vector<16xf32>
        %parallel_loop3A_563 = arith.constant 4 : i32
        %parallel_loop3A_564 = arith.index_cast %parallel_loop3A_563 : i32 to index
        %parallel_loop3A_565 = arith.constant 0 : index
        %parallel_loop3A_566 = tpu.vector_load %arg6[%parallel_loop3A_564, %parallel_loop3A_565] {strides = array<i32>} : memref<64x16xf32, #tpu.memory_space<vmem>>, vector<16xf32>,
        %parallel_loop3A_567 = vector.shape_cast %parallel_loop3A_534 : vector<16xi32> to vector<16x1xi32>
        %parallel_loop3A_568 = vector.shape_cast %parallel_loop3A_567 : vector<16x1xi32> to vector<16xi32>
        %parallel_loop3A_569 = tpu.dynamic_gather %parallel_loop3A_566[%parallel_loop3A_568] in [0] : vector<16xf32>, vector<16xi32> -> vector<16xf32>
        %parallel_loop3A_570 = arith.constant 5 : i32
        %parallel_loop3A_571 = arith.index_cast %parallel_loop3A_570 : i32 to index
        %parallel_loop3A_572 = arith.constant 0 : index
        %parallel_loop3A_573 = tpu.vector_load %arg6[%parallel_loop3A_571, %parallel_loop3A_572] {strides = array<i32>} : memref<64x16xf32, #tpu.memory_space<vmem>>, vector<16xf32>,
        %parallel_loop3A_574 = vector.shape_cast %parallel_loop3A_534 : vector<16xi32> to vector<16x1xi32>
        %parallel_loop3A_575 = vector.shape_cast %parallel_loop3A_574 : vector<16x1xi32> to vector<16xi32>
        %parallel_loop3A_576 = tpu.dynamic_gather %parallel_loop3A_573[%parallel_loop3A_575] in [0] : vector<16xf32>, vector<16xi32> -> vector<16xf32>
        %parallel_loop3A_577 = arith.constant 6 : i32
        %parallel_loop3A_578 = arith.index_cast %parallel_loop3A_577 : i32 to index
        %parallel_loop3A_579 = arith.constant 0 : index
        %parallel_loop3A_580 = tpu.vector_load %arg6[%parallel_loop3A_578, %parallel_loop3A_579] {strides = array<i32>} : memref<64x16xf32, #tpu.memory_space<vmem>>, vector<16xf32>,
        %parallel_loop3A_581 = vector.shape_cast %parallel_loop3A_534 : vector<16xi32> to vector<16x1xi32>
        %parallel_loop3A_582 = vector.shape_cast %parallel_loop3A_581 : vector<16x1xi32> to vector<16xi32>
        %parallel_loop3A_583 = tpu.dynamic_gather %parallel_loop3A_580[%parallel_loop3A_582] in [0] : vector<16xf32>, vector<16xi32> -> vector<16xf32>
        %parallel_loop3A_584 = arith.constant 7 : i32
        %parallel_loop3A_585 = arith.index_cast %parallel_loop3A_584 : i32 to index
        %parallel_loop3A_586 = arith.constant 0 : index
        %parallel_loop3A_587 = tpu.vector_load %arg6[%parallel_loop3A_585, %parallel_loop3A_586] {strides = array<i32>} : memref<64x16xf32, #tpu.memory_space<vmem>>, vector<16xf32>,
        %parallel_loop3A_588 = vector.shape_cast %parallel_loop3A_534 : vector<16xi32> to vector<16x1xi32>
        %parallel_loop3A_589 = vector.shape_cast %parallel_loop3A_588 : vector<16x1xi32> to vector<16xi32>
        %parallel_loop3A_590 = tpu.dynamic_gather %parallel_loop3A_587[%parallel_loop3A_589] in [0] : vector<16xf32>, vector<16xi32> -> vector<16xf32>
        %parallel_loop3A_591 = arith.constant 8 : i32
        %parallel_loop3A_592 = arith.index_cast %parallel_loop3A_591 : i32 to index
        %parallel_loop3A_593 = arith.constant 0 : index
        %parallel_loop3A_594 = tpu.vector_load %arg6[%parallel_loop3A_592, %parallel_loop3A_593] {strides = array<i32>} : memref<64x16xf32, #tpu.memory_space<vmem>>, vector<16xf32>,
        %parallel_loop3A_595 = vector.shape_cast %parallel_loop3A_534 : vector<16xi32> to vector<16x1xi32>
        %parallel_loop3A_596 = vector.shape_cast %parallel_loop3A_595 : vector<16x1xi32> to vector<16xi32>
        %parallel_loop3A_597 = tpu.dynamic_gather %parallel_loop3A_594[%parallel_loop3A_596] in [0] : vector<16xf32>, vector<16xi32> -> vector<16xf32>
        %parallel_loop3A_598 = arith.constant 9 : i32
        %parallel_loop3A_599 = arith.index_cast %parallel_loop3A_598 : i32 to index
        %parallel_loop3A_600 = arith.constant 0 : index
        %parallel_loop3A_601 = tpu.vector_load %arg6[%parallel_loop3A_599, %parallel_loop3A_600] {strides = array<i32>} : memref<64x16xf32, #tpu.memory_space<vmem>>, vector<16xf32>,
        %parallel_loop3A_602 = vector.shape_cast %parallel_loop3A_534 : vector<16xi32> to vector<16x1xi32>
        %parallel_loop3A_603 = vector.shape_cast %parallel_loop3A_602 : vector<16x1xi32> to vector<16xi32>
        %parallel_loop3A_604 = tpu.dynamic_gather %parallel_loop3A_601[%parallel_loop3A_603] in [0] : vector<16xf32>, vector<16xi32> -> vector<16xf32>
        %parallel_loop3A_605 = arith.constant 10 : i32
        %parallel_loop3A_606 = arith.index_cast %parallel_loop3A_605 : i32 to index
        %parallel_loop3A_607 = arith.constant 0 : index
        %parallel_loop3A_608 = tpu.vector_load %arg6[%parallel_loop3A_606, %parallel_loop3A_607] {strides = array<i32>} : memref<64x16xf32, #tpu.memory_space<vmem>>, vector<16xf32>,
        %parallel_loop3A_609 = vector.shape_cast %parallel_loop3A_534 : vector<16xi32> to vector<16x1xi32>
        %parallel_loop3A_610 = vector.shape_cast %parallel_loop3A_609 : vector<16x1xi32> to vector<16xi32>
        %parallel_loop3A_611 = tpu.dynamic_gather %parallel_loop3A_608[%parallel_loop3A_610] in [0] : vector<16xf32>, vector<16xi32> -> vector<16xf32>
        %parallel_loop3A_612 = arith.constant 11 : i32
        %parallel_loop3A_613 = arith.index_cast %parallel_loop3A_612 : i32 to index
        %parallel_loop3A_614 = arith.constant 0 : index
        %parallel_loop3A_615 = tpu.vector_load %arg6[%parallel_loop3A_613, %parallel_loop3A_614] {strides = array<i32>} : memref<64x16xf32, #tpu.memory_space<vmem>>, vector<16xf32>,
        %parallel_loop3A_616 = vector.shape_cast %parallel_loop3A_534 : vector<16xi32> to vector<16x1xi32>
        %parallel_loop3A_617 = vector.shape_cast %parallel_loop3A_616 : vector<16x1xi32> to vector<16xi32>
        %parallel_loop3A_618 = tpu.dynamic_gather %parallel_loop3A_615[%parallel_loop3A_617] in [0] : vector<16xf32>, vector<16xi32> -> vector<16xf32>
        %parallel_loop3A_619 = arith.constant 12 : i32
        %parallel_loop3A_620 = arith.index_cast %parallel_loop3A_619 : i32 to index
        %parallel_loop3A_621 = arith.constant 0 : index
        %parallel_loop3A_622 = tpu.vector_load %arg6[%parallel_loop3A_620, %parallel_loop3A_621] {strides = array<i32>} : memref<64x16xf32, #tpu.memory_space<vmem>>, vector<16xf32>,
        %parallel_loop3A_623 = vector.shape_cast %parallel_loop3A_534 : vector<16xi32> to vector<16x1xi32>
        %parallel_loop3A_624 = vector.shape_cast %parallel_loop3A_623 : vector<16x1xi32> to vector<16xi32>
        %parallel_loop3A_625 = tpu.dynamic_gather %parallel_loop3A_622[%parallel_loop3A_624] in [0] : vector<16xf32>, vector<16xi32> -> vector<16xf32>
        %parallel_loop3A_626 = arith.constant 13 : i32
        %parallel_loop3A_627 = arith.index_cast %parallel_loop3A_626 : i32 to index
        %parallel_loop3A_628 = arith.constant 0 : index
        %parallel_loop3A_629 = tpu.vector_load %arg6[%parallel_loop3A_627, %parallel_loop3A_628] {strides = array<i32>} : memref<64x16xf32, #tpu.memory_space<vmem>>, vector<16xf32>,
        %parallel_loop3A_630 = vector.shape_cast %parallel_loop3A_534 : vector<16xi32> to vector<16x1xi32>
        %parallel_loop3A_631 = vector.shape_cast %parallel_loop3A_630 : vector<16x1xi32> to vector<16xi32>
        %parallel_loop3A_632 = tpu.dynamic_gather %parallel_loop3A_629[%parallel_loop3A_631] in [0] : vector<16xf32>, vector<16xi32> -> vector<16xf32>
        %parallel_loop3A_633 = arith.constant 14 : i32
        %parallel_loop3A_634 = arith.index_cast %parallel_loop3A_633 : i32 to index
        %parallel_loop3A_635 = arith.constant 0 : index
        %parallel_loop3A_636 = tpu.vector_load %arg6[%parallel_loop3A_634, %parallel_loop3A_635] {strides = array<i32>} : memref<64x16xf32, #tpu.memory_space<vmem>>, vector<16xf32>,
        %parallel_loop3A_637 = vector.shape_cast %parallel_loop3A_534 : vector<16xi32> to vector<16x1xi32>
        %parallel_loop3A_638 = vector.shape_cast %parallel_loop3A_637 : vector<16x1xi32> to vector<16xi32>
        %parallel_loop3A_639 = tpu.dynamic_gather %parallel_loop3A_636[%parallel_loop3A_638] in [0] : vector<16xf32>, vector<16xi32> -> vector<16xf32>
        %parallel_loop3A_640 = arith.constant 15 : i32
        %parallel_loop3A_641 = arith.index_cast %parallel_loop3A_640 : i32 to index
        %parallel_loop3A_642 = arith.constant 0 : index
        %parallel_loop3A_643 = tpu.vector_load %arg6[%parallel_loop3A_641, %parallel_loop3A_642] {strides = array<i32>} : memref<64x16xf32, #tpu.memory_space<vmem>>, vector<16xf32>,
        %parallel_loop3A_644 = vector.shape_cast %parallel_loop3A_534 : vector<16xi32> to vector<16x1xi32>
        %parallel_loop3A_645 = vector.shape_cast %parallel_loop3A_644 : vector<16x1xi32> to vector<16xi32>
        %parallel_loop3A_646 = tpu.dynamic_gather %parallel_loop3A_643[%parallel_loop3A_645] in [0] : vector<16xf32>, vector<16xi32> -> vector<16xf32>
        %parallel_loop3A_647 = arith.constant 16 : i32
        %parallel_loop3A_648 = arith.index_cast %parallel_loop3A_647 : i32 to index
        %parallel_loop3A_649 = arith.constant 0 : index
        %parallel_loop3A_650 = tpu.vector_load %arg6[%parallel_loop3A_648, %parallel_loop3A_649] {strides = array<i32>} : memref<64x16xf32, #tpu.memory_space<vmem>>, vector<16xf32>,
        %parallel_loop3A_651 = vector.shape_cast %parallel_loop3A_534 : vector<16xi32> to vector<16x1xi32>
        %parallel_loop3A_652 = vector.shape_cast %parallel_loop3A_651 : vector<16x1xi32> to vector<16xi32>
        %parallel_loop3A_653 = tpu.dynamic_gather %parallel_loop3A_650[%parallel_loop3A_652] in [0] : vector<16xf32>, vector<16xi32> -> vector<16xf32>
        %parallel_loop3A_654 = arith.constant 17 : i32
        %parallel_loop3A_655 = arith.index_cast %parallel_loop3A_654 : i32 to index
        %parallel_loop3A_656 = arith.constant 0 : index
        %parallel_loop3A_657 = tpu.vector_load %arg6[%parallel_loop3A_655, %parallel_loop3A_656] {strides = array<i32>} : memref<64x16xf32, #tpu.memory_space<vmem>>, vector<16xf32>,
        %parallel_loop3A_658 = vector.shape_cast %parallel_loop3A_534 : vector<16xi32> to vector<16x1xi32>
        %parallel_loop3A_659 = vector.shape_cast %parallel_loop3A_658 : vector<16x1xi32> to vector<16xi32>
        %parallel_loop3A_660 = tpu.dynamic_gather %parallel_loop3A_657[%parallel_loop3A_659] in [0] : vector<16xf32>, vector<16xi32> -> vector<16xf32>
        %parallel_loop3A_661 = arith.constant 18 : i32
        %parallel_loop3A_662 = arith.index_cast %parallel_loop3A_661 : i32 to index
        %parallel_loop3A_663 = arith.constant 0 : index
        %parallel_loop3A_664 = tpu.vector_load %arg6[%parallel_loop3A_662, %parallel_loop3A_663] {strides = array<i32>} : memref<64x16xf32, #tpu.memory_space<vmem>>, vector<16xf32>,
        %parallel_loop3A_665 = vector.shape_cast %parallel_loop3A_534 : vector<16xi32> to vector<16x1xi32>
        %parallel_loop3A_666 = vector.shape_cast %parallel_loop3A_665 : vector<16x1xi32> to vector<16xi32>
        %parallel_loop3A_667 = tpu.dynamic_gather %parallel_loop3A_664[%parallel_loop3A_666] in [0] : vector<16xf32>, vector<16xi32> -> vector<16xf32>
        %parallel_loop3A_668 = arith.constant 19 : i32
        %parallel_loop3A_669 = arith.index_cast %parallel_loop3A_668 : i32 to index
        %parallel_loop3A_670 = arith.constant 0 : index
        %parallel_loop3A_671 = tpu.vector_load %arg6[%parallel_loop3A_669, %parallel_loop3A_670] {strides = array<i32>} : memref<64x16xf32, #tpu.memory_space<vmem>>, vector<16xf32>,
        %parallel_loop3A_672 = vector.shape_cast %parallel_loop3A_534 : vector<16xi32> to vector<16x1xi32>
        %parallel_loop3A_673 = vector.shape_cast %parallel_loop3A_672 : vector<16x1xi32> to vector<16xi32>
        %parallel_loop3A_674 = tpu.dynamic_gather %parallel_loop3A_671[%parallel_loop3A_673] in [0] : vector<16xf32>, vector<16xi32> -> vector<16xf32>
        %parallel_loop3A_675 = arith.constant 20 : i32
        %parallel_loop3A_676 = arith.index_cast %parallel_loop3A_675 : i32 to index
        %parallel_loop3A_677 = arith.constant 0 : index
        %parallel_loop3A_678 = tpu.vector_load %arg6[%parallel_loop3A_676, %parallel_loop3A_677] {strides = array<i32>} : memref<64x16xf32, #tpu.memory_space<vmem>>, vector<16xf32>,
        %parallel_loop3A_679 = vector.shape_cast %parallel_loop3A_534 : vector<16xi32> to vector<16x1xi32>
        %parallel_loop3A_680 = vector.shape_cast %parallel_loop3A_679 : vector<16x1xi32> to vector<16xi32>
        %parallel_loop3A_681 = tpu.dynamic_gather %parallel_loop3A_678[%parallel_loop3A_680] in [0] : vector<16xf32>, vector<16xi32> -> vector<16xf32>
        %parallel_loop3A_682 = arith.constant 21 : i32
        %parallel_loop3A_683 = arith.index_cast %parallel_loop3A_682 : i32 to index
        %parallel_loop3A_684 = arith.constant 0 : index
        %parallel_loop3A_685 = tpu.vector_load %arg6[%parallel_loop3A_683, %parallel_loop3A_684] {strides = array<i32>} : memref<64x16xf32, #tpu.memory_space<vmem>>, vector<16xf32>,
        %parallel_loop3A_686 = vector.shape_cast %parallel_loop3A_534 : vector<16xi32> to vector<16x1xi32>
        %parallel_loop3A_687 = vector.shape_cast %parallel_loop3A_686 : vector<16x1xi32> to vector<16xi32>
        %parallel_loop3A_688 = tpu.dynamic_gather %parallel_loop3A_685[%parallel_loop3A_687] in [0] : vector<16xf32>, vector<16xi32> -> vector<16xf32>
        %parallel_loop3A_689 = arith.constant 22 : i32
        %parallel_loop3A_690 = arith.index_cast %parallel_loop3A_689 : i32 to index
        %parallel_loop3A_691 = arith.constant 0 : index
        %parallel_loop3A_692 = tpu.vector_load %arg6[%parallel_loop3A_690, %parallel_loop3A_691] {strides = array<i32>} : memref<64x16xf32, #tpu.memory_space<vmem>>, vector<16xf32>,
        %parallel_loop3A_693 = vector.shape_cast %parallel_loop3A_534 : vector<16xi32> to vector<16x1xi32>
        %parallel_loop3A_694 = vector.shape_cast %parallel_loop3A_693 : vector<16x1xi32> to vector<16xi32>
        %parallel_loop3A_695 = tpu.dynamic_gather %parallel_loop3A_692[%parallel_loop3A_694] in [0] : vector<16xf32>, vector<16xi32> -> vector<16xf32>
        %parallel_loop3A_696 = arith.constant 23 : i32
        %parallel_loop3A_697 = arith.index_cast %parallel_loop3A_696 : i32 to index
        %parallel_loop3A_698 = arith.constant 0 : index
        %parallel_loop3A_699 = tpu.vector_load %arg6[%parallel_loop3A_697, %parallel_loop3A_698] {strides = array<i32>} : memref<64x16xf32, #tpu.memory_space<vmem>>, vector<16xf32>,
        %parallel_loop3A_700 = vector.shape_cast %parallel_loop3A_534 : vector<16xi32> to vector<16x1xi32>
        %parallel_loop3A_701 = vector.shape_cast %parallel_loop3A_700 : vector<16x1xi32> to vector<16xi32>
        %parallel_loop3A_702 = tpu.dynamic_gather %parallel_loop3A_699[%parallel_loop3A_701] in [0] : vector<16xf32>, vector<16xi32> -> vector<16xf32>
        %parallel_loop3A_703 = arith.constant 24 : i32
        %parallel_loop3A_704 = arith.index_cast %parallel_loop3A_703 : i32 to index
        %parallel_loop3A_705 = arith.constant 0 : index
        %parallel_loop3A_706 = tpu.vector_load %arg6[%parallel_loop3A_704, %parallel_loop3A_705] {strides = array<i32>} : memref<64x16xf32, #tpu.memory_space<vmem>>, vector<16xf32>,
        %parallel_loop3A_707 = vector.shape_cast %parallel_loop3A_534 : vector<16xi32> to vector<16x1xi32>
        %parallel_loop3A_708 = vector.shape_cast %parallel_loop3A_707 : vector<16x1xi32> to vector<16xi32>
        %parallel_loop3A_709 = tpu.dynamic_gather %parallel_loop3A_706[%parallel_loop3A_708] in [0] : vector<16xf32>, vector<16xi32> -> vector<16xf32>
        %parallel_loop3A_710 = arith.constant 25 : i32
        %parallel_loop3A_711 = arith.index_cast %parallel_loop3A_710 : i32 to index
        %parallel_loop3A_712 = arith.constant 0 : index
        %parallel_loop3A_713 = tpu.vector_load %arg6[%parallel_loop3A_711, %parallel_loop3A_712] {strides = array<i32>} : memref<64x16xf32, #tpu.memory_space<vmem>>, vector<16xf32>,
        %parallel_loop3A_714 = vector.shape_cast %parallel_loop3A_534 : vector<16xi32> to vector<16x1xi32>
        %parallel_loop3A_715 = vector.shape_cast %parallel_loop3A_714 : vector<16x1xi32> to vector<16xi32>
        %parallel_loop3A_716 = tpu.dynamic_gather %parallel_loop3A_713[%parallel_loop3A_715] in [0] : vector<16xf32>, vector<16xi32> -> vector<16xf32>
        %parallel_loop3A_717 = arith.constant 26 : i32
        %parallel_loop3A_718 = arith.index_cast %parallel_loop3A_717 : i32 to index
        %parallel_loop3A_719 = arith.constant 0 : index
        %parallel_loop3A_720 = tpu.vector_load %arg6[%parallel_loop3A_718, %parallel_loop3A_719] {strides = array<i32>} : memref<64x16xf32, #tpu.memory_space<vmem>>, vector<16xf32>,
        %parallel_loop3A_721 = vector.shape_cast %parallel_loop3A_534 : vector<16xi32> to vector<16x1xi32>
        %parallel_loop3A_722 = vector.shape_cast %parallel_loop3A_721 : vector<16x1xi32> to vector<16xi32>
        %parallel_loop3A_723 = tpu.dynamic_gather %parallel_loop3A_720[%parallel_loop3A_722] in [0] : vector<16xf32>, vector<16xi32> -> vector<16xf32>
        %parallel_loop3A_724 = arith.constant 27 : i32
        %parallel_loop3A_725 = arith.index_cast %parallel_loop3A_724 : i32 to index
        %parallel_loop3A_726 = arith.constant 0 : index
        %parallel_loop3A_727 = tpu.vector_load %arg6[%parallel_loop3A_725, %parallel_loop3A_726] {strides = array<i32>} : memref<64x16xf32, #tpu.memory_space<vmem>>, vector<16xf32>,
        %parallel_loop3A_728 = vector.shape_cast %parallel_loop3A_534 : vector<16xi32> to vector<16x1xi32>
        %parallel_loop3A_729 = vector.shape_cast %parallel_loop3A_728 : vector<16x1xi32> to vector<16xi32>
        %parallel_loop3A_730 = tpu.dynamic_gather %parallel_loop3A_727[%parallel_loop3A_729] in [0] : vector<16xf32>, vector<16xi32> -> vector<16xf32>
        %parallel_loop3A_731 = arith.constant 28 : i32
        %parallel_loop3A_732 = arith.index_cast %parallel_loop3A_731 : i32 to index
        %parallel_loop3A_733 = arith.constant 0 : index
        %parallel_loop3A_734 = tpu.vector_load %arg6[%parallel_loop3A_732, %parallel_loop3A_733] {strides = array<i32>} : memref<64x16xf32, #tpu.memory_space<vmem>>, vector<16xf32>,
        %parallel_loop3A_735 = vector.shape_cast %parallel_loop3A_534 : vector<16xi32> to vector<16x1xi32>
        %parallel_loop3A_736 = vector.shape_cast %parallel_loop3A_735 : vector<16x1xi32> to vector<16xi32>
        %parallel_loop3A_737 = tpu.dynamic_gather %parallel_loop3A_734[%parallel_loop3A_736] in [0] : vector<16xf32>, vector<16xi32> -> vector<16xf32>
        %parallel_loop3A_738 = arith.constant 29 : i32
        %parallel_loop3A_739 = arith.index_cast %parallel_loop3A_738 : i32 to index
        %parallel_loop3A_740 = arith.constant 0 : index
        %parallel_loop3A_741 = tpu.vector_load %arg6[%parallel_loop3A_739, %parallel_loop3A_740] {strides = array<i32>} : memref<64x16xf32, #tpu.memory_space<vmem>>, vector<16xf32>,
        %parallel_loop3A_742 = vector.shape_cast %parallel_loop3A_534 : vector<16xi32> to vector<16x1xi32>
        %parallel_loop3A_743 = vector.shape_cast %parallel_loop3A_742 : vector<16x1xi32> to vector<16xi32>
        %parallel_loop3A_744 = tpu.dynamic_gather %parallel_loop3A_741[%parallel_loop3A_743] in [0] : vector<16xf32>, vector<16xi32> -> vector<16xf32>
        %parallel_loop3A_745 = arith.constant 30 : i32
        %parallel_loop3A_746 = arith.index_cast %parallel_loop3A_745 : i32 to index
        %parallel_loop3A_747 = arith.constant 0 : index
        %parallel_loop3A_748 = tpu.vector_load %arg6[%parallel_loop3A_746, %parallel_loop3A_747] {strides = array<i32>} : memref<64x16xf32, #tpu.memory_space<vmem>>, vector<16xf32>,
        %parallel_loop3A_749 = vector.shape_cast %parallel_loop3A_534 : vector<16xi32> to vector<16x1xi32>
        %parallel_loop3A_750 = vector.shape_cast %parallel_loop3A_749 : vector<16x1xi32> to vector<16xi32>
        %parallel_loop3A_751 = tpu.dynamic_gather %parallel_loop3A_748[%parallel_loop3A_750] in [0] : vector<16xf32>, vector<16xi32> -> vector<16xf32>
        %parallel_loop3A_752 = arith.constant 31 : i32
        %parallel_loop3A_753 = arith.index_cast %parallel_loop3A_752 : i32 to index
        %parallel_loop3A_754 = arith.constant 0 : index
        %parallel_loop3A_755 = tpu.vector_load %arg6[%parallel_loop3A_753, %parallel_loop3A_754] {strides = array<i32>} : memref<64x16xf32, #tpu.memory_space<vmem>>, vector<16xf32>,
        %parallel_loop3A_756 = vector.shape_cast %parallel_loop3A_534 : vector<16xi32> to vector<16x1xi32>
        %parallel_loop3A_757 = vector.shape_cast %parallel_loop3A_756 : vector<16x1xi32> to vector<16xi32>
        %parallel_loop3A_758 = tpu.dynamic_gather %parallel_loop3A_755[%parallel_loop3A_757] in [0] : vector<16xf32>, vector<16xi32> -> vector<16xf32>
        %parallel_loop3A_759 = arith.constant 32 : i32
        %parallel_loop3A_760 = arith.index_cast %parallel_loop3A_759 : i32 to index
        %parallel_loop3A_761 = arith.constant 0 : index
        %parallel_loop3A_762 = tpu.vector_load %arg6[%parallel_loop3A_760, %parallel_loop3A_761] {strides = array<i32>} : memref<64x16xf32, #tpu.memory_space<vmem>>, vector<16xf32>,
        %parallel_loop3A_763 = vector.shape_cast %parallel_loop3A_534 : vector<16xi32> to vector<16x1xi32>
        %parallel_loop3A_764 = vector.shape_cast %parallel_loop3A_763 : vector<16x1xi32> to vector<16xi32>
        %parallel_loop3A_765 = tpu.dynamic_gather %parallel_loop3A_762[%parallel_loop3A_764] in [0] : vector<16xf32>, vector<16xi32> -> vector<16xf32>
        %parallel_loop3A_766 = arith.constant 33 : i32
        %parallel_loop3A_767 = arith.index_cast %parallel_loop3A_766 : i32 to index
        %parallel_loop3A_768 = arith.constant 0 : index
        %parallel_loop3A_769 = tpu.vector_load %arg6[%parallel_loop3A_767, %parallel_loop3A_768] {strides = array<i32>} : memref<64x16xf32, #tpu.memory_space<vmem>>, vector<16xf32>,
        %parallel_loop3A_770 = vector.shape_cast %parallel_loop3A_534 : vector<16xi32> to vector<16x1xi32>
        %parallel_loop3A_771 = vector.shape_cast %parallel_loop3A_770 : vector<16x1xi32> to vector<16xi32>
        %parallel_loop3A_772 = tpu.dynamic_gather %parallel_loop3A_769[%parallel_loop3A_771] in [0] : vector<16xf32>, vector<16xi32> -> vector<16xf32>
        %parallel_loop3A_773 = arith.constant 34 : i32
        %parallel_loop3A_774 = arith.index_cast %parallel_loop3A_773 : i32 to index
        %parallel_loop3A_775 = arith.constant 0 : index
        %parallel_loop3A_776 = tpu.vector_load %arg6[%parallel_loop3A_774, %parallel_loop3A_775] {strides = array<i32>} : memref<64x16xf32, #tpu.memory_space<vmem>>, vector<16xf32>,
        %parallel_loop3A_777 = vector.shape_cast %parallel_loop3A_534 : vector<16xi32> to vector<16x1xi32>
        %parallel_loop3A_778 = vector.shape_cast %parallel_loop3A_777 : vector<16x1xi32> to vector<16xi32>
        %parallel_loop3A_779 = tpu.dynamic_gather %parallel_loop3A_776[%parallel_loop3A_778] in [0] : vector<16xf32>, vector<16xi32> -> vector<16xf32>
        %parallel_loop3A_780 = arith.constant 35 : i32
        %parallel_loop3A_781 = arith.index_cast %parallel_loop3A_780 : i32 to index
        %parallel_loop3A_782 = arith.constant 0 : index
        %parallel_loop3A_783 = tpu.vector_load %arg6[%parallel_loop3A_781, %parallel_loop3A_782] {strides = array<i32>} : memref<64x16xf32, #tpu.memory_space<vmem>>, vector<16xf32>,
        %parallel_loop3A_784 = vector.shape_cast %parallel_loop3A_534 : vector<16xi32> to vector<16x1xi32>
        %parallel_loop3A_785 = vector.shape_cast %parallel_loop3A_784 : vector<16x1xi32> to vector<16xi32>
        %parallel_loop3A_786 = tpu.dynamic_gather %parallel_loop3A_783[%parallel_loop3A_785] in [0] : vector<16xf32>, vector<16xi32> -> vector<16xf32>
        %parallel_loop3A_787 = arith.constant 36 : i32
        %parallel_loop3A_788 = arith.index_cast %parallel_loop3A_787 : i32 to index
        %parallel_loop3A_789 = arith.constant 0 : index
        %parallel_loop3A_790 = tpu.vector_load %arg6[%parallel_loop3A_788, %parallel_loop3A_789] {strides = array<i32>} : memref<64x16xf32, #tpu.memory_space<vmem>>, vector<16xf32>,
        %parallel_loop3A_791 = vector.shape_cast %parallel_loop3A_534 : vector<16xi32> to vector<16x1xi32>
        %parallel_loop3A_792 = vector.shape_cast %parallel_loop3A_791 : vector<16x1xi32> to vector<16xi32>
        %parallel_loop3A_793 = tpu.dynamic_gather %parallel_loop3A_790[%parallel_loop3A_792] in [0] : vector<16xf32>, vector<16xi32> -> vector<16xf32>
        %parallel_loop3A_794 = arith.constant 37 : i32
        %parallel_loop3A_795 = arith.index_cast %parallel_loop3A_794 : i32 to index
        %parallel_loop3A_796 = arith.constant 0 : index
        %parallel_loop3A_797 = tpu.vector_load %arg6[%parallel_loop3A_795, %parallel_loop3A_796] {strides = array<i32>} : memref<64x16xf32, #tpu.memory_space<vmem>>, vector<16xf32>,
        %parallel_loop3A_798 = vector.shape_cast %parallel_loop3A_534 : vector<16xi32> to vector<16x1xi32>
        %parallel_loop3A_799 = vector.shape_cast %parallel_loop3A_798 : vector<16x1xi32> to vector<16xi32>
        %parallel_loop3A_800 = tpu.dynamic_gather %parallel_loop3A_797[%parallel_loop3A_799] in [0] : vector<16xf32>, vector<16xi32> -> vector<16xf32>
        %parallel_loop3A_801 = arith.constant 38 : i32
        %parallel_loop3A_802 = arith.index_cast %parallel_loop3A_801 : i32 to index
        %parallel_loop3A_803 = arith.constant 0 : index
        %parallel_loop3A_804 = tpu.vector_load %arg6[%parallel_loop3A_802, %parallel_loop3A_803] {strides = array<i32>} : memref<64x16xf32, #tpu.memory_space<vmem>>, vector<16xf32>,
        %parallel_loop3A_805 = vector.shape_cast %parallel_loop3A_534 : vector<16xi32> to vector<16x1xi32>
        %parallel_loop3A_806 = vector.shape_cast %parallel_loop3A_805 : vector<16x1xi32> to vector<16xi32>
        %parallel_loop3A_807 = tpu.dynamic_gather %parallel_loop3A_804[%parallel_loop3A_806] in [0] : vector<16xf32>, vector<16xi32> -> vector<16xf32>
        %parallel_loop3A_808 = arith.constant 39 : i32
        %parallel_loop3A_809 = arith.index_cast %parallel_loop3A_808 : i32 to index
        %parallel_loop3A_810 = arith.constant 0 : index
        %parallel_loop3A_811 = tpu.vector_load %arg6[%parallel_loop3A_809, %parallel_loop3A_810] {strides = array<i32>} : memref<64x16xf32, #tpu.memory_space<vmem>>, vector<16xf32>,
        %parallel_loop3A_812 = vector.shape_cast %parallel_loop3A_534 : vector<16xi32> to vector<16x1xi32>
        %parallel_loop3A_813 = vector.shape_cast %parallel_loop3A_812 : vector<16x1xi32> to vector<16xi32>
        %parallel_loop3A_814 = tpu.dynamic_gather %parallel_loop3A_811[%parallel_loop3A_813] in [0] : vector<16xf32>, vector<16xi32> -> vector<16xf32>
        %parallel_loop3A_815 = arith.constant 40 : i32
        %parallel_loop3A_816 = arith.index_cast %parallel_loop3A_815 : i32 to index
        %parallel_loop3A_817 = arith.constant 0 : index
        %parallel_loop3A_818 = tpu.vector_load %arg6[%parallel_loop3A_816, %parallel_loop3A_817] {strides = array<i32>} : memref<64x16xf32, #tpu.memory_space<vmem>>, vector<16xf32>,
        %parallel_loop3A_819 = vector.shape_cast %parallel_loop3A_534 : vector<16xi32> to vector<16x1xi32>
        %parallel_loop3A_820 = vector.shape_cast %parallel_loop3A_819 : vector<16x1xi32> to vector<16xi32>
        %parallel_loop3A_821 = tpu.dynamic_gather %parallel_loop3A_818[%parallel_loop3A_820] in [0] : vector<16xf32>, vector<16xi32> -> vector<16xf32>
        %parallel_loop3A_822 = arith.constant 41 : i32
        %parallel_loop3A_823 = arith.index_cast %parallel_loop3A_822 : i32 to index
        %parallel_loop3A_824 = arith.constant 0 : index
        %parallel_loop3A_825 = tpu.vector_load %arg6[%parallel_loop3A_823, %parallel_loop3A_824] {strides = array<i32>} : memref<64x16xf32, #tpu.memory_space<vmem>>, vector<16xf32>,
        %parallel_loop3A_826 = vector.shape_cast %parallel_loop3A_534 : vector<16xi32> to vector<16x1xi32>
        %parallel_loop3A_827 = vector.shape_cast %parallel_loop3A_826 : vector<16x1xi32> to vector<16xi32>
        %parallel_loop3A_828 = tpu.dynamic_gather %parallel_loop3A_825[%parallel_loop3A_827] in [0] : vector<16xf32>, vector<16xi32> -> vector<16xf32>
        %parallel_loop3A_829 = arith.constant 42 : i32
        %parallel_loop3A_830 = arith.index_cast %parallel_loop3A_829 : i32 to index
        %parallel_loop3A_831 = arith.constant 0 : index
        %parallel_loop3A_832 = tpu.vector_load %arg6[%parallel_loop3A_830, %parallel_loop3A_831] {strides = array<i32>} : memref<64x16xf32, #tpu.memory_space<vmem>>, vector<16xf32>,
        %parallel_loop3A_833 = vector.shape_cast %parallel_loop3A_534 : vector<16xi32> to vector<16x1xi32>
        %parallel_loop3A_834 = vector.shape_cast %parallel_loop3A_833 : vector<16x1xi32> to vector<16xi32>
        %parallel_loop3A_835 = tpu.dynamic_gather %parallel_loop3A_832[%parallel_loop3A_834] in [0] : vector<16xf32>, vector<16xi32> -> vector<16xf32>
        %parallel_loop3A_836 = arith.constant 43 : i32
        %parallel_loop3A_837 = arith.index_cast %parallel_loop3A_836 : i32 to index
        %parallel_loop3A_838 = arith.constant 0 : index
        %parallel_loop3A_839 = tpu.vector_load %arg6[%parallel_loop3A_837, %parallel_loop3A_838] {strides = array<i32>} : memref<64x16xf32, #tpu.memory_space<vmem>>, vector<16xf32>,
        %parallel_loop3A_840 = vector.shape_cast %parallel_loop3A_534 : vector<16xi32> to vector<16x1xi32>
        %parallel_loop3A_841 = vector.shape_cast %parallel_loop3A_840 : vector<16x1xi32> to vector<16xi32>
        %parallel_loop3A_842 = tpu.dynamic_gather %parallel_loop3A_839[%parallel_loop3A_841] in [0] : vector<16xf32>, vector<16xi32> -> vector<16xf32>
        %parallel_loop3A_843 = arith.constant 44 : i32
        %parallel_loop3A_844 = arith.index_cast %parallel_loop3A_843 : i32 to index
        %parallel_loop3A_845 = arith.constant 0 : index
        %parallel_loop3A_846 = tpu.vector_load %arg6[%parallel_loop3A_844, %parallel_loop3A_845] {strides = array<i32>} : memref<64x16xf32, #tpu.memory_space<vmem>>, vector<16xf32>,
        %parallel_loop3A_847 = vector.shape_cast %parallel_loop3A_534 : vector<16xi32> to vector<16x1xi32>
        %parallel_loop3A_848 = vector.shape_cast %parallel_loop3A_847 : vector<16x1xi32> to vector<16xi32>
        %parallel_loop3A_849 = tpu.dynamic_gather %parallel_loop3A_846[%parallel_loop3A_848] in [0] : vector<16xf32>, vector<16xi32> -> vector<16xf32>
        %parallel_loop3A_850 = arith.constant 45 : i32
        %parallel_loop3A_851 = arith.index_cast %parallel_loop3A_850 : i32 to index
        %parallel_loop3A_852 = arith.constant 0 : index
        %parallel_loop3A_853 = tpu.vector_load %arg6[%parallel_loop3A_851, %parallel_loop3A_852] {strides = array<i32>} : memref<64x16xf32, #tpu.memory_space<vmem>>, vector<16xf32>,
        %parallel_loop3A_854 = vector.shape_cast %parallel_loop3A_534 : vector<16xi32> to vector<16x1xi32>
        %parallel_loop3A_855 = vector.shape_cast %parallel_loop3A_854 : vector<16x1xi32> to vector<16xi32>
        %parallel_loop3A_856 = tpu.dynamic_gather %parallel_loop3A_853[%parallel_loop3A_855] in [0] : vector<16xf32>, vector<16xi32> -> vector<16xf32>
        %parallel_loop3A_857 = arith.constant 46 : i32
        %parallel_loop3A_858 = arith.index_cast %parallel_loop3A_857 : i32 to index
        %parallel_loop3A_859 = arith.constant 0 : index
        %parallel_loop3A_860 = tpu.vector_load %arg6[%parallel_loop3A_858, %parallel_loop3A_859] {strides = array<i32>} : memref<64x16xf32, #tpu.memory_space<vmem>>, vector<16xf32>,
        %parallel_loop3A_861 = vector.shape_cast %parallel_loop3A_534 : vector<16xi32> to vector<16x1xi32>
        %parallel_loop3A_862 = vector.shape_cast %parallel_loop3A_861 : vector<16x1xi32> to vector<16xi32>
        %parallel_loop3A_863 = tpu.dynamic_gather %parallel_loop3A_860[%parallel_loop3A_862] in [0] : vector<16xf32>, vector<16xi32> -> vector<16xf32>
        %parallel_loop3A_864 = arith.constant 47 : i32
        %parallel_loop3A_865 = arith.index_cast %parallel_loop3A_864 : i32 to index
        %parallel_loop3A_866 = arith.constant 0 : index
        %parallel_loop3A_867 = tpu.vector_load %arg6[%parallel_loop3A_865, %parallel_loop3A_866] {strides = array<i32>} : memref<64x16xf32, #tpu.memory_space<vmem>>, vector<16xf32>,
        %parallel_loop3A_868 = vector.shape_cast %parallel_loop3A_534 : vector<16xi32> to vector<16x1xi32>
        %parallel_loop3A_869 = vector.shape_cast %parallel_loop3A_868 : vector<16x1xi32> to vector<16xi32>
        %parallel_loop3A_870 = tpu.dynamic_gather %parallel_loop3A_867[%parallel_loop3A_869] in [0] : vector<16xf32>, vector<16xi32> -> vector<16xf32>
        %parallel_loop3A_871 = arith.constant 48 : i32
        %parallel_loop3A_872 = arith.index_cast %parallel_loop3A_871 : i32 to index
        %parallel_loop3A_873 = arith.constant 0 : index
        %parallel_loop3A_874 = tpu.vector_load %arg6[%parallel_loop3A_872, %parallel_loop3A_873] {strides = array<i32>} : memref<64x16xf32, #tpu.memory_space<vmem>>, vector<16xf32>,
        %parallel_loop3A_875 = vector.shape_cast %parallel_loop3A_534 : vector<16xi32> to vector<16x1xi32>
        %parallel_loop3A_876 = vector.shape_cast %parallel_loop3A_875 : vector<16x1xi32> to vector<16xi32>
        %parallel_loop3A_877 = tpu.dynamic_gather %parallel_loop3A_874[%parallel_loop3A_876] in [0] : vector<16xf32>, vector<16xi32> -> vector<16xf32>
        %parallel_loop3A_878 = arith.constant 49 : i32
        %parallel_loop3A_879 = arith.index_cast %parallel_loop3A_878 : i32 to index
        %parallel_loop3A_880 = arith.constant 0 : index
        %parallel_loop3A_881 = tpu.vector_load %arg6[%parallel_loop3A_879, %parallel_loop3A_880] {strides = array<i32>} : memref<64x16xf32, #tpu.memory_space<vmem>>, vector<16xf32>,
        %parallel_loop3A_882 = vector.shape_cast %parallel_loop3A_534 : vector<16xi32> to vector<16x1xi32>
        %parallel_loop3A_883 = vector.shape_cast %parallel_loop3A_882 : vector<16x1xi32> to vector<16xi32>
        %parallel_loop3A_884 = tpu.dynamic_gather %parallel_loop3A_881[%parallel_loop3A_883] in [0] : vector<16xf32>, vector<16xi32> -> vector<16xf32>
        %parallel_loop3A_885 = arith.constant 50 : i32
        %parallel_loop3A_886 = arith.index_cast %parallel_loop3A_885 : i32 to index
        %parallel_loop3A_887 = arith.constant 0 : index
        %parallel_loop3A_888 = tpu.vector_load %arg6[%parallel_loop3A_886, %parallel_loop3A_887] {strides = array<i32>} : memref<64x16xf32, #tpu.memory_space<vmem>>, vector<16xf32>,
        %parallel_loop3A_889 = vector.shape_cast %parallel_loop3A_534 : vector<16xi32> to vector<16x1xi32>
        %parallel_loop3A_890 = vector.shape_cast %parallel_loop3A_889 : vector<16x1xi32> to vector<16xi32>
        %parallel_loop3A_891 = tpu.dynamic_gather %parallel_loop3A_888[%parallel_loop3A_890] in [0] : vector<16xf32>, vector<16xi32> -> vector<16xf32>
        %parallel_loop3A_892 = arith.constant 51 : i32
        %parallel_loop3A_893 = arith.index_cast %parallel_loop3A_892 : i32 to index
        %parallel_loop3A_894 = arith.constant 0 : index
        %parallel_loop3A_895 = tpu.vector_load %arg6[%parallel_loop3A_893, %parallel_loop3A_894] {strides = array<i32>} : memref<64x16xf32, #tpu.memory_space<vmem>>, vector<16xf32>,
        %parallel_loop3A_896 = vector.shape_cast %parallel_loop3A_534 : vector<16xi32> to vector<16x1xi32>
        %parallel_loop3A_897 = vector.shape_cast %parallel_loop3A_896 : vector<16x1xi32> to vector<16xi32>
        %parallel_loop3A_898 = tpu.dynamic_gather %parallel_loop3A_895[%parallel_loop3A_897] in [0] : vector<16xf32>, vector<16xi32> -> vector<16xf32>
        %parallel_loop3A_899 = arith.constant 52 : i32
        %parallel_loop3A_900 = arith.index_cast %parallel_loop3A_899 : i32 to index
        %parallel_loop3A_901 = arith.constant 0 : index
        %parallel_loop3A_902 = tpu.vector_load %arg6[%parallel_loop3A_900, %parallel_loop3A_901] {strides = array<i32>} : memref<64x16xf32, #tpu.memory_space<vmem>>, vector<16xf32>,
        %parallel_loop3A_903 = vector.shape_cast %parallel_loop3A_534 : vector<16xi32> to vector<16x1xi32>
        %parallel_loop3A_904 = vector.shape_cast %parallel_loop3A_903 : vector<16x1xi32> to vector<16xi32>
        %parallel_loop3A_905 = tpu.dynamic_gather %parallel_loop3A_902[%parallel_loop3A_904] in [0] : vector<16xf32>, vector<16xi32> -> vector<16xf32>
        %parallel_loop3A_906 = arith.constant 53 : i32
        %parallel_loop3A_907 = arith.index_cast %parallel_loop3A_906 : i32 to index
        %parallel_loop3A_908 = arith.constant 0 : index
        %parallel_loop3A_909 = tpu.vector_load %arg6[%parallel_loop3A_907, %parallel_loop3A_908] {strides = array<i32>} : memref<64x16xf32, #tpu.memory_space<vmem>>, vector<16xf32>,
        %parallel_loop3A_910 = vector.shape_cast %parallel_loop3A_534 : vector<16xi32> to vector<16x1xi32>
        %parallel_loop3A_911 = vector.shape_cast %parallel_loop3A_910 : vector<16x1xi32> to vector<16xi32>
        %parallel_loop3A_912 = tpu.dynamic_gather %parallel_loop3A_909[%parallel_loop3A_911] in [0] : vector<16xf32>, vector<16xi32> -> vector<16xf32>
        %parallel_loop3A_913 = arith.constant 54 : i32
        %parallel_loop3A_914 = arith.index_cast %parallel_loop3A_913 : i32 to index
        %parallel_loop3A_915 = arith.constant 0 : index
        %parallel_loop3A_916 = tpu.vector_load %arg6[%parallel_loop3A_914, %parallel_loop3A_915] {strides = array<i32>} : memref<64x16xf32, #tpu.memory_space<vmem>>, vector<16xf32>,
        %parallel_loop3A_917 = vector.shape_cast %parallel_loop3A_534 : vector<16xi32> to vector<16x1xi32>
        %parallel_loop3A_918 = vector.shape_cast %parallel_loop3A_917 : vector<16x1xi32> to vector<16xi32>
        %parallel_loop3A_919 = tpu.dynamic_gather %parallel_loop3A_916[%parallel_loop3A_918] in [0] : vector<16xf32>, vector<16xi32> -> vector<16xf32>
        %parallel_loop3A_920 = arith.constant 55 : i32
        %parallel_loop3A_921 = arith.index_cast %parallel_loop3A_920 : i32 to index
        %parallel_loop3A_922 = arith.constant 0 : index
        %parallel_loop3A_923 = tpu.vector_load %arg6[%parallel_loop3A_921, %parallel_loop3A_922] {strides = array<i32>} : memref<64x16xf32, #tpu.memory_space<vmem>>, vector<16xf32>,
        %parallel_loop3A_924 = vector.shape_cast %parallel_loop3A_534 : vector<16xi32> to vector<16x1xi32>
        %parallel_loop3A_925 = vector.shape_cast %parallel_loop3A_924 : vector<16x1xi32> to vector<16xi32>
        %parallel_loop3A_926 = tpu.dynamic_gather %parallel_loop3A_923[%parallel_loop3A_925] in [0] : vector<16xf32>, vector<16xi32> -> vector<16xf32>
        %parallel_loop3A_927 = arith.constant 56 : i32
        %parallel_loop3A_928 = arith.index_cast %parallel_loop3A_927 : i32 to index
        %parallel_loop3A_929 = arith.constant 0 : index
        %parallel_loop3A_930 = tpu.vector_load %arg6[%parallel_loop3A_928, %parallel_loop3A_929] {strides = array<i32>} : memref<64x16xf32, #tpu.memory_space<vmem>>, vector<16xf32>,
        %parallel_loop3A_931 = vector.shape_cast %parallel_loop3A_534 : vector<16xi32> to vector<16x1xi32>
        %parallel_loop3A_932 = vector.shape_cast %parallel_loop3A_931 : vector<16x1xi32> to vector<16xi32>
        %parallel_loop3A_933 = tpu.dynamic_gather %parallel_loop3A_930[%parallel_loop3A_932] in [0] : vector<16xf32>, vector<16xi32> -> vector<16xf32>
        %parallel_loop3A_934 = arith.constant 57 : i32
        %parallel_loop3A_935 = arith.index_cast %parallel_loop3A_934 : i32 to index
        %parallel_loop3A_936 = arith.constant 0 : index
        %parallel_loop3A_937 = tpu.vector_load %arg6[%parallel_loop3A_935, %parallel_loop3A_936] {strides = array<i32>} : memref<64x16xf32, #tpu.memory_space<vmem>>, vector<16xf32>,
        %parallel_loop3A_938 = vector.shape_cast %parallel_loop3A_534 : vector<16xi32> to vector<16x1xi32>
        %parallel_loop3A_939 = vector.shape_cast %parallel_loop3A_938 : vector<16x1xi32> to vector<16xi32>
        %parallel_loop3A_940 = tpu.dynamic_gather %parallel_loop3A_937[%parallel_loop3A_939] in [0] : vector<16xf32>, vector<16xi32> -> vector<16xf32>
        %parallel_loop3A_941 = arith.constant 58 : i32
        %parallel_loop3A_942 = arith.index_cast %parallel_loop3A_941 : i32 to index
        %parallel_loop3A_943 = arith.constant 0 : index
        %parallel_loop3A_944 = tpu.vector_load %arg6[%parallel_loop3A_942, %parallel_loop3A_943] {strides = array<i32>} : memref<64x16xf32, #tpu.memory_space<vmem>>, vector<16xf32>,
        %parallel_loop3A_945 = vector.shape_cast %parallel_loop3A_534 : vector<16xi32> to vector<16x1xi32>
        %parallel_loop3A_946 = vector.shape_cast %parallel_loop3A_945 : vector<16x1xi32> to vector<16xi32>
        %parallel_loop3A_947 = tpu.dynamic_gather %parallel_loop3A_944[%parallel_loop3A_946] in [0] : vector<16xf32>, vector<16xi32> -> vector<16xf32>
        %parallel_loop3A_948 = arith.constant 59 : i32
        %parallel_loop3A_949 = arith.index_cast %parallel_loop3A_948 : i32 to index
        %parallel_loop3A_950 = arith.constant 0 : index
        %parallel_loop3A_951 = tpu.vector_load %arg6[%parallel_loop3A_949, %parallel_loop3A_950] {strides = array<i32>} : memref<64x16xf32, #tpu.memory_space<vmem>>, vector<16xf32>,
        %parallel_loop3A_952 = vector.shape_cast %parallel_loop3A_534 : vector<16xi32> to vector<16x1xi32>
        %parallel_loop3A_953 = vector.shape_cast %parallel_loop3A_952 : vector<16x1xi32> to vector<16xi32>
        %parallel_loop3A_954 = tpu.dynamic_gather %parallel_loop3A_951[%parallel_loop3A_953] in [0] : vector<16xf32>, vector<16xi32> -> vector<16xf32>
        %parallel_loop3A_955 = arith.constant 60 : i32
        %parallel_loop3A_956 = arith.index_cast %parallel_loop3A_955 : i32 to index
        %parallel_loop3A_957 = arith.constant 0 : index
        %parallel_loop3A_958 = tpu.vector_load %arg6[%parallel_loop3A_956, %parallel_loop3A_957] {strides = array<i32>} : memref<64x16xf32, #tpu.memory_space<vmem>>, vector<16xf32>,
        %parallel_loop3A_959 = vector.shape_cast %parallel_loop3A_534 : vector<16xi32> to vector<16x1xi32>
        %parallel_loop3A_960 = vector.shape_cast %parallel_loop3A_959 : vector<16x1xi32> to vector<16xi32>
        %parallel_loop3A_961 = tpu.dynamic_gather %parallel_loop3A_958[%parallel_loop3A_960] in [0] : vector<16xf32>, vector<16xi32> -> vector<16xf32>
        %parallel_loop3A_962 = arith.constant 61 : i32
        %parallel_loop3A_963 = arith.index_cast %parallel_loop3A_962 : i32 to index
        %parallel_loop3A_964 = arith.constant 0 : index
        %parallel_loop3A_965 = tpu.vector_load %arg6[%parallel_loop3A_963, %parallel_loop3A_964] {strides = array<i32>} : memref<64x16xf32, #tpu.memory_space<vmem>>, vector<16xf32>,
        %parallel_loop3A_966 = vector.shape_cast %parallel_loop3A_534 : vector<16xi32> to vector<16x1xi32>
        %parallel_loop3A_967 = vector.shape_cast %parallel_loop3A_966 : vector<16x1xi32> to vector<16xi32>
        %parallel_loop3A_968 = tpu.dynamic_gather %parallel_loop3A_965[%parallel_loop3A_967] in [0] : vector<16xf32>, vector<16xi32> -> vector<16xf32>
        %parallel_loop3A_969 = arith.constant 62 : i32
        %parallel_loop3A_970 = arith.index_cast %parallel_loop3A_969 : i32 to index
        %parallel_loop3A_971 = arith.constant 0 : index
        %parallel_loop3A_972 = tpu.vector_load %arg6[%parallel_loop3A_970, %parallel_loop3A_971] {strides = array<i32>} : memref<64x16xf32, #tpu.memory_space<vmem>>, vector<16xf32>,
        %parallel_loop3A_973 = vector.shape_cast %parallel_loop3A_534 : vector<16xi32> to vector<16x1xi32>
        %parallel_loop3A_974 = vector.shape_cast %parallel_loop3A_973 : vector<16x1xi32> to vector<16xi32>
        %parallel_loop3A_975 = tpu.dynamic_gather %parallel_loop3A_972[%parallel_loop3A_974] in [0] : vector<16xf32>, vector<16xi32> -> vector<16xf32>
        %parallel_loop3A_976 = arith.constant 63 : i32
        %parallel_loop3A_977 = arith.index_cast %parallel_loop3A_976 : i32 to index
        %parallel_loop3A_978 = arith.constant 0 : index
        %parallel_loop3A_979 = tpu.vector_load %arg6[%parallel_loop3A_977, %parallel_loop3A_978] {strides = array<i32>} : memref<64x16xf32, #tpu.memory_space<vmem>>, vector<16xf32>,
        %parallel_loop3A_980 = vector.shape_cast %parallel_loop3A_534 : vector<16xi32> to vector<16x1xi32>
        %parallel_loop3A_981 = vector.shape_cast %parallel_loop3A_980 : vector<16x1xi32> to vector<16xi32>
        %parallel_loop3A_982 = tpu.dynamic_gather %parallel_loop3A_979[%parallel_loop3A_981] in [0] : vector<16xf32>, vector<16xi32> -> vector<16xf32>
        %parallel_loop3A_983 = arith.constant 16 : i32
        %parallel_loop3A_984 = arith.muli %parallel_loop3A_530, %parallel_loop3A_983 : i32
        %parallel_loop3A_985 = arith.constant 0 : i32
        %parallel_loop3A_986 = arith.index_cast %parallel_loop3A_985 : i32 to index
        %parallel_loop3A_987 = arith.index_cast %parallel_loop3A_984 : i32 to index
        %parallel_loop3A_988 = tpu.vector_load %arg10[%parallel_loop3A_986, %parallel_loop3A_987] {strides = array<i32>} : memref<64x512xf32, #tpu.memory_space<vmem>>, vector<16xf32>,
        tpu.vector_store %arg10[%parallel_loop3A_986, %parallel_loop3A_987], %parallel_loop3A_541 {strides = array<i32>} : memref<64x512xf32, #tpu.memory_space<vmem>>, vector<16xf32>,
        %parallel_loop3A_989 = arith.constant 16 : i32
        %parallel_loop3A_990 = arith.muli %parallel_loop3A_530, %parallel_loop3A_989 : i32
        %parallel_loop3A_991 = arith.constant 1 : i32
        %parallel_loop3A_992 = arith.index_cast %parallel_loop3A_991 : i32 to index
        %parallel_loop3A_993 = arith.index_cast %parallel_loop3A_990 : i32 to index
        %parallel_loop3A_994 = tpu.vector_load %arg10[%parallel_loop3A_992, %parallel_loop3A_993] {strides = array<i32>} : memref<64x512xf32, #tpu.memory_space<vmem>>, vector<16xf32>,
        tpu.vector_store %arg10[%parallel_loop3A_992, %parallel_loop3A_993], %parallel_loop3A_548 {strides = array<i32>} : memref<64x512xf32, #tpu.memory_space<vmem>>, vector<16xf32>,
        %parallel_loop3A_995 = arith.constant 16 : i32
        %parallel_loop3A_996 = arith.muli %parallel_loop3A_530, %parallel_loop3A_995 : i32
        %parallel_loop3A_997 = arith.constant 2 : i32
        %parallel_loop3A_998 = arith.index_cast %parallel_loop3A_997 : i32 to index
        %parallel_loop3A_999 = arith.index_cast %parallel_loop3A_996 : i32 to index
        %parallel_loop3A_1000 = tpu.vector_load %arg10[%parallel_loop3A_998, %parallel_loop3A_999] {strides = array<i32>} : memref<64x512xf32, #tpu.memory_space<vmem>>, vector<16xf32>,
        tpu.vector_store %arg10[%parallel_loop3A_998, %parallel_loop3A_999], %parallel_loop3A_555 {strides = array<i32>} : memref<64x512xf32, #tpu.memory_space<vmem>>, vector<16xf32>,
        %parallel_loop3A_1001 = arith.constant 16 : i32
        %parallel_loop3A_1002 = arith.muli %parallel_loop3A_530, %parallel_loop3A_1001 : i32
        %parallel_loop3A_1003 = arith.constant 3 : i32
        %parallel_loop3A_1004 = arith.index_cast %parallel_loop3A_1003 : i32 to index
        %parallel_loop3A_1005 = arith.index_cast %parallel_loop3A_1002 : i32 to index
        %parallel_loop3A_1006 = tpu.vector_load %arg10[%parallel_loop3A_1004, %parallel_loop3A_1005] {strides = array<i32>} : memref<64x512xf32, #tpu.memory_space<vmem>>, vector<16xf32>,
        tpu.vector_store %arg10[%parallel_loop3A_1004, %parallel_loop3A_1005], %parallel_loop3A_562 {strides = array<i32>} : memref<64x512xf32, #tpu.memory_space<vmem>>, vector<16xf32>,
        %parallel_loop3A_1007 = arith.constant 16 : i32
        %parallel_loop3A_1008 = arith.muli %parallel_loop3A_530, %parallel_loop3A_1007 : i32
        %parallel_loop3A_1009 = arith.constant 4 : i32
        %parallel_loop3A_1010 = arith.index_cast %parallel_loop3A_1009 : i32 to index
        %parallel_loop3A_1011 = arith.index_cast %parallel_loop3A_1008 : i32 to index
        %parallel_loop3A_1012 = tpu.vector_load %arg10[%parallel_loop3A_1010, %parallel_loop3A_1011] {strides = array<i32>} : memref<64x512xf32, #tpu.memory_space<vmem>>, vector<16xf32>,
        tpu.vector_store %arg10[%parallel_loop3A_1010, %parallel_loop3A_1011], %parallel_loop3A_569 {strides = array<i32>} : memref<64x512xf32, #tpu.memory_space<vmem>>, vector<16xf32>,
        %parallel_loop3A_1013 = arith.constant 16 : i32
        %parallel_loop3A_1014 = arith.muli %parallel_loop3A_530, %parallel_loop3A_1013 : i32
        %parallel_loop3A_1015 = arith.constant 5 : i32
        %parallel_loop3A_1016 = arith.index_cast %parallel_loop3A_1015 : i32 to index
        %parallel_loop3A_1017 = arith.index_cast %parallel_loop3A_1014 : i32 to index
        %parallel_loop3A_1018 = tpu.vector_load %arg10[%parallel_loop3A_1016, %parallel_loop3A_1017] {strides = array<i32>} : memref<64x512xf32, #tpu.memory_space<vmem>>, vector<16xf32>,
        tpu.vector_store %arg10[%parallel_loop3A_1016, %parallel_loop3A_1017], %parallel_loop3A_576 {strides = array<i32>} : memref<64x512xf32, #tpu.memory_space<vmem>>, vector<16xf32>,
        %parallel_loop3A_1019 = arith.constant 16 : i32
        %parallel_loop3A_1020 = arith.muli %parallel_loop3A_530, %parallel_loop3A_1019 : i32
        %parallel_loop3A_1021 = arith.constant 6 : i32
        %parallel_loop3A_1022 = arith.index_cast %parallel_loop3A_1021 : i32 to index
        %parallel_loop3A_1023 = arith.index_cast %parallel_loop3A_1020 : i32 to index
        %parallel_loop3A_1024 = tpu.vector_load %arg10[%parallel_loop3A_1022, %parallel_loop3A_1023] {strides = array<i32>} : memref<64x512xf32, #tpu.memory_space<vmem>>, vector<16xf32>,
        tpu.vector_store %arg10[%parallel_loop3A_1022, %parallel_loop3A_1023], %parallel_loop3A_583 {strides = array<i32>} : memref<64x512xf32, #tpu.memory_space<vmem>>, vector<16xf32>,
        %parallel_loop3A_1025 = arith.constant 16 : i32
        %parallel_loop3A_1026 = arith.muli %parallel_loop3A_530, %parallel_loop3A_1025 : i32
        %parallel_loop3A_1027 = arith.constant 7 : i32
        %parallel_loop3A_1028 = arith.index_cast %parallel_loop3A_1027 : i32 to index
        %parallel_loop3A_1029 = arith.index_cast %parallel_loop3A_1026 : i32 to index
        %parallel_loop3A_1030 = tpu.vector_load %arg10[%parallel_loop3A_1028, %parallel_loop3A_1029] {strides = array<i32>} : memref<64x512xf32, #tpu.memory_space<vmem>>, vector<16xf32>,
        tpu.vector_store %arg10[%parallel_loop3A_1028, %parallel_loop3A_1029], %parallel_loop3A_590 {strides = array<i32>} : memref<64x512xf32, #tpu.memory_space<vmem>>, vector<16xf32>,
        %parallel_loop3A_1031 = arith.constant 16 : i32
        %parallel_loop3A_1032 = arith.muli %parallel_loop3A_530, %parallel_loop3A_1031 : i32
        %parallel_loop3A_1033 = arith.constant 8 : i32
        %parallel_loop3A_1034 = arith.index_cast %parallel_loop3A_1033 : i32 to index
        %parallel_loop3A_1035 = arith.index_cast %parallel_loop3A_1032 : i32 to index
        %parallel_loop3A_1036 = tpu.vector_load %arg10[%parallel_loop3A_1034, %parallel_loop3A_1035] {strides = array<i32>} : memref<64x512xf32, #tpu.memory_space<vmem>>, vector<16xf32>,
        tpu.vector_store %arg10[%parallel_loop3A_1034, %parallel_loop3A_1035], %parallel_loop3A_597 {strides = array<i32>} : memref<64x512xf32, #tpu.memory_space<vmem>>, vector<16xf32>,
        %parallel_loop3A_1037 = arith.constant 16 : i32
        %parallel_loop3A_1038 = arith.muli %parallel_loop3A_530, %parallel_loop3A_1037 : i32
        %parallel_loop3A_1039 = arith.constant 9 : i32
        %parallel_loop3A_1040 = arith.index_cast %parallel_loop3A_1039 : i32 to index
        %parallel_loop3A_1041 = arith.index_cast %parallel_loop3A_1038 : i32 to index
        %parallel_loop3A_1042 = tpu.vector_load %arg10[%parallel_loop3A_1040, %parallel_loop3A_1041] {strides = array<i32>} : memref<64x512xf32, #tpu.memory_space<vmem>>, vector<16xf32>,
        tpu.vector_store %arg10[%parallel_loop3A_1040, %parallel_loop3A_1041], %parallel_loop3A_604 {strides = array<i32>} : memref<64x512xf32, #tpu.memory_space<vmem>>, vector<16xf32>,
        %parallel_loop3A_1043 = arith.constant 16 : i32
        %parallel_loop3A_1044 = arith.muli %parallel_loop3A_530, %parallel_loop3A_1043 : i32
        %parallel_loop3A_1045 = arith.constant 10 : i32
        %parallel_loop3A_1046 = arith.index_cast %parallel_loop3A_1045 : i32 to index
        %parallel_loop3A_1047 = arith.index_cast %parallel_loop3A_1044 : i32 to index
        %parallel_loop3A_1048 = tpu.vector_load %arg10[%parallel_loop3A_1046, %parallel_loop3A_1047] {strides = array<i32>} : memref<64x512xf32, #tpu.memory_space<vmem>>, vector<16xf32>,
        tpu.vector_store %arg10[%parallel_loop3A_1046, %parallel_loop3A_1047], %parallel_loop3A_611 {strides = array<i32>} : memref<64x512xf32, #tpu.memory_space<vmem>>, vector<16xf32>,
        %parallel_loop3A_1049 = arith.constant 16 : i32
        %parallel_loop3A_1050 = arith.muli %parallel_loop3A_530, %parallel_loop3A_1049 : i32
        %parallel_loop3A_1051 = arith.constant 11 : i32
        %parallel_loop3A_1052 = arith.index_cast %parallel_loop3A_1051 : i32 to index
        %parallel_loop3A_1053 = arith.index_cast %parallel_loop3A_1050 : i32 to index
        %parallel_loop3A_1054 = tpu.vector_load %arg10[%parallel_loop3A_1052, %parallel_loop3A_1053] {strides = array<i32>} : memref<64x512xf32, #tpu.memory_space<vmem>>, vector<16xf32>,
        tpu.vector_store %arg10[%parallel_loop3A_1052, %parallel_loop3A_1053], %parallel_loop3A_618 {strides = array<i32>} : memref<64x512xf32, #tpu.memory_space<vmem>>, vector<16xf32>,
        %parallel_loop3A_1055 = arith.constant 16 : i32
        %parallel_loop3A_1056 = arith.muli %parallel_loop3A_530, %parallel_loop3A_1055 : i32
        %parallel_loop3A_1057 = arith.constant 12 : i32
        %parallel_loop3A_1058 = arith.index_cast %parallel_loop3A_1057 : i32 to index
        %parallel_loop3A_1059 = arith.index_cast %parallel_loop3A_1056 : i32 to index
        %parallel_loop3A_1060 = tpu.vector_load %arg10[%parallel_loop3A_1058, %parallel_loop3A_1059] {strides = array<i32>} : memref<64x512xf32, #tpu.memory_space<vmem>>, vector<16xf32>,
        tpu.vector_store %arg10[%parallel_loop3A_1058, %parallel_loop3A_1059], %parallel_loop3A_625 {strides = array<i32>} : memref<64x512xf32, #tpu.memory_space<vmem>>, vector<16xf32>,
        %parallel_loop3A_1061 = arith.constant 16 : i32
        %parallel_loop3A_1062 = arith.muli %parallel_loop3A_530, %parallel_loop3A_1061 : i32
        %parallel_loop3A_1063 = arith.constant 13 : i32
        %parallel_loop3A_1064 = arith.index_cast %parallel_loop3A_1063 : i32 to index
        %parallel_loop3A_1065 = arith.index_cast %parallel_loop3A_1062 : i32 to index
        %parallel_loop3A_1066 = tpu.vector_load %arg10[%parallel_loop3A_1064, %parallel_loop3A_1065] {strides = array<i32>} : memref<64x512xf32, #tpu.memory_space<vmem>>, vector<16xf32>,
        tpu.vector_store %arg10[%parallel_loop3A_1064, %parallel_loop3A_1065], %parallel_loop3A_632 {strides = array<i32>} : memref<64x512xf32, #tpu.memory_space<vmem>>, vector<16xf32>,
        %parallel_loop3A_1067 = arith.constant 16 : i32
        %parallel_loop3A_1068 = arith.muli %parallel_loop3A_530, %parallel_loop3A_1067 : i32
        %parallel_loop3A_1069 = arith.constant 14 : i32
        %parallel_loop3A_1070 = arith.index_cast %parallel_loop3A_1069 : i32 to index
        %parallel_loop3A_1071 = arith.index_cast %parallel_loop3A_1068 : i32 to index
        %parallel_loop3A_1072 = tpu.vector_load %arg10[%parallel_loop3A_1070, %parallel_loop3A_1071] {strides = array<i32>} : memref<64x512xf32, #tpu.memory_space<vmem>>, vector<16xf32>,
        tpu.vector_store %arg10[%parallel_loop3A_1070, %parallel_loop3A_1071], %parallel_loop3A_639 {strides = array<i32>} : memref<64x512xf32, #tpu.memory_space<vmem>>, vector<16xf32>,
        %parallel_loop3A_1073 = arith.constant 16 : i32
        %parallel_loop3A_1074 = arith.muli %parallel_loop3A_530, %parallel_loop3A_1073 : i32
        %parallel_loop3A_1075 = arith.constant 15 : i32
        %parallel_loop3A_1076 = arith.index_cast %parallel_loop3A_1075 : i32 to index
        %parallel_loop3A_1077 = arith.index_cast %parallel_loop3A_1074 : i32 to index
        %parallel_loop3A_1078 = tpu.vector_load %arg10[%parallel_loop3A_1076, %parallel_loop3A_1077] {strides = array<i32>} : memref<64x512xf32, #tpu.memory_space<vmem>>, vector<16xf32>,
        tpu.vector_store %arg10[%parallel_loop3A_1076, %parallel_loop3A_1077], %parallel_loop3A_646 {strides = array<i32>} : memref<64x512xf32, #tpu.memory_space<vmem>>, vector<16xf32>,
        %parallel_loop3A_1079 = arith.constant 16 : i32
        %parallel_loop3A_1080 = arith.muli %parallel_loop3A_530, %parallel_loop3A_1079 : i32
        %parallel_loop3A_1081 = arith.constant 16 : i32
        %parallel_loop3A_1082 = arith.index_cast %parallel_loop3A_1081 : i32 to index
        %parallel_loop3A_1083 = arith.index_cast %parallel_loop3A_1080 : i32 to index
        %parallel_loop3A_1084 = tpu.vector_load %arg10[%parallel_loop3A_1082, %parallel_loop3A_1083] {strides = array<i32>} : memref<64x512xf32, #tpu.memory_space<vmem>>, vector<16xf32>,
        tpu.vector_store %arg10[%parallel_loop3A_1082, %parallel_loop3A_1083], %parallel_loop3A_653 {strides = array<i32>} : memref<64x512xf32, #tpu.memory_space<vmem>>, vector<16xf32>,
        %parallel_loop3A_1085 = arith.constant 16 : i32
        %parallel_loop3A_1086 = arith.muli %parallel_loop3A_530, %parallel_loop3A_1085 : i32
        %parallel_loop3A_1087 = arith.constant 17 : i32
        %parallel_loop3A_1088 = arith.index_cast %parallel_loop3A_1087 : i32 to index
        %parallel_loop3A_1089 = arith.index_cast %parallel_loop3A_1086 : i32 to index
        %parallel_loop3A_1090 = tpu.vector_load %arg10[%parallel_loop3A_1088, %parallel_loop3A_1089] {strides = array<i32>} : memref<64x512xf32, #tpu.memory_space<vmem>>, vector<16xf32>,
        tpu.vector_store %arg10[%parallel_loop3A_1088, %parallel_loop3A_1089], %parallel_loop3A_660 {strides = array<i32>} : memref<64x512xf32, #tpu.memory_space<vmem>>, vector<16xf32>,
        %parallel_loop3A_1091 = arith.constant 16 : i32
        %parallel_loop3A_1092 = arith.muli %parallel_loop3A_530, %parallel_loop3A_1091 : i32
        %parallel_loop3A_1093 = arith.constant 18 : i32
        %parallel_loop3A_1094 = arith.index_cast %parallel_loop3A_1093 : i32 to index
        %parallel_loop3A_1095 = arith.index_cast %parallel_loop3A_1092 : i32 to index
        %parallel_loop3A_1096 = tpu.vector_load %arg10[%parallel_loop3A_1094, %parallel_loop3A_1095] {strides = array<i32>} : memref<64x512xf32, #tpu.memory_space<vmem>>, vector<16xf32>,
        tpu.vector_store %arg10[%parallel_loop3A_1094, %parallel_loop3A_1095], %parallel_loop3A_667 {strides = array<i32>} : memref<64x512xf32, #tpu.memory_space<vmem>>, vector<16xf32>,
        %parallel_loop3A_1097 = arith.constant 16 : i32
        %parallel_loop3A_1098 = arith.muli %parallel_loop3A_530, %parallel_loop3A_1097 : i32
        %parallel_loop3A_1099 = arith.constant 19 : i32
        %parallel_loop3A_1100 = arith.index_cast %parallel_loop3A_1099 : i32 to index
        %parallel_loop3A_1101 = arith.index_cast %parallel_loop3A_1098 : i32 to index
        %parallel_loop3A_1102 = tpu.vector_load %arg10[%parallel_loop3A_1100, %parallel_loop3A_1101] {strides = array<i32>} : memref<64x512xf32, #tpu.memory_space<vmem>>, vector<16xf32>,
        tpu.vector_store %arg10[%parallel_loop3A_1100, %parallel_loop3A_1101], %parallel_loop3A_674 {strides = array<i32>} : memref<64x512xf32, #tpu.memory_space<vmem>>, vector<16xf32>,
        %parallel_loop3A_1103 = arith.constant 16 : i32
        %parallel_loop3A_1104 = arith.muli %parallel_loop3A_530, %parallel_loop3A_1103 : i32
        %parallel_loop3A_1105 = arith.constant 20 : i32
        %parallel_loop3A_1106 = arith.index_cast %parallel_loop3A_1105 : i32 to index
        %parallel_loop3A_1107 = arith.index_cast %parallel_loop3A_1104 : i32 to index
        %parallel_loop3A_1108 = tpu.vector_load %arg10[%parallel_loop3A_1106, %parallel_loop3A_1107] {strides = array<i32>} : memref<64x512xf32, #tpu.memory_space<vmem>>, vector<16xf32>,
        tpu.vector_store %arg10[%parallel_loop3A_1106, %parallel_loop3A_1107], %parallel_loop3A_681 {strides = array<i32>} : memref<64x512xf32, #tpu.memory_space<vmem>>, vector<16xf32>,
        %parallel_loop3A_1109 = arith.constant 16 : i32
        %parallel_loop3A_1110 = arith.muli %parallel_loop3A_530, %parallel_loop3A_1109 : i32
        %parallel_loop3A_1111 = arith.constant 21 : i32
        %parallel_loop3A_1112 = arith.index_cast %parallel_loop3A_1111 : i32 to index
        %parallel_loop3A_1113 = arith.index_cast %parallel_loop3A_1110 : i32 to index
        %parallel_loop3A_1114 = tpu.vector_load %arg10[%parallel_loop3A_1112, %parallel_loop3A_1113] {strides = array<i32>} : memref<64x512xf32, #tpu.memory_space<vmem>>, vector<16xf32>,
        tpu.vector_store %arg10[%parallel_loop3A_1112, %parallel_loop3A_1113], %parallel_loop3A_688 {strides = array<i32>} : memref<64x512xf32, #tpu.memory_space<vmem>>, vector<16xf32>,
        %parallel_loop3A_1115 = arith.constant 16 : i32
        %parallel_loop3A_1116 = arith.muli %parallel_loop3A_530, %parallel_loop3A_1115 : i32
        %parallel_loop3A_1117 = arith.constant 22 : i32
        %parallel_loop3A_1118 = arith.index_cast %parallel_loop3A_1117 : i32 to index
        %parallel_loop3A_1119 = arith.index_cast %parallel_loop3A_1116 : i32 to index
        %parallel_loop3A_1120 = tpu.vector_load %arg10[%parallel_loop3A_1118, %parallel_loop3A_1119] {strides = array<i32>} : memref<64x512xf32, #tpu.memory_space<vmem>>, vector<16xf32>,
        tpu.vector_store %arg10[%parallel_loop3A_1118, %parallel_loop3A_1119], %parallel_loop3A_695 {strides = array<i32>} : memref<64x512xf32, #tpu.memory_space<vmem>>, vector<16xf32>,
        %parallel_loop3A_1121 = arith.constant 16 : i32
        %parallel_loop3A_1122 = arith.muli %parallel_loop3A_530, %parallel_loop3A_1121 : i32
        %parallel_loop3A_1123 = arith.constant 23 : i32
        %parallel_loop3A_1124 = arith.index_cast %parallel_loop3A_1123 : i32 to index
        %parallel_loop3A_1125 = arith.index_cast %parallel_loop3A_1122 : i32 to index
        %parallel_loop3A_1126 = tpu.vector_load %arg10[%parallel_loop3A_1124, %parallel_loop3A_1125] {strides = array<i32>} : memref<64x512xf32, #tpu.memory_space<vmem>>, vector<16xf32>,
        tpu.vector_store %arg10[%parallel_loop3A_1124, %parallel_loop3A_1125], %parallel_loop3A_702 {strides = array<i32>} : memref<64x512xf32, #tpu.memory_space<vmem>>, vector<16xf32>,
        %parallel_loop3A_1127 = arith.constant 16 : i32
        %parallel_loop3A_1128 = arith.muli %parallel_loop3A_530, %parallel_loop3A_1127 : i32
        %parallel_loop3A_1129 = arith.constant 24 : i32
        %parallel_loop3A_1130 = arith.index_cast %parallel_loop3A_1129 : i32 to index
        %parallel_loop3A_1131 = arith.index_cast %parallel_loop3A_1128 : i32 to index
        %parallel_loop3A_1132 = tpu.vector_load %arg10[%parallel_loop3A_1130, %parallel_loop3A_1131] {strides = array<i32>} : memref<64x512xf32, #tpu.memory_space<vmem>>, vector<16xf32>,
        tpu.vector_store %arg10[%parallel_loop3A_1130, %parallel_loop3A_1131], %parallel_loop3A_709 {strides = array<i32>} : memref<64x512xf32, #tpu.memory_space<vmem>>, vector<16xf32>,
        %parallel_loop3A_1133 = arith.constant 16 : i32
        %parallel_loop3A_1134 = arith.muli %parallel_loop3A_530, %parallel_loop3A_1133 : i32
        %parallel_loop3A_1135 = arith.constant 25 : i32
        %parallel_loop3A_1136 = arith.index_cast %parallel_loop3A_1135 : i32 to index
        %parallel_loop3A_1137 = arith.index_cast %parallel_loop3A_1134 : i32 to index
        %parallel_loop3A_1138 = tpu.vector_load %arg10[%parallel_loop3A_1136, %parallel_loop3A_1137] {strides = array<i32>} : memref<64x512xf32, #tpu.memory_space<vmem>>, vector<16xf32>,
        tpu.vector_store %arg10[%parallel_loop3A_1136, %parallel_loop3A_1137], %parallel_loop3A_716 {strides = array<i32>} : memref<64x512xf32, #tpu.memory_space<vmem>>, vector<16xf32>,
        %parallel_loop3A_1139 = arith.constant 16 : i32
        %parallel_loop3A_1140 = arith.muli %parallel_loop3A_530, %parallel_loop3A_1139 : i32
        %parallel_loop3A_1141 = arith.constant 26 : i32
        %parallel_loop3A_1142 = arith.index_cast %parallel_loop3A_1141 : i32 to index
        %parallel_loop3A_1143 = arith.index_cast %parallel_loop3A_1140 : i32 to index
        %parallel_loop3A_1144 = tpu.vector_load %arg10[%parallel_loop3A_1142, %parallel_loop3A_1143] {strides = array<i32>} : memref<64x512xf32, #tpu.memory_space<vmem>>, vector<16xf32>,
        tpu.vector_store %arg10[%parallel_loop3A_1142, %parallel_loop3A_1143], %parallel_loop3A_723 {strides = array<i32>} : memref<64x512xf32, #tpu.memory_space<vmem>>, vector<16xf32>,
        %parallel_loop3A_1145 = arith.constant 16 : i32
        %parallel_loop3A_1146 = arith.muli %parallel_loop3A_530, %parallel_loop3A_1145 : i32
        %parallel_loop3A_1147 = arith.constant 27 : i32
        %parallel_loop3A_1148 = arith.index_cast %parallel_loop3A_1147 : i32 to index
        %parallel_loop3A_1149 = arith.index_cast %parallel_loop3A_1146 : i32 to index
        %parallel_loop3A_1150 = tpu.vector_load %arg10[%parallel_loop3A_1148, %parallel_loop3A_1149] {strides = array<i32>} : memref<64x512xf32, #tpu.memory_space<vmem>>, vector<16xf32>,
        tpu.vector_store %arg10[%parallel_loop3A_1148, %parallel_loop3A_1149], %parallel_loop3A_730 {strides = array<i32>} : memref<64x512xf32, #tpu.memory_space<vmem>>, vector<16xf32>,
        %parallel_loop3A_1151 = arith.constant 16 : i32
        %parallel_loop3A_1152 = arith.muli %parallel_loop3A_530, %parallel_loop3A_1151 : i32
        %parallel_loop3A_1153 = arith.constant 28 : i32
        %parallel_loop3A_1154 = arith.index_cast %parallel_loop3A_1153 : i32 to index
        %parallel_loop3A_1155 = arith.index_cast %parallel_loop3A_1152 : i32 to index
        %parallel_loop3A_1156 = tpu.vector_load %arg10[%parallel_loop3A_1154, %parallel_loop3A_1155] {strides = array<i32>} : memref<64x512xf32, #tpu.memory_space<vmem>>, vector<16xf32>,
        tpu.vector_store %arg10[%parallel_loop3A_1154, %parallel_loop3A_1155], %parallel_loop3A_737 {strides = array<i32>} : memref<64x512xf32, #tpu.memory_space<vmem>>, vector<16xf32>,
        %parallel_loop3A_1157 = arith.constant 16 : i32
        %parallel_loop3A_1158 = arith.muli %parallel_loop3A_530, %parallel_loop3A_1157 : i32
        %parallel_loop3A_1159 = arith.constant 29 : i32
        %parallel_loop3A_1160 = arith.index_cast %parallel_loop3A_1159 : i32 to index
        %parallel_loop3A_1161 = arith.index_cast %parallel_loop3A_1158 : i32 to index
        %parallel_loop3A_1162 = tpu.vector_load %arg10[%parallel_loop3A_1160, %parallel_loop3A_1161] {strides = array<i32>} : memref<64x512xf32, #tpu.memory_space<vmem>>, vector<16xf32>,
        tpu.vector_store %arg10[%parallel_loop3A_1160, %parallel_loop3A_1161], %parallel_loop3A_744 {strides = array<i32>} : memref<64x512xf32, #tpu.memory_space<vmem>>, vector<16xf32>,
        %parallel_loop3A_1163 = arith.constant 16 : i32
        %parallel_loop3A_1164 = arith.muli %parallel_loop3A_530, %parallel_loop3A_1163 : i32
        %parallel_loop3A_1165 = arith.constant 30 : i32
        %parallel_loop3A_1166 = arith.index_cast %parallel_loop3A_1165 : i32 to index
        %parallel_loop3A_1167 = arith.index_cast %parallel_loop3A_1164 : i32 to index
        %parallel_loop3A_1168 = tpu.vector_load %arg10[%parallel_loop3A_1166, %parallel_loop3A_1167] {strides = array<i32>} : memref<64x512xf32, #tpu.memory_space<vmem>>, vector<16xf32>,
        tpu.vector_store %arg10[%parallel_loop3A_1166, %parallel_loop3A_1167], %parallel_loop3A_751 {strides = array<i32>} : memref<64x512xf32, #tpu.memory_space<vmem>>, vector<16xf32>,
        %parallel_loop3A_1169 = arith.constant 16 : i32
        %parallel_loop3A_1170 = arith.muli %parallel_loop3A_530, %parallel_loop3A_1169 : i32
        %parallel_loop3A_1171 = arith.constant 31 : i32
        %parallel_loop3A_1172 = arith.index_cast %parallel_loop3A_1171 : i32 to index
        %parallel_loop3A_1173 = arith.index_cast %parallel_loop3A_1170 : i32 to index
        %parallel_loop3A_1174 = tpu.vector_load %arg10[%parallel_loop3A_1172, %parallel_loop3A_1173] {strides = array<i32>} : memref<64x512xf32, #tpu.memory_space<vmem>>, vector<16xf32>,
        tpu.vector_store %arg10[%parallel_loop3A_1172, %parallel_loop3A_1173], %parallel_loop3A_758 {strides = array<i32>} : memref<64x512xf32, #tpu.memory_space<vmem>>, vector<16xf32>,
        %parallel_loop3A_1175 = arith.constant 16 : i32
        %parallel_loop3A_1176 = arith.muli %parallel_loop3A_530, %parallel_loop3A_1175 : i32
        %parallel_loop3A_1177 = arith.constant 32 : i32
        %parallel_loop3A_1178 = arith.index_cast %parallel_loop3A_1177 : i32 to index
        %parallel_loop3A_1179 = arith.index_cast %parallel_loop3A_1176 : i32 to index
        %parallel_loop3A_1180 = tpu.vector_load %arg10[%parallel_loop3A_1178, %parallel_loop3A_1179] {strides = array<i32>} : memref<64x512xf32, #tpu.memory_space<vmem>>, vector<16xf32>,
        tpu.vector_store %arg10[%parallel_loop3A_1178, %parallel_loop3A_1179], %parallel_loop3A_765 {strides = array<i32>} : memref<64x512xf32, #tpu.memory_space<vmem>>, vector<16xf32>,
        %parallel_loop3A_1181 = arith.constant 16 : i32
        %parallel_loop3A_1182 = arith.muli %parallel_loop3A_530, %parallel_loop3A_1181 : i32
        %parallel_loop3A_1183 = arith.constant 33 : i32
        %parallel_loop3A_1184 = arith.index_cast %parallel_loop3A_1183 : i32 to index
        %parallel_loop3A_1185 = arith.index_cast %parallel_loop3A_1182 : i32 to index
        %parallel_loop3A_1186 = tpu.vector_load %arg10[%parallel_loop3A_1184, %parallel_loop3A_1185] {strides = array<i32>} : memref<64x512xf32, #tpu.memory_space<vmem>>, vector<16xf32>,
        tpu.vector_store %arg10[%parallel_loop3A_1184, %parallel_loop3A_1185], %parallel_loop3A_772 {strides = array<i32>} : memref<64x512xf32, #tpu.memory_space<vmem>>, vector<16xf32>,
        %parallel_loop3A_1187 = arith.constant 16 : i32
        %parallel_loop3A_1188 = arith.muli %parallel_loop3A_530, %parallel_loop3A_1187 : i32
        %parallel_loop3A_1189 = arith.constant 34 : i32
        %parallel_loop3A_1190 = arith.index_cast %parallel_loop3A_1189 : i32 to index
        %parallel_loop3A_1191 = arith.index_cast %parallel_loop3A_1188 : i32 to index
        %parallel_loop3A_1192 = tpu.vector_load %arg10[%parallel_loop3A_1190, %parallel_loop3A_1191] {strides = array<i32>} : memref<64x512xf32, #tpu.memory_space<vmem>>, vector<16xf32>,
        tpu.vector_store %arg10[%parallel_loop3A_1190, %parallel_loop3A_1191], %parallel_loop3A_779 {strides = array<i32>} : memref<64x512xf32, #tpu.memory_space<vmem>>, vector<16xf32>,
        %parallel_loop3A_1193 = arith.constant 16 : i32
        %parallel_loop3A_1194 = arith.muli %parallel_loop3A_530, %parallel_loop3A_1193 : i32
        %parallel_loop3A_1195 = arith.constant 35 : i32
        %parallel_loop3A_1196 = arith.index_cast %parallel_loop3A_1195 : i32 to index
        %parallel_loop3A_1197 = arith.index_cast %parallel_loop3A_1194 : i32 to index
        %parallel_loop3A_1198 = tpu.vector_load %arg10[%parallel_loop3A_1196, %parallel_loop3A_1197] {strides = array<i32>} : memref<64x512xf32, #tpu.memory_space<vmem>>, vector<16xf32>,
        tpu.vector_store %arg10[%parallel_loop3A_1196, %parallel_loop3A_1197], %parallel_loop3A_786 {strides = array<i32>} : memref<64x512xf32, #tpu.memory_space<vmem>>, vector<16xf32>,
        %parallel_loop3A_1199 = arith.constant 16 : i32
        %parallel_loop3A_1200 = arith.muli %parallel_loop3A_530, %parallel_loop3A_1199 : i32
        %parallel_loop3A_1201 = arith.constant 36 : i32
        %parallel_loop3A_1202 = arith.index_cast %parallel_loop3A_1201 : i32 to index
        %parallel_loop3A_1203 = arith.index_cast %parallel_loop3A_1200 : i32 to index
        %parallel_loop3A_1204 = tpu.vector_load %arg10[%parallel_loop3A_1202, %parallel_loop3A_1203] {strides = array<i32>} : memref<64x512xf32, #tpu.memory_space<vmem>>, vector<16xf32>,
        tpu.vector_store %arg10[%parallel_loop3A_1202, %parallel_loop3A_1203], %parallel_loop3A_793 {strides = array<i32>} : memref<64x512xf32, #tpu.memory_space<vmem>>, vector<16xf32>,
        %parallel_loop3A_1205 = arith.constant 16 : i32
        %parallel_loop3A_1206 = arith.muli %parallel_loop3A_530, %parallel_loop3A_1205 : i32
        %parallel_loop3A_1207 = arith.constant 37 : i32
        %parallel_loop3A_1208 = arith.index_cast %parallel_loop3A_1207 : i32 to index
        %parallel_loop3A_1209 = arith.index_cast %parallel_loop3A_1206 : i32 to index
        %parallel_loop3A_1210 = tpu.vector_load %arg10[%parallel_loop3A_1208, %parallel_loop3A_1209] {strides = array<i32>} : memref<64x512xf32, #tpu.memory_space<vmem>>, vector<16xf32>,
        tpu.vector_store %arg10[%parallel_loop3A_1208, %parallel_loop3A_1209], %parallel_loop3A_800 {strides = array<i32>} : memref<64x512xf32, #tpu.memory_space<vmem>>, vector<16xf32>,
        %parallel_loop3A_1211 = arith.constant 16 : i32
        %parallel_loop3A_1212 = arith.muli %parallel_loop3A_530, %parallel_loop3A_1211 : i32
        %parallel_loop3A_1213 = arith.constant 38 : i32
        %parallel_loop3A_1214 = arith.index_cast %parallel_loop3A_1213 : i32 to index
        %parallel_loop3A_1215 = arith.index_cast %parallel_loop3A_1212 : i32 to index
        %parallel_loop3A_1216 = tpu.vector_load %arg10[%parallel_loop3A_1214, %parallel_loop3A_1215] {strides = array<i32>} : memref<64x512xf32, #tpu.memory_space<vmem>>, vector<16xf32>,
        tpu.vector_store %arg10[%parallel_loop3A_1214, %parallel_loop3A_1215], %parallel_loop3A_807 {strides = array<i32>} : memref<64x512xf32, #tpu.memory_space<vmem>>, vector<16xf32>,
        %parallel_loop3A_1217 = arith.constant 16 : i32
        %parallel_loop3A_1218 = arith.muli %parallel_loop3A_530, %parallel_loop3A_1217 : i32
        %parallel_loop3A_1219 = arith.constant 39 : i32
        %parallel_loop3A_1220 = arith.index_cast %parallel_loop3A_1219 : i32 to index
        %parallel_loop3A_1221 = arith.index_cast %parallel_loop3A_1218 : i32 to index
        %parallel_loop3A_1222 = tpu.vector_load %arg10[%parallel_loop3A_1220, %parallel_loop3A_1221] {strides = array<i32>} : memref<64x512xf32, #tpu.memory_space<vmem>>, vector<16xf32>,
        tpu.vector_store %arg10[%parallel_loop3A_1220, %parallel_loop3A_1221], %parallel_loop3A_814 {strides = array<i32>} : memref<64x512xf32, #tpu.memory_space<vmem>>, vector<16xf32>,
        %parallel_loop3A_1223 = arith.constant 16 : i32
        %parallel_loop3A_1224 = arith.muli %parallel_loop3A_530, %parallel_loop3A_1223 : i32
        %parallel_loop3A_1225 = arith.constant 40 : i32
        %parallel_loop3A_1226 = arith.index_cast %parallel_loop3A_1225 : i32 to index
        %parallel_loop3A_1227 = arith.index_cast %parallel_loop3A_1224 : i32 to index
        %parallel_loop3A_1228 = tpu.vector_load %arg10[%parallel_loop3A_1226, %parallel_loop3A_1227] {strides = array<i32>} : memref<64x512xf32, #tpu.memory_space<vmem>>, vector<16xf32>,
        tpu.vector_store %arg10[%parallel_loop3A_1226, %parallel_loop3A_1227], %parallel_loop3A_821 {strides = array<i32>} : memref<64x512xf32, #tpu.memory_space<vmem>>, vector<16xf32>,
        %parallel_loop3A_1229 = arith.constant 16 : i32
        %parallel_loop3A_1230 = arith.muli %parallel_loop3A_530, %parallel_loop3A_1229 : i32
        %parallel_loop3A_1231 = arith.constant 41 : i32
        %parallel_loop3A_1232 = arith.index_cast %parallel_loop3A_1231 : i32 to index
        %parallel_loop3A_1233 = arith.index_cast %parallel_loop3A_1230 : i32 to index
        %parallel_loop3A_1234 = tpu.vector_load %arg10[%parallel_loop3A_1232, %parallel_loop3A_1233] {strides = array<i32>} : memref<64x512xf32, #tpu.memory_space<vmem>>, vector<16xf32>,
        tpu.vector_store %arg10[%parallel_loop3A_1232, %parallel_loop3A_1233], %parallel_loop3A_828 {strides = array<i32>} : memref<64x512xf32, #tpu.memory_space<vmem>>, vector<16xf32>,
        %parallel_loop3A_1235 = arith.constant 16 : i32
        %parallel_loop3A_1236 = arith.muli %parallel_loop3A_530, %parallel_loop3A_1235 : i32
        %parallel_loop3A_1237 = arith.constant 42 : i32
        %parallel_loop3A_1238 = arith.index_cast %parallel_loop3A_1237 : i32 to index
        %parallel_loop3A_1239 = arith.index_cast %parallel_loop3A_1236 : i32 to index
        %parallel_loop3A_1240 = tpu.vector_load %arg10[%parallel_loop3A_1238, %parallel_loop3A_1239] {strides = array<i32>} : memref<64x512xf32, #tpu.memory_space<vmem>>, vector<16xf32>,
        tpu.vector_store %arg10[%parallel_loop3A_1238, %parallel_loop3A_1239], %parallel_loop3A_835 {strides = array<i32>} : memref<64x512xf32, #tpu.memory_space<vmem>>, vector<16xf32>,
        %parallel_loop3A_1241 = arith.constant 16 : i32
        %parallel_loop3A_1242 = arith.muli %parallel_loop3A_530, %parallel_loop3A_1241 : i32
        %parallel_loop3A_1243 = arith.constant 43 : i32
        %parallel_loop3A_1244 = arith.index_cast %parallel_loop3A_1243 : i32 to index
        %parallel_loop3A_1245 = arith.index_cast %parallel_loop3A_1242 : i32 to index
        %parallel_loop3A_1246 = tpu.vector_load %arg10[%parallel_loop3A_1244, %parallel_loop3A_1245] {strides = array<i32>} : memref<64x512xf32, #tpu.memory_space<vmem>>, vector<16xf32>,
        tpu.vector_store %arg10[%parallel_loop3A_1244, %parallel_loop3A_1245], %parallel_loop3A_842 {strides = array<i32>} : memref<64x512xf32, #tpu.memory_space<vmem>>, vector<16xf32>,
        %parallel_loop3A_1247 = arith.constant 16 : i32
        %parallel_loop3A_1248 = arith.muli %parallel_loop3A_530, %parallel_loop3A_1247 : i32
        %parallel_loop3A_1249 = arith.constant 44 : i32
        %parallel_loop3A_1250 = arith.index_cast %parallel_loop3A_1249 : i32 to index
        %parallel_loop3A_1251 = arith.index_cast %parallel_loop3A_1248 : i32 to index
        %parallel_loop3A_1252 = tpu.vector_load %arg10[%parallel_loop3A_1250, %parallel_loop3A_1251] {strides = array<i32>} : memref<64x512xf32, #tpu.memory_space<vmem>>, vector<16xf32>,
        tpu.vector_store %arg10[%parallel_loop3A_1250, %parallel_loop3A_1251], %parallel_loop3A_849 {strides = array<i32>} : memref<64x512xf32, #tpu.memory_space<vmem>>, vector<16xf32>,
        %parallel_loop3A_1253 = arith.constant 16 : i32
        %parallel_loop3A_1254 = arith.muli %parallel_loop3A_530, %parallel_loop3A_1253 : i32
        %parallel_loop3A_1255 = arith.constant 45 : i32
        %parallel_loop3A_1256 = arith.index_cast %parallel_loop3A_1255 : i32 to index
        %parallel_loop3A_1257 = arith.index_cast %parallel_loop3A_1254 : i32 to index
        %parallel_loop3A_1258 = tpu.vector_load %arg10[%parallel_loop3A_1256, %parallel_loop3A_1257] {strides = array<i32>} : memref<64x512xf32, #tpu.memory_space<vmem>>, vector<16xf32>,
        tpu.vector_store %arg10[%parallel_loop3A_1256, %parallel_loop3A_1257], %parallel_loop3A_856 {strides = array<i32>} : memref<64x512xf32, #tpu.memory_space<vmem>>, vector<16xf32>,
        %parallel_loop3A_1259 = arith.constant 16 : i32
        %parallel_loop3A_1260 = arith.muli %parallel_loop3A_530, %parallel_loop3A_1259 : i32
        %parallel_loop3A_1261 = arith.constant 46 : i32
        %parallel_loop3A_1262 = arith.index_cast %parallel_loop3A_1261 : i32 to index
        %parallel_loop3A_1263 = arith.index_cast %parallel_loop3A_1260 : i32 to index
        %parallel_loop3A_1264 = tpu.vector_load %arg10[%parallel_loop3A_1262, %parallel_loop3A_1263] {strides = array<i32>} : memref<64x512xf32, #tpu.memory_space<vmem>>, vector<16xf32>,
        tpu.vector_store %arg10[%parallel_loop3A_1262, %parallel_loop3A_1263], %parallel_loop3A_863 {strides = array<i32>} : memref<64x512xf32, #tpu.memory_space<vmem>>, vector<16xf32>,
        %parallel_loop3A_1265 = arith.constant 16 : i32
        %parallel_loop3A_1266 = arith.muli %parallel_loop3A_530, %parallel_loop3A_1265 : i32
        %parallel_loop3A_1267 = arith.constant 47 : i32
        %parallel_loop3A_1268 = arith.index_cast %parallel_loop3A_1267 : i32 to index
        %parallel_loop3A_1269 = arith.index_cast %parallel_loop3A_1266 : i32 to index
        %parallel_loop3A_1270 = tpu.vector_load %arg10[%parallel_loop3A_1268, %parallel_loop3A_1269] {strides = array<i32>} : memref<64x512xf32, #tpu.memory_space<vmem>>, vector<16xf32>,
        tpu.vector_store %arg10[%parallel_loop3A_1268, %parallel_loop3A_1269], %parallel_loop3A_870 {strides = array<i32>} : memref<64x512xf32, #tpu.memory_space<vmem>>, vector<16xf32>,
        %parallel_loop3A_1271 = arith.constant 16 : i32
        %parallel_loop3A_1272 = arith.muli %parallel_loop3A_530, %parallel_loop3A_1271 : i32
        %parallel_loop3A_1273 = arith.constant 48 : i32
        %parallel_loop3A_1274 = arith.index_cast %parallel_loop3A_1273 : i32 to index
        %parallel_loop3A_1275 = arith.index_cast %parallel_loop3A_1272 : i32 to index
        %parallel_loop3A_1276 = tpu.vector_load %arg10[%parallel_loop3A_1274, %parallel_loop3A_1275] {strides = array<i32>} : memref<64x512xf32, #tpu.memory_space<vmem>>, vector<16xf32>,
        tpu.vector_store %arg10[%parallel_loop3A_1274, %parallel_loop3A_1275], %parallel_loop3A_877 {strides = array<i32>} : memref<64x512xf32, #tpu.memory_space<vmem>>, vector<16xf32>,
        %parallel_loop3A_1277 = arith.constant 16 : i32
        %parallel_loop3A_1278 = arith.muli %parallel_loop3A_530, %parallel_loop3A_1277 : i32
        %parallel_loop3A_1279 = arith.constant 49 : i32
        %parallel_loop3A_1280 = arith.index_cast %parallel_loop3A_1279 : i32 to index
        %parallel_loop3A_1281 = arith.index_cast %parallel_loop3A_1278 : i32 to index
        %parallel_loop3A_1282 = tpu.vector_load %arg10[%parallel_loop3A_1280, %parallel_loop3A_1281] {strides = array<i32>} : memref<64x512xf32, #tpu.memory_space<vmem>>, vector<16xf32>,
        tpu.vector_store %arg10[%parallel_loop3A_1280, %parallel_loop3A_1281], %parallel_loop3A_884 {strides = array<i32>} : memref<64x512xf32, #tpu.memory_space<vmem>>, vector<16xf32>,
        %parallel_loop3A_1283 = arith.constant 16 : i32
        %parallel_loop3A_1284 = arith.muli %parallel_loop3A_530, %parallel_loop3A_1283 : i32
        %parallel_loop3A_1285 = arith.constant 50 : i32
        %parallel_loop3A_1286 = arith.index_cast %parallel_loop3A_1285 : i32 to index
        %parallel_loop3A_1287 = arith.index_cast %parallel_loop3A_1284 : i32 to index
        %parallel_loop3A_1288 = tpu.vector_load %arg10[%parallel_loop3A_1286, %parallel_loop3A_1287] {strides = array<i32>} : memref<64x512xf32, #tpu.memory_space<vmem>>, vector<16xf32>,
        tpu.vector_store %arg10[%parallel_loop3A_1286, %parallel_loop3A_1287], %parallel_loop3A_891 {strides = array<i32>} : memref<64x512xf32, #tpu.memory_space<vmem>>, vector<16xf32>,
        %parallel_loop3A_1289 = arith.constant 16 : i32
        %parallel_loop3A_1290 = arith.muli %parallel_loop3A_530, %parallel_loop3A_1289 : i32
        %parallel_loop3A_1291 = arith.constant 51 : i32
        %parallel_loop3A_1292 = arith.index_cast %parallel_loop3A_1291 : i32 to index
        %parallel_loop3A_1293 = arith.index_cast %parallel_loop3A_1290 : i32 to index
        %parallel_loop3A_1294 = tpu.vector_load %arg10[%parallel_loop3A_1292, %parallel_loop3A_1293] {strides = array<i32>} : memref<64x512xf32, #tpu.memory_space<vmem>>, vector<16xf32>,
        tpu.vector_store %arg10[%parallel_loop3A_1292, %parallel_loop3A_1293], %parallel_loop3A_898 {strides = array<i32>} : memref<64x512xf32, #tpu.memory_space<vmem>>, vector<16xf32>,
        %parallel_loop3A_1295 = arith.constant 16 : i32
        %parallel_loop3A_1296 = arith.muli %parallel_loop3A_530, %parallel_loop3A_1295 : i32
        %parallel_loop3A_1297 = arith.constant 52 : i32
        %parallel_loop3A_1298 = arith.index_cast %parallel_loop3A_1297 : i32 to index
        %parallel_loop3A_1299 = arith.index_cast %parallel_loop3A_1296 : i32 to index
        %parallel_loop3A_1300 = tpu.vector_load %arg10[%parallel_loop3A_1298, %parallel_loop3A_1299] {strides = array<i32>} : memref<64x512xf32, #tpu.memory_space<vmem>>, vector<16xf32>,
        tpu.vector_store %arg10[%parallel_loop3A_1298, %parallel_loop3A_1299], %parallel_loop3A_905 {strides = array<i32>} : memref<64x512xf32, #tpu.memory_space<vmem>>, vector<16xf32>,
        %parallel_loop3A_1301 = arith.constant 16 : i32
        %parallel_loop3A_1302 = arith.muli %parallel_loop3A_530, %parallel_loop3A_1301 : i32
        %parallel_loop3A_1303 = arith.constant 53 : i32
        %parallel_loop3A_1304 = arith.index_cast %parallel_loop3A_1303 : i32 to index
        %parallel_loop3A_1305 = arith.index_cast %parallel_loop3A_1302 : i32 to index
        %parallel_loop3A_1306 = tpu.vector_load %arg10[%parallel_loop3A_1304, %parallel_loop3A_1305] {strides = array<i32>} : memref<64x512xf32, #tpu.memory_space<vmem>>, vector<16xf32>,
        tpu.vector_store %arg10[%parallel_loop3A_1304, %parallel_loop3A_1305], %parallel_loop3A_912 {strides = array<i32>} : memref<64x512xf32, #tpu.memory_space<vmem>>, vector<16xf32>,
        %parallel_loop3A_1307 = arith.constant 16 : i32
        %parallel_loop3A_1308 = arith.muli %parallel_loop3A_530, %parallel_loop3A_1307 : i32
        %parallel_loop3A_1309 = arith.constant 54 : i32
        %parallel_loop3A_1310 = arith.index_cast %parallel_loop3A_1309 : i32 to index
        %parallel_loop3A_1311 = arith.index_cast %parallel_loop3A_1308 : i32 to index
        %parallel_loop3A_1312 = tpu.vector_load %arg10[%parallel_loop3A_1310, %parallel_loop3A_1311] {strides = array<i32>} : memref<64x512xf32, #tpu.memory_space<vmem>>, vector<16xf32>,
        tpu.vector_store %arg10[%parallel_loop3A_1310, %parallel_loop3A_1311], %parallel_loop3A_919 {strides = array<i32>} : memref<64x512xf32, #tpu.memory_space<vmem>>, vector<16xf32>,
        %parallel_loop3A_1313 = arith.constant 16 : i32
        %parallel_loop3A_1314 = arith.muli %parallel_loop3A_530, %parallel_loop3A_1313 : i32
        %parallel_loop3A_1315 = arith.constant 55 : i32
        %parallel_loop3A_1316 = arith.index_cast %parallel_loop3A_1315 : i32 to index
        %parallel_loop3A_1317 = arith.index_cast %parallel_loop3A_1314 : i32 to index
        %parallel_loop3A_1318 = tpu.vector_load %arg10[%parallel_loop3A_1316, %parallel_loop3A_1317] {strides = array<i32>} : memref<64x512xf32, #tpu.memory_space<vmem>>, vector<16xf32>,
        tpu.vector_store %arg10[%parallel_loop3A_1316, %parallel_loop3A_1317], %parallel_loop3A_926 {strides = array<i32>} : memref<64x512xf32, #tpu.memory_space<vmem>>, vector<16xf32>,
        %parallel_loop3A_1319 = arith.constant 16 : i32
        %parallel_loop3A_1320 = arith.muli %parallel_loop3A_530, %parallel_loop3A_1319 : i32
        %parallel_loop3A_1321 = arith.constant 56 : i32
        %parallel_loop3A_1322 = arith.index_cast %parallel_loop3A_1321 : i32 to index
        %parallel_loop3A_1323 = arith.index_cast %parallel_loop3A_1320 : i32 to index
        %parallel_loop3A_1324 = tpu.vector_load %arg10[%parallel_loop3A_1322, %parallel_loop3A_1323] {strides = array<i32>} : memref<64x512xf32, #tpu.memory_space<vmem>>, vector<16xf32>,
        tpu.vector_store %arg10[%parallel_loop3A_1322, %parallel_loop3A_1323], %parallel_loop3A_933 {strides = array<i32>} : memref<64x512xf32, #tpu.memory_space<vmem>>, vector<16xf32>,
        %parallel_loop3A_1325 = arith.constant 16 : i32
        %parallel_loop3A_1326 = arith.muli %parallel_loop3A_530, %parallel_loop3A_1325 : i32
        %parallel_loop3A_1327 = arith.constant 57 : i32
        %parallel_loop3A_1328 = arith.index_cast %parallel_loop3A_1327 : i32 to index
        %parallel_loop3A_1329 = arith.index_cast %parallel_loop3A_1326 : i32 to index
        %parallel_loop3A_1330 = tpu.vector_load %arg10[%parallel_loop3A_1328, %parallel_loop3A_1329] {strides = array<i32>} : memref<64x512xf32, #tpu.memory_space<vmem>>, vector<16xf32>,
        tpu.vector_store %arg10[%parallel_loop3A_1328, %parallel_loop3A_1329], %parallel_loop3A_940 {strides = array<i32>} : memref<64x512xf32, #tpu.memory_space<vmem>>, vector<16xf32>,
        %parallel_loop3A_1331 = arith.constant 16 : i32
        %parallel_loop3A_1332 = arith.muli %parallel_loop3A_530, %parallel_loop3A_1331 : i32
        %parallel_loop3A_1333 = arith.constant 58 : i32
        %parallel_loop3A_1334 = arith.index_cast %parallel_loop3A_1333 : i32 to index
        %parallel_loop3A_1335 = arith.index_cast %parallel_loop3A_1332 : i32 to index
        %parallel_loop3A_1336 = tpu.vector_load %arg10[%parallel_loop3A_1334, %parallel_loop3A_1335] {strides = array<i32>} : memref<64x512xf32, #tpu.memory_space<vmem>>, vector<16xf32>,
        tpu.vector_store %arg10[%parallel_loop3A_1334, %parallel_loop3A_1335], %parallel_loop3A_947 {strides = array<i32>} : memref<64x512xf32, #tpu.memory_space<vmem>>, vector<16xf32>,
        %parallel_loop3A_1337 = arith.constant 16 : i32
        %parallel_loop3A_1338 = arith.muli %parallel_loop3A_530, %parallel_loop3A_1337 : i32
        %parallel_loop3A_1339 = arith.constant 59 : i32
        %parallel_loop3A_1340 = arith.index_cast %parallel_loop3A_1339 : i32 to index
        %parallel_loop3A_1341 = arith.index_cast %parallel_loop3A_1338 : i32 to index
        %parallel_loop3A_1342 = tpu.vector_load %arg10[%parallel_loop3A_1340, %parallel_loop3A_1341] {strides = array<i32>} : memref<64x512xf32, #tpu.memory_space<vmem>>, vector<16xf32>,
        tpu.vector_store %arg10[%parallel_loop3A_1340, %parallel_loop3A_1341], %parallel_loop3A_954 {strides = array<i32>} : memref<64x512xf32, #tpu.memory_space<vmem>>, vector<16xf32>,
        %parallel_loop3A_1343 = arith.constant 16 : i32
        %parallel_loop3A_1344 = arith.muli %parallel_loop3A_530, %parallel_loop3A_1343 : i32
        %parallel_loop3A_1345 = arith.constant 60 : i32
        %parallel_loop3A_1346 = arith.index_cast %parallel_loop3A_1345 : i32 to index
        %parallel_loop3A_1347 = arith.index_cast %parallel_loop3A_1344 : i32 to index
        %parallel_loop3A_1348 = tpu.vector_load %arg10[%parallel_loop3A_1346, %parallel_loop3A_1347] {strides = array<i32>} : memref<64x512xf32, #tpu.memory_space<vmem>>, vector<16xf32>,
        tpu.vector_store %arg10[%parallel_loop3A_1346, %parallel_loop3A_1347], %parallel_loop3A_961 {strides = array<i32>} : memref<64x512xf32, #tpu.memory_space<vmem>>, vector<16xf32>,
        %parallel_loop3A_1349 = arith.constant 16 : i32
        %parallel_loop3A_1350 = arith.muli %parallel_loop3A_530, %parallel_loop3A_1349 : i32
        %parallel_loop3A_1351 = arith.constant 61 : i32
        %parallel_loop3A_1352 = arith.index_cast %parallel_loop3A_1351 : i32 to index
        %parallel_loop3A_1353 = arith.index_cast %parallel_loop3A_1350 : i32 to index
        %parallel_loop3A_1354 = tpu.vector_load %arg10[%parallel_loop3A_1352, %parallel_loop3A_1353] {strides = array<i32>} : memref<64x512xf32, #tpu.memory_space<vmem>>, vector<16xf32>,
        tpu.vector_store %arg10[%parallel_loop3A_1352, %parallel_loop3A_1353], %parallel_loop3A_968 {strides = array<i32>} : memref<64x512xf32, #tpu.memory_space<vmem>>, vector<16xf32>,
        %parallel_loop3A_1355 = arith.constant 16 : i32
        %parallel_loop3A_1356 = arith.muli %parallel_loop3A_530, %parallel_loop3A_1355 : i32
        %parallel_loop3A_1357 = arith.constant 62 : i32
        %parallel_loop3A_1358 = arith.index_cast %parallel_loop3A_1357 : i32 to index
        %parallel_loop3A_1359 = arith.index_cast %parallel_loop3A_1356 : i32 to index
        %parallel_loop3A_1360 = tpu.vector_load %arg10[%parallel_loop3A_1358, %parallel_loop3A_1359] {strides = array<i32>} : memref<64x512xf32, #tpu.memory_space<vmem>>, vector<16xf32>,
        tpu.vector_store %arg10[%parallel_loop3A_1358, %parallel_loop3A_1359], %parallel_loop3A_975 {strides = array<i32>} : memref<64x512xf32, #tpu.memory_space<vmem>>, vector<16xf32>,
        %parallel_loop3A_1361 = arith.constant 16 : i32
        %parallel_loop3A_1362 = arith.muli %parallel_loop3A_530, %parallel_loop3A_1361 : i32
        %parallel_loop3A_1363 = arith.constant 63 : i32
        %parallel_loop3A_1364 = arith.index_cast %parallel_loop3A_1363 : i32 to index
        %parallel_loop3A_1365 = arith.index_cast %parallel_loop3A_1362 : i32 to index
        %parallel_loop3A_1366 = tpu.vector_load %arg10[%parallel_loop3A_1364, %parallel_loop3A_1365] {strides = array<i32>} : memref<64x512xf32, #tpu.memory_space<vmem>>, vector<16xf32>,
        tpu.vector_store %arg10[%parallel_loop3A_1364, %parallel_loop3A_1365], %parallel_loop3A_982 {strides = array<i32>} : memref<64x512xf32, #tpu.memory_space<vmem>>, vector<16xf32>,
      } {sc.loop_unroll_factor = 2 : i64, sc.parallel_access}
      %mul3A_517 = arith.constant 512 : i32
      %mul3A_518 = arith.muli %add3A_503, %mul3A_517 : i32
      %add3A_519 = arith.addi %mul3A_2, %mul3A_518 : i32
      %dma_start3A_520 = arith.constant 0 : i32
      %dma_start3A_521 = tpu.memref_slice %arg4[%dma_start3A_520, %add3A_519] : memref<64x819200xf32, #tpu.memory_space<hbm>> -> memref<64x512xf32, #tpu.memory_space<hbm>>
      %dma_start3A_522 = arith.constant 0 : i32
      %dma_start3A_523 = tpu.memref_slice %arg4[%dma_start3A_522, %add3A_519] : memref<64x819200xf32, #tpu.memory_space<hbm>> -> memref<64x512xf32, #tpu.memory_space<hbm>>
      tpu.enqueue_dma source(%arg10 : memref<64x512xf32, #tpu.memory_space<vmem>>) target(%dma_start3A_523 : memref<64x512xf32, #tpu.memory_space<hbm>>) target_semaphore(%arg14 : memref<!tpu.dma_semaphore, #tpu.memory_space<semaphore_mem>>)
      %lt3A_524 = arith.constant 24 : i32
      %lt3A_525 = arith.cmpi slt, %scan3A_474, %lt3A_524 : i32
      %convert_element_type3A_526 = arith.extui %lt3A_525 : i1 to i32
      %cond3A_527 = arith.constant 0 : i32
      %cond3A_528 = arith.cmpi ne, %convert_element_type3A_526, %cond3A_527 : i32
      scf.if %cond3A_528 {
        %add3A_530 = arith.constant 2 : i32
        %add3A_531 = arith.addi %add3A_503, %add3A_530 : i32
        %mul3A_532 = arith.constant 512 : i32
        %mul3A_533 = arith.muli %add3A_531, %mul3A_532 : i32
        %add3A_534 = arith.addi %mul3A_2, %mul3A_533 : i32
        %dma_start3A_535 = tpu.memref_slice %arg3[%add3A_534] : memref<819200xi32, #tpu.memory_space<hbm>> -> memref<512xi32, #tpu.memory_space<hbm>>
        %dma_start3A_536 = tpu.memref_slice %arg3[%add3A_534] : memref<819200xi32, #tpu.memory_space<hbm>> -> memref<512xi32, #tpu.memory_space<hbm>>
        tpu.enqueue_dma source(%dma_start3A_536 : memref<512xi32, #tpu.memory_space<hbm>>) target(%arg8 : memref<512xi32, #tpu.memory_space<vmem>>) target_semaphore(%arg12 : memref<!tpu.dma_semaphore, #tpu.memory_space<semaphore_mem>>)
      } else {
      }
      %scan3A_529 = arith.constant 0 : i32
      scf.yield %scan3A_529 : i32
    }
    %scan3A_462 = arith.constant 25 : i32
    %add3A_463 = arith.constant 0 : i32
    %add3A_464 = arith.addi %mul3A_2, %add3A_463 : i32
    %dma_wait3A = arith.constant 0 : i32
    %dma_wait3A_465 = tpu.memref_slice %arg4[%dma_wait3A, %add3A_464] : memref<64x819200xf32, #tpu.memory_space<hbm>> -> memref<64x512xf32, #tpu.memory_space<hbm>>
    %dma_wait3A_466 = arith.constant 0 : i32
    %dma_wait3A_467 = tpu.memref_slice %arg4[%dma_wait3A_466, %add3A_464] : memref<64x819200xf32, #tpu.memory_space<hbm>> -> memref<64x512xf32, #tpu.memory_space<hbm>>
    tpu.wait_dma2 semaphore(%arg13 : memref<!tpu.dma_semaphore, #tpu.memory_space<semaphore_mem>>) src(%arg9 : memref<64x512xf32, #tpu.memory_space<vmem>>) dst(%dma_wait3A_467 : memref<64x512xf32, #tpu.memory_space<hbm>>)
    %add3A_468 = arith.constant 512 : i32
    %add3A_469 = arith.addi %mul3A_2, %add3A_468 : i32
    %dma_wait3A_470 = arith.constant 0 : i32
    %dma_wait3A_471 = tpu.memref_slice %arg4[%dma_wait3A_470, %add3A_469] : memref<64x819200xf32, #tpu.memory_space<hbm>> -> memref<64x512xf32, #tpu.memory_space<hbm>>
    %dma_wait3A_472 = arith.constant 0 : i32
    %dma_wait3A_473 = tpu.memref_slice %arg4[%dma_wait3A_472, %add3A_469] : memref<64x819200xf32, #tpu.memory_space<hbm>> -> memref<64x512xf32, #tpu.memory_space<hbm>>
    tpu.wait_dma2 semaphore(%arg14 : memref<!tpu.dma_semaphore, #tpu.memory_space<semaphore_mem>>) src(%arg10 : memref<64x512xf32, #tpu.memory_space<vmem>>) dst(%dma_wait3A_473 : memref<64x512xf32, #tpu.memory_space<hbm>>)
    return
  }
}

</mosaic_0001>

<sc_bundles>
// kernel: kernel.3.cloned.1.call-start
scs
__scs_entry_jumppad:
0x0: {  	(pc) =	sbr.rel $0x88, $3  }
0x1: {  	(tag) =	ssettag $0x0;
	lr =	simm.s32 $0x1  }
0x2: {  	[smem:$0x3F9F] =	sst lr;
	_ =	strace $0xD0000000  }
0x3: {  	_ = 	snop  }
0x4: {  	_ = 	snop  }
0x5: {  	_ = 	snop  }
0x6: {  	_ = 	snop  }
0x7: {  	_ = 	snop  }
__scs_overlays_trampoline_lowered:
0x8: {  	[smem:$0x3FAE] =	sst s0  }
0x9: {  	[smem:$0x3FAF] =	sst s1  }
0xa: {  	[smem:$0x3FB0] =	sst s2  }
0xb: {  	[smem:$0x3FB1] =	sst s3  }
0xc: {  	[smem:$0x3FB2] =	sst s4  }
0xd: {  	[smem:$0x3FB3] =	sst s5  }
0xe: {  	[smem:$0x3FB4] =	sst s6  }
0xf: {  	[smem:$0x3FB5] =	sst s7  }
0x10: {  	[smem:$0x3FB6] =	sst s8  }
0x11: {  	[smem:$0x3FB7] =	sst s9;
	s0 =	simm.s32 @!p0 $0x0  }
0x12: {  	s1 =	sld [smem:$0x3F9D];
	s0 =	simm.s32 @p0 $0x1  }
0x13: {  	[smem:$0x3FB8] =	sst s0;
	s0 =	simm.s32 @!p1 $0x0  }
0x14: {  	s2 =	sld [smem:$0x3F9C];
	s0 =	simm.s32 @p1 $0x1  }
0x15: {  	[smem:$0x3FB9] =	sst s0;
	s0 =	simm.s32 @!p2 $0x0  }
0x16: {  	s3 =	sld [smem:$0x3FDB];
	s0 =	simm.s32 @p2 $0x1  }
0x17: {  	s4 =	simm.s32 $0x1BF5;
	[smem:$0x3FBB] =	sst s0  }
0x18: {  	s0 =	sld [smem:$0x3F9E];
	_ =	swait.ge [sflag:s4], $0x0  }
0x19: {  	s7 =	sld [smem:$0x3F9F]  }
0x1a: {  	s8 =	sadd.s32 $0xFFFFE003, lr  }
0x1b: {  	s9 =	sadd.s32 $0xFFFFFEF7, lr;
	s5 =	simm.s32 $0xFFFFFFFF;
	p2 =	slt.u32 s8, $0xFFFFF086  }
0x1c: {  	p1 =	slt.u32 s9, $0xF7A;
	s5 =	simm.s32 @!p2 $0x0  }
0x1d: {  	s5 =	simm.s32 @p1 $0x1;
	p0 =	seq.s32 s7, s2  }
0x1e: {  	s7 =	smul.u32 @!p0 $0xF7A, s2;
	p2 =	seq.s32 @!p0 s5, $0x0  }
0x1f: {  	s9 =	smul.u32 $0xF7A, s1;
	s8 =	simm.s32 @!p0 $0x1BF5;
	p2 =	por !p2, p0  }
0x20: {  	[sflag:s8] =	ssyncset.s32 @!p0 $0xFFFFF086;
	s6 =	sadd.s32 @!p0 s3, s7;
	s7 =	simm.s32 @!p0 $0x108  }
0x21: {  	s3 =	sadd.s32 s3, s9;
	s6 =	sadd.s32 @!p0 $0x88, s6;
	s7 =	simm.s32 @p2 $0x1082  }
0x22: {  	[simem:s7], [sflag:s8] =	dma.local @!p0 [hbm:s6], $0xF7A  }
0x23: {  	s9 =	sor.u32 $0xD0000000, s2;
	s6 =	simm.s32 $0x108;
	_ =	swait.ge @!p0 [sflag:s8], $0x0  }
0x24: {  	s3 =	sadd.s32 $0x88, s3;
	s6 =	simm.s32 @!p1 $0x1082;
	[sflag:s4] =	ssyncset.s32 $0xFFFFF086  }
0x25: {  	[simem:s6], [sflag:s4] =	dma.local [hbm:s3], $0xF7A  }
0x26: {  	[smem:$0x3F9F] =	sst s1;
	(tag) =	ssettag s2;
	_ =	strace s9  }
0x27: {  	s1 =	sld [smem:$0x3FAF]  }
0x28: {  	s2 =	sld [smem:$0x3FB0]  }
0x29: {  	s4 =	sld [smem:$0x3FB2]  }
0x2a: {  	p0 =	seq.s32 s5, $0x0;
	s5 =	sld [smem:$0x3FB3]  }
0x2b: {  	s6 =	sld [smem:$0x3FB4]  }
0x2c: {  	s7 =	sld [smem:$0x3FB5]  }
0x2d: {  	s3 =	simm.s32 $0x108;
	s8 =	sld [smem:$0x3FB6]  }
0x2e: {  	s3 =	simm.s32 @!p0 $0x1082;
	s9 =	sld [smem:$0x3FB7]  }
0x2f: {  	lr =	sadd.s32 s0, s3;
	s0 =	sld [smem:$0x3FAE]  }
0x30: {  	s3 =	sld [smem:$0x3FB1]  }
0x31: {  	[smem:$0x3FBA] =	sst s10  }
0x32: {  	s10 =	sld [smem:$0x3FB8];
	_ =	sdelay $0x3  }
0x33: {  	p0 =	seq.s32 s10, $0x1;
	s10 =	sld [smem:$0x3FBA];
	_ =	sdelay $0x3  }
0x34: {  	[smem:$0x3FBA] =	sst s10  }
0x35: {  	s10 =	sld [smem:$0x3FB9];
	_ =	sdelay $0x3  }
0x36: {  	p1 =	seq.s32 s10, $0x1;
	s10 =	sld [smem:$0x3FBA];
	_ =	sdelay $0x3  }
0x37: {  	[smem:$0x3FBA] =	sst s10  }
0x38: {  	s10 =	sld [smem:$0x3FBB]  }
0x39: {  	_ = 	snop;
	(pc) =	sbr.ind lr, $3  }
0x3a: {  	_ = 	snop  }
0x3b: {  	_ = 	snop  }
0x3c: {  	p2 =	seq.s32 s10, $0x1;
	s10 =	sld [smem:$0x3FBA]  }
0x3d: {  	_ =	shalt  }
0x3e: {  	_ =	shalt  }
0x3f: {  	_ =	shalt  }
0x40: {  	_ =	shalt  }
0x41: {  	_ =	shalt  }
0x42: {  	_ =	shalt  }
0x43: {  	_ =	shalt  }
0x44: {  	_ =	shalt  }
0x45: {  	_ =	shalt  }
0x46: {  	_ =	shalt  }
0x47: {  	_ =	shalt  }
0x48: {  	_ =	shalt  }
0x49: {  	_ =	shalt  }
0x4a: {  	_ =	shalt  }
0x4b: {  	_ =	shalt  }
0x4c: {  	_ =	shalt  }
0x4d: {  	_ =	shalt  }
0x4e: {  	_ =	shalt  }
0x4f: {  	_ =	shalt  }
0x50: {  	_ =	shalt  }
0x51: {  	_ =	shalt  }
0x52: {  	_ =	shalt  }
0x53: {  	_ =	shalt  }
0x54: {  	_ =	shalt  }
0x55: {  	_ =	shalt  }
0x56: {  	_ =	shalt  }
0x57: {  	_ =	shalt  }
0x58: {  	_ =	shalt  }
0x59: {  	_ =	shalt  }
0x5a: {  	_ =	shalt  }
0x5b: {  	_ =	shalt  }
0x5c: {  	_ =	shalt  }
0x5d: {  	_ =	shalt  }
0x5e: {  	_ =	shalt  }
0x5f: {  	_ =	shalt  }
0x60: {  	_ =	shalt  }
0x61: {  	_ =	shalt  }
0x62: {  	_ =	shalt  }
0x63: {  	_ =	shalt  }
0x64: {  	_ =	shalt  }
0x65: {  	_ =	shalt  }
0x66: {  	_ =	shalt  }
0x67: {  	_ =	shalt  }
0x68: {  	_ =	shalt  }
0x69: {  	_ =	shalt  }
0x6a: {  	_ =	shalt  }
0x6b: {  	_ =	shalt  }
0x6c: {  	_ =	shalt  }
0x6d: {  	_ =	shalt  }
0x6e: {  	_ =	shalt  }
0x6f: {  	_ =	shalt  }
0x70: {  	_ =	shalt  }
0x71: {  	_ =	shalt  }
0x72: {  	_ =	shalt  }
0x73: {  	_ =	shalt  }
0x74: {  	_ =	shalt  }
0x75: {  	_ =	shalt  }
0x76: {  	_ =	shalt  }
0x77: {  	_ =	shalt  }
0x78: {  	_ =	shalt  }
0x79: {  	_ =	shalt  }
0x7a: {  	_ =	shalt  }
0x7b: {  	_ =	shalt  }
0x7c: {  	_ =	shalt  }
0x7d: {  	_ =	shalt  }
0x7e: {  	_ =	shalt  }
0x7f: {  	_ =	shalt  }
0x80: {  	_ =	shalt  }
0x81: {  	_ =	shalt  }
0x82: {  	_ =	shalt  }
0x83: {  	_ =	shalt  }
0x84: {  	_ =	shalt  }
0x85: {  	_ =	shalt  }
0x86: {  	_ =	shalt  }
0x87: {  	_ =	shalt  }
.Lfunc_end0:
.L_simem_size_0:
called_computation_lowered:
.L_overlay_start_0:
0x88: {  	s2 =	sld [smem:$0x3FD9]  }
0x89: {  	s3 =	sld [smem:$0x3FFE];
	_ =	sdelay $0x1  }
0x8a: {  	s1 =	srdreg.scid  }
0x8b: {  	s0 =	sand.u32 $0x1, s1  }
0x8c: {  	s17 =	sshll.u32 s0, $0xA;
	s2 =	sadd.s32 s3, s2  }
0x8d: {  	s2 =	sadd.s32 s2, s17  }
0x8e: {  	[smem:$0x3FC6] =	sst s2  }
0x8f: {  	_ = 	snop  }
0x90: {  	s2 =	sld [smem:$0x3FC8]  }
0x91: {  	s18 =	sld [smem:$0x3FD0];
	(tm) =	ssettm $0x1  }
0x92: {  	s4 =	sld [smem:$0x3FFB];
	_ =	sdelay $0x3  }
0x93: {  	_ =	strace s4  }
0x94: {  	s4 =	sld [smem:$0x3FFC];
	_ =	sdelay $0x3  }
0x95: {  	_ =	strace s4  }
0x96: {  	s4 =	sld [smem:$0x3FFD];
	_ =	sdelay $0x3  }
0x97: {  	_ =	strace s4  }
0x98: {  	_ =	strace $0x8FFFFFFF  }
0x99: {  	s19 =	sld [smem:$0x3FDB];
	_ =	sdelay $0x1  }
0x9a: {  	s5 =	simm.s32 $_scs_section_size  }
0x9b: {  	s6 =	simm.s32 $_size__tile_overlayer_lowered;
	s7 =	simm.s32 $_tile_overlayer_lowered  }
0x9c: {  	s22 =	simm.s32 $0x1BFF;
	s21 =	sshll.u32 s7, $0x1;
	s4 =	sadd.s32 s5, s19  }
0x9d: {  	s8 =	simm.s32 $0x0;
	s20 =	sshll.u32 s6, $0x1;
	s6 =	sadd.s32 s21, s4  }
0x9e: {  	[timem:s8], [sflag:s22] =	dma.local [hbm:s6], s20  }
0x9f: {  	_ =	swait.ge [sflag:s22], s20  }
0xa0: {  	s5 =	ssub.s32 $0x0, s20;
	[sflag:s22] =	ssyncset.done $0x0  }
0xa1: {  	[sflag:s22] =	ssyncadd.s32 s5;
	_ =	sdelay $0x1  }
0xa2: {  	s23 =	simm.s32 $0x1B8B  }
0xa3: {  	_ =	swait.ge [sflag:s23], $0x1  }
0xa4: {  	[sflag:s23] =	ssyncset.done $0x0  }
0xa5: {  	s25 =	simm.s32 $0x1B8E;
	s24 =	sld [smem:$0x3FFE];
	[sflag:s23] =	ssyncadd.s32 $0xFFFFFFFF  }
0xa6: {  	s26 =	simm.s32 $execute0_lowered;
	[smem:$0x3FD2] =	sst s25  }
0xa7: {  	s6 =	sshll.u32 s26, $0x1;
	_ =	strace $0x80000046;
	[dreg:$0x1] =	wrdreg $0xFFFFFFFF  }
0xa8: {  	s28 =	simm.s32 $_size_execute0_lowered;
	s4 =	sadd.s32 s4, s6;
	[dreg:$0x0] =	wrdreg $0x0  }
0xa9: {  	s6 =	sshll.u32 s28, $0x1;
	[dreg:$0x2] =	wrdreg s4  }
0xaa: {  	[dreg:$0x3] =	wrdreg s6  }
0xab: {  	[dreg:$0x4] =	wrdreg $0xC0  }
0xac: {  	_ =	task [dreg:s8], $0x5FFFF  }
0xad: {  	[dreg:$0x1] =	wrdreg $0xFFFFFFFF  }
0xae: {  	[dreg:$0x0] =	wrdreg $0x60  }
0xaf: {  	[dreg:$0x2] =	wrdreg s2  }
0xb0: {  	[dreg:$0x3] =	wrdreg s24  }
0xb1: {  	[dreg:$0x4] =	wrdreg s18  }
0xb2: {  	[dreg:$0x5] =	wrdreg $0x9  }
0xb3: {  	_ =	task.clear_ibuf [dreg:s8], $0x6FFFF;
	_ =	strace $0x90000046  }
0xb4: {  	s29 =	simm.s32 $0x9;
	_ =	strace $0x80000048  }
0xb5: {  	_ =	swait.ge [sflag:s29], $0x1  }
0xb6: {  	[sflag:s29] =	ssyncadd.s32 $0xFFFFFFFF  }
0xb7: {  	_ =	strace $0x90000048  }
0xb8: {  	_ =	sfence  }
0xb9: {  	s30 =	sld [smem:$0x0];
	_ =	sdelay $0x2  }
0xba: {  	s31 =	sshll.u32 s1, $0xD;
	s1 =	sshrl.u32 s1, $0x2  }
0xbb: {  	s3 =	sand.u32 $0x4000, s31;
	s1 =	sadd.s32 s1, s30  }
0xbc: {  	s0 =	sor.u32 s3, s0;
	s1 =	sshll.u32 s1, $0x11  }
0xbd: {  	s0 =	sor.u32 s1, s0  }
0xbe: {  	s0 =	sadd.s32 $0x8F2B, s0  }
0xbf: {  	[sflag:s0] =	ssyncadd.remote.s32 $0x1  }
0xc0: {  	_ =	sfence.sel $0xFFFF  }
0xc1: {  	[dreg:$0x0] =	wrdreg $0xFFFFFFFF;
	(pc) =	sbr.abs _section_cstart, $3  }
0xc2: {  	[dreg:$0x1] =	wrdreg $0xFFFFFFFF  }
0xc3: {  	_ =	task.clear_ibuf [dreg:s8], $0x2FFFF;
	_ =	strace $0x9FFFFFFF  }
0xc4: {  	(tm) =	ssettm $0x7FFFFFFF  }
0xc5: {  	_ =	shalt  }
tec
execute0_lowered:
.L_overlay_start_1:
0x0: {  	(tag) =	ssettag $0x1  }
0x1: {  	v0 =	vimm.s32 $0x280;
	vm4 =	vcmask $0x300  }
0x2: {  	vm3 =	vcmask $0x704;
	vm2 =	vcmask $0xB08;
	vm1 =	vcmask $0xF0C  }
0x3: {  	vm0 =	vcmask $0x1310;
	v21 =	vimm.s32 $0x281;
	v1 =	vimm.s32 $0x282  }
0x4: {  	v2 =	vimm.s32 $0x283;
	v24 =	vimm.s32 $0x284;
	v25 =	vimm.s32 $0x285  }
0x5: {  	v26 =	vimm.s32 $0x286;
	v29 =	vimm.s32 $0x287;
	v30 =	vimm.s32 $0x288  }
0x6: {  	v31 =	vimm.s32 $0x289;
	v34 =	vimm.s32 $0x28A;
	v35 =	vimm.s32 $0x28B  }
0x7: {  	v36 =	vimm.s32 $0x28C;
	v39 =	vimm.s32 $0x28D;
	v40 =	vimm.s32 $0x28E  }
0x8: {  	v41 =	vimm.s32 $0x28F;
	v44 =	vimm.s32 $0x290;
	v45 =	vimm.s32 $0x291  }
0x9: {  	v46 =	vimm.s32 $0x292;
	v49 =	vimm.s32 $0x293;
	v50 =	vimm.s32 $0x294  }
0xa: {  	v51 =	vimm.s32 $0x295;
	v54 =	vimm.s32 $0x296;
	v55 =	vimm.s32 $0x297  }
0xb: {  	v56 =	vimm.s32 $0x298;
	v59 =	vimm.s32 $0x299;
	v60 =	vimm.s32 $0x29A  }
0xc: {  	v61 =	vimm.s32 $0x29B;
	v4 =	vimm.s32 $0x29C;
	v5 =	vimm.s32 $0x29D  }
0xd: {  	v6 =	vimm.s32 $0x29E;
	v9 =	vimm.s32 $0x29F;
	v10 =	vimm.s32 $0x2A0  }
0xe: {  	v11 =	vimm.s32 $0x2A1;
	v14 =	vimm.s32 $0x2A2;
	v15 =	vimm.s32 $0x2A3  }
0xf: {  	v16 =	vimm.s32 $0x2A4;
	v19 =	vimm.s32 $0x2A5;
	v20 =	vimm.s32 $0x2A6  }
0x10: {  	v0 =	vsel vm4, $0x0, v0;
	v1 =	vsel vm4, $0x2, v1;
	v2 =	vsel vm4, $0x3, v2  }
0x11: {  	v0 =	vsel vm3, $0x80, v0;
	v1 =	vsel vm3, $0x82, v1;
	v2 =	vsel vm3, $0x83, v2  }
0x12: {  	v0 =	vsel vm2, $0x100, v0;
	v1 =	vsel vm2, $0x102, v1;
	v2 =	vsel vm2, $0x103, v2  }
0x13: {  	v0 =	vsel vm1, $0x180, v0;
	v1 =	vsel vm1, $0x182, v1;
	v2 =	vsel vm1, $0x183, v2  }
0x14: {  	v0 =	vsel vm0, $0x200, v0;
	v22 =	vsel vm0, $0x202, v1;
	v23 =	vsel vm0, $0x203, v2  }
0x15: {  	v1 =	vsel vm4, $0x5, v25;
	v2 =	vsel vm4, $0x6, v26;
	v25 =	vimm.s32 $0x2A9  }
0x16: {  	v26 =	vimm.s32 $0x2AA;
	[tilespmem:$0x1FC00] =	vst v0;
	v0 =	vsel vm4, $0x1, v21;
	v1 =	vsel vm3, $0x85, v1  }
0x17: {  	v2 =	vsel vm3, $0x86, v2;
	v21 =	vimm.s32 $0x2A7;
	v0 =	vsel vm3, $0x81, v0  }
0x18: {  	v1 =	vsel vm2, $0x105, v1;
	v2 =	vsel vm2, $0x106, v2;
	v0 =	vsel vm2, $0x101, v0  }
0x19: {  	v1 =	vsel vm1, $0x185, v1;
	v2 =	vsel vm1, $0x186, v2;
	v0 =	vsel vm1, $0x181, v0  }
0x1a: {  	v27 =	vsel vm0, $0x205, v1;
	v28 =	vsel vm0, $0x206, v2;
	v1 =	vsel vm4, $0x8, v30  }
0x1b: {  	v2 =	vsel vm4, $0x9, v31;
	v30 =	vimm.s32 $0x2AC;
	v31 =	vimm.s32 $0x2AD  }
0x1c: {  	v0 =	vsel vm0, $0x201, v0;
	v1 =	vsel vm3, $0x88, v1;
	v2 =	vsel vm3, $0x89, v2  }
0x1d: {  	[tilespmem:$0x1FC10] =	vst v0;
	v0 =	vsel vm4, $0x4, v24;
	v1 =	vsel vm2, $0x108, v1;
	v2 =	vsel vm2, $0x109, v2  }
0x1e: {  	v24 =	vimm.s32 $0x2A8;
	v0 =	vsel vm3, $0x84, v0;
	v1 =	vsel vm1, $0x188, v1  }
0x1f: {  	v2 =	vsel vm1, $0x189, v2;
	v0 =	vsel vm2, $0x104, v0;
	v32 =	vsel vm0, $0x208, v1  }
0x20: {  	v33 =	vsel vm0, $0x209, v2;
	v1 =	vsel vm4, $0xB, v35;
	v2 =	vsel vm4, $0xC, v36  }
0x21: {  	v35 =	vimm.s32 $0x2AF;
	v36 =	vimm.s32 $0x2B0;
	v0 =	vsel vm1, $0x184, v0  }
0x22: {  	v1 =	vsel vm3, $0x8B, v1;
	v2 =	vsel vm3, $0x8C, v2;
	v0 =	vsel vm0, $0x204, v0  }
0x23: {  	v1 =	vsel vm2, $0x10B, v1;
	v2 =	vsel vm2, $0x10C, v2;
	[tilespmem:$0x1FC40] =	vst v0;
	v0 =	vsel vm4, $0x7, v29  }
0x24: {  	v1 =	vsel vm1, $0x18B, v1;
	v2 =	vsel vm1, $0x18C, v2;
	v29 =	vimm.s32 $0x2AB  }
0x25: {  	v0 =	vsel vm3, $0x87, v0;
	v37 =	vsel vm0, $0x20B, v1;
	v38 =	vsel vm0, $0x20C, v2  }
0x26: {  	v1 =	vsel vm4, $0xE, v40;
	v2 =	vsel vm4, $0xF, v41;
	v40 =	vimm.s32 $0x2B2  }
0x27: {  	v41 =	vimm.s32 $0x2B3;
	v0 =	vsel vm2, $0x107, v0;
	v1 =	vsel vm3, $0x8E, v1  }
0x28: {  	v2 =	vsel vm3, $0x8F, v2;
	v0 =	vsel vm1, $0x187, v0;
	v1 =	vsel vm2, $0x10E, v1  }
0x29: {  	v2 =	vsel vm2, $0x10F, v2;
	v0 =	vsel vm0, $0x207, v0;
	v1 =	vsel vm1, $0x18E, v1  }
0x2a: {  	v2 =	vsel vm1, $0x18F, v2;
	[tilespmem:$0x1FC70] =	vst v0;
	v0 =	vsel vm4, $0xA, v34;
	v42 =	vsel vm0, $0x20E, v1  }
0x2b: {  	v43 =	vsel vm0, $0x20F, v2;
	v1 =	vsel vm4, $0x11, v45;
	v0 =	vsel vm3, $0x8A, v0  }
0x2c: {  	v2 =	vsel vm4, $0x12, v46;
	v34 =	vimm.s32 $0x2AE;
	v0 =	vsel vm2, $0x10A, v0  }
0x2d: {  	v45 =	vimm.s32 $0x2B5;
	v46 =	vimm.s32 $0x2B6;
	v0 =	vsel vm1, $0x18A, v0  }
0x2e: {  	v1 =	vsel vm3, $0x91, v1;
	v2 =	vsel vm3, $0x92, v2;
	v0 =	vsel vm0, $0x20A, v0  }
0x2f: {  	v1 =	vsel vm2, $0x111, v1;
	v2 =	vsel vm2, $0x112, v2;
	[tilespmem:$0x1FCA0] =	vst v0;
	v0 =	vsel vm4, $0xD, v39  }
0x30: {  	v1 =	vsel vm1, $0x191, v1;
	v2 =	vsel vm1, $0x192, v2;
	v0 =	vsel vm3, $0x8D, v0  }
0x31: {  	v47 =	vsel vm0, $0x211, v1;
	v48 =	vsel vm0, $0x212, v2;
	v0 =	vsel vm2, $0x10D, v0  }
0x32: {  	v1 =	vsel vm4, $0x14, v50;
	v2 =	vsel vm4, $0x15, v51;
	v0 =	vsel vm1, $0x18D, v0  }
0x33: {  	v50 =	vimm.s32 $0x2B8;
	v51 =	vimm.s32 $0x2B9;
	v0 =	vsel vm0, $0x20D, v0  }
0x34: {  	v1 =	vsel vm3, $0x94, v1;
	v2 =	vsel vm3, $0x95, v2;
	[tilespmem:$0x1FCD0] =	vst v0;
	v0 =	vsel vm4, $0x10, v44  }
0x35: {  	v39 =	vimm.s32 $0x2B1;
	v1 =	vsel vm2, $0x114, v1;
	v0 =	vsel vm3, $0x90, v0  }
0x36: {  	v2 =	vsel vm2, $0x115, v2;
	v1 =	vsel vm1, $0x194, v1;
	v0 =	vsel vm2, $0x110, v0  }
0x37: {  	v2 =	vsel vm1, $0x195, v2;
	v52 =	vsel vm0, $0x214, v1;
	v0 =	vsel vm1, $0x190, v0  }
0x38: {  	v53 =	vsel vm0, $0x215, v2;
	v1 =	vsel vm4, $0x17, v55;
	v0 =	vsel vm0, $0x210, v0  }
0x39: {  	v2 =	vsel vm4, $0x18, v56;
	v55 =	vimm.s32 $0x2BB;
	[tilespmem:$0x1FD00] =	vst v0;
	v0 =	vsel vm4, $0x13, v49  }
0x3a: {  	v56 =	vimm.s32 $0x2BC;
	v1 =	vsel vm3, $0x97, v1;
	v0 =	vsel vm3, $0x93, v0  }
0x3b: {  	v2 =	vsel vm3, $0x98, v2;
	v1 =	vsel vm2, $0x117, v1;
	v0 =	vsel vm2, $0x113, v0  }
0x3c: {  	v2 =	vsel vm2, $0x118, v2;
	v44 =	vimm.s32 $0x2B4;
	v0 =	vsel vm1, $0x193, v0  }
0x3d: {  	v1 =	vsel vm1, $0x197, v1;
	v2 =	vsel vm1, $0x198, v2;
	v0 =	vsel vm0, $0x213, v0  }
0x3e: {  	v57 =	vsel vm0, $0x217, v1;
	v58 =	vsel vm0, $0x218, v2;
	[tilespmem:$0x1FD30] =	vst v0;
	v0 =	vsel vm4, $0x16, v54  }
0x3f: {  	v1 =	vsel vm4, $0x1A, v60;
	v2 =	vsel vm4, $0x1B, v61;
	v0 =	vsel vm3, $0x96, v0  }
0x40: {  	v60 =	vimm.s32 $0x2BE;
	v61 =	vimm.s32 $0x2BF;
	v0 =	vsel vm2, $0x116, v0  }
0x41: {  	v1 =	vsel vm3, $0x9A, v1;
	v2 =	vsel vm3, $0x9B, v2;
	v0 =	vsel vm1, $0x196, v0  }
0x42: {  	v1 =	vsel vm2, $0x11A, v1;
	v2 =	vsel vm2, $0x11B, v2;
	v0 =	vsel vm0, $0x216, v0  }
0x43: {  	v1 =	vsel vm1, $0x19A, v1;
	v2 =	vsel vm1, $0x19B, v2;
	[tilespmem:$0x1FD60] =	vst v0;
	v0 =	vsel vm4, $0x19, v59  }
0x44: {  	v49 =	vimm.s32 $0x2B7;
	v62 =	vsel vm0, $0x21A, v1;
	v0 =	vsel vm3, $0x99, v0  }
0x45: {  	v63 =	vsel vm0, $0x21B, v2;
	v1 =	vsel vm4, $0x1D, v5;
	v0 =	vsel vm2, $0x119, v0  }
0x46: {  	v2 =	vsel vm4, $0x1E, v6;
	v1 =	vsel vm3, $0x9D, v1;
	v0 =	vsel vm1, $0x199, v0  }
0x47: {  	v2 =	vsel vm3, $0x9E, v2;
	v1 =	vsel vm2, $0x11D, v1;
	v0 =	vsel vm0, $0x219, v0  }
0x48: {  	v2 =	vsel vm2, $0x11E, v2;
	v1 =	vsel vm1, $0x19D, v1;
	[tilespmem:$0x1FD90] =	vst v0;
	v0 =	vsel vm4, $0x1C, v4  }
0x49: {  	v2 =	vsel vm1, $0x19E, v2;
	v7 =	vsel vm0, $0x21D, v1;
	v0 =	vsel vm3, $0x9C, v0  }
0x4a: {  	v8 =	vsel vm0, $0x21E, v2;
	v1 =	vsel vm4, $0x20, v10;
	v0 =	vsel vm2, $0x11C, v0  }
0x4b: {  	v2 =	vsel vm4, $0x21, v11;
	v54 =	vimm.s32 $0x2BA;
	v0 =	vsel vm1, $0x19C, v0  }
0x4c: {  	v1 =	vsel vm3, $0xA0, v1;
	v2 =	vsel vm3, $0xA1, v2;
	v0 =	vsel vm0, $0x21C, v0  }
0x4d: {  	v1 =	vsel vm2, $0x120, v1;
	v2 =	vsel vm2, $0x121, v2;
	[tilespmem:$0x1FDC0] =	vst v0;
	v0 =	vsel vm4, $0x1F, v9  }
0x4e: {  	v1 =	vsel vm1, $0x1A0, v1;
	v2 =	vsel vm1, $0x1A1, v2;
	v0 =	vsel vm3, $0x9F, v0  }
0x4f: {  	[tilespmem:$0x1FC20] =	vst v22;
	v12 =	vsel vm0, $0x220, v1;
	v13 =	vsel vm0, $0x221, v2;
	v0 =	vsel vm2, $0x11F, v0  }
0x50: {  	[tilespmem:$0x1FC30] =	vst v23;
	v1 =	vsel vm4, $0x23, v15;
	v2 =	vsel vm4, $0x24, v16;
	v0 =	vsel vm1, $0x19F, v0  }
0x51: {  	[tilespmem:$0x1FC50] =	vst v27;
	v1 =	vsel vm3, $0xA3, v1;
	v2 =	vsel vm3, $0xA4, v2;
	v0 =	vsel vm0, $0x21F, v0  }
0x52: {  	v59 =	vimm.s32 $0x2BD;
	v1 =	vsel vm2, $0x123, v1;
	[tilespmem:$0x1FDF0] =	vst v0;
	v0 =	vsel vm4, $0x22, v14  }
0x53: {  	[tilespmem:$0x1FC60] =	vst v28;
	v2 =	vsel vm2, $0x124, v2;
	v1 =	vsel vm1, $0x1A3, v1;
	v0 =	vsel vm3, $0xA2, v0  }
0x54: {  	[tilespmem:$0x1FC80] =	vst v32;
	v2 =	vsel vm1, $0x1A4, v2;
	v17 =	vsel vm0, $0x223, v1;
	v0 =	vsel vm2, $0x122, v0  }
0x55: {  	[tilespmem:$0x1FC90] =	vst v33;
	v18 =	vsel vm0, $0x224, v2;
	v1 =	vsel vm4, $0x26, v20;
	v0 =	vsel vm1, $0x1A2, v0  }
0x56: {  	[tilespmem:$0x1FCB0] =	vst v37;
	v2 =	vsel vm4, $0x27, v21;
	v1 =	vsel vm3, $0xA6, v1;
	v0 =	vsel vm0, $0x222, v0  }
0x57: {  	v2 =	vsel vm3, $0xA7, v2;
	v1 =	vsel vm2, $0x126, v1;
	[tilespmem:$0x1FE20] =	vst v0;
	v0 =	vsel vm4, $0x25, v19  }
0x58: {  	[tilespmem:$0x1FCC0] =	vst v38;
	v2 =	vsel vm2, $0x127, v2;
	v1 =	vsel vm1, $0x1A6, v1;
	v0 =	vsel vm3, $0xA5, v0  }
0x59: {  	[tilespmem:$0x1FCE0] =	vst v42;
	v2 =	vsel vm1, $0x1A7, v2;
	v22 =	vsel vm0, $0x226, v1;
	v0 =	vsel vm2, $0x125, v0  }
0x5a: {  	[tilespmem:$0x1FCF0] =	vst v43;
	v23 =	vsel vm0, $0x227, v2;
	v1 =	vsel vm4, $0x29, v25;
	v0 =	vsel vm1, $0x1A5, v0  }
0x5b: {  	[tilespmem:$0x1FD10] =	vst v47;
	v2 =	vsel vm4, $0x2A, v26;
	v1 =	vsel vm3, $0xA9, v1;
	v0 =	vsel vm0, $0x225, v0  }
0x5c: {  	v2 =	vsel vm3, $0xAA, v2;
	v1 =	vsel vm2, $0x129, v1;
	[tilespmem:$0x1FE50] =	vst v0;
	v0 =	vsel vm4, $0x28, v24  }
0x5d: {  	[tilespmem:$0x1FD20] =	vst v48;
	v2 =	vsel vm2, $0x12A, v2;
	v1 =	vsel vm1, $0x1A9, v1;
	v0 =	vsel vm3, $0xA8, v0  }
0x5e: {  	[tilespmem:$0x1FD40] =	vst v52;
	v2 =	vsel vm1, $0x1AA, v2;
	v27 =	vsel vm0, $0x229, v1;
	v0 =	vsel vm2, $0x128, v0  }
0x5f: {  	[tilespmem:$0x1FD50] =	vst v53;
	v28 =	vsel vm0, $0x22A, v2;
	v1 =	vsel vm4, $0x2C, v30;
	v0 =	vsel vm1, $0x1A8, v0  }
0x60: {  	[tilespmem:$0x1FD70] =	vst v57;
	v2 =	vsel vm4, $0x2D, v31;
	v1 =	vsel vm3, $0xAC, v1;
	v0 =	vsel vm0, $0x228, v0  }
0x61: {  	v2 =	vsel vm3, $0xAD, v2;
	v1 =	vsel vm2, $0x12C, v1;
	[tilespmem:$0x1FE80] =	vst v0;
	v0 =	vsel vm4, $0x2B, v29  }
0x62: {  	[tilespmem:$0x1FD80] =	vst v58;
	v2 =	vsel vm2, $0x12D, v2;
	v1 =	vsel vm1, $0x1AC, v1;
	v0 =	vsel vm3, $0xAB, v0  }
0x63: {  	[tilespmem:$0x1FDA0] =	vst v62;
	v2 =	vsel vm1, $0x1AD, v2;
	v32 =	vsel vm0, $0x22C, v1;
	v0 =	vsel vm2, $0x12B, v0  }
0x64: {  	[tilespmem:$0x1FDB0] =	vst v63;
	v33 =	vsel vm0, $0x22D, v2;
	v1 =	vsel vm4, $0x2F, v35;
	v0 =	vsel vm1, $0x1AB, v0  }
0x65: {  	[tilespmem:$0x1FDD0] =	vst v7;
	v2 =	vsel vm4, $0x30, v36;
	v1 =	vsel vm3, $0xAF, v1;
	v0 =	vsel vm0, $0x22B, v0  }
0x66: {  	v2 =	vsel vm3, $0xB0, v2;
	v1 =	vsel vm2, $0x12F, v1;
	[tilespmem:$0x1FEB0] =	vst v0;
	v0 =	vsel vm4, $0x2E, v34  }
0x67: {  	[tilespmem:$0x1FDE0] =	vst v8;
	v2 =	vsel vm2, $0x130, v2;
	v1 =	vsel vm1, $0x1AF, v1;
	v0 =	vsel vm3, $0xAE, v0  }
0x68: {  	[tilespmem:$0x1FE00] =	vst v12;
	v2 =	vsel vm1, $0x1B0, v2;
	v37 =	vsel vm0, $0x22F, v1;
	v0 =	vsel vm2, $0x12E, v0  }
0x69: {  	[tilespmem:$0x1FE10] =	vst v13;
	v38 =	vsel vm0, $0x230, v2;
	v1 =	vsel vm4, $0x32, v40;
	v0 =	vsel vm1, $0x1AE, v0  }
0x6a: {  	[tilespmem:$0x1FE30] =	vst v17;
	v2 =	vsel vm4, $0x33, v41;
	v1 =	vsel vm3, $0xB2, v1;
	v0 =	vsel vm0, $0x22E, v0  }
0x6b: {  	v2 =	vsel vm3, $0xB3, v2;
	v1 =	vsel vm2, $0x132, v1;
	[tilespmem:$0x1FEE0] =	vst v0;
	v0 =	vsel vm4, $0x31, v39  }
0x6c: {  	[tilespmem:$0x1FE40] =	vst v18;
	v2 =	vsel vm2, $0x133, v2;
	v1 =	vsel vm1, $0x1B2, v1;
	v0 =	vsel vm3, $0xB1, v0  }
0x6d: {  	[tilespmem:$0x1FE60] =	vst v22;
	v2 =	vsel vm1, $0x1B3, v2;
	v42 =	vsel vm0, $0x232, v1;
	v0 =	vsel vm2, $0x131, v0  }
0x6e: {  	[tilespmem:$0x1FE70] =	vst v23;
	v43 =	vsel vm0, $0x233, v2;
	v1 =	vsel vm4, $0x35, v45;
	v0 =	vsel vm1, $0x1B1, v0  }
0x6f: {  	[tilespmem:$0x1FE90] =	vst v27;
	v2 =	vsel vm4, $0x36, v46;
	v1 =	vsel vm3, $0xB5, v1;
	v0 =	vsel vm0, $0x231, v0  }
0x70: {  	v2 =	vsel vm3, $0xB6, v2;
	v1 =	vsel vm2, $0x135, v1;
	[tilespmem:$0x1FF10] =	vst v0;
	v0 =	vsel vm4, $0x34, v44  }
0x71: {  	[tilespmem:$0x1FEA0] =	vst v28;
	v2 =	vsel vm2, $0x136, v2;
	v1 =	vsel vm1, $0x1B5, v1;
	v0 =	vsel vm3, $0xB4, v0  }
0x72: {  	[tilespmem:$0x1FEC0] =	vst v32;
	v2 =	vsel vm1, $0x1B6, v2;
	v47 =	vsel vm0, $0x235, v1;
	v0 =	vsel vm2, $0x134, v0  }
0x73: {  	[tilespmem:$0x1FED0] =	vst v33;
	v48 =	vsel vm0, $0x236, v2;
	v1 =	vsel vm4, $0x38, v50;
	v0 =	vsel vm1, $0x1B4, v0  }
0x74: {  	[tilespmem:$0x1FEF0] =	vst v37;
	v2 =	vsel vm4, $0x39, v51;
	v1 =	vsel vm3, $0xB8, v1;
	v0 =	vsel vm0, $0x234, v0  }
0x75: {  	v2 =	vsel vm3, $0xB9, v2;
	v1 =	vsel vm2, $0x138, v1;
	[tilespmem:$0x1FF40] =	vst v0;
	v0 =	vsel vm4, $0x37, v49  }
0x76: {  	[tilespmem:$0x1FF00] =	vst v38;
	v2 =	vsel vm2, $0x139, v2;
	v1 =	vsel vm1, $0x1B8, v1;
	v0 =	vsel vm3, $0xB7, v0  }
0x77: {  	s0 =	srdreg.scid;
	s1 =	stileid.u32;
	[tilespmem:$0x1FF20] =	vst v42;
	v2 =	vsel vm1, $0x1B9, v2;
	v52 =	vsel vm0, $0x238, v1;
	v0 =	vsel vm2, $0x137, v0  }
0x78: {  	s0 =	sand.u32 $0x1, s0;
	s1 =	sshll.u32 s1, $0x1;
	[tilespmem:$0x1FF30] =	vst v43;
	v53 =	vsel vm0, $0x239, v2;
	v1 =	vsel vm4, $0x3B, v55;
	v0 =	vsel vm1, $0x1B7, v0  }
0x79: {  	s2 =	rddreg [dreg:$0x1];
	s1 =	sor.u32 s0, s1;
	[tilespmem:$0x1FF50] =	vst v47;
	v2 =	vsel vm4, $0x3C, v56;
	v1 =	vsel vm3, $0xBB, v1;
	v0 =	vsel vm0, $0x237, v0  }
0x7a: {  	s5 =	rddreg [dreg:$0x2];
	s4 =	simm.s32 $0x0;
	s3 =	smul.u32 $0x6400, s1;
	v2 =	vsel vm3, $0xBC, v2;
	v1 =	vsel vm2, $0x13B, v1;
	[tilespmem:$0x1FF70] =	vst v0;
	v0 =	vsel vm4, $0x3A, v54  }
0x7b: {  	s6 =	sadd.s32 $0x400, s2;
	[smem:$0x7FF] =	sst s4;
	[tilespmem:$0x1FF60] =	vst v48;
	v2 =	vsel vm2, $0x13C, v2;
	v1 =	vsel vm1, $0x1BB, v1;
	v0 =	vsel vm3, $0xBA, v0  }
0x7c: {  	[smem:$0x7F6] =	sst s6;
	s26 =	sshrl.u32 s3, $0x3;
	[tilespmem:$0x1FF80] =	vst v52;
	v2 =	vsel vm1, $0x1BC, v2;
	v57 =	vsel vm0, $0x23B, v1;
	v0 =	vsel vm2, $0x13A, v0  }
0x7d: {  	s1 =	smul.u32 $0x32000, s1;
	s29 =	sadd.s32 $0x400, s3;
	s2 =	sadd.s32 s6, s26;
	[tilespmem:$0x1FF90] =	vst v53;
	v58 =	vsel vm0, $0x23C, v2;
	v1 =	vsel vm4, $0x3E, v60;
	v0 =	vsel vm1, $0x1BA, v0  }
0x7e: {  	s0 =	ssub.s32 $0x2, s0;
	v2 =	vsel vm4, $0x3F, v61;
	v1 =	vsel vm3, $0xBE, v1;
	_ =	strace $0x80000047;
	[smem:$0x7F7] =	sst s2;
	v0 =	vsel vm0, $0x23A, v0  }
0x7f: {  	s28 =	sshrl.u32 s0, $0x1;
	s31 =	sadd.s32 $0x600, s3;
	v2 =	vsel vm3, $0xBF, v2;
	v1 =	vsel vm2, $0x13E, v1;
	[smem:$0x7F9] =	sst s1;
	[tilespmem:$0x1FFA0] =	vst v0;
	v0 =	vsel vm4, $0x3D, v59  }
.Ltmp0:
0x80: {  	s0 =	ssub.s32 s0, s28;
	v2 =	vsel vm2, $0x13F, v2;
	v1 =	vsel vm1, $0x1BE, v1;
	[tilespmem:$0x1FFB0] =	vst v57;
	[smem:$0x7FA] =	sst s29;
	v0 =	vsel vm3, $0xBD, v0;
	(pc) =	sbr.rel .LBB2_1-.Ltmp0, $4  }
0x81: {  	s0 =	smax.u32 s0, $0x1;
	v2 =	vsel vm1, $0x1BF, v2;
	v62 =	vsel vm0, $0x23E, v1;
	[tilespmem:$0x1FFC0] =	vst v58;
	[smem:$0x7FC] =	sst s31;
	v0 =	vsel vm2, $0x13D, v0  }
0x82: {  	s30 =	sadd.s32 s3, s5;
	v63 =	vsel vm0, $0x23F, v2;
	s2 =	sadd.s32 $0x40, s2;
	[smem:$0x7FD] =	sst s0;
	[tilespmem:$0x1FFE0] =	vst v62;
	v0 =	vsel vm1, $0x1BD, v0  }
0x83: {  	s1 =	sadd.s32 $0x200, s30;
	[tilespmem:$0x1FFF0] =	vst v63;
	[smem:$0x7F8] =	sst s2;
	v0 =	vsel vm0, $0x23D, v0  }
0x84: {  	[smem:$0x7FB] =	sst s1;
	s2 =	simm.s32 $0x0;
	[tilespmem:$0x1FFD0] =	vst v0  }
.LBB2_12:
0x85: {  	s0 =	simm.s32 $0x3  }
0x86: {  	_ =	swait.ge [sflag:s0], $0x8000  }
0x87: {  	[sflag:s0] =	ssyncset.done $0x0  }
0x88: {  	s1 =	simm.s32 $0x4;
	[sflag:s0] =	ssyncadd.s32 $0xFFFF8000  }
0x89: {  	_ =	swait.ge [sflag:s1], $0x8000  }
0x8a: {  	s2 =	sld [smem:$0x7F5]  }
0x8b: {  	s31 =	sld [smem:$0x7FD];
	_ =	sdelay $0x1  }
0x8c: {  	s2 =	sadd.s32 $0x1, s2  }
0x8d: {  	p0 =	sne.s32 s2, s31  }
.Ltmp1:
0x8e: {  	_ = 	snop;
	(pc) =	sbr.rel @!p0 .LBB2_13-.Ltmp1, $3  }
0x8f: {  	_ =	sdelay $0x1  }
0x90: {  	[sflag:s1] =	ssyncset.done $0x0  }
0x91: {  	[sflag:s1] =	ssyncadd.s32 $0xFFFF8000  }
.LBB2_1:
0x92: {  	[smem:$0x7F5] =	sst s2  }
0x93: {  	s0 =	rddreg [dreg:$0x0];
	s1 =	simm.s32 $0x0;
	s26 =	simm.s32 $0x5  }
0x94: {  	[tilespmem:s1], [sflag:$0x5] =	stream.linear.gather [hbm4b:s0+s1], $0x300, $0x38;
	[tilespmem:$0x12800] =	vst v63  }
0x95: {  	_ =	swait.ge [sflag:s26], $0x300  }
0x96: {  	v0 =	vld [tilespmem:$0x1FC00];
	_ =	sdelay $0x5  }
0x97: {  	[sflag:s26] =	ssyncset.done $0x0;
	v61 =	vld [tilespmem:$0x1FC10]  }
0x98: {  	[sflag:s26] =	ssyncadd.s32 $0xFFFFFD00  }
0x99: {  	v0 =	vld.idx.msk [tilespmem:v0+s1+$0x0], $0xffff;
	_ =	sdelay $0x3  }
0x9a: {  	v62 =	vld [tilespmem:$0x1FC20]  }
0x9b: {  	[tilespmem:$0x400] =	vst v0  }
0x9c: {  	v0 =	vld.idx.msk [tilespmem:v61+s1+$0x0], $0xffff;
	_ =	sdelay $0x3  }
0x9d: {  	v63 =	vld [tilespmem:$0x1FC30]  }
0x9e: {  	[tilespmem:$0x480] =	vst v0  }
0x9f: {  	v0 =	vld.idx.msk [tilespmem:v62+s1+$0x0], $0xffff;
	_ =	sdelay $0x3  }
0xa0: {  	v4 =	vld [tilespmem:$0x1FC40]  }
0xa1: {  	[tilespmem:$0x500] =	vst v0  }
0xa2: {  	v0 =	vld.idx.msk [tilespmem:v63+s1+$0x0], $0xffff;
	_ =	sdelay $0x3  }
0xa3: {  	v5 =	vld [tilespmem:$0x1FC50]  }
0xa4: {  	[tilespmem:$0x580] =	vst v0  }
0xa5: {  	v0 =	vld.idx.msk [tilespmem:v4+s1+$0x0], $0xffff;
	_ =	sdelay $0x3  }
0xa6: {  	v6 =	vld [tilespmem:$0x1FC60]  }
0xa7: {  	[tilespmem:$0x600] =	vst v0  }
0xa8: {  	v0 =	vld.idx.msk [tilespmem:v5+s1+$0x0], $0xffff;
	_ =	sdelay $0x3  }
0xa9: {  	v7 =	vld [tilespmem:$0x1FC70]  }
0xaa: {  	[tilespmem:$0x680] =	vst v0  }
0xab: {  	v0 =	vld.idx.msk [tilespmem:v6+s1+$0x0], $0xffff;
	_ =	sdelay $0x3  }
0xac: {  	v8 =	vld [tilespmem:$0x1FC80]  }
0xad: {  	[tilespmem:$0x700] =	vst v0  }
0xae: {  	v0 =	vld.idx.msk [tilespmem:v7+s1+$0x0], $0xffff;
	_ =	sdelay $0x3  }
0xaf: {  	v9 =	vld [tilespmem:$0x1FC90]  }
0xb0: {  	[tilespmem:$0x780] =	vst v0  }
0xb1: {  	v0 =	vld.idx.msk [tilespmem:v8+s1+$0x0], $0xffff;
	_ =	sdelay $0x3  }
0xb2: {  	v10 =	vld [tilespmem:$0x1FCA0]  }
0xb3: {  	[tilespmem:$0x800] =	vst v0  }
0xb4: {  	v0 =	vld.idx.msk [tilespmem:v9+s1+$0x0], $0xffff;
	_ =	sdelay $0x3  }
0xb5: {  	v11 =	vld [tilespmem:$0x1FCB0]  }
0xb6: {  	[tilespmem:$0x880] =	vst v0  }
0xb7: {  	v0 =	vld.idx.msk [tilespmem:v10+s1+$0x0], $0xffff;
	_ =	sdelay $0x3  }
0xb8: {  	v12 =	vld [tilespmem:$0x1FCC0]  }
0xb9: {  	[tilespmem:$0x900] =	vst v0  }
0xba: {  	v0 =	vld.idx.msk [tilespmem:v11+s1+$0x0], $0xffff;
	_ =	sdelay $0x3  }
0xbb: {  	v13 =	vld [tilespmem:$0x1FCD0]  }
0xbc: {  	[tilespmem:$0x980] =	vst v0  }
0xbd: {  	v0 =	vld.idx.msk [tilespmem:v12+s1+$0x0], $0xffff;
	_ =	sdelay $0x3  }
0xbe: {  	v14 =	vld [tilespmem:$0x1FCE0]  }
0xbf: {  	[tilespmem:$0xA00] =	vst v0  }
0xc0: {  	v0 =	vld.idx.msk [tilespmem:v13+s1+$0x0], $0xffff;
	_ =	sdelay $0x3  }
0xc1: {  	v15 =	vld [tilespmem:$0x1FCF0]  }
0xc2: {  	[tilespmem:$0xA80] =	vst v0  }
0xc3: {  	v0 =	vld.idx.msk [tilespmem:v14+s1+$0x0], $0xffff;
	_ =	sdelay $0x3  }
0xc4: {  	v16 =	vld [tilespmem:$0x1FD00]  }
0xc5: {  	[tilespmem:$0xB00] =	vst v0  }
0xc6: {  	v0 =	vld.idx.msk [tilespmem:v15+s1+$0x0], $0xffff;
	_ =	sdelay $0x3  }
0xc7: {  	v17 =	vld [tilespmem:$0x1FD10]  }
0xc8: {  	[tilespmem:$0xB80] =	vst v0  }
0xc9: {  	v0 =	vld.idx.msk [tilespmem:v16+s1+$0x0], $0xffff;
	_ =	sdelay $0x3  }
0xca: {  	v18 =	vld [tilespmem:$0x1FD20]  }
0xcb: {  	[tilespmem:$0xC00] =	vst v0  }
0xcc: {  	v0 =	vld.idx.msk [tilespmem:v17+s1+$0x0], $0xffff;
	_ =	sdelay $0x3  }
0xcd: {  	v19 =	vld [tilespmem:$0x1FD30]  }
0xce: {  	[tilespmem:$0xC80] =	vst v0  }
0xcf: {  	v0 =	vld.idx.msk [tilespmem:v18+s1+$0x0], $0xffff;
	_ =	sdelay $0x3  }
0xd0: {  	v20 =	vld [tilespmem:$0x1FD40]  }
0xd1: {  	[tilespmem:$0xD00] =	vst v0  }
0xd2: {  	v0 =	vld.idx.msk [tilespmem:v19+s1+$0x0], $0xffff;
	_ =	sdelay $0x3  }
0xd3: {  	v21 =	vld [tilespmem:$0x1FD50]  }
0xd4: {  	[tilespmem:$0xD80] =	vst v0  }
0xd5: {  	v0 =	vld.idx.msk [tilespmem:v20+s1+$0x0], $0xffff;
	_ =	sdelay $0x3  }
0xd6: {  	v22 =	vld [tilespmem:$0x1FD60]  }
0xd7: {  	[tilespmem:$0xE00] =	vst v0  }
0xd8: {  	v0 =	vld.idx.msk [tilespmem:v21+s1+$0x0], $0xffff;
	_ =	sdelay $0x3  }
0xd9: {  	v23 =	vld [tilespmem:$0x1FD70]  }
0xda: {  	[tilespmem:$0xE80] =	vst v0  }
0xdb: {  	v0 =	vld.idx.msk [tilespmem:v22+s1+$0x0], $0xffff;
	_ =	sdelay $0x3  }
0xdc: {  	v24 =	vld [tilespmem:$0x1FD80]  }
0xdd: {  	[tilespmem:$0xF00] =	vst v0  }
0xde: {  	v0 =	vld.idx.msk [tilespmem:v23+s1+$0x0], $0xffff;
	_ =	sdelay $0x3  }
0xdf: {  	v25 =	vld [tilespmem:$0x1FD90]  }
0xe0: {  	[tilespmem:$0xF80] =	vst v0  }
0xe1: {  	v0 =	vld.idx.msk [tilespmem:v24+s1+$0x0], $0xffff;
	_ =	sdelay $0x3  }
0xe2: {  	v26 =	vld [tilespmem:$0x1FDA0]  }
0xe3: {  	[tilespmem:$0x1000] =	vst v0  }
0xe4: {  	v0 =	vld.idx.msk [tilespmem:v25+s1+$0x0], $0xffff;
	_ =	sdelay $0x3  }
0xe5: {  	v27 =	vld [tilespmem:$0x1FDB0]  }
0xe6: {  	[tilespmem:$0x1080] =	vst v0  }
0xe7: {  	v0 =	vld.idx.msk [tilespmem:v26+s1+$0x0], $0xffff;
	_ =	sdelay $0x3  }
0xe8: {  	v28 =	vld [tilespmem:$0x1FDC0]  }
0xe9: {  	[tilespmem:$0x1100] =	vst v0  }
0xea: {  	v0 =	vld.idx.msk [tilespmem:v27+s1+$0x0], $0xffff;
	_ =	sdelay $0x3  }
0xeb: {  	v29 =	vld [tilespmem:$0x1FDD0]  }
0xec: {  	[tilespmem:$0x1180] =	vst v0  }
0xed: {  	v0 =	vld.idx.msk [tilespmem:v28+s1+$0x0], $0xffff;
	_ =	sdelay $0x3  }
0xee: {  	v30 =	vld [tilespmem:$0x1FDE0]  }
0xef: {  	[tilespmem:$0x1200] =	vst v0  }
0xf0: {  	v0 =	vld.idx.msk [tilespmem:v29+s1+$0x0], $0xffff;
	_ =	sdelay $0x3  }
0xf1: {  	v31 =	vld [tilespmem:$0x1FDF0]  }
0xf2: {  	[tilespmem:$0x1280] =	vst v0  }
0xf3: {  	v0 =	vld.idx.msk [tilespmem:v30+s1+$0x0], $0xffff;
	_ =	sdelay $0x3  }
0xf4: {  	v32 =	vld [tilespmem:$0x1FE00]  }
0xf5: {  	[tilespmem:$0x1300] =	vst v0  }
0xf6: {  	v0 =	vld.idx.msk [tilespmem:v31+s1+$0x0], $0xffff;
	_ =	sdelay $0x3  }
0xf7: {  	v33 =	vld [tilespmem:$0x1FE10]  }
0xf8: {  	[tilespmem:$0x1380] =	vst v0  }
0xf9: {  	v0 =	vld.idx.msk [tilespmem:v32+s1+$0x0], $0xffff;
	_ =	sdelay $0x3  }
0xfa: {  	v34 =	vld [tilespmem:$0x1FE20]  }
0xfb: {  	[tilespmem:$0x1400] =	vst v0  }
0xfc: {  	v0 =	vld.idx.msk [tilespmem:v33+s1+$0x0], $0xffff;
	_ =	sdelay $0x3  }
0xfd: {  	v35 =	vld [tilespmem:$0x1FE30]  }
0xfe: {  	[tilespmem:$0x1480] =	vst v0  }
0xff: {  	v0 =	vld.idx.msk [tilespmem:v34+s1+$0x0], $0xffff;
	_ =	sdelay $0x3  }
0x100: {  	v36 =	vld [tilespmem:$0x1FE40]  }
0x101: {  	[tilespmem:$0x1500] =	vst v0  }
0x102: {  	v0 =	vld.idx.msk [tilespmem:v35+s1+$0x0], $0xffff;
	_ =	sdelay $0x3  }
0x103: {  	v37 =	vld [tilespmem:$0x1FE50]  }
0x104: {  	[tilespmem:$0x1580] =	vst v0  }
0x105: {  	v0 =	vld.idx.msk [tilespmem:v36+s1+$0x0], $0xffff;
	_ =	sdelay $0x3  }
0x106: {  	v38 =	vld [tilespmem:$0x1FE60]  }
0x107: {  	[tilespmem:$0x1600] =	vst v0  }
0x108: {  	v0 =	vld.idx.msk [tilespmem:v37+s1+$0x0], $0xffff;
	_ =	sdelay $0x3  }
0x109: {  	v39 =	vld [tilespmem:$0x1FE70]  }
0x10a: {  	[tilespmem:$0x1680] =	vst v0  }
0x10b: {  	v0 =	vld.idx.msk [tilespmem:v38+s1+$0x0], $0xffff;
	_ =	sdelay $0x3  }
0x10c: {  	v40 =	vld [tilespmem:$0x1FE80]  }
0x10d: {  	[tilespmem:$0x1700] =	vst v0  }
0x10e: {  	v0 =	vld.idx.msk [tilespmem:v39+s1+$0x0], $0xffff;
	_ =	sdelay $0x3  }
0x10f: {  	v41 =	vld [tilespmem:$0x1FE90]  }
0x110: {  	[tilespmem:$0x1780] =	vst v0  }
0x111: {  	v0 =	vld.idx.msk [tilespmem:v40+s1+$0x0], $0xffff;
	_ =	sdelay $0x3  }
0x112: {  	v42 =	vld [tilespmem:$0x1FEA0]  }
0x113: {  	[tilespmem:$0x1800] =	vst v0  }
0x114: {  	v0 =	vld.idx.msk [tilespmem:v41+s1+$0x0], $0xffff;
	_ =	sdelay $0x3  }
0x115: {  	v43 =	vld [tilespmem:$0x1FEB0]  }
0x116: {  	[tilespmem:$0x1880] =	vst v0  }
0x117: {  	v0 =	vld.idx.msk [tilespmem:v42+s1+$0x0], $0xffff;
	_ =	sdelay $0x3  }
0x118: {  	v44 =	vld [tilespmem:$0x1FEC0]  }
0x119: {  	[tilespmem:$0x1900] =	vst v0  }
0x11a: {  	v0 =	vld.idx.msk [tilespmem:v43+s1+$0x0], $0xffff;
	_ =	sdelay $0x3  }
0x11b: {  	v45 =	vld [tilespmem:$0x1FED0]  }
0x11c: {  	[tilespmem:$0x1980] =	vst v0  }
0x11d: {  	v0 =	vld.idx.msk [tilespmem:v44+s1+$0x0], $0xffff;
	_ =	sdelay $0x3  }
0x11e: {  	v46 =	vld [tilespmem:$0x1FEE0]  }
0x11f: {  	[tilespmem:$0x1A00] =	vst v0  }
0x120: {  	v0 =	vld.idx.msk [tilespmem:v45+s1+$0x0], $0xffff;
	_ =	sdelay $0x3  }
0x121: {  	v47 =	vld [tilespmem:$0x1FEF0]  }
0x122: {  	[tilespmem:$0x1A80] =	vst v0  }
0x123: {  	v0 =	vld.idx.msk [tilespmem:v46+s1+$0x0], $0xffff;
	_ =	sdelay $0x3  }
0x124: {  	v48 =	vld [tilespmem:$0x1FF00]  }
0x125: {  	[tilespmem:$0x1B00] =	vst v0  }
0x126: {  	v0 =	vld.idx.msk [tilespmem:v47+s1+$0x0], $0xffff;
	_ =	sdelay $0x3  }
0x127: {  	v49 =	vld [tilespmem:$0x1FF10]  }
0x128: {  	[tilespmem:$0x1B80] =	vst v0  }
0x129: {  	v0 =	vld.idx.msk [tilespmem:v48+s1+$0x0], $0xffff;
	_ =	sdelay $0x3  }
0x12a: {  	v50 =	vld [tilespmem:$0x1FF20]  }
0x12b: {  	[tilespmem:$0x1C00] =	vst v0  }
0x12c: {  	v0 =	vld.idx.msk [tilespmem:v49+s1+$0x0], $0xffff;
	_ =	sdelay $0x3  }
0x12d: {  	v51 =	vld [tilespmem:$0x1FF30]  }
0x12e: {  	[tilespmem:$0x1C80] =	vst v0  }
0x12f: {  	v0 =	vld.idx.msk [tilespmem:v50+s1+$0x0], $0xffff;
	_ =	sdelay $0x3  }
0x130: {  	v52 =	vld [tilespmem:$0x1FF40]  }
0x131: {  	[tilespmem:$0x1D00] =	vst v0  }
0x132: {  	v0 =	vld.idx.msk [tilespmem:v51+s1+$0x0], $0xffff;
	_ =	sdelay $0x3  }
0x133: {  	v53 =	vld [tilespmem:$0x1FF50]  }
0x134: {  	[tilespmem:$0x1D80] =	vst v0  }
0x135: {  	v0 =	vld.idx.msk [tilespmem:v52+s1+$0x0], $0xffff;
	_ =	sdelay $0x3  }
0x136: {  	v54 =	vld [tilespmem:$0x1FF60]  }
0x137: {  	[tilespmem:$0x1E00] =	vst v0  }
0x138: {  	v0 =	vld.idx.msk [tilespmem:v53+s1+$0x0], $0xffff;
	_ =	sdelay $0x3  }
0x139: {  	v55 =	vld [tilespmem:$0x1FF70]  }
0x13a: {  	[tilespmem:$0x1E80] =	vst v0  }
0x13b: {  	v0 =	vld.idx.msk [tilespmem:v54+s1+$0x0], $0xffff;
	_ =	sdelay $0x3  }
0x13c: {  	v56 =	vld [tilespmem:$0x1FF80]  }
0x13d: {  	[tilespmem:$0x1F00] =	vst v0  }
0x13e: {  	v0 =	vld.idx.msk [tilespmem:v55+s1+$0x0], $0xffff;
	_ =	sdelay $0x3  }
0x13f: {  	v57 =	vld [tilespmem:$0x1FF90]  }
0x140: {  	[tilespmem:$0x1F80] =	vst v0  }
0x141: {  	v0 =	vld.idx.msk [tilespmem:v56+s1+$0x0], $0xffff;
	_ =	sdelay $0x3  }
0x142: {  	v58 =	vld [tilespmem:$0x1FFA0]  }
0x143: {  	[tilespmem:$0x2000] =	vst v0  }
0x144: {  	v0 =	vld.idx.msk [tilespmem:v57+s1+$0x0], $0xffff;
	_ =	sdelay $0x3  }
0x145: {  	v59 =	vld [tilespmem:$0x1FFB0]  }
0x146: {  	[tilespmem:$0x2080] =	vst v0  }
0x147: {  	v0 =	vld.idx.msk [tilespmem:v58+s1+$0x0], $0xffff;
	_ =	sdelay $0x3  }
0x148: {  	v60 =	vld [tilespmem:$0x1FFC0]  }
0x149: {  	[tilespmem:$0x2100] =	vst v0  }
0x14a: {  	v0 =	vld.idx.msk [tilespmem:v59+s1+$0x0], $0xffff;
	_ =	sdelay $0x3  }
0x14b: {  	v61 =	vld [tilespmem:$0x1FFD0]  }
0x14c: {  	[tilespmem:$0x2180] =	vst v0  }
0x14d: {  	v0 =	vld.idx.msk [tilespmem:v60+s1+$0x0], $0xffff;
	_ =	sdelay $0x3  }
0x14e: {  	v62 =	vld [tilespmem:$0x1FFE0]  }
0x14f: {  	[tilespmem:$0x2200] =	vst v0  }
0x150: {  	v0 =	vld.idx.msk [tilespmem:v61+s1+$0x0], $0xffff;
	_ =	sdelay $0x3  }
0x151: {  	v63 =	vld [tilespmem:$0x1FFF0]  }
0x152: {  	[tilespmem:$0x2280] =	vst v0  }
0x153: {  	v0 =	vld.idx.msk [tilespmem:v62+s1+$0x0], $0xffff;
	_ =	sdelay $0x4  }
0x154: {  	[tilespmem:$0x2300] =	vst v0  }
0x155: {  	v0 =	vld.idx.msk [tilespmem:v63+s1+$0x0], $0xffff;
	_ =	sdelay $0x2  }
0x156: {  	s28 =	sld [smem:$0x7F7];
	_ =	sdelay $0x1  }
0x157: {  	s29 =	simm.s32 $0x2400;
	s30 =	sld [smem:$0x7F8];
	[tilespmem:$0x2380] =	vst v0  }
0x158: {  	[tilespmem:s29], [sflag:$0x1] =	stream.linear.gather [hbm4b:s28+s1], $0x200, $0x38;
	[tilespmem:$0x12800] =	vst v63  }
0x159: {  	s31 =	simm.s32 $0x2600;
	s3 =	simm.s32 $0x0  }
0x15a: {  	[tilespmem:s31], [sflag:$0x2] =	stream.linear.gather [hbm4b:s30+s1], $0x200, $0x38;
	[tilespmem:$0x12800] =	vst v63  }
.LBB2_2:
0x15b: {  	[smem:$0x7F3] =	sst s3;
	s0 =	simm.s32 $0x1  }
0x15c: {  	_ =	swait.ge [sflag:s0], $0x200  }
0x15d: {  	p0 =	seq.s32 s3, $0x0;
	[sflag:s0] =	ssyncset.done $0x0  }
0x15e: {  	s1 =	simm.s32 @!p0 $0x3;
	[sflag:s0] =	ssyncadd.s32 $0xFFFFFE00  }
0x15f: {  	_ =	swait.ge @!p0 [sflag:s1], $0x8000  }
0x160: {  	[sflag:s1] =	ssyncset.done @!p0 $0x0  }
0x161: {  	[sflag:s1] =	ssyncadd.s32 @!p0 $0xFFFF8000  }
0x162: {  	v3 =	vld [tilespmem:$0x600]  }
0x163: {  	s7 =	simm.s32 $0x0;
	v9 =	vld [tilespmem:$0x400]  }
0x164: {  	s0 =	sand.u32 $0x60, s7;
	v10 =	vld [tilespmem:$0x480]  }
0x165: {  	s2 =	sand.u32 $0x180, s7;
	s1 =	sor.u32 $0x10, s0;
	v6 =	vld [tilespmem:$0x500]  }
0x166: {  	s2 =	sor.u32 s1, s2;
	v61 =	vld [tilespmem:$0x580]  }
0x167: {  	v15 =	vld [tilespmem:s2+$0x2400];
	[tilespmem:$0x1FBC0] =	vst v3  }
0x168: {  	v4 =	vld [tilespmem:$0x680];
	_ =	sdelay $0x2  }
0x169: {  	s4 =	sand.u32 $0xC00, s7  }
0x16a: {  	s9 =	sadd.s32 $0x2800, s4  }
0x16b: {  	[smem:$0x7D3] =	sst s9;
	[tilespmem:$0x1FBD0] =	vst v4  }
0x16c: {  	v13 =	vld [tilespmem:$0x780];
	_ =	sdelay $0x4  }
0x16d: {  	v5 =	vld [tilespmem:$0x700];
	[tilespmem:$0x1FBE0] =	vst v13  }
0x16e: {  	v14 =	vld [tilespmem:$0x800];
	_ =	sdelay $0x1  }
0x16f: {  	v0 =	vperm.xlane v9, v15  }
0x170: {  	s2 =	sor.u32 s1, s9  }
0x171: {  	v1 =	vperm.xlane v10, v15;
	[tilespmem:s2+$0x0] =	vst v0  }
0x172: {  	s10 =	sand.u32 $0x3, s7;
	v2 =	vperm.xlane v6, v15;
	[tilespmem:$0x1FBF0] =	vst v14  }
0x173: {  	s3 =	sshll.u32 s10, $0x5;
	[tilespmem:s2+$0x80] =	vst v1  }
0x174: {  	s3 =	sadd.s32 $0x0, s3;
	v0 =	vperm.xlane v61, v15;
	v7 =	vld [tilespmem:$0x880];
	[tilespmem:s2+$0x100] =	vst v2  }
0x175: {  	v1 =	vperm.xlane v3, v15;
	v8 =	vld [tilespmem:$0x900];
	[smem:$0x7D4] =	sst s3  }
0x176: {  	v2 =	vperm.xlane v4, v15;
	[tilespmem:s2+$0x180] =	vst v0  }
0x177: {  	v11 =	vld [tilespmem:$0x980];
	[tilespmem:s2+$0x200] =	vst v1  }
0x178: {  	s5 =	sadd.s32 $0x3800, s4;
	s3 =	sadd.s32 $0x10, s3;
	v0 =	vperm.xlane v5, v15;
	v12 =	vld [tilespmem:$0xA00];
	[tilespmem:s2+$0x280] =	vst v2  }
0x179: {  	v1 =	vperm.xlane v13, v15;
	s11 =	sor.u32 $0x300, s3;
	v13 =	vld [tilespmem:$0xA80];
	[smem:$0x7D5] =	sst s5  }
0x17a: {  	s13 =	sadd.s32 $0x3880, s4;
	[tilespmem:s11+$0x2800] =	vst v0  }
0x17b: {  	v2 =	vperm.xlane v14, v15;
	s12 =	sor.u32 $0x380, s3;
	v14 =	vld [tilespmem:$0xB00];
	[smem:$0x7D6] =	sst s13  }
0x17c: {  	s15 =	sadd.s32 $0x3900, s4;
	[tilespmem:s12+$0x2800] =	vst v1  }
0x17d: {  	s14 =	sor.u32 s1, s5;
	v16 =	vld [tilespmem:$0xB80];
	[smem:$0x7D7] =	sst s15  }
0x17e: {  	s17 =	sadd.s32 $0x3980, s4;
	v0 =	vperm.xlane v7, v15;
	[tilespmem:s14+$0x0] =	vst v2  }
0x17f: {  	s16 =	sor.u32 s1, s13;
	v17 =	vld [tilespmem:$0xC00];
	[smem:$0x7D8] =	sst s17  }
0x180: {  	s19 =	sadd.s32 $0x3A00, s4;
	v1 =	vperm.xlane v8, v15;
	[tilespmem:s16+$0x0] =	vst v0  }
0x181: {  	s18 =	sor.u32 s1, s15;
	v18 =	vld [tilespmem:$0xC80];
	[smem:$0x7D9] =	sst s19  }
0x182: {  	s21 =	sadd.s32 $0x3A80, s4;
	v2 =	vperm.xlane v11, v15;
	[tilespmem:s18+$0x0] =	vst v1  }
0x183: {  	s20 =	sor.u32 s1, s17;
	v19 =	vld [tilespmem:$0xD00];
	[smem:$0x7DA] =	sst s21  }
0x184: {  	s23 =	sadd.s32 $0x3B00, s4;
	v0 =	vperm.xlane v12, v15;
	[tilespmem:s20+$0x0] =	vst v2  }
0x185: {  	s22 =	sor.u32 s1, s19;
	v20 =	vld [tilespmem:$0xD80];
	[smem:$0x7DB] =	sst s23  }
0x186: {  	s25 =	sadd.s32 $0x3B80, s4;
	v1 =	vperm.xlane v13, v15;
	[tilespmem:s22+$0x0] =	vst v0  }
0x187: {  	s24 =	sor.u32 s1, s21;
	v21 =	vld [tilespmem:$0xE00];
	[smem:$0x7DC] =	sst s25  }
0x188: {  	s28 =	sadd.s32 $0x4800, s4;
	v2 =	vperm.xlane v14, v15;
	[tilespmem:s24+$0x0] =	vst v1  }
0x189: {  	s26 =	sor.u32 s1, s23;
	v22 =	vld [tilespmem:$0xE80];
	[smem:$0x7DD] =	sst s28  }
0x18a: {  	s6 =	sadd.s32 $0x4880, s4;
	v0 =	vperm.xlane v16, v15;
	[tilespmem:s26+$0x0] =	vst v2  }
0x18b: {  	s3 =	sor.u32 s1, s25;
	v23 =	vld [tilespmem:$0xF00];
	[smem:$0x7DE] =	sst s6  }
0x18c: {  	s9 =	sadd.s32 $0x4900, s4;
	v1 =	vperm.xlane v17, v15;
	[tilespmem:s3+$0x0] =	vst v0  }
0x18d: {  	s8 =	sor.u32 s1, s28;
	v24 =	vld [tilespmem:$0xF80];
	[smem:$0x7DF] =	sst s9  }
0x18e: {  	s11 =	sadd.s32 $0x4980, s4;
	v2 =	vperm.xlane v18, v15;
	[tilespmem:s8+$0x0] =	vst v1  }
0x18f: {  	s10 =	sor.u32 s1, s6;
	v25 =	vld [tilespmem:$0x1000];
	[smem:$0x7E0] =	sst s11  }
0x190: {  	s13 =	sadd.s32 $0x4A00, s4;
	v0 =	vperm.xlane v19, v15;
	[tilespmem:s10+$0x0] =	vst v2  }
0x191: {  	s12 =	sor.u32 s1, s9;
	v26 =	vld [tilespmem:$0x1080];
	[smem:$0x7E1] =	sst s13  }
0x192: {  	s15 =	sadd.s32 $0x4A80, s4;
	v1 =	vperm.xlane v20, v15;
	[tilespmem:s12+$0x0] =	vst v0  }
0x193: {  	s14 =	sor.u32 s1, s11;
	v27 =	vld [tilespmem:$0x1100];
	[smem:$0x7E2] =	sst s15  }
0x194: {  	s17 =	sadd.s32 $0x4B00, s4;
	v2 =	vperm.xlane v21, v15;
	[tilespmem:s14+$0x0] =	vst v1  }
0x195: {  	s16 =	sor.u32 s1, s13;
	v28 =	vld [tilespmem:$0x1180];
	[smem:$0x7E3] =	sst s17  }
0x196: {  	s19 =	sadd.s32 $0x4B80, s4;
	v0 =	vperm.xlane v22, v15;
	[tilespmem:s16+$0x0] =	vst v2  }
0x197: {  	s18 =	sor.u32 s1, s15;
	v29 =	vld [tilespmem:$0x1200];
	[smem:$0x7E4] =	sst s19  }
0x198: {  	s21 =	sadd.s32 $0x5800, s4;
	v1 =	vperm.xlane v23, v15;
	[tilespmem:s18+$0x0] =	vst v0  }
0x199: {  	s20 =	sor.u32 s1, s17;
	v30 =	vld [tilespmem:$0x1280];
	[smem:$0x7E5] =	sst s21  }
0x19a: {  	s23 =	sadd.s32 $0x5880, s4;
	v2 =	vperm.xlane v24, v15;
	[tilespmem:s20+$0x0] =	vst v1  }
0x19b: {  	s22 =	sor.u32 s1, s19;
	v31 =	vld [tilespmem:$0x1300];
	[smem:$0x7E6] =	sst s23  }
0x19c: {  	s25 =	sadd.s32 $0x5900, s4;
	v0 =	vperm.xlane v25, v15;
	[tilespmem:s22+$0x0] =	vst v2  }
0x19d: {  	s24 =	sor.u32 s1, s21;
	v1 =	vperm.xlane v26, v15;
	v32 =	vld [tilespmem:$0x1380];
	[smem:$0x7E7] =	sst s25  }
0x19e: {  	s26 =	sor.u32 s1, s23;
	[tilespmem:s24+$0x0] =	vst v0  }
0x19f: {  	s28 =	sadd.s32 $0x5980, s4;
	v2 =	vperm.xlane v27, v15;
	[tilespmem:s26+$0x0] =	vst v1  }
0x1a0: {  	s5 =	sor.u32 s1, s25;
	v33 =	vld [tilespmem:$0x1400];
	[smem:$0x7E8] =	sst s28  }
0x1a1: {  	s6 =	sadd.s32 $0x5A00, s4;
	v0 =	vperm.xlane v28, v15;
	[tilespmem:s5+$0x0] =	vst v2  }
0x1a2: {  	s8 =	sor.u32 s1, s28;
	v34 =	vld [tilespmem:$0x1480];
	[smem:$0x7E9] =	sst s6  }
0x1a3: {  	s9 =	sadd.s32 $0x5A80, s4;
	v1 =	vperm.xlane v29, v15;
	[tilespmem:s8+$0x0] =	vst v0  }
0x1a4: {  	s10 =	sor.u32 s1, s6;
	v35 =	vld [tilespmem:$0x1500];
	[smem:$0x7EA] =	sst s9  }
0x1a5: {  	s11 =	sadd.s32 $0x5B00, s4;
	v0 =	vperm.xlane v30, v15;
	[tilespmem:s10+$0x0] =	vst v1  }
0x1a6: {  	s12 =	sor.u32 s1, s9;
	v36 =	vld [tilespmem:$0x1580];
	[smem:$0x7EB] =	sst s11  }
0x1a7: {  	s13 =	sadd.s32 $0x5B80, s4;
	v1 =	vperm.xlane v31, v15;
	[tilespmem:s12+$0x0] =	vst v0  }
0x1a8: {  	s14 =	sor.u32 s1, s11;
	v37 =	vld [tilespmem:$0x1600];
	[smem:$0x7EC] =	sst s13  }
0x1a9: {  	s15 =	sadd.s32 $0x6800, s4;
	v0 =	vperm.xlane v32, v15;
	[tilespmem:s14+$0x0] =	vst v1  }
0x1aa: {  	s16 =	sor.u32 s1, s13;
	v38 =	vld [tilespmem:$0x1680];
	[smem:$0x7ED] =	sst s15  }
0x1ab: {  	s17 =	sadd.s32 $0x6880, s4;
	v1 =	vperm.xlane v33, v15;
	[tilespmem:s16+$0x0] =	vst v0  }
0x1ac: {  	s18 =	sor.u32 s1, s15;
	v39 =	vld [tilespmem:$0x1700];
	[smem:$0x7EE] =	sst s17  }
0x1ad: {  	s19 =	sadd.s32 $0x6900, s4;
	v0 =	vperm.xlane v34, v15;
	[tilespmem:s18+$0x0] =	vst v1  }
0x1ae: {  	s20 =	sor.u32 s1, s17;
	v40 =	vld [tilespmem:$0x1780];
	[smem:$0x7EF] =	sst s19  }
0x1af: {  	s21 =	sadd.s32 $0x6980, s4;
	v1 =	vperm.xlane v35, v15;
	[tilespmem:s20+$0x0] =	vst v0  }
0x1b0: {  	s22 =	sor.u32 s1, s19;
	v41 =	vld [tilespmem:$0x1800];
	[smem:$0x7F0] =	sst s21  }
0x1b1: {  	s23 =	sadd.s32 $0x6A00, s4;
	v0 =	vperm.xlane v36, v15;
	[tilespmem:s22+$0x0] =	vst v1  }
0x1b2: {  	s24 =	sor.u32 s1, s21;
	v42 =	vld [tilespmem:$0x1880];
	[smem:$0x7F1] =	sst s23  }
0x1b3: {  	s25 =	sadd.s32 $0x6A80, s4;
	v1 =	vperm.xlane v37, v15;
	[tilespmem:s24+$0x0] =	vst v0  }
0x1b4: {  	s26 =	sor.u32 s1, s23;
	v43 =	vld [tilespmem:$0x1900];
	v0 =	vperm.xlane v38, v15;
	[smem:$0x7F2] =	sst s25  }
0x1b5: {  	s30 =	sadd.s32 $0x6B00, s4;
	s28 =	sor.u32 s1, s25;
	[tilespmem:s26+$0x0] =	vst v1;
	v44 =	vld [tilespmem:$0x1980];
	v1 =	vperm.xlane v39, v15  }
0x1b6: {  	s3 =	sor.u32 s1, s30;
	v45 =	vld [tilespmem:$0x1A00];
	[tilespmem:s28+$0x0] =	vst v0;
	v0 =	vperm.xlane v40, v15;
	s28 =	sadd.s32 $0x6B80, s4  }
0x1b7: {  	v46 =	vld [tilespmem:$0x1A80];
	s26 =	sadd.s32 $0x7800, s4;
	[tilespmem:s3+$0x0] =	vst v1;
	v1 =	vperm.xlane v41, v15;
	s5 =	sor.u32 s1, s28  }
0x1b8: {  	s25 =	sadd.s32 $0x7880, s4;
	v47 =	vld [tilespmem:$0x1B00];
	s6 =	sor.u32 s1, s26;
	[tilespmem:s5+$0x0] =	vst v0;
	v0 =	vperm.xlane v42, v15  }
0x1b9: {  	s24 =	sadd.s32 $0x7900, s4;
	v48 =	vld [tilespmem:$0x1B80];
	s8 =	sor.u32 s1, s25;
	[tilespmem:s6+$0x0] =	vst v1;
	v1 =	vperm.xlane v43, v15  }
0x1ba: {  	s23 =	sadd.s32 $0x7980, s4;
	s9 =	sor.u32 s1, s24;
	v49 =	vld [tilespmem:$0x1C00];
	[tilespmem:s8+$0x0] =	vst v0;
	v0 =	vperm.xlane v44, v15  }
0x1bb: {  	s22 =	sadd.s32 $0x7A00, s4;
	s10 =	sor.u32 s1, s23;
	v50 =	vld [tilespmem:$0x1C80];
	[tilespmem:s9+$0x0] =	vst v1;
	v1 =	vperm.xlane v45, v15  }
0x1bc: {  	s21 =	sadd.s32 $0x7A80, s4;
	s11 =	sor.u32 s1, s22;
	v51 =	vld [tilespmem:$0x1D00];
	[tilespmem:s10+$0x0] =	vst v0;
	v0 =	vperm.xlane v46, v15  }
0x1bd: {  	s20 =	sadd.s32 $0x7B00, s4;
	s12 =	sor.u32 s1, s21;
	v52 =	vld [tilespmem:$0x1D80];
	[tilespmem:s11+$0x0] =	vst v1;
	v1 =	vperm.xlane v47, v15  }
0x1be: {  	s19 =	sadd.s32 $0x7B80, s4;
	s13 =	sor.u32 s1, s20;
	v53 =	vld [tilespmem:$0x1E00];
	[tilespmem:s12+$0x0] =	vst v0;
	v0 =	vperm.xlane v48, v15  }
0x1bf: {  	s18 =	sadd.s32 $0x8800, s4;
	s14 =	sor.u32 s1, s19;
	v54 =	vld [tilespmem:$0x1E80];
	[tilespmem:s13+$0x0] =	vst v1;
	v1 =	vperm.xlane v49, v15  }
0x1c0: {  	s16 =	sadd.s32 $0x8880, s4;
	s15 =	sor.u32 s1, s18;
	v55 =	vld [tilespmem:$0x1F00];
	[tilespmem:s14+$0x0] =	vst v0;
	v0 =	vperm.xlane v50, v15  }
0x1c1: {  	s17 =	sor.u32 s1, s16;
	v56 =	vld [tilespmem:$0x1F80];
	[tilespmem:s15+$0x0] =	vst v1;
	v1 =	vperm.xlane v51, v15;
	s15 =	sadd.s32 $0x8900, s4  }
0x1c2: {  	v57 =	vld [tilespmem:$0x2000];
	s14 =	sadd.s32 $0x8980, s4;
	[tilespmem:s17+$0x0] =	vst v0;
	v0 =	vperm.xlane v52, v15;
	s3 =	sor.u32 s1, s15  }
0x1c3: {  	v58 =	vld [tilespmem:$0x2080];
	s13 =	sadd.s32 $0x8A00, s4;
	s5 =	sor.u32 s1, s14;
	[tilespmem:s3+$0x0] =	vst v1;
	v1 =	vperm.xlane v53, v15  }
0x1c4: {  	v59 =	vld [tilespmem:$0x2100];
	s11 =	sadd.s32 $0x8A80, s4;
	s6 =	sor.u32 s1, s13;
	[tilespmem:s5+$0x0] =	vst v0;
	v0 =	vperm.xlane v54, v15  }
0x1c5: {  	v60 =	vld [tilespmem:$0x2180];
	s12 =	sadd.s32 $0x8B00, s4;
	s8 =	sor.u32 s1, s11;
	[tilespmem:s6+$0x0] =	vst v1;
	v1 =	vperm.xlane v55, v15  }
0x1c6: {  	v63 =	vld [tilespmem:$0x2200];
	s10 =	sadd.s32 $0x8B80, s4;
	s9 =	sor.u32 s1, s12;
	[tilespmem:s8+$0x0] =	vst v0;
	v0 =	vperm.xlane v56, v15  }
0x1c7: {  	v62 =	vld [tilespmem:$0x2280];
	s17 =	sor.u32 s1, s10;
	[tilespmem:s9+$0x0] =	vst v1;
	v1 =	vperm.xlane v57, v15;
	s9 =	sadd.s32 $0x9800, s4  }
0x1c8: {  	v3 =	vld [tilespmem:$0x2300];
	s8 =	sadd.s32 $0x9880, s4;
	[tilespmem:s17+$0x0] =	vst v0;
	v0 =	vperm.xlane v58, v15;
	s3 =	sor.u32 s1, s9  }
0x1c9: {  	v4 =	vld [tilespmem:$0x2380];
	v2 =	vperm.xlane v59, v15;
	s5 =	sor.u32 s1, s8;
	s17 =	sadd.s32 $0x9900, s4;
	[tilespmem:s3+$0x0] =	vst v1  }
0x1ca: {  	v1 =	vperm.xlane v60, v15;
	s6 =	sor.u32 s1, s17;
	[tilespmem:s5+$0x0] =	vst v0;
	s5 =	sadd.s32 $0x9980, s4  }
0x1cb: {  	[tilespmem:s6+$0x0] =	vst v2;
	v2 =	vperm.xlane v63, v15;
	s6 =	sadd.s32 $0x9A00, s4;
	s3 =	sor.u32 s1, s5  }
0x1cc: {  	[tilespmem:s3+$0x0] =	vst v1;
	v1 =	vperm.xlane v62, v15;
	s3 =	sadd.s32 $0x9A80, s4;
	s2 =	sor.u32 s1, s6  }
0x1cd: {  	s29 =	simm.s32 $0x2400;
	[tilespmem:s2+$0x0] =	vst v2;
	v2 =	vperm.xlane v3, v15;
	s2 =	sadd.s32 $0x9B00, s4;
	s31 =	sor.u32 s1, s3  }
0x1ce: {  	v0 =	vld [tilespmem:s29+$0x0];
	s4 =	sadd.s32 $0x9B80, s4;
	[tilespmem:s31+$0x0] =	vst v1;
	v1 =	vperm.xlane v4, v15;
	s31 =	sor.u32 s1, s2  }
0x1cf: {  	s1 =	sor.u32 s1, s4;
	[tilespmem:s31+$0x0] =	vst v2  }
0x1d0: {  	[tilespmem:s1+$0x0] =	vst v1  }
0x1d1: {  	s1 =	sld [smem:$0x7D3];
	_ =	sdelay $0x1  }
0x1d2: {  	v2 =	vperm.xlane v9, v0  }
0x1d3: {  	v1 =	vperm.xlane v10, v0;
	s1 =	sor.u32 s0, s1  }
0x1d4: {  	[tilespmem:s1+$0x0] =	vst v2;
	v2 =	vperm.xlane v6, v0  }
0x1d5: {  	[tilespmem:s1+$0x80] =	vst v1;
	v1 =	vperm.xlane v61, v0  }
0x1d6: {  	[tilespmem:s1+$0x100] =	vst v2  }
0x1d7: {  	v2 =	vld [tilespmem:$0x1FBC0];
	[tilespmem:s1+$0x180] =	vst v1  }
0x1d8: {  	v1 =	vld [tilespmem:$0x1FBD0];
	_ =	sdelay $0x3  }
0x1d9: {  	v2 =	vperm.xlane v2, v0  }
0x1da: {  	v1 =	vperm.xlane v1, v0  }
0x1db: {  	[tilespmem:s1+$0x200] =	vst v2  }
0x1dc: {  	[tilespmem:s1+$0x280] =	vst v1  }
0x1dd: {  	s1 =	sld [smem:$0x7D4];
	v1 =	vld [tilespmem:$0x1FBE0];
	_ =	sdelay $0x1  }
0x1de: {  	v2 =	vperm.xlane v5, v0  }
0x1df: {  	s1 =	sor.u32 $0x300, s1  }
0x1e0: {  	[tilespmem:s1+$0x2800] =	vst v2  }
0x1e1: {  	s31 =	sor.u32 s7, s7;
	v1 =	vperm.xlane v1, v0;
	v2 =	vld [tilespmem:$0x1FBF0]  }
0x1e2: {  	s1 =	sor.u32 $0x380, s31  }
0x1e3: {  	[tilespmem:s1+$0x2800] =	vst v1  }
0x1e4: {  	s1 =	sld [smem:$0x7D5];
	_ =	sdelay $0x1  }
0x1e5: {  	v2 =	vperm.xlane v2, v0  }
0x1e6: {  	s1 =	sor.u32 s0, s1  }
0x1e7: {  	[tilespmem:s1+$0x0] =	vst v2  }
0x1e8: {  	s1 =	sld [smem:$0x7D6];
	_ =	sdelay $0x1  }
0x1e9: {  	v1 =	vperm.xlane v7, v0  }
0x1ea: {  	s1 =	sor.u32 s0, s1  }
0x1eb: {  	[tilespmem:s1+$0x0] =	vst v1  }
0x1ec: {  	s1 =	sld [smem:$0x7D7];
	_ =	sdelay $0x1  }
0x1ed: {  	v2 =	vperm.xlane v8, v0  }
0x1ee: {  	s1 =	sor.u32 s0, s1  }
0x1ef: {  	[tilespmem:s1+$0x0] =	vst v2  }
0x1f0: {  	s1 =	sld [smem:$0x7D8];
	_ =	sdelay $0x1  }
0x1f1: {  	v1 =	vperm.xlane v11, v0  }
0x1f2: {  	s1 =	sor.u32 s0, s1  }
0x1f3: {  	[tilespmem:s1+$0x0] =	vst v1  }
0x1f4: {  	s1 =	sld [smem:$0x7D9];
	_ =	sdelay $0x1  }
0x1f5: {  	v2 =	vperm.xlane v12, v0  }
0x1f6: {  	s1 =	sor.u32 s0, s1  }
0x1f7: {  	[tilespmem:s1+$0x0] =	vst v2  }
0x1f8: {  	s1 =	sld [smem:$0x7DA];
	_ =	sdelay $0x1  }
0x1f9: {  	v1 =	vperm.xlane v13, v0  }
0x1fa: {  	s1 =	sor.u32 s0, s1  }
0x1fb: {  	[tilespmem:s1+$0x0] =	vst v1  }
0x1fc: {  	s1 =	sld [smem:$0x7DB];
	_ =	sdelay $0x1  }
0x1fd: {  	v2 =	vperm.xlane v14, v0  }
0x1fe: {  	s1 =	sor.u32 s0, s1  }
0x1ff: {  	[tilespmem:s1+$0x0] =	vst v2  }
0x200: {  	s1 =	sld [smem:$0x7DC];
	_ =	sdelay $0x1  }
0x201: {  	v1 =	vperm.xlane v16, v0  }
0x202: {  	s1 =	sor.u32 s0, s1  }
0x203: {  	[tilespmem:s1+$0x0] =	vst v1  }
0x204: {  	s1 =	sld [smem:$0x7DD];
	_ =	sdelay $0x1  }
0x205: {  	v2 =	vperm.xlane v17, v0  }
0x206: {  	s1 =	sor.u32 s0, s1  }
0x207: {  	[tilespmem:s1+$0x0] =	vst v2  }
0x208: {  	s1 =	sld [smem:$0x7DE];
	_ =	sdelay $0x1  }
0x209: {  	v1 =	vperm.xlane v18, v0  }
0x20a: {  	s1 =	sor.u32 s0, s1  }
0x20b: {  	[tilespmem:s1+$0x0] =	vst v1  }
0x20c: {  	s1 =	sld [smem:$0x7DF];
	_ =	sdelay $0x1  }
0x20d: {  	v2 =	vperm.xlane v19, v0  }
0x20e: {  	s1 =	sor.u32 s0, s1  }
0x20f: {  	[tilespmem:s1+$0x0] =	vst v2  }
0x210: {  	s1 =	sld [smem:$0x7E0];
	_ =	sdelay $0x1  }
0x211: {  	v1 =	vperm.xlane v20, v0  }
0x212: {  	s1 =	sor.u32 s0, s1  }
0x213: {  	[tilespmem:s1+$0x0] =	vst v1  }
0x214: {  	s1 =	sld [smem:$0x7E1];
	_ =	sdelay $0x1  }
0x215: {  	v2 =	vperm.xlane v21, v0  }
0x216: {  	s1 =	sor.u32 s0, s1  }
0x217: {  	[tilespmem:s1+$0x0] =	vst v2  }
0x218: {  	s1 =	sld [smem:$0x7E2];
	_ =	sdelay $0x1  }
0x219: {  	v1 =	vperm.xlane v22, v0  }
0x21a: {  	s1 =	sor.u32 s0, s1  }
0x21b: {  	[tilespmem:s1+$0x0] =	vst v1  }
0x21c: {  	s1 =	sld [smem:$0x7E3];
	_ =	sdelay $0x1  }
0x21d: {  	v2 =	vperm.xlane v23, v0  }
0x21e: {  	s1 =	sor.u32 s0, s1  }
0x21f: {  	[tilespmem:s1+$0x0] =	vst v2  }
0x220: {  	s1 =	sld [smem:$0x7E4];
	_ =	sdelay $0x1  }
0x221: {  	v1 =	vperm.xlane v24, v0  }
0x222: {  	s1 =	sor.u32 s0, s1  }
0x223: {  	[tilespmem:s1+$0x0] =	vst v1  }
0x224: {  	s1 =	sld [smem:$0x7E5];
	_ =	sdelay $0x1  }
0x225: {  	v2 =	vperm.xlane v25, v0  }
0x226: {  	s1 =	sor.u32 s0, s1  }
0x227: {  	[tilespmem:s1+$0x0] =	vst v2  }
0x228: {  	s1 =	sld [smem:$0x7E6];
	_ =	sdelay $0x1  }
0x229: {  	v1 =	vperm.xlane v26, v0  }
0x22a: {  	s1 =	sor.u32 s0, s1  }
0x22b: {  	[tilespmem:s1+$0x0] =	vst v1  }
0x22c: {  	s1 =	sld [smem:$0x7E7];
	_ =	sdelay $0x1  }
0x22d: {  	v2 =	vperm.xlane v27, v0  }
0x22e: {  	s1 =	sor.u32 s0, s1  }
0x22f: {  	[tilespmem:s1+$0x0] =	vst v2  }
0x230: {  	s1 =	sld [smem:$0x7E8];
	_ =	sdelay $0x1  }
0x231: {  	v1 =	vperm.xlane v28, v0  }
0x232: {  	s1 =	sor.u32 s0, s1  }
0x233: {  	[tilespmem:s1+$0x0] =	vst v1  }
0x234: {  	s1 =	sld [smem:$0x7E9];
	_ =	sdelay $0x1  }
0x235: {  	v2 =	vperm.xlane v29, v0  }
0x236: {  	s1 =	sor.u32 s0, s1  }
0x237: {  	[tilespmem:s1+$0x0] =	vst v2  }
0x238: {  	s1 =	sld [smem:$0x7EA];
	_ =	sdelay $0x1  }
0x239: {  	v1 =	vperm.xlane v30, v0  }
0x23a: {  	s1 =	sor.u32 s0, s1  }
0x23b: {  	[tilespmem:s1+$0x0] =	vst v1  }
0x23c: {  	s1 =	sld [smem:$0x7EB];
	_ =	sdelay $0x1  }
0x23d: {  	v2 =	vperm.xlane v31, v0  }
0x23e: {  	s1 =	sor.u32 s0, s1  }
0x23f: {  	[tilespmem:s1+$0x0] =	vst v2  }
0x240: {  	s1 =	sld [smem:$0x7EC];
	_ =	sdelay $0x1  }
0x241: {  	v1 =	vperm.xlane v32, v0  }
0x242: {  	s1 =	sor.u32 s0, s1  }
0x243: {  	[tilespmem:s1+$0x0] =	vst v1  }
0x244: {  	s1 =	sld [smem:$0x7ED];
	_ =	sdelay $0x1  }
0x245: {  	v2 =	vperm.xlane v33, v0  }
0x246: {  	s1 =	sor.u32 s0, s1  }
0x247: {  	[tilespmem:s1+$0x0] =	vst v2  }
0x248: {  	s1 =	sld [smem:$0x7EE];
	_ =	sdelay $0x1  }
0x249: {  	v1 =	vperm.xlane v34, v0  }
0x24a: {  	s1 =	sor.u32 s0, s1  }
0x24b: {  	[tilespmem:s1+$0x0] =	vst v1  }
0x24c: {  	s1 =	sld [smem:$0x7EF];
	_ =	sdelay $0x1  }
0x24d: {  	v2 =	vperm.xlane v35, v0  }
0x24e: {  	s1 =	sor.u32 s0, s1  }
0x24f: {  	[tilespmem:s1+$0x0] =	vst v2  }
0x250: {  	s1 =	sld [smem:$0x7F0];
	_ =	sdelay $0x1  }
0x251: {  	v1 =	vperm.xlane v36, v0  }
0x252: {  	s1 =	sor.u32 s0, s1  }
0x253: {  	[tilespmem:s1+$0x0] =	vst v1  }
0x254: {  	s1 =	sld [smem:$0x7F1];
	_ =	sdelay $0x1  }
0x255: {  	v2 =	vperm.xlane v37, v0  }
0x256: {  	s1 =	sor.u32 s0, s1  }
0x257: {  	[tilespmem:s1+$0x0] =	vst v2  }
0x258: {  	s1 =	sld [smem:$0x7F2];
	_ =	sdelay $0x1  }
0x259: {  	v1 =	vperm.xlane v38, v0  }
0x25a: {  	v2 =	vperm.xlane v39, v0;
	s1 =	sor.u32 s0, s1  }
0x25b: {  	[tilespmem:s1+$0x0] =	vst v1;
	v1 =	vperm.xlane v40, v0;
	s1 =	sor.u32 s0, s30  }
0x25c: {  	s28 =	sor.u32 s0, s28;
	[tilespmem:s1+$0x0] =	vst v2;
	v2 =	vperm.xlane v41, v0  }
0x25d: {  	s26 =	sor.u32 s0, s26;
	[tilespmem:s28+$0x0] =	vst v1;
	v1 =	vperm.xlane v42, v0  }
0x25e: {  	s28 =	sor.u32 s0, s25;
	[tilespmem:s26+$0x0] =	vst v2;
	v2 =	vperm.xlane v43, v0  }
0x25f: {  	s25 =	sor.u32 s0, s24;
	[tilespmem:s28+$0x0] =	vst v1;
	v1 =	vperm.xlane v44, v0  }
0x260: {  	s26 =	sor.u32 s0, s23;
	[tilespmem:s25+$0x0] =	vst v2;
	v2 =	vperm.xlane v45, v0  }
0x261: {  	s28 =	sor.u32 s0, s22;
	[tilespmem:s26+$0x0] =	vst v1;
	v1 =	vperm.xlane v46, v0  }
0x262: {  	s21 =	sor.u32 s0, s21;
	[tilespmem:s28+$0x0] =	vst v2;
	v2 =	vperm.xlane v47, v0  }
0x263: {  	s22 =	sor.u32 s0, s20;
	[tilespmem:s21+$0x0] =	vst v1;
	v1 =	vperm.xlane v48, v0  }
0x264: {  	s23 =	sor.u32 s0, s19;
	[tilespmem:s22+$0x0] =	vst v2  }
0x265: {  	[tilespmem:s23+$0x0] =	vst v1  }
0x266: {  	s1 =	sld [smem:$0x7F3];
	_ =	sdelay $0x2  }
0x267: {  	v9 =	vperm.xlane v55, v0;
	v2 =	vperm.xlane v49, v0;
	s1 =	sshll.u32 s1, $0xA  }
0x268: {  	v59 =	vperm.xlane v59, v0;
	s24 =	sor.u32 s0, s18;
	v49 =	vperm.xlane v50, v0;
	[smem:$0x7F4] =	sst s1  }
0x269: {  	s14 =	sor.u32 s0, s14;
	s15 =	sor.u32 s0, s15;
	v63 =	vperm.xlane v63, v0;
	s25 =	sor.u32 s0, s16;
	v1 =	vperm.xlane v51, v0;
	[tilespmem:s24+$0x0] =	vst v2  }
0x26a: {  	v62 =	vperm.xlane v62, v0;
	v5 =	vperm.xlane v52, v0;
	s31 =	simm.s32 $0x20;
	s30 =	simm.s32 $0x0;
	s18 =	sor.u32 s0, s10;
	[tilespmem:s25+$0x0] =	vst v49  }
0x26b: {  	v3 =	vperm.xlane v3, v0;
	s10 =	sor.u32 s0, s5;
	s19 =	sor.u32 s0, s12;
	s16 =	sor.u32 s0, s9;
	v2 =	vperm.xlane v53, v0;
	[tilespmem:s15+$0x0] =	vst v1  }
0x26c: {  	v61 =	vperm.xlane v60, v0;
	s9 =	sor.u32 s0, s3;
	s26 =	sor.u32 s0, s13;
	s13 =	sor.u32 s0, s4;
	v50 =	vperm.xlane v54, v0;
	[tilespmem:s14+$0x0] =	vst v5  }
0x26d: {  	v52 =	vperm.xlane v56, v0;
	v56 =	vperm.xlane v58, v0;
	s28 =	sor.u32 s0, s11;
	s11 =	sor.u32 s0, s2;
	s2 =	simm.s32 $0x0;
	[tilespmem:s26+$0x0] =	vst v2  }
0x26e: {  	v54 =	vperm.xlane v57, v0;
	s15 =	sor.u32 s0, s8;
	s8 =	sor.u32 s0, s6;
	s14 =	sor.u32 s0, s17;
	v2 =	vperm.xlane v4, v0;
	[tilespmem:s28+$0x0] =	vst v50  }
.LBB2_3:
0x26f: {  	[tilespmem:s19+$0x0] =	vst v9;
	s29 =	sadd.s32 $0x20, s29  }
0x270: {  	v0 =	vld [tilespmem:s29+$0x0];
	[tilespmem:s18+$0x0] =	vst v52  }
0x271: {  	s0 =	sand.u32 $0x60, s31;
	v4 =	vld [tilespmem:$0x400]  }
0x272: {  	s3 =	sand.u32 $0x180, s31;
	s1 =	sor.u32 $0x10, s0  }
0x273: {  	s3 =	sor.u32 s1, s3;
	[tilespmem:s16+$0x0] =	vst v54  }
0x274: {  	v1 =	vld [tilespmem:s3+$0x2400];
	[tilespmem:s15+$0x0] =	vst v56  }
0x275: {  	v5 =	vld [tilespmem:$0x480];
	[tilespmem:s14+$0x0] =	vst v59  }
0x276: {  	v6 =	vld [tilespmem:$0x500];
	[tilespmem:s10+$0x0] =	vst v61;
	v8 =	vperm.xlane v4, v0  }
0x277: {  	s7 =	sadd.s32 $0x100, s7;
	v7 =	vld [tilespmem:$0x580];
	[tilespmem:s8+$0x0] =	vst v63  }
0x278: {  	s6 =	sand.u32 $0xC00, s7;
	[tilespmem:$0x1FB40] =	vst v8  }
0x279: {  	s4 =	sadd.s32 $0x2800, s6;
	v10 =	vperm.xlane v4, v1;
	v8 =	vld [tilespmem:$0x600];
	[tilespmem:s9+$0x0] =	vst v62  }
0x27a: {  	s2 =	sadd.s32 $0x1, s2;
	s17 =	sor.u32 s7, s31;
	s18 =	sor.u32 s1, s4;
	v11 =	vperm.xlane v5, v1;
	v9 =	vld [tilespmem:$0x680];
	[tilespmem:s11+$0x0] =	vst v3  }
0x27b: {  	s19 =	sand.u32 $0x3, s2;
	s21 =	sadd.s32 $0x3800, s6;
	s24 =	sadd.s32 $0x3880, s6;
	v3 =	vperm.xlane v5, v0;
	[tilespmem:s18+$0x0] =	vst v10  }
0x27c: {  	s28 =	sadd.s32 $0x3900, s6;
	s3 =	sor.u32 $0x380, s17;
	s12 =	sor.u32 s0, s4;
	[tilespmem:s18+$0x80] =	vst v11  }
0x27d: {  	s4 =	sshll.u32 s19, $0x5;
	s23 =	sor.u32 s0, s21;
	[dreg:$0x4] =	wrdreg s3;
	v12 =	vperm.xlane v6, v1;
	[tilespmem:$0x1FB50] =	vst v3  }
0x27e: {  	s25 =	sor.u32 s1, s21;
	s26 =	sor.u32 s0, s24;
	[dreg:$0x8] =	wrdreg s23;
	v4 =	vperm.xlane v7, v0;
	v3 =	vld [tilespmem:$0x700];
	[tilespmem:s13+$0x0] =	vst v2  }
0x27f: {  	s17 =	sadd.s32 $0x3A80, s6;
	s4 =	sadd.s32 s4, s7;
	[dreg:$0xa] =	wrdreg s26;
	v10 =	vperm.xlane v7, v1;
	[tilespmem:s18+$0x100] =	vst v12  }
0x280: {  	s14 =	sadd.s32 $0x3A00, s6;
	s19 =	sor.u32 s0, s17;
	s21 =	sor.u32 s1, s17;
	v2 =	vperm.xlane v6, v0;
	[tilespmem:$0x1FB70] =	vst v4;
	v13 =	vld [tilespmem:$0x800]  }
0x281: {  	s23 =	sadd.s32 $0x3B80, s6;
	s26 =	sadd.s32 $0x4800, s6;
	s5 =	sor.u32 $0x300, s4;
	v14 =	vld [tilespmem:$0x880];
	[tilespmem:s18+$0x180] =	vst v10;
	v4 =	vperm.xlane v8, v0  }
0x282: {  	s4 =	sadd.s32 $0x10, s4;
	s10 =	sadd.s32 $0x3980, s6;
	[dreg:$0x12] =	wrdreg s19;
	[tilespmem:$0x1FB60] =	vst v2;
	v2 =	vld [tilespmem:$0x780];
	v11 =	vperm.xlane v8, v1  }
0x283: {  	s16 =	sor.u32 s0, s14;
	s19 =	sadd.s32 $0x4A00, s6;
	[dreg:$0x6] =	wrdreg s5;
	v15 =	vld [tilespmem:$0x900];
	[tilespmem:$0x1FB80] =	vst v4;
	v4 =	vperm.xlane v9, v0  }
0x284: {  	s20 =	sor.u32 $0x300, s4;
	s22 =	sor.u32 $0x380, s4;
	s8 =	sor.u32 s1, s24;
	v16 =	vld [tilespmem:$0x980];
	v56 =	vperm.xlane v9, v1;
	[tilespmem:s18+$0x200] =	vst v11  }
0x285: {  	s15 =	sor.u32 s1, s10;
	[dreg:$0x10] =	wrdreg s16;
	s9 =	sor.u32 s0, s28;
	v17 =	vld [tilespmem:$0xA00];
	[tilespmem:$0x1FB90] =	vst v4;
	v4 =	vperm.xlane v3, v0  }
0x286: {  	s16 =	sadd.s32 $0x4980, s6;
	[dreg:$0xc] =	wrdreg s9;
	s11 =	sor.u32 s1, s28;
	v18 =	vld [tilespmem:$0xA80];
	[tilespmem:s18+$0x280] =	vst v56;
	v3 =	vperm.xlane v3, v1  }
0x287: {  	s28 =	sor.u32 s1, s23;
	s9 =	sadd.s32 $0x4880, s6;
	s13 =	sor.u32 s0, s10;
	v19 =	vld [tilespmem:$0xC00];
	[tilespmem:$0x1FBA0] =	vst v4;
	v4 =	vperm.xlane v2, v0  }
0x288: {  	s10 =	sor.u32 s1, s26;
	v20 =	vld [tilespmem:$0xC80];
	[dreg:$0xe] =	wrdreg s13;
	s13 =	sadd.s32 $0x4900, s6;
	v2 =	vperm.xlane v2, v1;
	[tilespmem:s20+$0x2800] =	vst v3  }
0x289: {  	v21 =	vld [tilespmem:$0xD00];
	s17 =	sor.u32 s1, s13;
	s18 =	sor.u32 s1, s14;
	v10 =	vperm.xlane v13, v0;
	v13 =	vperm.xlane v13, v1;
	s20 =	sadd.s32 $0x3B00, s6;
	[tilespmem:$0x1FBB0] =	vst v4  }
0x28a: {  	s14 =	sor.u32 s1, s9;
	v11 =	vperm.xlane v14, v0;
	v14 =	vperm.xlane v14, v1;
	v3 =	vld [tilespmem:$0xB00];
	s24 =	sor.u32 s1, s20;
	[tilespmem:s22+$0x2800] =	vst v2;
	s22 =	sor.u32 s0, s20  }
0x28b: {  	v12 =	vperm.xlane v15, v0;
	v15 =	vperm.xlane v15, v1;
	v2 =	vld [tilespmem:$0xB80];
	s20 =	sor.u32 s1, s16;
	[tilespmem:s25+$0x0] =	vst v13;
	[dreg:$0x14] =	wrdreg s22;
	s25 =	sor.u32 s0, s23  }
0x28c: {  	v22 =	vld [tilespmem:$0xD80];
	v13 =	vperm.xlane v16, v0;
	v16 =	vperm.xlane v16, v1;
	s22 =	sadd.s32 $0x4A80, s6;
	s23 =	sor.u32 s1, s19;
	[tilespmem:s8+$0x0] =	vst v14;
	[dreg:$0x16] =	wrdreg s25  }
0x28d: {  	v23 =	vld [tilespmem:$0xE00];
	v14 =	vperm.xlane v17, v0;
	v17 =	vperm.xlane v17, v1;
	s8 =	sor.u32 s0, s26;
	s25 =	sadd.s32 $0x4B00, s6;
	s26 =	sor.u32 s1, s22;
	[tilespmem:s11+$0x0] =	vst v15  }
0x28e: {  	v24 =	vld [tilespmem:$0xE80];
	v15 =	vperm.xlane v18, v0;
	v18 =	vperm.xlane v18, v1;
	[dreg:$0x18] =	wrdreg s8;
	s11 =	sor.u32 s0, s9;
	s8 =	sadd.s32 $0x4B80, s6;
	[tilespmem:s15+$0x0] =	vst v16  }
0x28f: {  	v28 =	vld [tilespmem:$0x1000];
	s9 =	sor.u32 s1, s25;
	v16 =	vperm.xlane v3, v0;
	v3 =	vperm.xlane v3, v1;
	[dreg:$0x1a] =	wrdreg s11;
	s15 =	sor.u32 s0, s13;
	[tilespmem:s18+$0x0] =	vst v17  }
0x290: {  	v29 =	vld [tilespmem:$0x1080];
	s11 =	sadd.s32 $0x5800, s6;
	s13 =	sor.u32 s1, s8;
	v17 =	vperm.xlane v2, v0;
	v2 =	vperm.xlane v2, v1;
	[dreg:$0x1c] =	wrdreg s15;
	[tilespmem:s21+$0x0] =	vst v18  }
0x291: {  	v30 =	vld [tilespmem:$0x1100];
	v25 =	vperm.xlane v19, v1;
	v26 =	vperm.xlane v20, v1;
	s18 =	sor.u32 s0, s16;
	s15 =	sadd.s32 $0x5880, s6;
	s16 =	sor.u32 s1, s11;
	[tilespmem:s24+$0x0] =	vst v3  }
0x292: {  	v27 =	vperm.xlane v21, v1;
	v57 =	vperm.xlane v22, v1;
	[dreg:$0x1e] =	wrdreg s18;
	s21 =	sor.u32 s0, s19;
	s18 =	sadd.s32 $0x5900, s6;
	v3 =	vld [tilespmem:$0xF00];
	[tilespmem:s28+$0x0] =	vst v2  }
0x293: {  	v58 =	vperm.xlane v23, v1;
	v59 =	vperm.xlane v24, v1;
	s19 =	sor.u32 s1, s15;
	[smem:$0x7BC] =	sst s21;
	s24 =	sor.u32 s0, s22;
	v2 =	vld [tilespmem:$0xF80];
	[tilespmem:s10+$0x0] =	vst v25  }
0x294: {  	v31 =	vld [tilespmem:$0x1180];
	v18 =	vperm.xlane v19, v0;
	v19 =	vperm.xlane v20, v0;
	s21 =	sadd.s32 $0x5980, s6;
	s22 =	sor.u32 s1, s18;
	[smem:$0x7BD] =	sst s24;
	[tilespmem:s14+$0x0] =	vst v26  }
0x295: {  	v32 =	vld [tilespmem:$0x1200];
	v20 =	vperm.xlane v21, v0;
	v21 =	vperm.xlane v22, v0;
	s28 =	sor.u32 s0, s25;
	s24 =	sadd.s32 $0x5A00, s6;
	s25 =	sor.u32 s1, s21;
	[tilespmem:s17+$0x0] =	vst v27  }
0x296: {  	v33 =	vld [tilespmem:$0x1280];
	v22 =	vperm.xlane v23, v0;
	v23 =	vperm.xlane v24, v0;
	[smem:$0x7BE] =	sst s28;
	s10 =	sor.u32 s0, s8;
	s28 =	sadd.s32 $0x5A80, s6;
	[tilespmem:s20+$0x0] =	vst v57  }
0x297: {  	v37 =	vld [tilespmem:$0x1400];
	s8 =	sor.u32 s1, s24;
	[smem:$0x7BF] =	sst s10;
	s14 =	sor.u32 s0, s11;
	v24 =	vperm.xlane v3, v0;
	v3 =	vperm.xlane v3, v1;
	[tilespmem:s23+$0x0] =	vst v58  }
0x298: {  	v38 =	vld [tilespmem:$0x1480];
	s10 =	sadd.s32 $0x5B00, s6;
	s11 =	sor.u32 s1, s28;
	[smem:$0x7C0] =	sst s14;
	v25 =	vperm.xlane v2, v0;
	v2 =	vperm.xlane v2, v1;
	[tilespmem:s26+$0x0] =	vst v59  }
0x299: {  	v39 =	vld [tilespmem:$0x1500];
	v34 =	vperm.xlane v28, v1;
	v35 =	vperm.xlane v29, v1;
	s17 =	sor.u32 s0, s15;
	s14 =	sadd.s32 $0x5B80, s6;
	s15 =	sor.u32 s1, s10;
	[tilespmem:s9+$0x0] =	vst v3  }
0x29a: {  	v36 =	vperm.xlane v30, v1;
	v60 =	vperm.xlane v31, v1;
	[smem:$0x7C1] =	sst s17;
	s20 =	sor.u32 s0, s18;
	s17 =	sadd.s32 $0x6800, s6;
	v3 =	vld [tilespmem:$0x1300];
	[tilespmem:s13+$0x0] =	vst v2  }
0x29b: {  	v61 =	vperm.xlane v32, v1;
	v62 =	vperm.xlane v33, v1;
	s18 =	sor.u32 s1, s14;
	[smem:$0x7C2] =	sst s20;
	s23 =	sor.u32 s0, s21;
	v2 =	vld [tilespmem:$0x1380];
	[tilespmem:s16+$0x0] =	vst v34  }
0x29c: {  	v40 =	vld [tilespmem:$0x1580];
	v26 =	vperm.xlane v28, v0;
	v28 =	vperm.xlane v30, v0;
	s20 =	sadd.s32 $0x6880, s6;
	s21 =	sor.u32 s1, s17;
	[smem:$0x7C3] =	sst s23;
	[tilespmem:s19+$0x0] =	vst v35  }
0x29d: {  	v41 =	vld [tilespmem:$0x1600];
	v30 =	vperm.xlane v32, v0;
	v27 =	vperm.xlane v29, v0;
	s26 =	sor.u32 s0, s24;
	s23 =	sadd.s32 $0x6900, s6;
	s24 =	sor.u32 s1, s20;
	[tilespmem:s22+$0x0] =	vst v36  }
0x29e: {  	v42 =	vld [tilespmem:$0x1680];
	v29 =	vperm.xlane v31, v0;
	v31 =	vperm.xlane v33, v0;
	[smem:$0x7C4] =	sst s26;
	s9 =	sor.u32 s0, s28;
	s26 =	sadd.s32 $0x6980, s6;
	[tilespmem:s25+$0x0] =	vst v60  }
0x29f: {  	v43 =	vld [tilespmem:$0x1800];
	s28 =	sor.u32 s1, s23;
	[smem:$0x7C5] =	sst s9;
	s13 =	sor.u32 s0, s10;
	v32 =	vperm.xlane v3, v0;
	v3 =	vperm.xlane v3, v1;
	[tilespmem:s8+$0x0] =	vst v61  }
0x2a0: {  	v44 =	vld [tilespmem:$0x1880];
	s9 =	sadd.s32 $0x6A00, s6;
	s10 =	sor.u32 s1, s26;
	[smem:$0x7C6] =	sst s13;
	v33 =	vperm.xlane v2, v0;
	v2 =	vperm.xlane v2, v1;
	[tilespmem:s11+$0x0] =	vst v62  }
0x2a1: {  	v45 =	vld [tilespmem:$0x1900];
	v34 =	vperm.xlane v37, v0;
	s16 =	sor.u32 s0, s14;
	v37 =	vperm.xlane v37, v1;
	s13 =	sadd.s32 $0x6A80, s6;
	s14 =	sor.u32 s1, s9;
	[tilespmem:s15+$0x0] =	vst v3  }
0x2a2: {  	[smem:$0x7C7] =	sst s16;
	v35 =	vperm.xlane v38, v0;
	s19 =	sor.u32 s0, s17;
	v38 =	vperm.xlane v38, v1;
	s16 =	sadd.s32 $0x6B00, s6;
	v3 =	vld [tilespmem:$0x1700];
	[tilespmem:s18+$0x0] =	vst v2  }
0x2a3: {  	s17 =	sor.u32 s1, s13;
	[smem:$0x7C8] =	sst s19;
	v36 =	vperm.xlane v39, v0;
	s22 =	sor.u32 s0, s20;
	v39 =	vperm.xlane v39, v1;
	v2 =	vld [tilespmem:$0x1780];
	[tilespmem:s21+$0x0] =	vst v37  }
0x2a4: {  	v46 =	vld [tilespmem:$0x1980];
	s19 =	sadd.s32 $0x6B80, s6;
	s20 =	sor.u32 s1, s16;
	[smem:$0x7C9] =	sst s22;
	v37 =	vperm.xlane v40, v0;
	v40 =	vperm.xlane v40, v1;
	[tilespmem:s24+$0x0] =	vst v38  }
0x2a5: {  	v47 =	vld [tilespmem:$0x1A00];
	s25 =	sor.u32 s0, s23;
	s22 =	sadd.s32 $0x7800, s6;
	s23 =	sor.u32 s1, s19;
	v38 =	vperm.xlane v41, v0;
	v41 =	vperm.xlane v41, v1;
	[tilespmem:s28+$0x0] =	vst v39  }
0x2a6: {  	v48 =	vld [tilespmem:$0x1A80];
	[smem:$0x7CA] =	sst s25;
	s8 =	sor.u32 s0, s26;
	s25 =	sadd.s32 $0x7880, s6;
	v39 =	vperm.xlane v42, v0;
	v42 =	vperm.xlane v42, v1;
	[tilespmem:s10+$0x0] =	vst v40  }
0x2a7: {  	s26 =	sor.u32 s1, s22;
	[smem:$0x7CB] =	sst s8;
	s11 =	sor.u32 s0, s9;
	v40 =	vperm.xlane v3, v0;
	v3 =	vperm.xlane v3, v1;
	[tilespmem:s14+$0x0] =	vst v41  }
0x2a8: {  	s8 =	sadd.s32 $0x7900, s6;
	s9 =	sor.u32 s1, s25;
	[smem:$0x7CC] =	sst s11;
	v41 =	vperm.xlane v2, v0;
	v2 =	vperm.xlane v2, v1;
	[tilespmem:s17+$0x0] =	vst v42  }
0x2a9: {  	v52 =	vld [tilespmem:$0x1C00];
	v49 =	vperm.xlane v43, v1;
	v50 =	vperm.xlane v44, v1;
	s15 =	sor.u32 s0, s13;
	s11 =	sadd.s32 $0x7980, s6;
	s13 =	sor.u32 s1, s8;
	[tilespmem:s20+$0x0] =	vst v3  }
0x2aa: {  	v51 =	vperm.xlane v45, v1;
	v63 =	vperm.xlane v46, v1;
	[smem:$0x7CD] =	sst s15;
	s18 =	sor.u32 s0, s16;
	s5 =	sor.u32 s0, s11;
	v3 =	vld [tilespmem:$0x1B00];
	[tilespmem:s23+$0x0] =	vst v2  }
0x2ab: {  	v6 =	vperm.xlane v47, v1;
	v53 =	vperm.xlane v48, v1;
	s15 =	sor.u32 s1, s11;
	s16 =	sadd.s32 $0x7A80, s6;
	[smem:$0x7CE] =	sst s18;
	v2 =	vld [tilespmem:$0x1B80];
	[tilespmem:s26+$0x0] =	vst v49  }
0x2ac: {  	v54 =	vld [tilespmem:$0x1C80];
	s21 =	sor.u32 s0, s19;
	s3 =	sor.u32 s0, s16;
	s18 =	sor.u32 s1, s16;
	v42 =	vperm.xlane v43, v0;
	v43 =	vperm.xlane v44, v0;
	[tilespmem:s9+$0x0] =	vst v50  }
0x2ad: {  	v7 =	vld [tilespmem:$0x1D00];
	s19 =	sadd.s32 $0x7B80, s6;
	[smem:$0x7CF] =	sst s21;
	s14 =	sadd.s32 $0x7A00, s6;
	v44 =	vperm.xlane v45, v0;
	v45 =	vperm.xlane v46, v0;
	[tilespmem:s13+$0x0] =	vst v51  }
0x2ae: {  	v56 =	vld [tilespmem:$0x1D80];
	s24 =	sor.u32 s0, s22;
	s10 =	sor.u32 s0, s8;
	v46 =	vperm.xlane v47, v0;
	v47 =	vperm.xlane v48, v0;
	s8 =	sor.u32 s1, s14;
	[tilespmem:s15+$0x0] =	vst v63  }
0x2af: {  	v59 =	vld [tilespmem:$0x1E00];
	s21 =	sadd.s32 $0x8800, s6;
	s22 =	sor.u32 s1, s19;
	s17 =	sadd.s32 $0x7B00, s6;
	v48 =	vperm.xlane v3, v0;
	v3 =	vperm.xlane v3, v1;
	[tilespmem:s8+$0x0] =	vst v6  }
0x2b0: {  	v61 =	vld [tilespmem:$0x1E80];
	[smem:$0x7D0] =	sst s24;
	s28 =	sor.u32 s0, s25;
	s20 =	sor.u32 s1, s17;
	v49 =	vperm.xlane v2, v0;
	v2 =	vperm.xlane v2, v1;
	[tilespmem:s18+$0x0] =	vst v53  }
0x2b1: {  	v62 =	vld [tilespmem:$0x2000];
	s24 =	sor.u32 s0, s19;
	s25 =	sadd.s32 $0x8880, s6;
	[smem:$0x7D1] =	sst s28;
	v50 =	vperm.xlane v52, v0;
	v52 =	vperm.xlane v52, v1;
	[tilespmem:s20+$0x0] =	vst v3  }
0x2b2: {  	s11 =	sor.u32 s1, s21;
	s19 =	sadd.s32 $0x8A80, s6;
	[smem:$0x7D2] =	sst s10;
	v53 =	vperm.xlane v54, v0;
	v54 =	vperm.xlane v54, v1;
	v3 =	vld [tilespmem:$0x1F00];
	[tilespmem:s22+$0x0] =	vst v2  }
0x2b3: {  	v55 =	vperm.xlane v7, v0;
	s4 =	sor.u32 s0, s14;
	s14 =	sor.u32 s1, s25;
	s13 =	sadd.s32 $0x8900, s6;
	v51 =	vperm.xlane v7, v1;
	v2 =	vld [tilespmem:$0x1F80];
	[tilespmem:s11+$0x0] =	vst v52  }
0x2b4: {  	v57 =	vperm.xlane v56, v0;
	s10 =	sadd.s32 $0x9880, s6;
	s15 =	sadd.s32 $0x8980, s6;
	s16 =	sor.u32 s1, s13;
	v63 =	vld [tilespmem:$0x2080];
	v52 =	vperm.xlane v56, v1;
	[tilespmem:s14+$0x0] =	vst v54  }
0x2b5: {  	v4 =	vld [tilespmem:$0x2100];
	v58 =	vperm.xlane v59, v0;
	s28 =	sor.u32 s0, s17;
	s17 =	sadd.s32 $0x8A00, s6;
	s18 =	sor.u32 s1, s15;
	v54 =	vperm.xlane v59, v1;
	[tilespmem:s16+$0x0] =	vst v51  }
0x2b6: {  	v60 =	vperm.xlane v61, v0;
	v61 =	vperm.xlane v61, v1;
	s23 =	sor.u32 s0, s21;
	s26 =	sor.u32 s0, s25;
	v6 =	vld [tilespmem:$0x2280];
	s11 =	sor.u32 s1, s17;
	[tilespmem:s18+$0x0] =	vst v52  }
0x2b7: {  	s25 =	sor.u32 s0, s13;
	s13 =	sadd.s32 $0x8B00, s6;
	s14 =	sor.u32 s1, s19;
	v51 =	vld [tilespmem:$0x2180];
	v9 =	vperm.xlane v3, v0;
	v3 =	vperm.xlane v3, v1;
	[tilespmem:s11+$0x0] =	vst v54  }
0x2b8: {  	v5 =	vld [tilespmem:$0x2200];
	s22 =	sor.u32 s0, s15;
	s15 =	sadd.s32 $0x8B80, s6;
	s16 =	sor.u32 s1, s13;
	v52 =	vperm.xlane v2, v0;
	v2 =	vperm.xlane v2, v1;
	[tilespmem:s14+$0x0] =	vst v61  }
0x2b9: {  	s21 =	sor.u32 s0, s17;
	s17 =	sadd.s32 $0x9800, s6;
	v56 =	vperm.xlane v63, v0;
	s18 =	sor.u32 s1, s15;
	v61 =	vperm.xlane v62, v1;
	[tilespmem:s16+$0x0] =	vst v3  }
0x2ba: {  	v7 =	vld [tilespmem:$0x2300];
	s20 =	sor.u32 s0, s19;
	s19 =	sor.u32 s0, s13;
	v59 =	vperm.xlane v4, v0;
	s13 =	sor.u32 s1, s17;
	v3 =	vperm.xlane v63, v1;
	[tilespmem:s18+$0x0] =	vst v2  }
0x2bb: {  	v8 =	vld [tilespmem:$0x2380];
	v54 =	vperm.xlane v62, v0;
	s14 =	sadd.s32 $0x9900, s6;
	s18 =	sor.u32 s0, s15;
	v2 =	vperm.xlane v4, v1;
	s15 =	sor.u32 s1, s10;
	[tilespmem:s13+$0x0] =	vst v61  }
0x2bc: {  	s11 =	sadd.s32 $0x9980, s6;
	v62 =	vperm.xlane v6, v0;
	s16 =	sor.u32 s0, s17;
	s17 =	sor.u32 s1, s14;
	v4 =	vperm.xlane v51, v1;
	[tilespmem:s15+$0x0] =	vst v3  }
0x2bd: {  	v63 =	vperm.xlane v5, v0;
	v5 =	vperm.xlane v5, v1;
	s13 =	sadd.s32 $0x9A00, s6;
	s15 =	sor.u32 s0, s10;
	s10 =	sor.u32 s1, s11;
	[tilespmem:s17+$0x0] =	vst v2  }
0x2be: {  	s9 =	sadd.s32 $0x9A80, s6;
	v6 =	vperm.xlane v6, v1;
	v61 =	vperm.xlane v51, v0;
	s17 =	sor.u32 s1, s13;
	[tilespmem:s10+$0x0] =	vst v4  }
0x2bf: {  	v3 =	vperm.xlane v7, v0;
	s10 =	sor.u32 s0, s11;
	s11 =	sadd.s32 $0x9B00, s6;
	v4 =	vperm.xlane v7, v1;
	[tilespmem:s17+$0x0] =	vst v5;
	s17 =	sor.u32 s1, s9  }
0x2c0: {  	v2 =	vperm.xlane v8, v0;
	v0 =	vperm.xlane v8, v1;
	s6 =	sadd.s32 $0x9B80, s6;
	[tilespmem:s17+$0x0] =	vst v6;
	s17 =	sor.u32 s1, s11  }
0x2c1: {  	s1 =	sor.u32 s1, s6;
	[tilespmem:s17+$0x0] =	vst v4  }
0x2c2: {  	[tilespmem:s1+$0x0] =	vst v0;
	v0 =	vld [tilespmem:$0x1FB40];
	_ =	sdelay $0x4  }
0x2c3: {  	[tilespmem:s12+$0x0] =	vst v0;
	v0 =	vld [tilespmem:$0x1FB50];
	_ =	sdelay $0x4  }
0x2c4: {  	[tilespmem:s12+$0x80] =	vst v0;
	v0 =	vld [tilespmem:$0x1FB60];
	_ =	sdelay $0x4  }
0x2c5: {  	[tilespmem:s12+$0x100] =	vst v0;
	v0 =	vld [tilespmem:$0x1FB70];
	_ =	sdelay $0x4  }
0x2c6: {  	[tilespmem:s12+$0x180] =	vst v0;
	v0 =	vld [tilespmem:$0x1FB80];
	_ =	sdelay $0x4  }
0x2c7: {  	[tilespmem:s12+$0x200] =	vst v0;
	v0 =	vld [tilespmem:$0x1FB90];
	_ =	sdelay $0x4  }
0x2c8: {  	[tilespmem:s12+$0x280] =	vst v0;
	v0 =	vld [tilespmem:$0x1FBA0];
	_ =	sdelay $0x3  }
0x2c9: {  	s17 =	rddreg [dreg:$0x6]  }
0x2ca: {  	[tilespmem:s17+$0x2800] =	vst v0;
	v0 =	vld [tilespmem:$0x1FBB0];
	_ =	sdelay $0x1  }
0x2cb: {  	s8 =	sor.u32 s0, s13;
	s13 =	sor.u32 s0, s6;
	s6 =	rddreg [dreg:$0x8]  }
0x2cc: {  	s1 =	rddreg [dreg:$0x4]  }
0x2cd: {  	s12 =	rddreg [dreg:$0xa]  }
0x2ce: {  	s17 =	rddreg [dreg:$0xc];
	[tilespmem:s1+$0x2800] =	vst v0  }
0x2cf: {  	s1 =	rddreg [dreg:$0xe];
	[tilespmem:s6+$0x0] =	vst v10  }
0x2d0: {  	s6 =	rddreg [dreg:$0x10];
	[tilespmem:s12+$0x0] =	vst v11  }
0x2d1: {  	s12 =	rddreg [dreg:$0x12];
	[tilespmem:s17+$0x0] =	vst v12  }
0x2d2: {  	s17 =	rddreg [dreg:$0x14];
	[tilespmem:s1+$0x0] =	vst v13  }
0x2d3: {  	s1 =	rddreg [dreg:$0x16];
	[tilespmem:s6+$0x0] =	vst v14  }
0x2d4: {  	s6 =	rddreg [dreg:$0x18];
	[tilespmem:s12+$0x0] =	vst v15  }
0x2d5: {  	s12 =	rddreg [dreg:$0x1a];
	[tilespmem:s17+$0x0] =	vst v16  }
0x2d6: {  	s17 =	rddreg [dreg:$0x1c];
	[tilespmem:s1+$0x0] =	vst v17  }
0x2d7: {  	s1 =	rddreg [dreg:$0x1e];
	[tilespmem:s6+$0x0] =	vst v18  }
0x2d8: {  	s6 =	sld [smem:$0x7BC];
	[tilespmem:s12+$0x0] =	vst v19  }
0x2d9: {  	s12 =	sld [smem:$0x7BD];
	[tilespmem:s17+$0x0] =	vst v20  }
0x2da: {  	s17 =	sld [smem:$0x7BE];
	[tilespmem:s1+$0x0] =	vst v21  }
0x2db: {  	s1 =	sld [smem:$0x7BF];
	[tilespmem:s6+$0x0] =	vst v22  }
0x2dc: {  	s6 =	sld [smem:$0x7C0];
	[tilespmem:s12+$0x0] =	vst v23  }
0x2dd: {  	s12 =	sld [smem:$0x7C1];
	[tilespmem:s17+$0x0] =	vst v24  }
0x2de: {  	s17 =	sld [smem:$0x7C2];
	[tilespmem:s1+$0x0] =	vst v25  }
0x2df: {  	s1 =	sld [smem:$0x7C3];
	[tilespmem:s6+$0x0] =	vst v26  }
0x2e0: {  	s6 =	sld [smem:$0x7C4];
	[tilespmem:s12+$0x0] =	vst v27  }
0x2e1: {  	s12 =	sld [smem:$0x7C5];
	[tilespmem:s17+$0x0] =	vst v28  }
0x2e2: {  	s17 =	sld [smem:$0x7C6];
	[tilespmem:s1+$0x0] =	vst v29  }
0x2e3: {  	s1 =	sld [smem:$0x7C7];
	[tilespmem:s6+$0x0] =	vst v30  }
0x2e4: {  	s6 =	sld [smem:$0x7C8];
	[tilespmem:s12+$0x0] =	vst v31  }
0x2e5: {  	s12 =	sld [smem:$0x7C9];
	[tilespmem:s17+$0x0] =	vst v32  }
0x2e6: {  	s17 =	sld [smem:$0x7CA];
	[tilespmem:s1+$0x0] =	vst v33  }
0x2e7: {  	s1 =	sld [smem:$0x7CB];
	[tilespmem:s6+$0x0] =	vst v34  }
0x2e8: {  	s6 =	sld [smem:$0x7CC];
	[tilespmem:s12+$0x0] =	vst v35  }
0x2e9: {  	s12 =	sld [smem:$0x7CD];
	[tilespmem:s17+$0x0] =	vst v36  }
0x2ea: {  	s17 =	sld [smem:$0x7CE];
	[tilespmem:s1+$0x0] =	vst v37  }
0x2eb: {  	s1 =	sld [smem:$0x7CF];
	[tilespmem:s6+$0x0] =	vst v38  }
0x2ec: {  	s6 =	sld [smem:$0x7D0];
	[tilespmem:s12+$0x0] =	vst v39  }
0x2ed: {  	s12 =	sld [smem:$0x7D1];
	[tilespmem:s17+$0x0] =	vst v40  }
0x2ee: {  	s17 =	sld [smem:$0x7D2];
	[tilespmem:s1+$0x0] =	vst v41  }
0x2ef: {  	[tilespmem:s6+$0x0] =	vst v42  }
0x2f0: {  	[tilespmem:s12+$0x0] =	vst v43  }
0x2f1: {  	[tilespmem:s17+$0x0] =	vst v44  }
0x2f2: {  	[tilespmem:s5+$0x0] =	vst v45  }
0x2f3: {  	[tilespmem:s4+$0x0] =	vst v46  }
0x2f4: {  	[tilespmem:s3+$0x0] =	vst v47  }
0x2f5: {  	[tilespmem:s28+$0x0] =	vst v48  }
0x2f6: {  	s30 =	sadd.s32 $0x2, s30;
	[tilespmem:s24+$0x0] =	vst v49  }
0x2f7: {  	p1 =	slt.u32 s30, $0x1E;
	[tilespmem:s23+$0x0] =	vst v50  }
.Ltmp2:
0x2f8: {  	[tilespmem:s26+$0x0] =	vst v53;
	(pc) =	sbr.rel @p1 .LBB2_3-.Ltmp2, $4  }
0x2f9: {  	[tilespmem:s25+$0x0] =	vst v55  }
0x2fa: {  	[tilespmem:s22+$0x0] =	vst v57  }
0x2fb: {  	s31 =	sadd.s32 $0x20, s31;
	[tilespmem:s21+$0x0] =	vst v58  }
0x2fc: {  	s14 =	sor.u32 s0, s14;
	s9 =	sor.u32 s0, s9;
	s11 =	sor.u32 s0, s11;
	[tilespmem:s20+$0x0] =	vst v60  }
0x2fd: {  	[tilespmem:s19+$0x0] =	vst v9  }
0x2fe: {  	[tilespmem:s18+$0x0] =	vst v52  }
0x2ff: {  	[tilespmem:s16+$0x0] =	vst v54  }
0x300: {  	[tilespmem:s15+$0x0] =	vst v56  }
0x301: {  	[tilespmem:s14+$0x0] =	vst v59  }
0x302: {  	[tilespmem:s10+$0x0] =	vst v61  }
0x303: {  	[tilespmem:s8+$0x0] =	vst v63  }
0x304: {  	s4 =	sld [smem:$0x7F3]  }
0x305: {  	[tilespmem:s9+$0x0] =	vst v62  }
0x306: {  	s1 =	sld [smem:$0x7F9]  }
0x307: {  	p1 =	sne.s32 s4, $0x18  }
.Ltmp3:
0x308: {  	s0 =	sshll.u32 s4, $0xD;
	(pc) =	sbr.rel @p1 .LBB2_6-.Ltmp3, $4  }
0x309: {  	s0 =	sadd.s32 s1, s0  }
0x30a: {  	s30 =	rddreg [dreg:$0x2];
	s31 =	simm.s32 $0x1000;
	[tilespmem:s11+$0x0] =	vst v3;
	s0 =	sshrl.u32 s0, $0x3  }
0x30b: {  	s2 =	simm.s32 $0x640000;
	s3 =	simm.s32 $0x2800;
	[tilespmem:s13+$0x0] =	vst v2;
	s0 =	sadd.s32 s30, s0  }
0x30c: {  	[hbm4b:s0+s31] =	stream.strided.scatter [tilespmem:s3], [sflag:$0x3], $0x8000, s2, s31, $0x38;
	[tilespmem:$0x12800] =	vst v63  }
.Ltmp4:
0x30d: {  	(pc) =	sbr.rel .LBB2_7-.Ltmp4, $4  }
0x30e: {  	s0 =	simm.s32 $0x2  }
0x30f: {  	_ =	swait.ge [sflag:s0], $0x200  }
0x310: {  	[sflag:s0] =	ssyncset.done $0x0  }
0x311: {  	[sflag:s0] =	ssyncadd.s32 $0xFFFFFE00  }
.LBB2_6:
0x312: {  	s0 =	sld [smem:$0x7FA]  }
0x313: {  	s1 =	sld [smem:$0x7F4];
	_ =	sdelay $0x1  }
0x314: {  	s29 =	sld [smem:$0x7F6]  }
0x315: {  	s0 =	sadd.s32 s1, s0  }
0x316: {  	s30 =	simm.s32 $0x0;
	s2 =	simm.s32 $0x2400;
	s0 =	sshrl.u32 s0, $0x3  }
.Ltmp5:
0x317: {  	s31 =	simm.s32 $0x2;
	s0 =	sadd.s32 s29, s0;
	(pc) =	sbr.rel @p0 .LBB2_8-.Ltmp5, $4  }
0x318: {  	[tilespmem:s2], [sflag:$0x1] =	stream.linear.gather [hbm4b:s0+s30], $0x200, $0x38;
	[tilespmem:$0x12800] =	vst v63  }
0x319: {  	_ =	swait.ge [sflag:s31], $0x200  }
0x31a: {  	[sflag:s31] =	ssyncset.done $0x0  }
0x31b: {  	[sflag:s31] =	ssyncadd.s32 $0xFFFFFE00  }
.LBB2_7:
0x31c: {  	s0 =	simm.s32 $0x4  }
0x31d: {  	_ =	swait.ge [sflag:s0], $0x8000  }
0x31e: {  	[sflag:s0] =	ssyncset.done $0x0  }
0x31f: {  	[sflag:s0] =	ssyncadd.s32 $0xFFFF8000  }
.LBB2_8:
0x320: {  	v5 =	vld [tilespmem:$0x580]  }
0x321: {  	s7 =	simm.s32 $0x0  }
0x322: {  	v9 =	vld [tilespmem:$0x400];
	s0 =	sand.u32 $0x60, s7  }
0x323: {  	v10 =	vld [tilespmem:$0x480];
	s2 =	sand.u32 $0x180, s7;
	s1 =	sor.u32 $0x10, s0  }
0x324: {  	v61 =	vld [tilespmem:$0x500];
	s2 =	sor.u32 s1, s2  }
0x325: {  	v15 =	vld [tilespmem:s2+$0x2600];
	[tilespmem:$0x1FB00] =	vst v5  }
0x326: {  	v3 =	vld [tilespmem:$0x600];
	_ =	sdelay $0x4  }
0x327: {  	[tilespmem:$0x1FB10] =	vst v3  }
0x328: {  	v4 =	vld [tilespmem:$0x680];
	_ =	sdelay $0x2  }
0x329: {  	s4 =	sand.u32 $0xC00, s7  }
0x32a: {  	s10 =	sadd.s32 $0xA800, s4  }
0x32b: {  	[smem:$0x79C] =	sst s10;
	[tilespmem:$0x1FB20] =	vst v4  }
0x32c: {  	v14 =	vld [tilespmem:$0x800];
	_ =	sdelay $0x1  }
0x32d: {  	v0 =	vperm.xlane v9, v15  }
0x32e: {  	s2 =	sor.u32 s1, s10  }
0x32f: {  	v1 =	vperm.xlane v10, v15;
	v62 =	vld [tilespmem:$0x700];
	[tilespmem:s2+$0x0] =	vst v0  }
0x330: {  	s3 =	sand.u32 $0x3, s7;
	v2 =	vperm.xlane v61, v15;
	v6 =	vld [tilespmem:$0x780];
	[tilespmem:$0x1FB30] =	vst v14  }
0x331: {  	s3 =	sshll.u32 s3, $0x5;
	[tilespmem:s2+$0x80] =	vst v1  }
0x332: {  	s3 =	sadd.s32 $0x0, s3;
	v0 =	vperm.xlane v5, v15;
	v7 =	vld [tilespmem:$0x880];
	[tilespmem:s2+$0x100] =	vst v2  }
0x333: {  	v1 =	vperm.xlane v3, v15;
	v8 =	vld [tilespmem:$0x900];
	[smem:$0x79D] =	sst s3  }
0x334: {  	v2 =	vperm.xlane v4, v15;
	[tilespmem:s2+$0x180] =	vst v0  }
0x335: {  	v11 =	vld [tilespmem:$0x980];
	[tilespmem:s2+$0x200] =	vst v1  }
0x336: {  	s5 =	sadd.s32 $0xB800, s4;
	s3 =	sadd.s32 $0x10, s3;
	v0 =	vperm.xlane v62, v15;
	v12 =	vld [tilespmem:$0xA00];
	[tilespmem:s2+$0x280] =	vst v2  }
0x337: {  	s11 =	sor.u32 $0x300, s3;
	v13 =	vld [tilespmem:$0xA80];
	[smem:$0x79E] =	sst s5  }
0x338: {  	s13 =	sadd.s32 $0xB880, s4;
	v1 =	vperm.xlane v6, v15;
	[tilespmem:s11+$0xA800] =	vst v0  }
0x339: {  	v2 =	vperm.xlane v14, v15;
	s12 =	sor.u32 $0x380, s3;
	v14 =	vld [tilespmem:$0xB00];
	[smem:$0x79F] =	sst s13  }
0x33a: {  	s15 =	sadd.s32 $0xB900, s4;
	[tilespmem:s12+$0xA800] =	vst v1  }
0x33b: {  	s14 =	sor.u32 s1, s5;
	v16 =	vld [tilespmem:$0xB80];
	[smem:$0x7A0] =	sst s15  }
0x33c: {  	s17 =	sadd.s32 $0xB980, s4;
	v0 =	vperm.xlane v7, v15;
	[tilespmem:s14+$0x0] =	vst v2  }
0x33d: {  	s16 =	sor.u32 s1, s13;
	v17 =	vld [tilespmem:$0xC00];
	[smem:$0x7A1] =	sst s17  }
0x33e: {  	s19 =	sadd.s32 $0xBA00, s4;
	v1 =	vperm.xlane v8, v15;
	[tilespmem:s16+$0x0] =	vst v0  }
0x33f: {  	s18 =	sor.u32 s1, s15;
	v18 =	vld [tilespmem:$0xC80];
	[smem:$0x7A2] =	sst s19  }
0x340: {  	s21 =	sadd.s32 $0xBA80, s4;
	v2 =	vperm.xlane v11, v15;
	[tilespmem:s18+$0x0] =	vst v1  }
0x341: {  	s20 =	sor.u32 s1, s17;
	v19 =	vld [tilespmem:$0xD00];
	[smem:$0x7A3] =	sst s21  }
0x342: {  	s23 =	sadd.s32 $0xBB00, s4;
	v0 =	vperm.xlane v12, v15;
	[tilespmem:s20+$0x0] =	vst v2  }
0x343: {  	s22 =	sor.u32 s1, s19;
	v20 =	vld [tilespmem:$0xD80];
	[smem:$0x7A4] =	sst s23  }
0x344: {  	s25 =	sadd.s32 $0xBB80, s4;
	v1 =	vperm.xlane v13, v15;
	[tilespmem:s22+$0x0] =	vst v0  }
0x345: {  	s24 =	sor.u32 s1, s21;
	v21 =	vld [tilespmem:$0xE00];
	[smem:$0x7A5] =	sst s25  }
0x346: {  	s28 =	sadd.s32 $0xC800, s4;
	v2 =	vperm.xlane v14, v15;
	[tilespmem:s24+$0x0] =	vst v1  }
0x347: {  	s26 =	sor.u32 s1, s23;
	v22 =	vld [tilespmem:$0xE80];
	[smem:$0x7A6] =	sst s28  }
0x348: {  	s6 =	sadd.s32 $0xC880, s4;
	v0 =	vperm.xlane v16, v15;
	[tilespmem:s26+$0x0] =	vst v2  }
0x349: {  	s3 =	sor.u32 s1, s25;
	v23 =	vld [tilespmem:$0xF00];
	[smem:$0x7A7] =	sst s6  }
0x34a: {  	s9 =	sadd.s32 $0xC900, s4;
	v1 =	vperm.xlane v17, v15;
	[tilespmem:s3+$0x0] =	vst v0  }
0x34b: {  	s8 =	sor.u32 s1, s28;
	v24 =	vld [tilespmem:$0xF80];
	[smem:$0x7A8] =	sst s9  }
0x34c: {  	s11 =	sadd.s32 $0xC980, s4;
	v2 =	vperm.xlane v18, v15;
	[tilespmem:s8+$0x0] =	vst v1  }
0x34d: {  	s10 =	sor.u32 s1, s6;
	v25 =	vld [tilespmem:$0x1000];
	[smem:$0x7A9] =	sst s11  }
0x34e: {  	s13 =	sadd.s32 $0xCA00, s4;
	v0 =	vperm.xlane v19, v15;
	[tilespmem:s10+$0x0] =	vst v2  }
0x34f: {  	s12 =	sor.u32 s1, s9;
	v26 =	vld [tilespmem:$0x1080];
	[smem:$0x7AA] =	sst s13  }
0x350: {  	s15 =	sadd.s32 $0xCA80, s4;
	v1 =	vperm.xlane v20, v15;
	[tilespmem:s12+$0x0] =	vst v0  }
0x351: {  	s14 =	sor.u32 s1, s11;
	v27 =	vld [tilespmem:$0x1100];
	[smem:$0x7AB] =	sst s15  }
0x352: {  	s17 =	sadd.s32 $0xCB00, s4;
	v2 =	vperm.xlane v21, v15;
	[tilespmem:s14+$0x0] =	vst v1  }
0x353: {  	s16 =	sor.u32 s1, s13;
	v28 =	vld [tilespmem:$0x1180];
	[smem:$0x7AC] =	sst s17  }
0x354: {  	s19 =	sadd.s32 $0xCB80, s4;
	v0 =	vperm.xlane v22, v15;
	[tilespmem:s16+$0x0] =	vst v2  }
0x355: {  	s18 =	sor.u32 s1, s15;
	v29 =	vld [tilespmem:$0x1200];
	[smem:$0x7AD] =	sst s19  }
0x356: {  	s21 =	sadd.s32 $0xD800, s4;
	v1 =	vperm.xlane v23, v15;
	[tilespmem:s18+$0x0] =	vst v0  }
0x357: {  	s20 =	sor.u32 s1, s17;
	v30 =	vld [tilespmem:$0x1280];
	[smem:$0x7AE] =	sst s21  }
0x358: {  	s23 =	sadd.s32 $0xD880, s4;
	v2 =	vperm.xlane v24, v15;
	[tilespmem:s20+$0x0] =	vst v1  }
0x359: {  	s22 =	sor.u32 s1, s19;
	v31 =	vld [tilespmem:$0x1300];
	[smem:$0x7AF] =	sst s23  }
0x35a: {  	s25 =	sadd.s32 $0xD900, s4;
	v0 =	vperm.xlane v25, v15;
	[tilespmem:s22+$0x0] =	vst v2  }
0x35b: {  	s24 =	sor.u32 s1, s21;
	v1 =	vperm.xlane v26, v15;
	v32 =	vld [tilespmem:$0x1380];
	[smem:$0x7B0] =	sst s25  }
0x35c: {  	s26 =	sor.u32 s1, s23;
	[tilespmem:s24+$0x0] =	vst v0  }
0x35d: {  	s28 =	sadd.s32 $0xD980, s4;
	v2 =	vperm.xlane v27, v15;
	[tilespmem:s26+$0x0] =	vst v1  }
0x35e: {  	s5 =	sor.u32 s1, s25;
	v33 =	vld [tilespmem:$0x1400];
	[smem:$0x7B1] =	sst s28  }
0x35f: {  	s6 =	sadd.s32 $0xDA00, s4;
	v0 =	vperm.xlane v28, v15;
	[tilespmem:s5+$0x0] =	vst v2  }
0x360: {  	s8 =	sor.u32 s1, s28;
	v34 =	vld [tilespmem:$0x1480];
	[smem:$0x7B2] =	sst s6  }
0x361: {  	s9 =	sadd.s32 $0xDA80, s4;
	v1 =	vperm.xlane v29, v15;
	[tilespmem:s8+$0x0] =	vst v0  }
0x362: {  	s10 =	sor.u32 s1, s6;
	v35 =	vld [tilespmem:$0x1500];
	[smem:$0x7B3] =	sst s9  }
0x363: {  	s11 =	sadd.s32 $0xDB00, s4;
	v0 =	vperm.xlane v30, v15;
	[tilespmem:s10+$0x0] =	vst v1  }
0x364: {  	s12 =	sor.u32 s1, s9;
	v36 =	vld [tilespmem:$0x1580];
	[smem:$0x7B4] =	sst s11  }
0x365: {  	s13 =	sadd.s32 $0xDB80, s4;
	v1 =	vperm.xlane v31, v15;
	[tilespmem:s12+$0x0] =	vst v0  }
0x366: {  	s14 =	sor.u32 s1, s11;
	v37 =	vld [tilespmem:$0x1600];
	[smem:$0x7B5] =	sst s13  }
0x367: {  	s15 =	sadd.s32 $0xE800, s4;
	v0 =	vperm.xlane v32, v15;
	[tilespmem:s14+$0x0] =	vst v1  }
0x368: {  	s16 =	sor.u32 s1, s13;
	v38 =	vld [tilespmem:$0x1680];
	[smem:$0x7B6] =	sst s15  }
0x369: {  	s17 =	sadd.s32 $0xE880, s4;
	v1 =	vperm.xlane v33, v15;
	[tilespmem:s16+$0x0] =	vst v0  }
0x36a: {  	s18 =	sor.u32 s1, s15;
	v39 =	vld [tilespmem:$0x1700];
	[smem:$0x7B7] =	sst s17  }
0x36b: {  	s19 =	sadd.s32 $0xE900, s4;
	v0 =	vperm.xlane v34, v15;
	[tilespmem:s18+$0x0] =	vst v1  }
0x36c: {  	s20 =	sor.u32 s1, s17;
	v40 =	vld [tilespmem:$0x1780];
	[smem:$0x7B8] =	sst s19  }
0x36d: {  	s21 =	sadd.s32 $0xE980, s4;
	v1 =	vperm.xlane v35, v15;
	[tilespmem:s20+$0x0] =	vst v0  }
0x36e: {  	s22 =	sor.u32 s1, s19;
	v41 =	vld [tilespmem:$0x1800];
	[smem:$0x7B9] =	sst s21  }
0x36f: {  	s23 =	sadd.s32 $0xEA00, s4;
	v0 =	vperm.xlane v36, v15;
	[tilespmem:s22+$0x0] =	vst v1  }
0x370: {  	s24 =	sor.u32 s1, s21;
	v42 =	vld [tilespmem:$0x1880];
	[smem:$0x7BA] =	sst s23  }
0x371: {  	s25 =	sadd.s32 $0xEA80, s4;
	v1 =	vperm.xlane v37, v15;
	[tilespmem:s24+$0x0] =	vst v0  }
0x372: {  	s26 =	sor.u32 s1, s23;
	v43 =	vld [tilespmem:$0x1900];
	v0 =	vperm.xlane v38, v15;
	[smem:$0x7BB] =	sst s25  }
0x373: {  	s30 =	sadd.s32 $0xEB00, s4;
	s28 =	sor.u32 s1, s25;
	[tilespmem:s26+$0x0] =	vst v1;
	v44 =	vld [tilespmem:$0x1980];
	v1 =	vperm.xlane v39, v15  }
0x374: {  	s3 =	sor.u32 s1, s30;
	v45 =	vld [tilespmem:$0x1A00];
	[tilespmem:s28+$0x0] =	vst v0;
	v0 =	vperm.xlane v40, v15;
	s28 =	sadd.s32 $0xEB80, s4  }
0x375: {  	v46 =	vld [tilespmem:$0x1A80];
	s26 =	sadd.s32 $0xF800, s4;
	[tilespmem:s3+$0x0] =	vst v1;
	v1 =	vperm.xlane v41, v15;
	s5 =	sor.u32 s1, s28  }
0x376: {  	s25 =	sadd.s32 $0xF880, s4;
	v47 =	vld [tilespmem:$0x1B00];
	s6 =	sor.u32 s1, s26;
	[tilespmem:s5+$0x0] =	vst v0;
	v0 =	vperm.xlane v42, v15  }
0x377: {  	s24 =	sadd.s32 $0xF900, s4;
	v48 =	vld [tilespmem:$0x1B80];
	s8 =	sor.u32 s1, s25;
	[tilespmem:s6+$0x0] =	vst v1;
	v1 =	vperm.xlane v43, v15  }
0x378: {  	s23 =	sadd.s32 $0xF980, s4;
	s9 =	sor.u32 s1, s24;
	v49 =	vld [tilespmem:$0x1C00];
	[tilespmem:s8+$0x0] =	vst v0;
	v0 =	vperm.xlane v44, v15  }
0x379: {  	s22 =	sadd.s32 $0xFA00, s4;
	s10 =	sor.u32 s1, s23;
	v50 =	vld [tilespmem:$0x1C80];
	[tilespmem:s9+$0x0] =	vst v1;
	v1 =	vperm.xlane v45, v15  }
0x37a: {  	s21 =	sadd.s32 $0xFA80, s4;
	s11 =	sor.u32 s1, s22;
	v51 =	vld [tilespmem:$0x1D00];
	[tilespmem:s10+$0x0] =	vst v0;
	v0 =	vperm.xlane v46, v15  }
0x37b: {  	s20 =	sadd.s32 $0xFB00, s4;
	s12 =	sor.u32 s1, s21;
	v52 =	vld [tilespmem:$0x1D80];
	[tilespmem:s11+$0x0] =	vst v1;
	v1 =	vperm.xlane v47, v15  }
0x37c: {  	s19 =	sadd.s32 $0xFB80, s4;
	s13 =	sor.u32 s1, s20;
	v53 =	vld [tilespmem:$0x1E00];
	[tilespmem:s12+$0x0] =	vst v0;
	v0 =	vperm.xlane v48, v15  }
0x37d: {  	s18 =	sadd.s32 $0x10800, s4;
	s14 =	sor.u32 s1, s19;
	v54 =	vld [tilespmem:$0x1E80];
	[tilespmem:s13+$0x0] =	vst v1;
	v1 =	vperm.xlane v49, v15  }
0x37e: {  	s16 =	sadd.s32 $0x10880, s4;
	s15 =	sor.u32 s1, s18;
	v55 =	vld [tilespmem:$0x1F00];
	[tilespmem:s14+$0x0] =	vst v0;
	v0 =	vperm.xlane v50, v15  }
0x37f: {  	s17 =	sor.u32 s1, s16;
	v56 =	vld [tilespmem:$0x1F80];
	[tilespmem:s15+$0x0] =	vst v1;
	v1 =	vperm.xlane v51, v15;
	s15 =	sadd.s32 $0x10900, s4  }
0x380: {  	v57 =	vld [tilespmem:$0x2000];
	s14 =	sadd.s32 $0x10980, s4;
	[tilespmem:s17+$0x0] =	vst v0;
	v0 =	vperm.xlane v52, v15;
	s3 =	sor.u32 s1, s15  }
0x381: {  	v58 =	vld [tilespmem:$0x2080];
	s13 =	sadd.s32 $0x10A00, s4;
	s5 =	sor.u32 s1, s14;
	[tilespmem:s3+$0x0] =	vst v1;
	v1 =	vperm.xlane v53, v15  }
0x382: {  	v59 =	vld [tilespmem:$0x2100];
	s11 =	sadd.s32 $0x10A80, s4;
	s6 =	sor.u32 s1, s13;
	[tilespmem:s5+$0x0] =	vst v0;
	v0 =	vperm.xlane v54, v15  }
0x383: {  	v60 =	vld [tilespmem:$0x2180];
	s12 =	sadd.s32 $0x10B00, s4;
	s8 =	sor.u32 s1, s11;
	[tilespmem:s6+$0x0] =	vst v1;
	v1 =	vperm.xlane v55, v15  }
0x384: {  	v5 =	vld [tilespmem:$0x2200];
	s10 =	sadd.s32 $0x10B80, s4;
	s9 =	sor.u32 s1, s12;
	[tilespmem:s8+$0x0] =	vst v0;
	v0 =	vperm.xlane v56, v15  }
0x385: {  	v63 =	vld [tilespmem:$0x2280];
	s17 =	sor.u32 s1, s10;
	[tilespmem:s9+$0x0] =	vst v1;
	v1 =	vperm.xlane v57, v15;
	s9 =	sadd.s32 $0x11800, s4  }
0x386: {  	v4 =	vld [tilespmem:$0x2300];
	s8 =	sadd.s32 $0x11880, s4;
	[tilespmem:s17+$0x0] =	vst v0;
	v0 =	vperm.xlane v58, v15;
	s3 =	sor.u32 s1, s9  }
0x387: {  	v3 =	vld [tilespmem:$0x2380];
	v2 =	vperm.xlane v59, v15;
	s5 =	sor.u32 s1, s8;
	s17 =	sadd.s32 $0x11900, s4;
	[tilespmem:s3+$0x0] =	vst v1  }
0x388: {  	v1 =	vperm.xlane v60, v15;
	s6 =	sor.u32 s1, s17;
	[tilespmem:s5+$0x0] =	vst v0;
	s5 =	sadd.s32 $0x11980, s4  }
0x389: {  	[tilespmem:s6+$0x0] =	vst v2;
	v2 =	vperm.xlane v5, v15;
	s6 =	sadd.s32 $0x11A00, s4;
	s3 =	sor.u32 s1, s5  }
0x38a: {  	[tilespmem:s3+$0x0] =	vst v1;
	v1 =	vperm.xlane v63, v15;
	s3 =	sadd.s32 $0x11A80, s4;
	s2 =	sor.u32 s1, s6  }
0x38b: {  	s29 =	simm.s32 $0x2600;
	[tilespmem:s2+$0x0] =	vst v2;
	v2 =	vperm.xlane v4, v15;
	s2 =	sadd.s32 $0x11B00, s4;
	s31 =	sor.u32 s1, s3  }
0x38c: {  	v0 =	vld [tilespmem:s29+$0x0];
	s4 =	sadd.s32 $0x11B80, s4;
	[tilespmem:s31+$0x0] =	vst v1;
	v1 =	vperm.xlane v3, v15;
	s31 =	sor.u32 s1, s2  }
0x38d: {  	s1 =	sor.u32 s1, s4;
	[tilespmem:s31+$0x0] =	vst v2  }
0x38e: {  	[tilespmem:s1+$0x0] =	vst v1  }
0x38f: {  	s1 =	sld [smem:$0x79C];
	_ =	sdelay $0x1  }
0x390: {  	v2 =	vperm.xlane v9, v0  }
0x391: {  	v1 =	vperm.xlane v10, v0;
	s1 =	sor.u32 s0, s1  }
0x392: {  	[tilespmem:s1+$0x0] =	vst v2  }
0x393: {  	[tilespmem:s1+$0x80] =	vst v1  }
0x394: {  	v1 =	vld [tilespmem:$0x1FB00];
	_ =	sdelay $0x3  }
0x395: {  	v2 =	vperm.xlane v61, v0  }
0x396: {  	v1 =	vperm.xlane v1, v0  }
0x397: {  	[tilespmem:s1+$0x100] =	vst v2  }
0x398: {  	v2 =	vld [tilespmem:$0x1FB10];
	[tilespmem:s1+$0x180] =	vst v1  }
0x399: {  	v1 =	vld [tilespmem:$0x1FB20];
	_ =	sdelay $0x3  }
0x39a: {  	v2 =	vperm.xlane v2, v0  }
0x39b: {  	v1 =	vperm.xlane v1, v0  }
0x39c: {  	[tilespmem:s1+$0x200] =	vst v2  }
0x39d: {  	[tilespmem:s1+$0x280] =	vst v1  }
0x39e: {  	s1 =	sld [smem:$0x79D];
	_ =	sdelay $0x1  }
0x39f: {  	v2 =	vperm.xlane v62, v0  }
0x3a0: {  	s1 =	sor.u32 $0x300, s1  }
0x3a1: {  	[tilespmem:s1+$0xA800] =	vst v2  }
0x3a2: {  	s31 =	sor.u32 s7, s7;
	v1 =	vperm.xlane v6, v0;
	v2 =	vld [tilespmem:$0x1FB30]  }
0x3a3: {  	s1 =	sor.u32 $0x380, s31  }
0x3a4: {  	[tilespmem:s1+$0xA800] =	vst v1  }
0x3a5: {  	s1 =	sld [smem:$0x79E];
	_ =	sdelay $0x1  }
0x3a6: {  	v2 =	vperm.xlane v2, v0  }
0x3a7: {  	s1 =	sor.u32 s0, s1  }
0x3a8: {  	[tilespmem:s1+$0x0] =	vst v2  }
0x3a9: {  	s1 =	sld [smem:$0x79F];
	_ =	sdelay $0x1  }
0x3aa: {  	v1 =	vperm.xlane v7, v0  }
0x3ab: {  	s1 =	sor.u32 s0, s1  }
0x3ac: {  	[tilespmem:s1+$0x0] =	vst v1  }
0x3ad: {  	s1 =	sld [smem:$0x7A0];
	_ =	sdelay $0x1  }
0x3ae: {  	v2 =	vperm.xlane v8, v0  }
0x3af: {  	s1 =	sor.u32 s0, s1  }
0x3b0: {  	[tilespmem:s1+$0x0] =	vst v2  }
0x3b1: {  	s1 =	sld [smem:$0x7A1];
	_ =	sdelay $0x1  }
0x3b2: {  	v1 =	vperm.xlane v11, v0  }
0x3b3: {  	s1 =	sor.u32 s0, s1  }
0x3b4: {  	[tilespmem:s1+$0x0] =	vst v1  }
0x3b5: {  	s1 =	sld [smem:$0x7A2];
	_ =	sdelay $0x1  }
0x3b6: {  	v2 =	vperm.xlane v12, v0  }
0x3b7: {  	s1 =	sor.u32 s0, s1  }
0x3b8: {  	[tilespmem:s1+$0x0] =	vst v2  }
0x3b9: {  	s1 =	sld [smem:$0x7A3];
	_ =	sdelay $0x1  }
0x3ba: {  	v1 =	vperm.xlane v13, v0  }
0x3bb: {  	s1 =	sor.u32 s0, s1  }
0x3bc: {  	[tilespmem:s1+$0x0] =	vst v1  }
0x3bd: {  	s1 =	sld [smem:$0x7A4];
	_ =	sdelay $0x1  }
0x3be: {  	v2 =	vperm.xlane v14, v0  }
0x3bf: {  	s1 =	sor.u32 s0, s1  }
0x3c0: {  	[tilespmem:s1+$0x0] =	vst v2  }
0x3c1: {  	s1 =	sld [smem:$0x7A5];
	_ =	sdelay $0x1  }
0x3c2: {  	v1 =	vperm.xlane v16, v0  }
0x3c3: {  	s1 =	sor.u32 s0, s1  }
0x3c4: {  	[tilespmem:s1+$0x0] =	vst v1  }
0x3c5: {  	s1 =	sld [smem:$0x7A6];
	_ =	sdelay $0x1  }
0x3c6: {  	v2 =	vperm.xlane v17, v0  }
0x3c7: {  	s1 =	sor.u32 s0, s1  }
0x3c8: {  	[tilespmem:s1+$0x0] =	vst v2  }
0x3c9: {  	s1 =	sld [smem:$0x7A7];
	_ =	sdelay $0x1  }
0x3ca: {  	v1 =	vperm.xlane v18, v0  }
0x3cb: {  	s1 =	sor.u32 s0, s1  }
0x3cc: {  	[tilespmem:s1+$0x0] =	vst v1  }
0x3cd: {  	s1 =	sld [smem:$0x7A8];
	_ =	sdelay $0x1  }
0x3ce: {  	v2 =	vperm.xlane v19, v0  }
0x3cf: {  	s1 =	sor.u32 s0, s1  }
0x3d0: {  	[tilespmem:s1+$0x0] =	vst v2  }
0x3d1: {  	s1 =	sld [smem:$0x7A9];
	_ =	sdelay $0x1  }
0x3d2: {  	v1 =	vperm.xlane v20, v0  }
0x3d3: {  	s1 =	sor.u32 s0, s1  }
0x3d4: {  	[tilespmem:s1+$0x0] =	vst v1  }
0x3d5: {  	s1 =	sld [smem:$0x7AA];
	_ =	sdelay $0x1  }
0x3d6: {  	v2 =	vperm.xlane v21, v0  }
0x3d7: {  	s1 =	sor.u32 s0, s1  }
0x3d8: {  	[tilespmem:s1+$0x0] =	vst v2  }
0x3d9: {  	s1 =	sld [smem:$0x7AB];
	_ =	sdelay $0x1  }
0x3da: {  	v1 =	vperm.xlane v22, v0  }
0x3db: {  	s1 =	sor.u32 s0, s1  }
0x3dc: {  	[tilespmem:s1+$0x0] =	vst v1  }
0x3dd: {  	s1 =	sld [smem:$0x7AC];
	_ =	sdelay $0x1  }
0x3de: {  	v2 =	vperm.xlane v23, v0  }
0x3df: {  	s1 =	sor.u32 s0, s1  }
0x3e0: {  	[tilespmem:s1+$0x0] =	vst v2  }
0x3e1: {  	s1 =	sld [smem:$0x7AD];
	_ =	sdelay $0x1  }
0x3e2: {  	v1 =	vperm.xlane v24, v0  }
0x3e3: {  	s1 =	sor.u32 s0, s1  }
0x3e4: {  	[tilespmem:s1+$0x0] =	vst v1  }
0x3e5: {  	s1 =	sld [smem:$0x7AE];
	_ =	sdelay $0x1  }
0x3e6: {  	v2 =	vperm.xlane v25, v0  }
0x3e7: {  	s1 =	sor.u32 s0, s1  }
0x3e8: {  	[tilespmem:s1+$0x0] =	vst v2  }
0x3e9: {  	s1 =	sld [smem:$0x7AF];
	_ =	sdelay $0x1  }
0x3ea: {  	v1 =	vperm.xlane v26, v0  }
0x3eb: {  	s1 =	sor.u32 s0, s1  }
0x3ec: {  	[tilespmem:s1+$0x0] =	vst v1  }
0x3ed: {  	s1 =	sld [smem:$0x7B0];
	_ =	sdelay $0x1  }
0x3ee: {  	v2 =	vperm.xlane v27, v0  }
0x3ef: {  	s1 =	sor.u32 s0, s1  }
0x3f0: {  	[tilespmem:s1+$0x0] =	vst v2  }
0x3f1: {  	s1 =	sld [smem:$0x7B1];
	_ =	sdelay $0x1  }
0x3f2: {  	v1 =	vperm.xlane v28, v0  }
0x3f3: {  	s1 =	sor.u32 s0, s1  }
0x3f4: {  	[tilespmem:s1+$0x0] =	vst v1  }
0x3f5: {  	s1 =	sld [smem:$0x7B2];
	_ =	sdelay $0x1  }
0x3f6: {  	v2 =	vperm.xlane v29, v0  }
0x3f7: {  	s1 =	sor.u32 s0, s1  }
0x3f8: {  	[tilespmem:s1+$0x0] =	vst v2  }
0x3f9: {  	s1 =	sld [smem:$0x7B3];
	_ =	sdelay $0x1  }
0x3fa: {  	v1 =	vperm.xlane v30, v0  }
0x3fb: {  	s1 =	sor.u32 s0, s1  }
0x3fc: {  	[tilespmem:s1+$0x0] =	vst v1  }
0x3fd: {  	s1 =	sld [smem:$0x7B4];
	_ =	sdelay $0x1  }
0x3fe: {  	v2 =	vperm.xlane v31, v0  }
0x3ff: {  	s1 =	sor.u32 s0, s1  }
0x400: {  	[tilespmem:s1+$0x0] =	vst v2  }
0x401: {  	s1 =	sld [smem:$0x7B5];
	_ =	sdelay $0x1  }
0x402: {  	v1 =	vperm.xlane v32, v0  }
0x403: {  	s1 =	sor.u32 s0, s1  }
0x404: {  	[tilespmem:s1+$0x0] =	vst v1  }
0x405: {  	s1 =	sld [smem:$0x7B6];
	_ =	sdelay $0x1  }
0x406: {  	v2 =	vperm.xlane v33, v0  }
0x407: {  	s1 =	sor.u32 s0, s1  }
0x408: {  	[tilespmem:s1+$0x0] =	vst v2  }
0x409: {  	s1 =	sld [smem:$0x7B7];
	_ =	sdelay $0x1  }
0x40a: {  	v1 =	vperm.xlane v34, v0  }
0x40b: {  	s1 =	sor.u32 s0, s1  }
0x40c: {  	[tilespmem:s1+$0x0] =	vst v1  }
0x40d: {  	s1 =	sld [smem:$0x7B8];
	_ =	sdelay $0x1  }
0x40e: {  	v2 =	vperm.xlane v35, v0  }
0x40f: {  	s1 =	sor.u32 s0, s1  }
0x410: {  	[tilespmem:s1+$0x0] =	vst v2  }
0x411: {  	s1 =	sld [smem:$0x7B9];
	_ =	sdelay $0x1  }
0x412: {  	v1 =	vperm.xlane v36, v0  }
0x413: {  	s1 =	sor.u32 s0, s1  }
0x414: {  	[tilespmem:s1+$0x0] =	vst v1  }
0x415: {  	s1 =	sld [smem:$0x7BA];
	_ =	sdelay $0x1  }
0x416: {  	v2 =	vperm.xlane v37, v0  }
0x417: {  	s1 =	sor.u32 s0, s1  }
0x418: {  	[tilespmem:s1+$0x0] =	vst v2  }
0x419: {  	s1 =	sld [smem:$0x7BB];
	_ =	sdelay $0x1  }
0x41a: {  	v1 =	vperm.xlane v38, v0  }
0x41b: {  	v2 =	vperm.xlane v39, v0;
	s1 =	sor.u32 s0, s1  }
0x41c: {  	[tilespmem:s1+$0x0] =	vst v1;
	v1 =	vperm.xlane v40, v0;
	s1 =	sor.u32 s0, s30  }
0x41d: {  	s28 =	sor.u32 s0, s28;
	[tilespmem:s1+$0x0] =	vst v2;
	v2 =	vperm.xlane v41, v0  }
0x41e: {  	s26 =	sor.u32 s0, s26;
	[tilespmem:s28+$0x0] =	vst v1;
	v1 =	vperm.xlane v42, v0  }
0x41f: {  	s28 =	sor.u32 s0, s25;
	[tilespmem:s26+$0x0] =	vst v2;
	v2 =	vperm.xlane v43, v0  }
0x420: {  	s25 =	sor.u32 s0, s24;
	[tilespmem:s28+$0x0] =	vst v1;
	v1 =	vperm.xlane v44, v0  }
0x421: {  	s26 =	sor.u32 s0, s23;
	[tilespmem:s25+$0x0] =	vst v2;
	v2 =	vperm.xlane v45, v0  }
0x422: {  	s28 =	sor.u32 s0, s22;
	[tilespmem:s26+$0x0] =	vst v1;
	v1 =	vperm.xlane v46, v0  }
0x423: {  	s21 =	sor.u32 s0, s21;
	[tilespmem:s28+$0x0] =	vst v2;
	v2 =	vperm.xlane v47, v0  }
0x424: {  	s22 =	sor.u32 s0, s20;
	[tilespmem:s21+$0x0] =	vst v1;
	v1 =	vperm.xlane v48, v0  }
0x425: {  	v9 =	vperm.xlane v55, v0;
	s23 =	sor.u32 s0, s19;
	[tilespmem:s22+$0x0] =	vst v2;
	v2 =	vperm.xlane v49, v0  }
0x426: {  	v59 =	vperm.xlane v59, v0;
	v61 =	vperm.xlane v50, v0;
	s24 =	sor.u32 s0, s18;
	[tilespmem:s23+$0x0] =	vst v1  }
0x427: {  	s14 =	sor.u32 s0, s14;
	s15 =	sor.u32 s0, s15;
	v63 =	vperm.xlane v63, v0;
	s25 =	sor.u32 s0, s16;
	v1 =	vperm.xlane v51, v0;
	[tilespmem:s24+$0x0] =	vst v2  }
0x428: {  	v3 =	vperm.xlane v3, v0;
	v62 =	vperm.xlane v52, v0;
	s31 =	simm.s32 $0x20;
	s30 =	simm.s32 $0x0;
	s18 =	sor.u32 s0, s10;
	[tilespmem:s25+$0x0] =	vst v61  }
0x429: {  	v52 =	vperm.xlane v56, v0;
	s10 =	sor.u32 s0, s4;
	s19 =	sor.u32 s0, s12;
	s16 =	sor.u32 s0, s9;
	v2 =	vperm.xlane v53, v0;
	[tilespmem:s15+$0x0] =	vst v1  }
0x42a: {  	v56 =	vperm.xlane v58, v0;
	v8 =	vperm.xlane v54, v0;
	s9 =	sor.u32 s0, s3;
	s26 =	sor.u32 s0, s13;
	s13 =	sor.u32 s0, s5;
	[tilespmem:s14+$0x0] =	vst v62  }
0x42b: {  	v54 =	vperm.xlane v57, v0;
	s28 =	sor.u32 s0, s11;
	s11 =	sor.u32 s0, s2;
	s2 =	simm.s32 $0x0;
	v61 =	vperm.xlane v60, v0;
	[tilespmem:s26+$0x0] =	vst v2  }
0x42c: {  	s15 =	sor.u32 s0, s8;
	s8 =	sor.u32 s0, s6;
	s14 =	sor.u32 s0, s17;
	v62 =	vperm.xlane v5, v0;
	v2 =	vperm.xlane v4, v0;
	[tilespmem:s28+$0x0] =	vst v8  }
.LBB2_9:
0x42d: {  	[tilespmem:s19+$0x0] =	vst v9;
	s29 =	sadd.s32 $0x20, s29  }
0x42e: {  	v0 =	vld [tilespmem:s29+$0x0];
	[tilespmem:s18+$0x0] =	vst v52  }
0x42f: {  	s0 =	sand.u32 $0x60, s31;
	v4 =	vld [tilespmem:$0x400]  }
0x430: {  	s3 =	sand.u32 $0x180, s31;
	s1 =	sor.u32 $0x10, s0  }
0x431: {  	s3 =	sor.u32 s1, s3;
	[tilespmem:s16+$0x0] =	vst v54  }
0x432: {  	v1 =	vld [tilespmem:s3+$0x2600];
	[tilespmem:s15+$0x0] =	vst v56  }
0x433: {  	v5 =	vld [tilespmem:$0x480];
	[tilespmem:s14+$0x0] =	vst v59  }
0x434: {  	v6 =	vld [tilespmem:$0x500];
	[tilespmem:s13+$0x0] =	vst v61;
	v8 =	vperm.xlane v4, v0  }
0x435: {  	s7 =	sadd.s32 $0x100, s7;
	v7 =	vld [tilespmem:$0x580];
	[tilespmem:s8+$0x0] =	vst v62  }
0x436: {  	s6 =	sand.u32 $0xC00, s7;
	[tilespmem:$0x1FA80] =	vst v8  }
0x437: {  	s4 =	sadd.s32 $0xA800, s6;
	v10 =	vperm.xlane v4, v1;
	v8 =	vld [tilespmem:$0x600];
	[tilespmem:s9+$0x0] =	vst v63  }
0x438: {  	s2 =	sadd.s32 $0x1, s2;
	s17 =	sor.u32 s7, s31;
	s18 =	sor.u32 s1, s4;
	v11 =	vperm.xlane v5, v1;
	v9 =	vld [tilespmem:$0x680];
	[tilespmem:s11+$0x0] =	vst v2  }
0x439: {  	s19 =	sand.u32 $0x3, s2;
	s21 =	sadd.s32 $0xB800, s6;
	s24 =	sadd.s32 $0xB880, s6;
	v2 =	vperm.xlane v5, v0;
	[tilespmem:s18+$0x0] =	vst v10  }
0x43a: {  	s28 =	sadd.s32 $0xB900, s6;
	s3 =	sor.u32 $0x380, s17;
	s12 =	sor.u32 s0, s4;
	[tilespmem:s18+$0x80] =	vst v11  }
0x43b: {  	s4 =	sshll.u32 s19, $0x5;
	s23 =	sor.u32 s0, s21;
	[dreg:$0x5] =	wrdreg s3;
	v12 =	vperm.xlane v6, v1;
	[tilespmem:$0x1FA90] =	vst v2  }
0x43c: {  	s25 =	sor.u32 s1, s21;
	s26 =	sor.u32 s0, s24;
	[dreg:$0x9] =	wrdreg s23;
	v4 =	vperm.xlane v7, v0;
	v2 =	vld [tilespmem:$0x700];
	[tilespmem:s10+$0x0] =	vst v3  }
0x43d: {  	s17 =	sadd.s32 $0xBA80, s6;
	s4 =	sadd.s32 s4, s7;
	[dreg:$0xb] =	wrdreg s26;
	v10 =	vperm.xlane v7, v1;
	[tilespmem:s18+$0x100] =	vst v12  }
0x43e: {  	s14 =	sadd.s32 $0xBA00, s6;
	s19 =	sor.u32 s0, s17;
	s21 =	sor.u32 s1, s17;
	v3 =	vperm.xlane v6, v0;
	[tilespmem:$0x1FAB0] =	vst v4;
	v13 =	vld [tilespmem:$0x800]  }
0x43f: {  	s23 =	sadd.s32 $0xBB80, s6;
	s26 =	sadd.s32 $0xC800, s6;
	s5 =	sor.u32 $0x300, s4;
	v14 =	vld [tilespmem:$0x880];
	[tilespmem:s18+$0x180] =	vst v10;
	v4 =	vperm.xlane v8, v0  }
0x440: {  	s4 =	sadd.s32 $0x10, s4;
	s16 =	sor.u32 s0, s14;
	[dreg:$0x13] =	wrdreg s19;
	[tilespmem:$0x1FAA0] =	vst v3;
	v3 =	vld [tilespmem:$0x780];
	v11 =	vperm.xlane v8, v1  }
0x441: {  	s19 =	sadd.s32 $0xCA00, s6;
	[dreg:$0x7] =	wrdreg s5;
	s20 =	sor.u32 $0x300, s4;
	v15 =	vld [tilespmem:$0x900];
	[tilespmem:$0x1FAC0] =	vst v4;
	v4 =	vperm.xlane v9, v0  }
0x442: {  	s22 =	sor.u32 $0x380, s4;
	[dreg:$0x11] =	wrdreg s16;
	s9 =	sor.u32 s0, s28;
	v16 =	vld [tilespmem:$0x980];
	v56 =	vperm.xlane v9, v1;
	[tilespmem:s18+$0x200] =	vst v11  }
0x443: {  	s8 =	sor.u32 s1, s24;
	s16 =	sadd.s32 $0xC980, s6;
	[dreg:$0xd] =	wrdreg s9;
	v17 =	vld [tilespmem:$0xA00];
	[tilespmem:$0x1FAD0] =	vst v4;
	v4 =	vperm.xlane v2, v0  }
0x444: {  	s11 =	sor.u32 s1, s28;
	s28 =	sor.u32 s1, s23;
	s10 =	sadd.s32 $0xB980, s6;
	v18 =	vld [tilespmem:$0xA80];
	[tilespmem:s18+$0x280] =	vst v56;
	v2 =	vperm.xlane v2, v1  }
0x445: {  	s9 =	sadd.s32 $0xC880, s6;
	v19 =	vld [tilespmem:$0xC00];
	s13 =	sor.u32 s0, s10;
	s15 =	sor.u32 s1, s10;
	[tilespmem:$0x1FAE0] =	vst v4;
	v4 =	vperm.xlane v3, v0  }
0x446: {  	v20 =	vld [tilespmem:$0xC80];
	s10 =	sor.u32 s1, s26;
	[dreg:$0xf] =	wrdreg s13;
	s13 =	sadd.s32 $0xC900, s6;
	v3 =	vperm.xlane v3, v1;
	[tilespmem:s20+$0xA800] =	vst v2  }
0x447: {  	v21 =	vld [tilespmem:$0xD00];
	s17 =	sor.u32 s1, s13;
	s18 =	sor.u32 s1, s14;
	v10 =	vperm.xlane v13, v0;
	v13 =	vperm.xlane v13, v1;
	s20 =	sadd.s32 $0xBB00, s6;
	[tilespmem:$0x1FAF0] =	vst v4  }
0x448: {  	s14 =	sor.u32 s1, s9;
	v11 =	vperm.xlane v14, v0;
	v14 =	vperm.xlane v14, v1;
	v2 =	vld [tilespmem:$0xB00];
	s24 =	sor.u32 s1, s20;
	[tilespmem:s22+$0xA800] =	vst v3;
	s22 =	sor.u32 s0, s20  }
0x449: {  	v12 =	vperm.xlane v15, v0;
	v15 =	vperm.xlane v15, v1;
	v3 =	vld [tilespmem:$0xB80];
	s20 =	sor.u32 s1, s16;
	[tilespmem:s25+$0x0] =	vst v13;
	[dreg:$0x15] =	wrdreg s22;
	s25 =	sor.u32 s0, s23  }
0x44a: {  	v22 =	vld [tilespmem:$0xD80];
	v13 =	vperm.xlane v16, v0;
	v16 =	vperm.xlane v16, v1;
	s22 =	sadd.s32 $0xCA80, s6;
	s23 =	sor.u32 s1, s19;
	[tilespmem:s8+$0x0] =	vst v14;
	[dreg:$0x17] =	wrdreg s25  }
0x44b: {  	v23 =	vld [tilespmem:$0xE00];
	v14 =	vperm.xlane v17, v0;
	v17 =	vperm.xlane v17, v1;
	s8 =	sor.u32 s0, s26;
	s25 =	sadd.s32 $0xCB00, s6;
	s26 =	sor.u32 s1, s22;
	[tilespmem:s11+$0x0] =	vst v15  }
0x44c: {  	v24 =	vld [tilespmem:$0xE80];
	v15 =	vperm.xlane v18, v0;
	v18 =	vperm.xlane v18, v1;
	[dreg:$0x19] =	wrdreg s8;
	s11 =	sor.u32 s0, s9;
	s8 =	sadd.s32 $0xCB80, s6;
	[tilespmem:s15+$0x0] =	vst v16  }
0x44d: {  	v28 =	vld [tilespmem:$0x1000];
	s9 =	sor.u32 s1, s25;
	v16 =	vperm.xlane v2, v0;
	v2 =	vperm.xlane v2, v1;
	[dreg:$0x1b] =	wrdreg s11;
	s15 =	sor.u32 s0, s13;
	[tilespmem:s18+$0x0] =	vst v17  }
0x44e: {  	v29 =	vld [tilespmem:$0x1080];
	s11 =	sadd.s32 $0xD800, s6;
	s13 =	sor.u32 s1, s8;
	v17 =	vperm.xlane v3, v0;
	v3 =	vperm.xlane v3, v1;
	[dreg:$0x1d] =	wrdreg s15;
	[tilespmem:s21+$0x0] =	vst v18  }
0x44f: {  	v30 =	vld [tilespmem:$0x1100];
	v25 =	vperm.xlane v19, v1;
	v26 =	vperm.xlane v20, v1;
	s18 =	sor.u32 s0, s16;
	s15 =	sadd.s32 $0xD880, s6;
	s16 =	sor.u32 s1, s11;
	[tilespmem:s24+$0x0] =	vst v2  }
0x450: {  	v27 =	vperm.xlane v21, v1;
	v57 =	vperm.xlane v22, v1;
	[dreg:$0x1f] =	wrdreg s18;
	s21 =	sor.u32 s0, s19;
	s18 =	sadd.s32 $0xD900, s6;
	v2 =	vld [tilespmem:$0xF00];
	[tilespmem:s28+$0x0] =	vst v3  }
0x451: {  	v58 =	vperm.xlane v23, v1;
	v59 =	vperm.xlane v24, v1;
	s19 =	sor.u32 s1, s15;
	[smem:$0x785] =	sst s21;
	s24 =	sor.u32 s0, s22;
	v3 =	vld [tilespmem:$0xF80];
	[tilespmem:s10+$0x0] =	vst v25  }
0x452: {  	v31 =	vld [tilespmem:$0x1180];
	v18 =	vperm.xlane v19, v0;
	v19 =	vperm.xlane v20, v0;
	s21 =	sadd.s32 $0xD980, s6;
	s22 =	sor.u32 s1, s18;
	[smem:$0x786] =	sst s24;
	[tilespmem:s14+$0x0] =	vst v26  }
0x453: {  	v32 =	vld [tilespmem:$0x1200];
	v20 =	vperm.xlane v21, v0;
	v21 =	vperm.xlane v22, v0;
	s28 =	sor.u32 s0, s25;
	s24 =	sadd.s32 $0xDA00, s6;
	s25 =	sor.u32 s1, s21;
	[tilespmem:s17+$0x0] =	vst v27  }
0x454: {  	v33 =	vld [tilespmem:$0x1280];
	v22 =	vperm.xlane v23, v0;
	v23 =	vperm.xlane v24, v0;
	[smem:$0x787] =	sst s28;
	s10 =	sor.u32 s0, s8;
	s28 =	sadd.s32 $0xDA80, s6;
	[tilespmem:s20+$0x0] =	vst v57  }
0x455: {  	v37 =	vld [tilespmem:$0x1400];
	s8 =	sor.u32 s1, s24;
	[smem:$0x788] =	sst s10;
	s14 =	sor.u32 s0, s11;
	v24 =	vperm.xlane v2, v0;
	v2 =	vperm.xlane v2, v1;
	[tilespmem:s23+$0x0] =	vst v58  }
0x456: {  	v38 =	vld [tilespmem:$0x1480];
	s10 =	sadd.s32 $0xDB00, s6;
	s11 =	sor.u32 s1, s28;
	[smem:$0x789] =	sst s14;
	v25 =	vperm.xlane v3, v0;
	v3 =	vperm.xlane v3, v1;
	[tilespmem:s26+$0x0] =	vst v59  }
0x457: {  	v39 =	vld [tilespmem:$0x1500];
	v34 =	vperm.xlane v28, v1;
	v35 =	vperm.xlane v29, v1;
	s17 =	sor.u32 s0, s15;
	s14 =	sadd.s32 $0xDB80, s6;
	s15 =	sor.u32 s1, s10;
	[tilespmem:s9+$0x0] =	vst v2  }
0x458: {  	v36 =	vperm.xlane v30, v1;
	v60 =	vperm.xlane v31, v1;
	[smem:$0x78A] =	sst s17;
	s20 =	sor.u32 s0, s18;
	s17 =	sadd.s32 $0xE800, s6;
	v2 =	vld [tilespmem:$0x1300];
	[tilespmem:s13+$0x0] =	vst v3  }
0x459: {  	v61 =	vperm.xlane v32, v1;
	v62 =	vperm.xlane v33, v1;
	s18 =	sor.u32 s1, s14;
	[smem:$0x78B] =	sst s20;
	s23 =	sor.u32 s0, s21;
	v3 =	vld [tilespmem:$0x1380];
	[tilespmem:s16+$0x0] =	vst v34  }
0x45a: {  	v40 =	vld [tilespmem:$0x1580];
	v26 =	vperm.xlane v28, v0;
	v28 =	vperm.xlane v30, v0;
	s20 =	sadd.s32 $0xE880, s6;
	s21 =	sor.u32 s1, s17;
	[smem:$0x78C] =	sst s23;
	[tilespmem:s19+$0x0] =	vst v35  }
0x45b: {  	v41 =	vld [tilespmem:$0x1600];
	v30 =	vperm.xlane v32, v0;
	v27 =	vperm.xlane v29, v0;
	s26 =	sor.u32 s0, s24;
	s23 =	sadd.s32 $0xE900, s6;
	s24 =	sor.u32 s1, s20;
	[tilespmem:s22+$0x0] =	vst v36  }
0x45c: {  	v42 =	vld [tilespmem:$0x1680];
	v29 =	vperm.xlane v31, v0;
	v31 =	vperm.xlane v33, v0;
	[smem:$0x78D] =	sst s26;
	s9 =	sor.u32 s0, s28;
	s26 =	sadd.s32 $0xE980, s6;
	[tilespmem:s25+$0x0] =	vst v60  }
0x45d: {  	v43 =	vld [tilespmem:$0x1800];
	s28 =	sor.u32 s1, s23;
	[smem:$0x78E] =	sst s9;
	s13 =	sor.u32 s0, s10;
	v32 =	vperm.xlane v2, v0;
	v2 =	vperm.xlane v2, v1;
	[tilespmem:s8+$0x0] =	vst v61  }
0x45e: {  	v44 =	vld [tilespmem:$0x1880];
	s9 =	sadd.s32 $0xEA00, s6;
	s10 =	sor.u32 s1, s26;
	[smem:$0x78F] =	sst s13;
	v33 =	vperm.xlane v3, v0;
	v3 =	vperm.xlane v3, v1;
	[tilespmem:s11+$0x0] =	vst v62  }
0x45f: {  	v45 =	vld [tilespmem:$0x1900];
	v34 =	vperm.xlane v37, v0;
	s16 =	sor.u32 s0, s14;
	v37 =	vperm.xlane v37, v1;
	s13 =	sadd.s32 $0xEA80, s6;
	s14 =	sor.u32 s1, s9;
	[tilespmem:s15+$0x0] =	vst v2  }
0x460: {  	[smem:$0x790] =	sst s16;
	v35 =	vperm.xlane v38, v0;
	s19 =	sor.u32 s0, s17;
	v38 =	vperm.xlane v38, v1;
	s16 =	sadd.s32 $0xEB00, s6;
	v2 =	vld [tilespmem:$0x1700];
	[tilespmem:s18+$0x0] =	vst v3  }
0x461: {  	s17 =	sor.u32 s1, s13;
	[smem:$0x791] =	sst s19;
	v36 =	vperm.xlane v39, v0;
	s22 =	sor.u32 s0, s20;
	v39 =	vperm.xlane v39, v1;
	v3 =	vld [tilespmem:$0x1780];
	[tilespmem:s21+$0x0] =	vst v37  }
0x462: {  	v46 =	vld [tilespmem:$0x1980];
	s19 =	sadd.s32 $0xEB80, s6;
	s20 =	sor.u32 s1, s16;
	[smem:$0x792] =	sst s22;
	v37 =	vperm.xlane v40, v0;
	v40 =	vperm.xlane v40, v1;
	[tilespmem:s24+$0x0] =	vst v38  }
0x463: {  	v47 =	vld [tilespmem:$0x1A00];
	s25 =	sor.u32 s0, s23;
	s22 =	sadd.s32 $0xF800, s6;
	s23 =	sor.u32 s1, s19;
	v38 =	vperm.xlane v41, v0;
	v41 =	vperm.xlane v41, v1;
	[tilespmem:s28+$0x0] =	vst v39  }
0x464: {  	v48 =	vld [tilespmem:$0x1A80];
	[smem:$0x793] =	sst s25;
	s8 =	sor.u32 s0, s26;
	s25 =	sadd.s32 $0xF880, s6;
	v39 =	vperm.xlane v42, v0;
	v42 =	vperm.xlane v42, v1;
	[tilespmem:s10+$0x0] =	vst v40  }
0x465: {  	s26 =	sor.u32 s1, s22;
	[smem:$0x794] =	sst s8;
	s11 =	sor.u32 s0, s9;
	v40 =	vperm.xlane v2, v0;
	v2 =	vperm.xlane v2, v1;
	[tilespmem:s14+$0x0] =	vst v41  }
0x466: {  	s8 =	sadd.s32 $0xF900, s6;
	s9 =	sor.u32 s1, s25;
	[smem:$0x795] =	sst s11;
	v41 =	vperm.xlane v3, v0;
	v3 =	vperm.xlane v3, v1;
	[tilespmem:s17+$0x0] =	vst v42  }
0x467: {  	v52 =	vld [tilespmem:$0x1C00];
	v49 =	vperm.xlane v43, v1;
	v50 =	vperm.xlane v44, v1;
	s15 =	sor.u32 s0, s13;
	s11 =	sadd.s32 $0xF980, s6;
	s13 =	sor.u32 s1, s8;
	[tilespmem:s20+$0x0] =	vst v2  }
0x468: {  	v51 =	vperm.xlane v45, v1;
	v63 =	vperm.xlane v46, v1;
	[smem:$0x796] =	sst s15;
	s18 =	sor.u32 s0, s16;
	s5 =	sor.u32 s0, s11;
	v2 =	vld [tilespmem:$0x1B00];
	[tilespmem:s23+$0x0] =	vst v3  }
0x469: {  	v6 =	vperm.xlane v47, v1;
	v53 =	vperm.xlane v48, v1;
	s15 =	sor.u32 s1, s11;
	s16 =	sadd.s32 $0xFA80, s6;
	[smem:$0x797] =	sst s18;
	v3 =	vld [tilespmem:$0x1B80];
	[tilespmem:s26+$0x0] =	vst v49  }
0x46a: {  	v54 =	vld [tilespmem:$0x1C80];
	s21 =	sor.u32 s0, s19;
	s3 =	sor.u32 s0, s16;
	s18 =	sor.u32 s1, s16;
	v42 =	vperm.xlane v43, v0;
	v43 =	vperm.xlane v44, v0;
	[tilespmem:s9+$0x0] =	vst v50  }
0x46b: {  	v7 =	vld [tilespmem:$0x1D00];
	s19 =	sadd.s32 $0xFB80, s6;
	[smem:$0x798] =	sst s21;
	s14 =	sadd.s32 $0xFA00, s6;
	v44 =	vperm.xlane v45, v0;
	v45 =	vperm.xlane v46, v0;
	[tilespmem:s13+$0x0] =	vst v51  }
0x46c: {  	v56 =	vld [tilespmem:$0x1D80];
	s24 =	sor.u32 s0, s22;
	s10 =	sor.u32 s0, s8;
	v46 =	vperm.xlane v47, v0;
	v47 =	vperm.xlane v48, v0;
	s8 =	sor.u32 s1, s14;
	[tilespmem:s15+$0x0] =	vst v63  }
0x46d: {  	v59 =	vld [tilespmem:$0x1E00];
	s21 =	sadd.s32 $0x10800, s6;
	s22 =	sor.u32 s1, s19;
	s17 =	sadd.s32 $0xFB00, s6;
	v48 =	vperm.xlane v2, v0;
	v2 =	vperm.xlane v2, v1;
	[tilespmem:s8+$0x0] =	vst v6  }
0x46e: {  	v61 =	vld [tilespmem:$0x1E80];
	[smem:$0x799] =	sst s24;
	s28 =	sor.u32 s0, s25;
	s20 =	sor.u32 s1, s17;
	v49 =	vperm.xlane v3, v0;
	v3 =	vperm.xlane v3, v1;
	[tilespmem:s18+$0x0] =	vst v53  }
0x46f: {  	v62 =	vld [tilespmem:$0x2000];
	s24 =	sor.u32 s0, s19;
	s25 =	sadd.s32 $0x10880, s6;
	[smem:$0x79A] =	sst s28;
	v50 =	vperm.xlane v52, v0;
	v52 =	vperm.xlane v52, v1;
	[tilespmem:s20+$0x0] =	vst v2  }
0x470: {  	s11 =	sor.u32 s1, s21;
	s19 =	sadd.s32 $0x10A80, s6;
	[smem:$0x79B] =	sst s10;
	v53 =	vperm.xlane v54, v0;
	v54 =	vperm.xlane v54, v1;
	v2 =	vld [tilespmem:$0x1F00];
	[tilespmem:s22+$0x0] =	vst v3  }
0x471: {  	v55 =	vperm.xlane v7, v0;
	s4 =	sor.u32 s0, s14;
	s14 =	sor.u32 s1, s25;
	s13 =	sadd.s32 $0x10900, s6;
	v51 =	vperm.xlane v7, v1;
	v3 =	vld [tilespmem:$0x1F80];
	[tilespmem:s11+$0x0] =	vst v52  }
0x472: {  	v57 =	vperm.xlane v56, v0;
	s10 =	sadd.s32 $0x11880, s6;
	s15 =	sadd.s32 $0x10980, s6;
	s16 =	sor.u32 s1, s13;
	v63 =	vld [tilespmem:$0x2080];
	v52 =	vperm.xlane v56, v1;
	[tilespmem:s14+$0x0] =	vst v54  }
0x473: {  	v4 =	vld [tilespmem:$0x2100];
	v58 =	vperm.xlane v59, v0;
	s28 =	sor.u32 s0, s17;
	s17 =	sadd.s32 $0x10A00, s6;
	s18 =	sor.u32 s1, s15;
	v54 =	vperm.xlane v59, v1;
	[tilespmem:s16+$0x0] =	vst v51  }
0x474: {  	v5 =	vld [tilespmem:$0x2200];
	v60 =	vperm.xlane v61, v0;
	v61 =	vperm.xlane v61, v1;
	s23 =	sor.u32 s0, s21;
	s26 =	sor.u32 s0, s25;
	s11 =	sor.u32 s1, s17;
	[tilespmem:s18+$0x0] =	vst v52  }
0x475: {  	s25 =	sor.u32 s0, s13;
	s13 =	sadd.s32 $0x10B00, s6;
	s14 =	sor.u32 s1, s19;
	v51 =	vld [tilespmem:$0x2180];
	v9 =	vperm.xlane v2, v0;
	v2 =	vperm.xlane v2, v1;
	[tilespmem:s11+$0x0] =	vst v54  }
0x476: {  	v6 =	vld [tilespmem:$0x2280];
	s22 =	sor.u32 s0, s15;
	s15 =	sadd.s32 $0x10B80, s6;
	s16 =	sor.u32 s1, s13;
	v52 =	vperm.xlane v3, v0;
	v3 =	vperm.xlane v3, v1;
	[tilespmem:s14+$0x0] =	vst v61  }
0x477: {  	s21 =	sor.u32 s0, s17;
	s17 =	sadd.s32 $0x11800, s6;
	v56 =	vperm.xlane v63, v0;
	s18 =	sor.u32 s1, s15;
	v61 =	vperm.xlane v62, v1;
	[tilespmem:s16+$0x0] =	vst v2  }
0x478: {  	v7 =	vld [tilespmem:$0x2300];
	s20 =	sor.u32 s0, s19;
	s19 =	sor.u32 s0, s13;
	v59 =	vperm.xlane v4, v0;
	s13 =	sor.u32 s1, s17;
	v2 =	vperm.xlane v63, v1;
	[tilespmem:s18+$0x0] =	vst v3  }
0x479: {  	v8 =	vld [tilespmem:$0x2380];
	v54 =	vperm.xlane v62, v0;
	s14 =	sadd.s32 $0x11900, s6;
	s18 =	sor.u32 s0, s15;
	v3 =	vperm.xlane v4, v1;
	s15 =	sor.u32 s1, s10;
	[tilespmem:s13+$0x0] =	vst v61  }
0x47a: {  	s11 =	sadd.s32 $0x11980, s6;
	v62 =	vperm.xlane v5, v0;
	s16 =	sor.u32 s0, s17;
	s17 =	sor.u32 s1, s14;
	v4 =	vperm.xlane v51, v1;
	[tilespmem:s15+$0x0] =	vst v2  }
0x47b: {  	v5 =	vperm.xlane v5, v1;
	v63 =	vperm.xlane v6, v0;
	s13 =	sor.u32 s1, s11;
	s15 =	sor.u32 s0, s10;
	s10 =	sadd.s32 $0x11A00, s6;
	[tilespmem:s17+$0x0] =	vst v3  }
0x47c: {  	s9 =	sadd.s32 $0x11A80, s6;
	v6 =	vperm.xlane v6, v1;
	v61 =	vperm.xlane v51, v0;
	s17 =	sor.u32 s1, s10;
	[tilespmem:s13+$0x0] =	vst v4  }
0x47d: {  	v2 =	vperm.xlane v7, v0;
	s13 =	sor.u32 s0, s11;
	s11 =	sadd.s32 $0x11B00, s6;
	v4 =	vperm.xlane v7, v1;
	[tilespmem:s17+$0x0] =	vst v5;
	s17 =	sor.u32 s1, s9  }
0x47e: {  	v3 =	vperm.xlane v8, v0;
	v0 =	vperm.xlane v8, v1;
	s6 =	sadd.s32 $0x11B80, s6;
	[tilespmem:s17+$0x0] =	vst v6;
	s17 =	sor.u32 s1, s11  }
0x47f: {  	s1 =	sor.u32 s1, s6;
	[tilespmem:s17+$0x0] =	vst v4  }
0x480: {  	[tilespmem:s1+$0x0] =	vst v0;
	v0 =	vld [tilespmem:$0x1FA80];
	_ =	sdelay $0x4  }
0x481: {  	[tilespmem:s12+$0x0] =	vst v0;
	v0 =	vld [tilespmem:$0x1FA90];
	_ =	sdelay $0x4  }
0x482: {  	[tilespmem:s12+$0x80] =	vst v0;
	v0 =	vld [tilespmem:$0x1FAA0];
	_ =	sdelay $0x4  }
0x483: {  	[tilespmem:s12+$0x100] =	vst v0;
	v0 =	vld [tilespmem:$0x1FAB0];
	_ =	sdelay $0x4  }
0x484: {  	[tilespmem:s12+$0x180] =	vst v0;
	v0 =	vld [tilespmem:$0x1FAC0];
	_ =	sdelay $0x4  }
0x485: {  	[tilespmem:s12+$0x200] =	vst v0;
	v0 =	vld [tilespmem:$0x1FAD0];
	_ =	sdelay $0x4  }
0x486: {  	[tilespmem:s12+$0x280] =	vst v0;
	v0 =	vld [tilespmem:$0x1FAE0];
	_ =	sdelay $0x3  }
0x487: {  	s17 =	rddreg [dreg:$0x7]  }
0x488: {  	[tilespmem:s17+$0xA800] =	vst v0;
	v0 =	vld [tilespmem:$0x1FAF0];
	_ =	sdelay $0x1  }
0x489: {  	s8 =	sor.u32 s0, s10;
	s10 =	sor.u32 s0, s6;
	s6 =	rddreg [dreg:$0x9]  }
0x48a: {  	s1 =	rddreg [dreg:$0x5]  }
0x48b: {  	s12 =	rddreg [dreg:$0xb]  }
0x48c: {  	s17 =	rddreg [dreg:$0xd];
	[tilespmem:s1+$0xA800] =	vst v0  }
0x48d: {  	s1 =	rddreg [dreg:$0xf];
	[tilespmem:s6+$0x0] =	vst v10  }
0x48e: {  	s6 =	rddreg [dreg:$0x11];
	[tilespmem:s12+$0x0] =	vst v11  }
0x48f: {  	s12 =	rddreg [dreg:$0x13];
	[tilespmem:s17+$0x0] =	vst v12  }
0x490: {  	s17 =	rddreg [dreg:$0x15];
	[tilespmem:s1+$0x0] =	vst v13  }
0x491: {  	s1 =	rddreg [dreg:$0x17];
	[tilespmem:s6+$0x0] =	vst v14  }
0x492: {  	s6 =	rddreg [dreg:$0x19];
	[tilespmem:s12+$0x0] =	vst v15  }
0x493: {  	s12 =	rddreg [dreg:$0x1b];
	[tilespmem:s17+$0x0] =	vst v16  }
0x494: {  	s17 =	rddreg [dreg:$0x1d];
	[tilespmem:s1+$0x0] =	vst v17  }
0x495: {  	s1 =	rddreg [dreg:$0x1f];
	[tilespmem:s6+$0x0] =	vst v18  }
0x496: {  	s6 =	sld [smem:$0x785];
	[tilespmem:s12+$0x0] =	vst v19  }
0x497: {  	s12 =	sld [smem:$0x786];
	[tilespmem:s17+$0x0] =	vst v20  }
0x498: {  	s17 =	sld [smem:$0x787];
	[tilespmem:s1+$0x0] =	vst v21  }
0x499: {  	s1 =	sld [smem:$0x788];
	[tilespmem:s6+$0x0] =	vst v22  }
0x49a: {  	s6 =	sld [smem:$0x789];
	[tilespmem:s12+$0x0] =	vst v23  }
0x49b: {  	s12 =	sld [smem:$0x78A];
	[tilespmem:s17+$0x0] =	vst v24  }
0x49c: {  	s17 =	sld [smem:$0x78B];
	[tilespmem:s1+$0x0] =	vst v25  }
0x49d: {  	s1 =	sld [smem:$0x78C];
	[tilespmem:s6+$0x0] =	vst v26  }
0x49e: {  	s6 =	sld [smem:$0x78D];
	[tilespmem:s12+$0x0] =	vst v27  }
0x49f: {  	s12 =	sld [smem:$0x78E];
	[tilespmem:s17+$0x0] =	vst v28  }
0x4a0: {  	s17 =	sld [smem:$0x78F];
	[tilespmem:s1+$0x0] =	vst v29  }
0x4a1: {  	s1 =	sld [smem:$0x790];
	[tilespmem:s6+$0x0] =	vst v30  }
0x4a2: {  	s6 =	sld [smem:$0x791];
	[tilespmem:s12+$0x0] =	vst v31  }
0x4a3: {  	s12 =	sld [smem:$0x792];
	[tilespmem:s17+$0x0] =	vst v32  }
0x4a4: {  	s17 =	sld [smem:$0x793];
	[tilespmem:s1+$0x0] =	vst v33  }
0x4a5: {  	s1 =	sld [smem:$0x794];
	[tilespmem:s6+$0x0] =	vst v34  }
0x4a6: {  	s6 =	sld [smem:$0x795];
	[tilespmem:s12+$0x0] =	vst v35  }
0x4a7: {  	s12 =	sld [smem:$0x796];
	[tilespmem:s17+$0x0] =	vst v36  }
0x4a8: {  	s17 =	sld [smem:$0x797];
	[tilespmem:s1+$0x0] =	vst v37  }
0x4a9: {  	s1 =	sld [smem:$0x798];
	[tilespmem:s6+$0x0] =	vst v38  }
0x4aa: {  	s6 =	sld [smem:$0x799];
	[tilespmem:s12+$0x0] =	vst v39  }
0x4ab: {  	s12 =	sld [smem:$0x79A];
	[tilespmem:s17+$0x0] =	vst v40  }
0x4ac: {  	s17 =	sld [smem:$0x79B];
	[tilespmem:s1+$0x0] =	vst v41  }
0x4ad: {  	[tilespmem:s6+$0x0] =	vst v42  }
0x4ae: {  	[tilespmem:s12+$0x0] =	vst v43  }
0x4af: {  	[tilespmem:s17+$0x0] =	vst v44  }
0x4b0: {  	[tilespmem:s5+$0x0] =	vst v45  }
0x4b1: {  	[tilespmem:s4+$0x0] =	vst v46  }
0x4b2: {  	[tilespmem:s3+$0x0] =	vst v47  }
0x4b3: {  	[tilespmem:s28+$0x0] =	vst v48  }
0x4b4: {  	s30 =	sadd.s32 $0x2, s30;
	[tilespmem:s24+$0x0] =	vst v49  }
0x4b5: {  	p0 =	slt.u32 s30, $0x1E;
	[tilespmem:s23+$0x0] =	vst v50  }
.Ltmp6:
0x4b6: {  	[tilespmem:s26+$0x0] =	vst v53;
	(pc) =	sbr.rel @p0 .LBB2_9-.Ltmp6, $4  }
0x4b7: {  	[tilespmem:s25+$0x0] =	vst v55  }
0x4b8: {  	[tilespmem:s22+$0x0] =	vst v57  }
0x4b9: {  	s31 =	sadd.s32 $0x20, s31;
	[tilespmem:s21+$0x0] =	vst v58  }
0x4ba: {  	s14 =	sor.u32 s0, s14;
	s9 =	sor.u32 s0, s9;
	s11 =	sor.u32 s0, s11;
	[tilespmem:s20+$0x0] =	vst v60  }
0x4bb: {  	[tilespmem:s19+$0x0] =	vst v9  }
0x4bc: {  	[tilespmem:s18+$0x0] =	vst v52  }
0x4bd: {  	[tilespmem:s16+$0x0] =	vst v54  }
0x4be: {  	[tilespmem:s15+$0x0] =	vst v56  }
0x4bf: {  	[tilespmem:s14+$0x0] =	vst v59  }
0x4c0: {  	[tilespmem:s13+$0x0] =	vst v61  }
0x4c1: {  	[tilespmem:s8+$0x0] =	vst v62  }
0x4c2: {  	[tilespmem:s9+$0x0] =	vst v63  }
0x4c3: {  	[tilespmem:s11+$0x0] =	vst v2  }
0x4c4: {  	[tilespmem:s10+$0x0] =	vst v3  }
0x4c5: {  	s0 =	sld [smem:$0x7FB]  }
0x4c6: {  	s4 =	sld [smem:$0x7F4];
	_ =	sdelay $0x1  }
0x4c7: {  	s1 =	simm.s32 $0x1000  }
0x4c8: {  	s2 =	simm.s32 $0x640000;
	s3 =	simm.s32 $0xA800;
	s0 =	sadd.s32 s4, s0  }
0x4c9: {  	[hbm4b:s0+s1] =	stream.strided.scatter [tilespmem:s3], [sflag:$0x4], $0x8000, s2, s1, $0x38;
	[tilespmem:$0x12800] =	vst v63  }
0x4ca: {  	s3 =	sld [smem:$0x7F3];
	_ =	sdelay $0x2  }
0x4cb: {  	p0 =	seq.s32 s3, $0x18  }
.Ltmp7:
0x4cc: {  	_ = 	snop;
	(pc) =	sbr.rel @p0 .LBB2_12-.Ltmp7, $1  }
0x4cd: {  	_ =	sdelay $0x3  }
0x4ce: {  	s0 =	sld [smem:$0x7FC];
	_ =	sdelay $0x1  }
.Ltmp8:
0x4cf: {  	s1 =	sld [smem:$0x7F6];
	(pc) =	sbr.rel .LBB2_2-.Ltmp8, $4  }
0x4d0: {  	s0 =	sadd.s32 s4, s0  }
0x4d1: {  	s31 =	simm.s32 $0x0;
	s0 =	sshrl.u32 s0, $0x3  }
0x4d2: {  	s2 =	simm.s32 $0x2600;
	s3 =	sadd.s32 $0x1, s3;
	s0 =	sadd.s32 s1, s0  }
0x4d3: {  	[tilespmem:s2], [sflag:$0x2] =	stream.linear.gather [hbm4b:s0+s31], $0x200, $0x38;
	[tilespmem:$0x12800] =	vst v63  }
.LBB2_13:
0x4d4: {  	_ =	sfence.sel $0x180000  }
0x4d5: {  	[bflag:$0x0] =	sbarrier.arrive $0xFFFF  }
0x4d6: {  	_ =	strace $0x90000047  }
0x4d7: {  	s0 =	stileid.u32;
	[bflag:$0x2] =	sbarrier.arrive $0xFFFF  }
0x4d8: {  	p0 =	sne.s32 s0, $0x0;
	s0 =	rddreg [dreg:$0x3]  }
0x4d9: {  	s0 =	sadd.s32 @!p0 $0x100000, s0  }
0x4da: {  	[sflag:s0] =	ssyncadd.tile.s32 @!p0 $0x1;
	_ =	shalt  }
.Lfunc_end2:
_tile_overlayer_lowered:
.L_overlay_start_2:
0x4db: {  	(tag) =	ssettag $0x2  }
0x4dc: {  	s0 =	rddreg [dreg:$0x0];
	s2 =	stileid.u32  }
0x4dd: {  	s1 =	rddreg [dreg:$0x1];
	p0 =	sne.s32 s2, $0x0  }
0x4de: {  	s3 =	rddreg [dreg:$0x2];
	[bflag:$0x3] =	sbarrier.arrive $0xFFFF;
	s2 =	simm.s32 @!p0 $0x1C05  }
0x4df: {  	[timem:s3], [sflag:s2] =	dma.local @!p0 [hbm:s0], s1  }
0x4e0: {  	s0 =	simm.s32 @!p0 $0x5  }
0x4e1: {  	_ =	swait.ge @!p0 [sflag:s0], s1  }
0x4e2: {  	s1 =	ssub.s32 @!p0 $0x0, s1;
	[sflag:s0] =	ssyncset.done @!p0 $0x0  }
0x4e3: {  	[sflag:s0] =	ssyncadd.s32 @!p0 s1  }
0x4e4: {  	[bflag:$0x3] =	sbarrier.arrive $0xFFFF  }
0x4e5: {  	_ =	shalt  }

</sc_bundles>
